<compile_context>
chip_gen: v7x
topology: tpu7x:2x2x1
jax: 0.10.2.dev20260603
libtpu: 0.0.44.dev20260713+nightly
codegen_flags: <defaults>
</compile_context>

<pallas_src>
import jax
import jax.numpy as jnp
from jax import lax
from jax.experimental import pallas as pl
from jax.experimental.pallas import tpu as pltpu
from jax.experimental.pallas import tpu_sc as plsc

B = 16
T = 64
V = 30000
A = 256
L = 16
NB = 3
ROWS = T // 2


def _sc_body(dec_hbm, attn_hbm, iseq_hbm, ct_hbm, out_hbm,
             iseq_v, ids_v, colmax_v, attn_v, row0, row1, row2,
             gsem, asem, in_sems, out_sems):
    core = lax.axis_index("c")
    sub = lax.axis_index("s")
    b = sub
    t0 = core * ROWS
    iota = lax.iota(jnp.int32, L)
    rows = (row0, row1, row2)

    attn_cp = pltpu.async_copy(attn_hbm.at[b], attn_v, asem)
    in_descs = {}
    out_descs = {}
    for i in range(NB - 1):
        in_descs[i] = pltpu.async_copy(dec_hbm.at[b, t0 + i], rows[i],
                                       in_sems[i])

    pltpu.sync_copy(iseq_hbm.at[b], iseq_v)
    for j in range(2):
        pltpu.async_copy(ct_hbm.at[iseq_v.at[j]],
                         ids_v.at[pl.ds(j * 128, 128)], gsem).wait()

    attn_cp.wait()
    for c in range(A // L):
        colmax_v[pl.ds(c * L, L)] = attn_v[0, pl.ds(c * L, L)]

    def _red_body(tt, _):
        for c in range(A // L):
            sl = pl.ds(c * L, L)
            colmax_v[sl] = jnp.maximum(colmax_v[sl], attn_v[tt, sl])
        return ()

    lax.fori_loop(1, T, _red_body, (), unroll=False)

    for j in range(ROWS):
        buf = j % NB
        pj = j + NB - 1
        if pj < ROWS:
            pbuf = pj % NB
            if pj - NB >= 0:
                out_descs[pj - NB].wait()
            in_descs[pj] = pltpu.async_copy(dec_hbm.at[b, t0 + pj],
                                            rows[pbuf], in_sems[pbuf])
        in_descs[j].wait()
        row_v = rows[buf]
        t = t0 + j

        idx4 = t + jnp.minimum(iota, 3) * T
        ids4 = plsc.load_gather(ids_v, [idx4])
        vals4 = plsc.load_gather(colmax_v, [idx4])
        for k in range(A // T):
            old = plsc.load_gather(row_v, [ids4])
            new = jnp.maximum(old, vals4)
            plsc.store_scatter(row_v, [ids4], new, mask=(iota == k))

        head = row_v[pl.ds(0, L)]
        row_v[pl.ds(0, L)] = jnp.where(iota == 1, jnp.float32(0.0), head)

        out_descs[j] = pltpu.async_copy(row_v, out_hbm.at[b, t],
                                        out_sems[buf])
    for j in range(ROWS - NB, ROWS):
        out_descs[j].wait()


@jax.jit
def _pointer_generator_sc(dec, attn, iseq2, ct):
    mesh = plsc.VectorSubcoreMesh(core_axis_name="c", subcore_axis_name="s")
    return pl.kernel(
        _sc_body,
        out_type=jax.ShapeDtypeStruct((B, T, V), jnp.float32),
        mesh=mesh,
        compiler_params=pltpu.CompilerParams(needs_layout_passes=False),
        scratch_types=[
            pltpu.VMEM((2, 128), jnp.int32),
            pltpu.VMEM((A,), jnp.int32),
            pltpu.VMEM((A,), jnp.float32),
            pltpu.VMEM((T, A), jnp.float32),
            pltpu.VMEM((V,), jnp.float32),
            pltpu.VMEM((V,), jnp.float32),
            pltpu.VMEM((V,), jnp.float32),
            pltpu.SemaphoreType.DMA,
            pltpu.SemaphoreType.DMA,
            [pltpu.SemaphoreType.DMA] * NB,
            [pltpu.SemaphoreType.DMA] * NB,
        ],
    )(dec, attn, iseq2, ct)


def kernel(decoder_outputs, attention_scores, input_sequence,
           repeat_idx, repeat_idx2, convert_table):
    del repeat_idx, repeat_idx2
    iseq2 = input_sequence.reshape(B, 2, 128)
    return _pointer_generator_sc(decoder_outputs, attention_scores,
                                 iseq2, convert_table)

# --- scband reference (transcript-rebuilt; emitter-appended) ---
"""Pipeline reference for scband-pointer-generator-layer-27805618274568 (READ-ONLY COPY).

The authoritative reference and input builder live on the scoring server;
editing this copy changes nothing except your own understanding.
"""

import jax, jax.numpy as jnp
import numpy as np

TITLE_VOCAB_SIZE = 30000
TITLE_LEN = 64
ABS_LEN = 256
SRC_VOCAB = 50000
BATCH = 16


def setup_inputs(seed: int = 0) -> dict:
    key = jax.random.key(seed)
    k1, k2, k3, k4 = jax.random.split(key, 4)
    decoder_outputs = jax.random.uniform(k1, (BATCH, TITLE_LEN, TITLE_VOCAB_SIZE), dtype=jnp.float32)
    attention_scores = jax.random.uniform(k2, (BATCH, TITLE_LEN, ABS_LEN), dtype=jnp.float32)
    input_sequence = jax.random.randint(k3, (BATCH, ABS_LEN), 0, SRC_VOCAB, dtype=jnp.int32)
    repeat_idx = jnp.arange(TITLE_LEN, dtype=jnp.int32).reshape(TITLE_LEN, 1)
    repeat_idx2 = jnp.arange(BATCH, dtype=jnp.int32).reshape(BATCH, 1)
    # simple_convert tf.lookup.StaticHashTable materialized as a dense int32 map src_vocab -> title_vocab
    convert_table = jax.random.randint(k4, (SRC_VOCAB,), 0, TITLE_VOCAB_SIZE, dtype=jnp.int32)
    return {
        "decoder_outputs": decoder_outputs,
        "attention_scores": attention_scores,
        "input_sequence": input_sequence,
        "repeat_idx": repeat_idx,
        "repeat_idx2": repeat_idx2,
        "convert_table": convert_table,
    }


def reference(decoder_outputs, attention_scores, input_sequence, repeat_idx, repeat_idx2, convert_table):
    batch_size = attention_scores.shape[0]
    sequence_len = attention_scores.shape[1]
    abs_len = ABS_LEN

    attn_flat = attention_scores.reshape(-1)
    # simple_convert.lookup -> dense gather from convert table
    seq = jnp.take(convert_table, input_sequence.astype(jnp.int32), axis=0)  # [B, abs_len]
    seq = jnp.repeat(seq, sequence_len, axis=0)                              # [B*T, abs_len]
    seq = seq.reshape(seq.shape[0], seq.shape[1], 1)                         # [B*T, abs_len, 1]

    ri = repeat_idx[:sequence_len]                                           # [T, 1]
    tiled = jnp.tile(ri, ((seq.shape[0] * seq.shape[1]) // ri.shape[0], 1))
    tiled = tiled.reshape(seq.shape[0], seq.shape[1], 1)
    seq = jnp.concatenate([tiled, seq], axis=2)                              # [B*T, abs_len, 2]

    ri2 = repeat_idx2[:batch_size]                                           # [B, 1]
    tiled = jnp.repeat(ri2, seq.shape[1] * sequence_len, axis=0)
    tiled = tiled.reshape(seq.shape[0], seq.shape[1], 1)
    seq = jnp.concatenate([tiled, seq], axis=2)                              # [B*T, abs_len, 3]

    indices = seq.reshape(batch_size * abs_len * sequence_len, 3)
    # tf.tensor_scatter_nd_max
    best_dist = decoder_outputs.at[indices[:, 0], indices[:, 1], indices[:, 2]].max(attn_flat)

    # kill mask: zero out vocab id 1 at every (b, t)
    kill_col = jnp.ones((batch_size * sequence_len, 1), dtype=jnp.int32)
    kill_values = jnp.zeros((batch_size * sequence_len,), dtype=jnp.float32)
    ri = repeat_idx[:sequence_len]
    tiled = jnp.tile(ri, ((batch_size * sequence_len) // sequence_len, 1))
    kill = jnp.concatenate([tiled, kill_col], axis=1)
    ri2 = repeat_idx2[:batch_size]
    tiled = jnp.repeat(ri2, sequence_len, axis=0)
    kill = jnp.concatenate([tiled, kill], axis=1)                            # [B*T, 3]
    # tf.tensor_scatter_nd_update
    best_dist = best_dist.at[kill[:, 0], kill[:, 1], kill[:, 2]].set(kill_values)
    return best_dist

if __name__ == "__main__":
    import jax
    _d = setup_inputs()
    print(jax.jit(kernel)(*tuple(_d.values())))

</pallas_src>

<mosaic_0001>
#map = affine_map<(d0, d1) -> (0, 0, 0)>
#map1 = affine_map<(d0, d1) -> (0)>
module attributes {stable_mosaic.version = 14 : i64} {
  func.func @_sc_body(%arg0: i32, %arg1: i32, %arg2: memref<16x64x30000xf32, #tpu.memory_space<hbm>>, %arg3: memref<16x64x256xf32, #tpu.memory_space<hbm>>, %arg4: memref<16x2x128xi32, #tpu.memory_space<hbm>>, %arg5: memref<50000xi32, #tpu.memory_space<hbm>>, %arg6: memref<16x64x30000xf32, #tpu.memory_space<hbm>>, %arg7: memref<2x128xi32, #tpu.memory_space<vmem>>, %arg8: memref<256xi32, #tpu.memory_space<vmem>>, %arg9: memref<256xf32, #tpu.memory_space<vmem>>, %arg10: memref<64x256xf32, #tpu.memory_space<vmem>>, %arg11: memref<30000xf32, #tpu.memory_space<vmem>>, %arg12: memref<30000xf32, #tpu.memory_space<vmem>>, %arg13: memref<30000xf32, #tpu.memory_space<vmem>>, %arg14: memref<!tpu.dma_semaphore, #tpu.memory_space<semaphore_mem>>, %arg15: memref<!tpu.dma_semaphore, #tpu.memory_space<semaphore_mem>>, %arg16: memref<!tpu.dma_semaphore, #tpu.memory_space<semaphore_mem>>, %arg17: memref<!tpu.dma_semaphore, #tpu.memory_space<semaphore_mem>>, %arg18: memref<!tpu.dma_semaphore, #tpu.memory_space<semaphore_mem>>, %arg19: memref<!tpu.dma_semaphore, #tpu.memory_space<semaphore_mem>>, %arg20: memref<!tpu.dma_semaphore, #tpu.memory_space<semaphore_mem>>, %arg21: memref<!tpu.dma_semaphore, #tpu.memory_space<semaphore_mem>>) attributes {dimension_semantics = [#tpu.dimension_semantics<core_parallel>, #tpu.dimension_semantics<subcore_parallel>], iteration_bounds = array<i64: 2, 16>, scalar_prefetch = 0 : i64, scratch_operands = 15 : i64, tpu.core_type = #tpu.core_type<sc_vector_subcore>, window_params = [{transform_indices = #map}, {transform_indices = #map}, {transform_indices = #map}, {transform_indices = #map1}, {transform_indices = #map}]} {
    %mul3A = arith.constant 32 : i32
    %mul3A_0 = arith.muli %arg0, %mul3A : i32
    %iota3A = tpu.iota {dimensions = array<i32: 0>} : vector<16xi32>
    %dma_start3A = arith.constant 0 : i32
    %dma_start3A_1 = arith.constant 0 : i32
    %dma_start3A_2 = tpu.memref_slice %arg3[%arg1, %dma_start3A, %dma_start3A_1] : memref<16x64x256xf32, #tpu.memory_space<hbm>> -> memref<1x64x256xf32, #tpu.memory_space<hbm>>
    %dma_start3A_3 = tpu.memref_squeeze %dma_start3A_2 : memref<1x64x256xf32, #tpu.memory_space<hbm>> -> memref<64x256xf32, #tpu.memory_space<hbm>>
    %dma_start3A_4 = arith.constant 0 : i32
    %dma_start3A_5 = arith.constant 0 : i32
    %dma_start3A_6 = tpu.memref_slice %arg3[%arg1, %dma_start3A_4, %dma_start3A_5] : memref<16x64x256xf32, #tpu.memory_space<hbm>> -> memref<1x64x256xf32, #tpu.memory_space<hbm>>
    %dma_start3A_7 = tpu.memref_squeeze %dma_start3A_6 : memref<1x64x256xf32, #tpu.memory_space<hbm>> -> memref<64x256xf32, #tpu.memory_space<hbm>>
    tpu.enqueue_dma source(%dma_start3A_7 : memref<64x256xf32, #tpu.memory_space<hbm>>) target(%arg10 : memref<64x256xf32, #tpu.memory_space<vmem>>) target_semaphore(%arg15 : memref<!tpu.dma_semaphore, #tpu.memory_space<semaphore_mem>>)
    %add3A = arith.constant 0 : i32
    %add3A_8 = arith.addi %mul3A_0, %add3A : i32
    %dma_start3A_9 = arith.constant 0 : i32
    %dma_start3A_10 = tpu.memref_slice %arg2[%arg1, %add3A_8, %dma_start3A_9] : memref<16x64x30000xf32, #tpu.memory_space<hbm>> -> memref<1x1x30000xf32, #tpu.memory_space<hbm>>
    %dma_start3A_11 = tpu.memref_squeeze %dma_start3A_10 : memref<1x1x30000xf32, #tpu.memory_space<hbm>> -> memref<30000xf32, #tpu.memory_space<hbm>>
    %dma_start3A_12 = arith.constant 0 : i32
    %dma_start3A_13 = tpu.memref_slice %arg2[%arg1, %add3A_8, %dma_start3A_12] : memref<16x64x30000xf32, #tpu.memory_space<hbm>> -> memref<1x1x30000xf32, #tpu.memory_space<hbm>>
    %dma_start3A_14 = tpu.memref_squeeze %dma_start3A_13 : memref<1x1x30000xf32, #tpu.memory_space<hbm>> -> memref<30000xf32, #tpu.memory_space<hbm>>
    tpu.enqueue_dma source(%dma_start3A_14 : memref<30000xf32, #tpu.memory_space<hbm>>) target(%arg11 : memref<30000xf32, #tpu.memory_space<vmem>>) target_semaphore(%arg16 : memref<!tpu.dma_semaphore, #tpu.memory_space<semaphore_mem>>)
    %add3A_15 = arith.constant 1 : i32
    %add3A_16 = arith.addi %mul3A_0, %add3A_15 : i32
    %dma_start3A_17 = arith.constant 0 : i32
    %dma_start3A_18 = tpu.memref_slice %arg2[%arg1, %add3A_16, %dma_start3A_17] : memref<16x64x30000xf32, #tpu.memory_space<hbm>> -> memref<1x1x30000xf32, #tpu.memory_space<hbm>>
    %dma_start3A_19 = tpu.memref_squeeze %dma_start3A_18 : memref<1x1x30000xf32, #tpu.memory_space<hbm>> -> memref<30000xf32, #tpu.memory_space<hbm>>
    %dma_start3A_20 = arith.constant 0 : i32
    %dma_start3A_21 = tpu.memref_slice %arg2[%arg1, %add3A_16, %dma_start3A_20] : memref<16x64x30000xf32, #tpu.memory_space<hbm>> -> memref<1x1x30000xf32, #tpu.memory_space<hbm>>
    %dma_start3A_22 = tpu.memref_squeeze %dma_start3A_21 : memref<1x1x30000xf32, #tpu.memory_space<hbm>> -> memref<30000xf32, #tpu.memory_space<hbm>>
    tpu.enqueue_dma source(%dma_start3A_22 : memref<30000xf32, #tpu.memory_space<hbm>>) target(%arg12 : memref<30000xf32, #tpu.memory_space<vmem>>) target_semaphore(%arg17 : memref<!tpu.dma_semaphore, #tpu.memory_space<semaphore_mem>>)
    "tpu.region"() ({
      %run_scoped3A = tpu.sem_alloc : memref<!tpu.dma_semaphore, #tpu.memory_space<semaphore_mem>>
      %dma_start3A_2313 = arith.constant 0 : i32
      %dma_start3A_2314 = arith.constant 0 : i32
      %dma_start3A_2315 = tpu.memref_slice %arg4[%arg1, %dma_start3A_2313, %dma_start3A_2314] : memref<16x2x128xi32, #tpu.memory_space<hbm>> -> memref<1x2x128xi32, #tpu.memory_space<hbm>>
      %dma_start3A_2316 = tpu.memref_squeeze %dma_start3A_2315 : memref<1x2x128xi32, #tpu.memory_space<hbm>> -> memref<2x128xi32, #tpu.memory_space<hbm>>
      %dma_start3A_2317 = arith.constant 0 : i32
      %dma_start3A_2318 = arith.constant 0 : i32
      %dma_start3A_2319 = tpu.memref_slice %arg4[%arg1, %dma_start3A_2317, %dma_start3A_2318] : memref<16x2x128xi32, #tpu.memory_space<hbm>> -> memref<1x2x128xi32, #tpu.memory_space<hbm>>
      %dma_start3A_2320 = tpu.memref_squeeze %dma_start3A_2319 : memref<1x2x128xi32, #tpu.memory_space<hbm>> -> memref<2x128xi32, #tpu.memory_space<hbm>>
      tpu.enqueue_dma source(%dma_start3A_2320 : memref<2x128xi32, #tpu.memory_space<hbm>>) target(%arg7 : memref<2x128xi32, #tpu.memory_space<vmem>>) target_semaphore(%run_scoped3A : memref<!tpu.dma_semaphore, #tpu.memory_space<semaphore_mem>>)
      %dma_wait3A_2321 = arith.constant 0 : i32
      %dma_wait3A_2322 = arith.constant 0 : i32
      %dma_wait3A_2323 = tpu.memref_slice %arg4[%arg1, %dma_wait3A_2321, %dma_wait3A_2322] : memref<16x2x128xi32, #tpu.memory_space<hbm>> -> memref<1x2x128xi32, #tpu.memory_space<hbm>>
      %dma_wait3A_2324 = tpu.memref_squeeze %dma_wait3A_2323 : memref<1x2x128xi32, #tpu.memory_space<hbm>> -> memref<2x128xi32, #tpu.memory_space<hbm>>
      %dma_wait3A_2325 = arith.constant 0 : i32
      %dma_wait3A_2326 = arith.constant 0 : i32
      %dma_wait3A_2327 = tpu.memref_slice %arg4[%arg1, %dma_wait3A_2325, %dma_wait3A_2326] : memref<16x2x128xi32, #tpu.memory_space<hbm>> -> memref<1x2x128xi32, #tpu.memory_space<hbm>>
      %dma_wait3A_2328 = tpu.memref_squeeze %dma_wait3A_2327 : memref<1x2x128xi32, #tpu.memory_space<hbm>> -> memref<2x128xi32, #tpu.memory_space<hbm>>
      tpu.wait_dma2 semaphore(%run_scoped3A : memref<!tpu.dma_semaphore, #tpu.memory_space<semaphore_mem>>) src(%dma_wait3A_2328 : memref<2x128xi32, #tpu.memory_space<hbm>>) dst(%arg7 : memref<2x128xi32, #tpu.memory_space<vmem>>)
      tpu.yield
    }) : () -> ()
    %dma_start3A_23 = arith.constant 0 : i32
    %dma_start3A_24 = arith.constant 0 : i32
    %dma_start3A_25 = tpu.memref_slice %arg8[%dma_start3A_24] : memref<256xi32, #tpu.memory_space<vmem>> -> memref<128xi32, #tpu.memory_space<vmem>>
    %dma_start3A_26 = arith.constant 0 : i32
    %dma_start3A_27 = tpu.memref_slice %arg7[%dma_start3A_23, %dma_start3A_26] : memref<2x128xi32, #tpu.memory_space<vmem>> -> memref<1x128xi32, #tpu.memory_space<vmem>>
    %dma_start3A_28 = tpu.memref_squeeze %dma_start3A_27 : memref<1x128xi32, #tpu.memory_space<vmem>> -> memref<128xi32, #tpu.memory_space<vmem>>
    %dma_start3A_29 = arith.constant 0 : i32
    %dma_start3A_30 = tpu.memref_slice %arg5[%dma_start3A_29] : memref<50000xi32, #tpu.memory_space<hbm>> -> memref<50000xi32, #tpu.memory_space<hbm>>
    tpu.enqueue_indirect_dma source(%dma_start3A_30 : memref<50000xi32, #tpu.memory_space<hbm>>) target(%dma_start3A_25 : memref<128xi32, #tpu.memory_space<vmem>>) offsets(%dma_start3A_28 : memref<128xi32, #tpu.memory_space<vmem>>) semaphore(%arg14 : memref<!tpu.dma_semaphore, #tpu.memory_space<semaphore_mem>>)
    %dma_wait3A = arith.constant 0 : i32
    %dma_wait3A_31 = arith.constant 0 : i32
    %dma_wait3A_32 = tpu.memref_slice %arg8[%dma_wait3A_31] : memref<256xi32, #tpu.memory_space<vmem>> -> memref<128xi32, #tpu.memory_space<vmem>>
    %dma_wait3A_33 = arith.constant 0 : i32
    %dma_wait3A_34 = tpu.memref_slice %arg7[%dma_wait3A, %dma_wait3A_33] : memref<2x128xi32, #tpu.memory_space<vmem>> -> memref<1x128xi32, #tpu.memory_space<vmem>>
    %dma_wait3A_35 = tpu.memref_squeeze %dma_wait3A_34 : memref<1x128xi32, #tpu.memory_space<vmem>> -> memref<128xi32, #tpu.memory_space<vmem>>
    %dma_wait3A_36 = arith.constant 0 : i32
    %dma_wait3A_37 = tpu.memref_slice %arg5[%dma_wait3A_36] : memref<50000xi32, #tpu.memory_space<hbm>> -> memref<50000xi32, #tpu.memory_space<hbm>>
    tpu.wait_indirect_dma semaphore(%arg14 : memref<!tpu.dma_semaphore, #tpu.memory_space<semaphore_mem>>) src(%dma_wait3A_37 : memref<50000xi32, #tpu.memory_space<hbm>>) dst(%dma_wait3A_32 : memref<128xi32, #tpu.memory_space<vmem>>)
    %dma_start3A_38 = arith.constant 1 : i32
    %dma_start3A_39 = arith.constant 128 : i32
    %dma_start3A_40 = tpu.memref_slice %arg8[%dma_start3A_39] : memref<256xi32, #tpu.memory_space<vmem>> -> memref<128xi32, #tpu.memory_space<vmem>>
    %dma_start3A_41 = arith.constant 0 : i32
    %dma_start3A_42 = tpu.memref_slice %arg7[%dma_start3A_38, %dma_start3A_41] : memref<2x128xi32, #tpu.memory_space<vmem>> -> memref<1x128xi32, #tpu.memory_space<vmem>>
    %dma_start3A_43 = tpu.memref_squeeze %dma_start3A_42 : memref<1x128xi32, #tpu.memory_space<vmem>> -> memref<128xi32, #tpu.memory_space<vmem>>
    %dma_start3A_44 = arith.constant 0 : i32
    %dma_start3A_45 = tpu.memref_slice %arg5[%dma_start3A_44] : memref<50000xi32, #tpu.memory_space<hbm>> -> memref<50000xi32, #tpu.memory_space<hbm>>
    tpu.enqueue_indirect_dma source(%dma_start3A_45 : memref<50000xi32, #tpu.memory_space<hbm>>) target(%dma_start3A_40 : memref<128xi32, #tpu.memory_space<vmem>>) offsets(%dma_start3A_43 : memref<128xi32, #tpu.memory_space<vmem>>) semaphore(%arg14 : memref<!tpu.dma_semaphore, #tpu.memory_space<semaphore_mem>>)
    %dma_wait3A_46 = arith.constant 1 : i32
    %dma_wait3A_47 = arith.constant 128 : i32
    %dma_wait3A_48 = tpu.memref_slice %arg8[%dma_wait3A_47] : memref<256xi32, #tpu.memory_space<vmem>> -> memref<128xi32, #tpu.memory_space<vmem>>
    %dma_wait3A_49 = arith.constant 0 : i32
    %dma_wait3A_50 = tpu.memref_slice %arg7[%dma_wait3A_46, %dma_wait3A_49] : memref<2x128xi32, #tpu.memory_space<vmem>> -> memref<1x128xi32, #tpu.memory_space<vmem>>
    %dma_wait3A_51 = tpu.memref_squeeze %dma_wait3A_50 : memref<1x128xi32, #tpu.memory_space<vmem>> -> memref<128xi32, #tpu.memory_space<vmem>>
    %dma_wait3A_52 = arith.constant 0 : i32
    %dma_wait3A_53 = tpu.memref_slice %arg5[%dma_wait3A_52] : memref<50000xi32, #tpu.memory_space<hbm>> -> memref<50000xi32, #tpu.memory_space<hbm>>
    tpu.wait_indirect_dma semaphore(%arg14 : memref<!tpu.dma_semaphore, #tpu.memory_space<semaphore_mem>>) src(%dma_wait3A_53 : memref<50000xi32, #tpu.memory_space<hbm>>) dst(%dma_wait3A_48 : memref<128xi32, #tpu.memory_space<vmem>>)
    %dma_wait3A_54 = arith.constant 0 : i32
    %dma_wait3A_55 = arith.constant 0 : i32
    %dma_wait3A_56 = tpu.memref_slice %arg3[%arg1, %dma_wait3A_54, %dma_wait3A_55] : memref<16x64x256xf32, #tpu.memory_space<hbm>> -> memref<1x64x256xf32, #tpu.memory_space<hbm>>
    %dma_wait3A_57 = tpu.memref_squeeze %dma_wait3A_56 : memref<1x64x256xf32, #tpu.memory_space<hbm>> -> memref<64x256xf32, #tpu.memory_space<hbm>>
    %dma_wait3A_58 = arith.constant 0 : i32
    %dma_wait3A_59 = arith.constant 0 : i32
    %dma_wait3A_60 = tpu.memref_slice %arg3[%arg1, %dma_wait3A_58, %dma_wait3A_59] : memref<16x64x256xf32, #tpu.memory_space<hbm>> -> memref<1x64x256xf32, #tpu.memory_space<hbm>>
    %dma_wait3A_61 = tpu.memref_squeeze %dma_wait3A_60 : memref<1x64x256xf32, #tpu.memory_space<hbm>> -> memref<64x256xf32, #tpu.memory_space<hbm>>
    tpu.wait_dma2 semaphore(%arg15 : memref<!tpu.dma_semaphore, #tpu.memory_space<semaphore_mem>>) src(%dma_wait3A_61 : memref<64x256xf32, #tpu.memory_space<hbm>>) dst(%arg10 : memref<64x256xf32, #tpu.memory_space<vmem>>)
    %get3A = arith.constant 0 : i32
    %get3A_62 = arith.index_cast %get3A : i32 to index
    %get3A_63 = arith.constant 0 : index
    %get3A_64 = tpu.vector_load %arg10[%get3A_62, %get3A_63] {strides = array<i32>} : memref<64x256xf32, #tpu.memory_space<vmem>>, vector<16xf32>,
    %swap3A = arith.constant 0 : index
    %swap3A_65 = tpu.vector_load %arg9[%swap3A] {strides = array<i32>} : memref<256xf32, #tpu.memory_space<vmem>>, vector<16xf32>,
    tpu.vector_store %arg9[%swap3A], %get3A_64 {strides = array<i32>} : memref<256xf32, #tpu.memory_space<vmem>>, vector<16xf32>,
    %get3A_66 = arith.constant 0 : i32
    %get3A_67 = arith.index_cast %get3A_66 : i32 to index
    %get3A_68 = arith.constant 16 : index
    %get3A_69 = tpu.vector_load %arg10[%get3A_67, %get3A_68] {strides = array<i32>} : memref<64x256xf32, #tpu.memory_space<vmem>>, vector<16xf32>,
    %swap3A_70 = arith.constant 16 : index
    %swap3A_71 = tpu.vector_load %arg9[%swap3A_70] {strides = array<i32>} : memref<256xf32, #tpu.memory_space<vmem>>, vector<16xf32>,
    tpu.vector_store %arg9[%swap3A_70], %get3A_69 {strides = array<i32>} : memref<256xf32, #tpu.memory_space<vmem>>, vector<16xf32>,
    %get3A_72 = arith.constant 0 : i32
    %get3A_73 = arith.index_cast %get3A_72 : i32 to index
    %get3A_74 = arith.constant 32 : index
    %get3A_75 = tpu.vector_load %arg10[%get3A_73, %get3A_74] {strides = array<i32>} : memref<64x256xf32, #tpu.memory_space<vmem>>, vector<16xf32>,
    %swap3A_76 = arith.constant 32 : index
    %swap3A_77 = tpu.vector_load %arg9[%swap3A_76] {strides = array<i32>} : memref<256xf32, #tpu.memory_space<vmem>>, vector<16xf32>,
    tpu.vector_store %arg9[%swap3A_76], %get3A_75 {strides = array<i32>} : memref<256xf32, #tpu.memory_space<vmem>>, vector<16xf32>,
    %get3A_78 = arith.constant 0 : i32
    %get3A_79 = arith.index_cast %get3A_78 : i32 to index
    %get3A_80 = arith.constant 48 : index
    %get3A_81 = tpu.vector_load %arg10[%get3A_79, %get3A_80] {strides = array<i32>} : memref<64x256xf32, #tpu.memory_space<vmem>>, vector<16xf32>,
    %swap3A_82 = arith.constant 48 : index
    %swap3A_83 = tpu.vector_load %arg9[%swap3A_82] {strides = array<i32>} : memref<256xf32, #tpu.memory_space<vmem>>, vector<16xf32>,
    tpu.vector_store %arg9[%swap3A_82], %get3A_81 {strides = array<i32>} : memref<256xf32, #tpu.memory_space<vmem>>, vector<16xf32>,
    %get3A_84 = arith.constant 0 : i32
    %get3A_85 = arith.index_cast %get3A_84 : i32 to index
    %get3A_86 = arith.constant 64 : index
    %get3A_87 = tpu.vector_load %arg10[%get3A_85, %get3A_86] {strides = array<i32>} : memref<64x256xf32, #tpu.memory_space<vmem>>, vector<16xf32>,
    %swap3A_88 = arith.constant 64 : index
    %swap3A_89 = tpu.vector_load %arg9[%swap3A_88] {strides = array<i32>} : memref<256xf32, #tpu.memory_space<vmem>>, vector<16xf32>,
    tpu.vector_store %arg9[%swap3A_88], %get3A_87 {strides = array<i32>} : memref<256xf32, #tpu.memory_space<vmem>>, vector<16xf32>,
    %get3A_90 = arith.constant 0 : i32
    %get3A_91 = arith.index_cast %get3A_90 : i32 to index
    %get3A_92 = arith.constant 80 : index
    %get3A_93 = tpu.vector_load %arg10[%get3A_91, %get3A_92] {strides = array<i32>} : memref<64x256xf32, #tpu.memory_space<vmem>>, vector<16xf32>,
    %swap3A_94 = arith.constant 80 : index
    %swap3A_95 = tpu.vector_load %arg9[%swap3A_94] {strides = array<i32>} : memref<256xf32, #tpu.memory_space<vmem>>, vector<16xf32>,
    tpu.vector_store %arg9[%swap3A_94], %get3A_93 {strides = array<i32>} : memref<256xf32, #tpu.memory_space<vmem>>, vector<16xf32>,
    %get3A_96 = arith.constant 0 : i32
    %get3A_97 = arith.index_cast %get3A_96 : i32 to index
    %get3A_98 = arith.constant 96 : index
    %get3A_99 = tpu.vector_load %arg10[%get3A_97, %get3A_98] {strides = array<i32>} : memref<64x256xf32, #tpu.memory_space<vmem>>, vector<16xf32>,
    %swap3A_100 = arith.constant 96 : index
    %swap3A_101 = tpu.vector_load %arg9[%swap3A_100] {strides = array<i32>} : memref<256xf32, #tpu.memory_space<vmem>>, vector<16xf32>,
    tpu.vector_store %arg9[%swap3A_100], %get3A_99 {strides = array<i32>} : memref<256xf32, #tpu.memory_space<vmem>>, vector<16xf32>,
    %get3A_102 = arith.constant 0 : i32
    %get3A_103 = arith.index_cast %get3A_102 : i32 to index
    %get3A_104 = arith.constant 112 : index
    %get3A_105 = tpu.vector_load %arg10[%get3A_103, %get3A_104] {strides = array<i32>} : memref<64x256xf32, #tpu.memory_space<vmem>>, vector<16xf32>,
    %swap3A_106 = arith.constant 112 : index
    %swap3A_107 = tpu.vector_load %arg9[%swap3A_106] {strides = array<i32>} : memref<256xf32, #tpu.memory_space<vmem>>, vector<16xf32>,
    tpu.vector_store %arg9[%swap3A_106], %get3A_105 {strides = array<i32>} : memref<256xf32, #tpu.memory_space<vmem>>, vector<16xf32>,
    %get3A_108 = arith.constant 0 : i32
    %get3A_109 = arith.index_cast %get3A_108 : i32 to index
    %get3A_110 = arith.constant 128 : index
    %get3A_111 = tpu.vector_load %arg10[%get3A_109, %get3A_110] {strides = array<i32>} : memref<64x256xf32, #tpu.memory_space<vmem>>, vector<16xf32>,
    %swap3A_112 = arith.constant 128 : index
    %swap3A_113 = tpu.vector_load %arg9[%swap3A_112] {strides = array<i32>} : memref<256xf32, #tpu.memory_space<vmem>>, vector<16xf32>,
    tpu.vector_store %arg9[%swap3A_112], %get3A_111 {strides = array<i32>} : memref<256xf32, #tpu.memory_space<vmem>>, vector<16xf32>,
    %get3A_114 = arith.constant 0 : i32
    %get3A_115 = arith.index_cast %get3A_114 : i32 to index
    %get3A_116 = arith.constant 144 : index
    %get3A_117 = tpu.vector_load %arg10[%get3A_115, %get3A_116] {strides = array<i32>} : memref<64x256xf32, #tpu.memory_space<vmem>>, vector<16xf32>,
    %swap3A_118 = arith.constant 144 : index
    %swap3A_119 = tpu.vector_load %arg9[%swap3A_118] {strides = array<i32>} : memref<256xf32, #tpu.memory_space<vmem>>, vector<16xf32>,
    tpu.vector_store %arg9[%swap3A_118], %get3A_117 {strides = array<i32>} : memref<256xf32, #tpu.memory_space<vmem>>, vector<16xf32>,
    %get3A_120 = arith.constant 0 : i32
    %get3A_121 = arith.index_cast %get3A_120 : i32 to index
    %get3A_122 = arith.constant 160 : index
    %get3A_123 = tpu.vector_load %arg10[%get3A_121, %get3A_122] {strides = array<i32>} : memref<64x256xf32, #tpu.memory_space<vmem>>, vector<16xf32>,
    %swap3A_124 = arith.constant 160 : index
    %swap3A_125 = tpu.vector_load %arg9[%swap3A_124] {strides = array<i32>} : memref<256xf32, #tpu.memory_space<vmem>>, vector<16xf32>,
    tpu.vector_store %arg9[%swap3A_124], %get3A_123 {strides = array<i32>} : memref<256xf32, #tpu.memory_space<vmem>>, vector<16xf32>,
    %get3A_126 = arith.constant 0 : i32
    %get3A_127 = arith.index_cast %get3A_126 : i32 to index
    %get3A_128 = arith.constant 176 : index
    %get3A_129 = tpu.vector_load %arg10[%get3A_127, %get3A_128] {strides = array<i32>} : memref<64x256xf32, #tpu.memory_space<vmem>>, vector<16xf32>,
    %swap3A_130 = arith.constant 176 : index
    %swap3A_131 = tpu.vector_load %arg9[%swap3A_130] {strides = array<i32>} : memref<256xf32, #tpu.memory_space<vmem>>, vector<16xf32>,
    tpu.vector_store %arg9[%swap3A_130], %get3A_129 {strides = array<i32>} : memref<256xf32, #tpu.memory_space<vmem>>, vector<16xf32>,
    %get3A_132 = arith.constant 0 : i32
    %get3A_133 = arith.index_cast %get3A_132 : i32 to index
    %get3A_134 = arith.constant 192 : index
    %get3A_135 = tpu.vector_load %arg10[%get3A_133, %get3A_134] {strides = array<i32>} : memref<64x256xf32, #tpu.memory_space<vmem>>, vector<16xf32>,
    %swap3A_136 = arith.constant 192 : index
    %swap3A_137 = tpu.vector_load %arg9[%swap3A_136] {strides = array<i32>} : memref<256xf32, #tpu.memory_space<vmem>>, vector<16xf32>,
    tpu.vector_store %arg9[%swap3A_136], %get3A_135 {strides = array<i32>} : memref<256xf32, #tpu.memory_space<vmem>>, vector<16xf32>,
    %get3A_138 = arith.constant 0 : i32
    %get3A_139 = arith.index_cast %get3A_138 : i32 to index
    %get3A_140 = arith.constant 208 : index
    %get3A_141 = tpu.vector_load %arg10[%get3A_139, %get3A_140] {strides = array<i32>} : memref<64x256xf32, #tpu.memory_space<vmem>>, vector<16xf32>,
    %swap3A_142 = arith.constant 208 : index
    %swap3A_143 = tpu.vector_load %arg9[%swap3A_142] {strides = array<i32>} : memref<256xf32, #tpu.memory_space<vmem>>, vector<16xf32>,
    tpu.vector_store %arg9[%swap3A_142], %get3A_141 {strides = array<i32>} : memref<256xf32, #tpu.memory_space<vmem>>, vector<16xf32>,
    %get3A_144 = arith.constant 0 : i32
    %get3A_145 = arith.index_cast %get3A_144 : i32 to index
    %get3A_146 = arith.constant 224 : index
    %get3A_147 = tpu.vector_load %arg10[%get3A_145, %get3A_146] {strides = array<i32>} : memref<64x256xf32, #tpu.memory_space<vmem>>, vector<16xf32>,
    %swap3A_148 = arith.constant 224 : index
    %swap3A_149 = tpu.vector_load %arg9[%swap3A_148] {strides = array<i32>} : memref<256xf32, #tpu.memory_space<vmem>>, vector<16xf32>,
    tpu.vector_store %arg9[%swap3A_148], %get3A_147 {strides = array<i32>} : memref<256xf32, #tpu.memory_space<vmem>>, vector<16xf32>,
    %get3A_150 = arith.constant 0 : i32
    %get3A_151 = arith.index_cast %get3A_150 : i32 to index
    %get3A_152 = arith.constant 240 : index
    %get3A_153 = tpu.vector_load %arg10[%get3A_151, %get3A_152] {strides = array<i32>} : memref<64x256xf32, #tpu.memory_space<vmem>>, vector<16xf32>,
    %swap3A_154 = arith.constant 240 : index
    %swap3A_155 = tpu.vector_load %arg9[%swap3A_154] {strides = array<i32>} : memref<256xf32, #tpu.memory_space<vmem>>, vector<16xf32>,
    tpu.vector_store %arg9[%swap3A_154], %get3A_153 {strides = array<i32>} : memref<256xf32, #tpu.memory_space<vmem>>, vector<16xf32>,
    %scan3A = arith.constant 1 : i32
    %scan3A_156 = arith.constant 63 : i32
    %scan3A_157 = arith.addi %scan3A, %scan3A_156 : i32
    %scan3A_158 = arith.constant 1 : i32
    scf.for %scan3A_2313 = %scan3A to %scan3A_157 step %scan3A_158  : i32 {
      %get3A_2314 = arith.constant 0 : index
      %get3A_2315 = tpu.vector_load %arg9[%get3A_2314] {strides = array<i32>} : memref<256xf32, #tpu.memory_space<vmem>>, vector<16xf32>,
      %get3A_2316 = arith.index_cast %scan3A_2313 : i32 to index
      %get3A_2317 = arith.constant 0 : index
      %get3A_2318 = tpu.vector_load %arg10[%get3A_2316, %get3A_2317] {strides = array<i32>} : memref<64x256xf32, #tpu.memory_space<vmem>>, vector<16xf32>,
      %max3A_2319 = arith.maximumf %get3A_2315, %get3A_2318 : vector<16xf32>
      %swap3A_2320 = arith.constant 0 : index
      %swap3A_2321 = tpu.vector_load %arg9[%swap3A_2320] {strides = array<i32>} : memref<256xf32, #tpu.memory_space<vmem>>, vector<16xf32>,
      tpu.vector_store %arg9[%swap3A_2320], %max3A_2319 {strides = array<i32>} : memref<256xf32, #tpu.memory_space<vmem>>, vector<16xf32>,
      %get3A_2322 = arith.constant 16 : index
      %get3A_2323 = tpu.vector_load %arg9[%get3A_2322] {strides = array<i32>} : memref<256xf32, #tpu.memory_space<vmem>>, vector<16xf32>,
      %get3A_2324 = arith.index_cast %scan3A_2313 : i32 to index
      %get3A_2325 = arith.constant 16 : index
      %get3A_2326 = tpu.vector_load %arg10[%get3A_2324, %get3A_2325] {strides = array<i32>} : memref<64x256xf32, #tpu.memory_space<vmem>>, vector<16xf32>,
      %max3A_2327 = arith.maximumf %get3A_2323, %get3A_2326 : vector<16xf32>
      %swap3A_2328 = arith.constant 16 : index
      %swap3A_2329 = tpu.vector_load %arg9[%swap3A_2328] {strides = array<i32>} : memref<256xf32, #tpu.memory_space<vmem>>, vector<16xf32>,
      tpu.vector_store %arg9[%swap3A_2328], %max3A_2327 {strides = array<i32>} : memref<256xf32, #tpu.memory_space<vmem>>, vector<16xf32>,
      %get3A_2330 = arith.constant 32 : index
      %get3A_2331 = tpu.vector_load %arg9[%get3A_2330] {strides = array<i32>} : memref<256xf32, #tpu.memory_space<vmem>>, vector<16xf32>,
      %get3A_2332 = arith.index_cast %scan3A_2313 : i32 to index
      %get3A_2333 = arith.constant 32 : index
      %get3A_2334 = tpu.vector_load %arg10[%get3A_2332, %get3A_2333] {strides = array<i32>} : memref<64x256xf32, #tpu.memory_space<vmem>>, vector<16xf32>,
      %max3A_2335 = arith.maximumf %get3A_2331, %get3A_2334 : vector<16xf32>
      %swap3A_2336 = arith.constant 32 : index
      %swap3A_2337 = tpu.vector_load %arg9[%swap3A_2336] {strides = array<i32>} : memref<256xf32, #tpu.memory_space<vmem>>, vector<16xf32>,
      tpu.vector_store %arg9[%swap3A_2336], %max3A_2335 {strides = array<i32>} : memref<256xf32, #tpu.memory_space<vmem>>, vector<16xf32>,
      %get3A_2338 = arith.constant 48 : index
      %get3A_2339 = tpu.vector_load %arg9[%get3A_2338] {strides = array<i32>} : memref<256xf32, #tpu.memory_space<vmem>>, vector<16xf32>,
      %get3A_2340 = arith.index_cast %scan3A_2313 : i32 to index
      %get3A_2341 = arith.constant 48 : index
      %get3A_2342 = tpu.vector_load %arg10[%get3A_2340, %get3A_2341] {strides = array<i32>} : memref<64x256xf32, #tpu.memory_space<vmem>>, vector<16xf32>,
      %max3A_2343 = arith.maximumf %get3A_2339, %get3A_2342 : vector<16xf32>
      %swap3A_2344 = arith.constant 48 : index
      %swap3A_2345 = tpu.vector_load %arg9[%swap3A_2344] {strides = array<i32>} : memref<256xf32, #tpu.memory_space<vmem>>, vector<16xf32>,
      tpu.vector_store %arg9[%swap3A_2344], %max3A_2343 {strides = array<i32>} : memref<256xf32, #tpu.memory_space<vmem>>, vector<16xf32>,
      %get3A_2346 = arith.constant 64 : index
      %get3A_2347 = tpu.vector_load %arg9[%get3A_2346] {strides = array<i32>} : memref<256xf32, #tpu.memory_space<vmem>>, vector<16xf32>,
      %get3A_2348 = arith.index_cast %scan3A_2313 : i32 to index
      %get3A_2349 = arith.constant 64 : index
      %get3A_2350 = tpu.vector_load %arg10[%get3A_2348, %get3A_2349] {strides = array<i32>} : memref<64x256xf32, #tpu.memory_space<vmem>>, vector<16xf32>,
      %max3A_2351 = arith.maximumf %get3A_2347, %get3A_2350 : vector<16xf32>
      %swap3A_2352 = arith.constant 64 : index
      %swap3A_2353 = tpu.vector_load %arg9[%swap3A_2352] {strides = array<i32>} : memref<256xf32, #tpu.memory_space<vmem>>, vector<16xf32>,
      tpu.vector_store %arg9[%swap3A_2352], %max3A_2351 {strides = array<i32>} : memref<256xf32, #tpu.memory_space<vmem>>, vector<16xf32>,
      %get3A_2354 = arith.constant 80 : index
      %get3A_2355 = tpu.vector_load %arg9[%get3A_2354] {strides = array<i32>} : memref<256xf32, #tpu.memory_space<vmem>>, vector<16xf32>,
      %get3A_2356 = arith.index_cast %scan3A_2313 : i32 to index
      %get3A_2357 = arith.constant 80 : index
      %get3A_2358 = tpu.vector_load %arg10[%get3A_2356, %get3A_2357] {strides = array<i32>} : memref<64x256xf32, #tpu.memory_space<vmem>>, vector<16xf32>,
      %max3A_2359 = arith.maximumf %get3A_2355, %get3A_2358 : vector<16xf32>
      %swap3A_2360 = arith.constant 80 : index
      %swap3A_2361 = tpu.vector_load %arg9[%swap3A_2360] {strides = array<i32>} : memref<256xf32, #tpu.memory_space<vmem>>, vector<16xf32>,
      tpu.vector_store %arg9[%swap3A_2360], %max3A_2359 {strides = array<i32>} : memref<256xf32, #tpu.memory_space<vmem>>, vector<16xf32>,
      %get3A_2362 = arith.constant 96 : index
      %get3A_2363 = tpu.vector_load %arg9[%get3A_2362] {strides = array<i32>} : memref<256xf32, #tpu.memory_space<vmem>>, vector<16xf32>,
      %get3A_2364 = arith.index_cast %scan3A_2313 : i32 to index
      %get3A_2365 = arith.constant 96 : index
      %get3A_2366 = tpu.vector_load %arg10[%get3A_2364, %get3A_2365] {strides = array<i32>} : memref<64x256xf32, #tpu.memory_space<vmem>>, vector<16xf32>,
      %max3A_2367 = arith.maximumf %get3A_2363, %get3A_2366 : vector<16xf32>
      %swap3A_2368 = arith.constant 96 : index
      %swap3A_2369 = tpu.vector_load %arg9[%swap3A_2368] {strides = array<i32>} : memref<256xf32, #tpu.memory_space<vmem>>, vector<16xf32>,
      tpu.vector_store %arg9[%swap3A_2368], %max3A_2367 {strides = array<i32>} : memref<256xf32, #tpu.memory_space<vmem>>, vector<16xf32>,
      %get3A_2370 = arith.constant 112 : index
      %get3A_2371 = tpu.vector_load %arg9[%get3A_2370] {strides = array<i32>} : memref<256xf32, #tpu.memory_space<vmem>>, vector<16xf32>,
      %get3A_2372 = arith.index_cast %scan3A_2313 : i32 to index
      %get3A_2373 = arith.constant 112 : index
      %get3A_2374 = tpu.vector_load %arg10[%get3A_2372, %get3A_2373] {strides = array<i32>} : memref<64x256xf32, #tpu.memory_space<vmem>>, vector<16xf32>,
      %max3A_2375 = arith.maximumf %get3A_2371, %get3A_2374 : vector<16xf32>
      %swap3A_2376 = arith.constant 112 : index
      %swap3A_2377 = tpu.vector_load %arg9[%swap3A_2376] {strides = array<i32>} : memref<256xf32, #tpu.memory_space<vmem>>, vector<16xf32>,
      tpu.vector_store %arg9[%swap3A_2376], %max3A_2375 {strides = array<i32>} : memref<256xf32, #tpu.memory_space<vmem>>, vector<16xf32>,
      %get3A_2378 = arith.constant 128 : index
      %get3A_2379 = tpu.vector_load %arg9[%get3A_2378] {strides = array<i32>} : memref<256xf32, #tpu.memory_space<vmem>>, vector<16xf32>,
      %get3A_2380 = arith.index_cast %scan3A_2313 : i32 to index
      %get3A_2381 = arith.constant 128 : index
      %get3A_2382 = tpu.vector_load %arg10[%get3A_2380, %get3A_2381] {strides = array<i32>} : memref<64x256xf32, #tpu.memory_space<vmem>>, vector<16xf32>,
      %max3A_2383 = arith.maximumf %get3A_2379, %get3A_2382 : vector<16xf32>
      %swap3A_2384 = arith.constant 128 : index
      %swap3A_2385 = tpu.vector_load %arg9[%swap3A_2384] {strides = array<i32>} : memref<256xf32, #tpu.memory_space<vmem>>, vector<16xf32>,
      tpu.vector_store %arg9[%swap3A_2384], %max3A_2383 {strides = array<i32>} : memref<256xf32, #tpu.memory_space<vmem>>, vector<16xf32>,
      %get3A_2386 = arith.constant 144 : index
      %get3A_2387 = tpu.vector_load %arg9[%get3A_2386] {strides = array<i32>} : memref<256xf32, #tpu.memory_space<vmem>>, vector<16xf32>,
      %get3A_2388 = arith.index_cast %scan3A_2313 : i32 to index
      %get3A_2389 = arith.constant 144 : index
      %get3A_2390 = tpu.vector_load %arg10[%get3A_2388, %get3A_2389] {strides = array<i32>} : memref<64x256xf32, #tpu.memory_space<vmem>>, vector<16xf32>,
      %max3A_2391 = arith.maximumf %get3A_2387, %get3A_2390 : vector<16xf32>
      %swap3A_2392 = arith.constant 144 : index
      %swap3A_2393 = tpu.vector_load %arg9[%swap3A_2392] {strides = array<i32>} : memref<256xf32, #tpu.memory_space<vmem>>, vector<16xf32>,
      tpu.vector_store %arg9[%swap3A_2392], %max3A_2391 {strides = array<i32>} : memref<256xf32, #tpu.memory_space<vmem>>, vector<16xf32>,
      %get3A_2394 = arith.constant 160 : index
      %get3A_2395 = tpu.vector_load %arg9[%get3A_2394] {strides = array<i32>} : memref<256xf32, #tpu.memory_space<vmem>>, vector<16xf32>,
      %get3A_2396 = arith.index_cast %scan3A_2313 : i32 to index
      %get3A_2397 = arith.constant 160 : index
      %get3A_2398 = tpu.vector_load %arg10[%get3A_2396, %get3A_2397] {strides = array<i32>} : memref<64x256xf32, #tpu.memory_space<vmem>>, vector<16xf32>,
      %max3A_2399 = arith.maximumf %get3A_2395, %get3A_2398 : vector<16xf32>
      %swap3A_2400 = arith.constant 160 : index
      %swap3A_2401 = tpu.vector_load %arg9[%swap3A_2400] {strides = array<i32>} : memref<256xf32, #tpu.memory_space<vmem>>, vector<16xf32>,
      tpu.vector_store %arg9[%swap3A_2400], %max3A_2399 {strides = array<i32>} : memref<256xf32, #tpu.memory_space<vmem>>, vector<16xf32>,
      %get3A_2402 = arith.constant 176 : index
      %get3A_2403 = tpu.vector_load %arg9[%get3A_2402] {strides = array<i32>} : memref<256xf32, #tpu.memory_space<vmem>>, vector<16xf32>,
      %get3A_2404 = arith.index_cast %scan3A_2313 : i32 to index
      %get3A_2405 = arith.constant 176 : index
      %get3A_2406 = tpu.vector_load %arg10[%get3A_2404, %get3A_2405] {strides = array<i32>} : memref<64x256xf32, #tpu.memory_space<vmem>>, vector<16xf32>,
      %max3A_2407 = arith.maximumf %get3A_2403, %get3A_2406 : vector<16xf32>
      %swap3A_2408 = arith.constant 176 : index
      %swap3A_2409 = tpu.vector_load %arg9[%swap3A_2408] {strides = array<i32>} : memref<256xf32, #tpu.memory_space<vmem>>, vector<16xf32>,
      tpu.vector_store %arg9[%swap3A_2408], %max3A_2407 {strides = array<i32>} : memref<256xf32, #tpu.memory_space<vmem>>, vector<16xf32>,
      %get3A_2410 = arith.constant 192 : index
      %get3A_2411 = tpu.vector_load %arg9[%get3A_2410] {strides = array<i32>} : memref<256xf32, #tpu.memory_space<vmem>>, vector<16xf32>,
      %get3A_2412 = arith.index_cast %scan3A_2313 : i32 to index
      %get3A_2413 = arith.constant 192 : index
      %get3A_2414 = tpu.vector_load %arg10[%get3A_2412, %get3A_2413] {strides = array<i32>} : memref<64x256xf32, #tpu.memory_space<vmem>>, vector<16xf32>,
      %max3A_2415 = arith.maximumf %get3A_2411, %get3A_2414 : vector<16xf32>
      %swap3A_2416 = arith.constant 192 : index
      %swap3A_2417 = tpu.vector_load %arg9[%swap3A_2416] {strides = array<i32>} : memref<256xf32, #tpu.memory_space<vmem>>, vector<16xf32>,
      tpu.vector_store %arg9[%swap3A_2416], %max3A_2415 {strides = array<i32>} : memref<256xf32, #tpu.memory_space<vmem>>, vector<16xf32>,
      %get3A_2418 = arith.constant 208 : index
      %get3A_2419 = tpu.vector_load %arg9[%get3A_2418] {strides = array<i32>} : memref<256xf32, #tpu.memory_space<vmem>>, vector<16xf32>,
      %get3A_2420 = arith.index_cast %scan3A_2313 : i32 to index
      %get3A_2421 = arith.constant 208 : index
      %get3A_2422 = tpu.vector_load %arg10[%get3A_2420, %get3A_2421] {strides = array<i32>} : memref<64x256xf32, #tpu.memory_space<vmem>>, vector<16xf32>,
      %max3A_2423 = arith.maximumf %get3A_2419, %get3A_2422 : vector<16xf32>
      %swap3A_2424 = arith.constant 208 : index
      %swap3A_2425 = tpu.vector_load %arg9[%swap3A_2424] {strides = array<i32>} : memref<256xf32, #tpu.memory_space<vmem>>, vector<16xf32>,
      tpu.vector_store %arg9[%swap3A_2424], %max3A_2423 {strides = array<i32>} : memref<256xf32, #tpu.memory_space<vmem>>, vector<16xf32>,
      %get3A_2426 = arith.constant 224 : index
      %get3A_2427 = tpu.vector_load %arg9[%get3A_2426] {strides = array<i32>} : memref<256xf32, #tpu.memory_space<vmem>>, vector<16xf32>,
      %get3A_2428 = arith.index_cast %scan3A_2313 : i32 to index
      %get3A_2429 = arith.constant 224 : index
      %get3A_2430 = tpu.vector_load %arg10[%get3A_2428, %get3A_2429] {strides = array<i32>} : memref<64x256xf32, #tpu.memory_space<vmem>>, vector<16xf32>,
      %max3A_2431 = arith.maximumf %get3A_2427, %get3A_2430 : vector<16xf32>
      %swap3A_2432 = arith.constant 224 : index
      %swap3A_2433 = tpu.vector_load %arg9[%swap3A_2432] {strides = array<i32>} : memref<256xf32, #tpu.memory_space<vmem>>, vector<16xf32>,
      tpu.vector_store %arg9[%swap3A_2432], %max3A_2431 {strides = array<i32>} : memref<256xf32, #tpu.memory_space<vmem>>, vector<16xf32>,
      %get3A_2434 = arith.constant 240 : index
      %get3A_2435 = tpu.vector_load %arg9[%get3A_2434] {strides = array<i32>} : memref<256xf32, #tpu.memory_space<vmem>>, vector<16xf32>,
      %get3A_2436 = arith.index_cast %scan3A_2313 : i32 to index
      %get3A_2437 = arith.constant 240 : index
      %get3A_2438 = tpu.vector_load %arg10[%get3A_2436, %get3A_2437] {strides = array<i32>} : memref<64x256xf32, #tpu.memory_space<vmem>>, vector<16xf32>,
      %max3A_2439 = arith.maximumf %get3A_2435, %get3A_2438 : vector<16xf32>
      %swap3A_2440 = arith.constant 240 : index
      %swap3A_2441 = tpu.vector_load %arg9[%swap3A_2440] {strides = array<i32>} : memref<256xf32, #tpu.memory_space<vmem>>, vector<16xf32>,
      tpu.vector_store %arg9[%swap3A_2440], %max3A_2439 {strides = array<i32>} : memref<256xf32, #tpu.memory_space<vmem>>, vector<16xf32>,
    }
    %scan3A_159 = arith.constant 63 : i32
    %add3A_160 = arith.constant 2 : i32
    %add3A_161 = arith.addi %mul3A_0, %add3A_160 : i32
    %dma_start3A_162 = arith.constant 0 : i32
    %dma_start3A_163 = tpu.memref_slice %arg2[%arg1, %add3A_161, %dma_start3A_162] : memref<16x64x30000xf32, #tpu.memory_space<hbm>> -> memref<1x1x30000xf32, #tpu.memory_space<hbm>>
    %dma_start3A_164 = tpu.memref_squeeze %dma_start3A_163 : memref<1x1x30000xf32, #tpu.memory_space<hbm>> -> memref<30000xf32, #tpu.memory_space<hbm>>
    %dma_start3A_165 = arith.constant 0 : i32
    %dma_start3A_166 = tpu.memref_slice %arg2[%arg1, %add3A_161, %dma_start3A_165] : memref<16x64x30000xf32, #tpu.memory_space<hbm>> -> memref<1x1x30000xf32, #tpu.memory_space<hbm>>
    %dma_start3A_167 = tpu.memref_squeeze %dma_start3A_166 : memref<1x1x30000xf32, #tpu.memory_space<hbm>> -> memref<30000xf32, #tpu.memory_space<hbm>>
    tpu.enqueue_dma source(%dma_start3A_167 : memref<30000xf32, #tpu.memory_space<hbm>>) target(%arg13 : memref<30000xf32, #tpu.memory_space<vmem>>) target_semaphore(%arg18 : memref<!tpu.dma_semaphore, #tpu.memory_space<semaphore_mem>>)
    %dma_wait3A_168 = arith.constant 0 : i32
    %dma_wait3A_169 = tpu.memref_slice %arg2[%arg1, %add3A_8, %dma_wait3A_168] : memref<16x64x30000xf32, #tpu.memory_space<hbm>> -> memref<1x1x30000xf32, #tpu.memory_space<hbm>>
    %dma_wait3A_170 = tpu.memref_squeeze %dma_wait3A_169 : memref<1x1x30000xf32, #tpu.memory_space<hbm>> -> memref<30000xf32, #tpu.memory_space<hbm>>
    %dma_wait3A_171 = arith.constant 0 : i32
    %dma_wait3A_172 = tpu.memref_slice %arg2[%arg1, %add3A_8, %dma_wait3A_171] : memref<16x64x30000xf32, #tpu.memory_space<hbm>> -> memref<1x1x30000xf32, #tpu.memory_space<hbm>>
    %dma_wait3A_173 = tpu.memref_squeeze %dma_wait3A_172 : memref<1x1x30000xf32, #tpu.memory_space<hbm>> -> memref<30000xf32, #tpu.memory_space<hbm>>
    tpu.wait_dma2 semaphore(%arg16 : memref<!tpu.dma_semaphore, #tpu.memory_space<semaphore_mem>>) src(%dma_wait3A_173 : memref<30000xf32, #tpu.memory_space<hbm>>) dst(%arg11 : memref<30000xf32, #tpu.memory_space<vmem>>)
    %add3A_174 = arith.constant 0 : i32
    %add3A_175 = arith.addi %mul3A_0, %add3A_174 : i32
    %min3A = arith.constant 3 : i32
    %min3A_176 = vector.broadcast %min3A : i32 to vector<16xi32>
    %min3A_177 = arith.minsi %iota3A, %min3A_176 : vector<16xi32>
    %mul3A_178 = arith.constant 64 : i32
    %mul3A_179 = vector.broadcast %mul3A_178 : i32 to vector<16xi32>
    %mul3A_180 = arith.muli %min3A_177, %mul3A_179 : vector<16xi32>
    %add3A_181 = vector.broadcast %add3A_175 : i32 to vector<16xi32>
    %add3A_182 = arith.addi %add3A_181, %mul3A_180 : vector<16xi32>
    %gather3A = tpu.vector_load_idx %arg8[%add3A_182] : memref<256xi32, #tpu.memory_space<vmem>>[vector<16xi32>], vector<16xi32>,
    %gather3A_183 = tpu.vector_load_idx %arg9[%add3A_182] : memref<256xf32, #tpu.memory_space<vmem>>[vector<16xi32>], vector<16xf32>,
    %gather3A_184 = tpu.vector_load_idx %arg11[%gather3A] : memref<30000xf32, #tpu.memory_space<vmem>>[vector<16xi32>], vector<16xf32>,
    %max3A = arith.maximumf %gather3A_184, %gather3A_183 : vector<16xf32>
    %eq3A = arith.constant 0 : i32
    %eq3A_185 = vector.broadcast %eq3A : i32 to vector<16xi32>
    %eq3A_186 = arith.cmpi eq, %iota3A, %eq3A_185 : vector<16xi32>
    tpu.vector_store_idx %arg11[%gather3A], %max3A masked %eq3A_186 : memref<30000xf32, #tpu.memory_space<vmem>>[vector<16xi32>], vector<16xf32>, vector<16xi1>
    %gather3A_187 = tpu.vector_load_idx %arg11[%gather3A] : memref<30000xf32, #tpu.memory_space<vmem>>[vector<16xi32>], vector<16xf32>,
    %max3A_188 = arith.maximumf %gather3A_187, %gather3A_183 : vector<16xf32>
    %eq3A_189 = arith.constant 1 : i32
    %eq3A_190 = vector.broadcast %eq3A_189 : i32 to vector<16xi32>
    %eq3A_191 = arith.cmpi eq, %iota3A, %eq3A_190 : vector<16xi32>
    tpu.vector_store_idx %arg11[%gather3A], %max3A_188 masked %eq3A_191 : memref<30000xf32, #tpu.memory_space<vmem>>[vector<16xi32>], vector<16xf32>, vector<16xi1>
    %gather3A_192 = tpu.vector_load_idx %arg11[%gather3A] : memref<30000xf32, #tpu.memory_space<vmem>>[vector<16xi32>], vector<16xf32>,
    %max3A_193 = arith.maximumf %gather3A_192, %gather3A_183 : vector<16xf32>
    %eq3A_194 = arith.constant 2 : i32
    %eq3A_195 = vector.broadcast %eq3A_194 : i32 to vector<16xi32>
    %eq3A_196 = arith.cmpi eq, %iota3A, %eq3A_195 : vector<16xi32>
    tpu.vector_store_idx %arg11[%gather3A], %max3A_193 masked %eq3A_196 : memref<30000xf32, #tpu.memory_space<vmem>>[vector<16xi32>], vector<16xf32>, vector<16xi1>
    %gather3A_197 = tpu.vector_load_idx %arg11[%gather3A] : memref<30000xf32, #tpu.memory_space<vmem>>[vector<16xi32>], vector<16xf32>,
    %max3A_198 = arith.maximumf %gather3A_197, %gather3A_183 : vector<16xf32>
    %eq3A_199 = arith.constant 3 : i32
    %eq3A_200 = vector.broadcast %eq3A_199 : i32 to vector<16xi32>
    %eq3A_201 = arith.cmpi eq, %iota3A, %eq3A_200 : vector<16xi32>
    tpu.vector_store_idx %arg11[%gather3A], %max3A_198 masked %eq3A_201 : memref<30000xf32, #tpu.memory_space<vmem>>[vector<16xi32>], vector<16xf32>, vector<16xi1>
    %get3A_202 = arith.constant 0 : index
    %get3A_203 = tpu.vector_load %arg11[%get3A_202] {strides = array<i32>} : memref<30000xf32, #tpu.memory_space<vmem>>, vector<16xf32>,
    %eq3A_204 = arith.constant 1 : i32
    %eq3A_205 = vector.broadcast %eq3A_204 : i32 to vector<16xi32>
    %eq3A_206 = arith.cmpi eq, %iota3A, %eq3A_205 : vector<16xi32>
    %jit3A = arith.constant 0.000000e+00 : f32
    %broadcast_in_dim3A = vector.broadcast %jit3A : f32 to vector<16xf32>
    %select_n3A = arith.select %eq3A_206, %broadcast_in_dim3A, %get3A_203 : vector<16xi1>, vector<16xf32>
    %swap3A_207 = arith.constant 0 : index
    %swap3A_208 = tpu.vector_load %arg11[%swap3A_207] {strides = array<i32>} : memref<30000xf32, #tpu.memory_space<vmem>>, vector<16xf32>,
    tpu.vector_store %arg11[%swap3A_207], %select_n3A {strides = array<i32>} : memref<30000xf32, #tpu.memory_space<vmem>>, vector<16xf32>,
    %dma_start3A_209 = arith.constant 0 : i32
    %dma_start3A_210 = tpu.memref_slice %arg6[%arg1, %add3A_175, %dma_start3A_209] : memref<16x64x30000xf32, #tpu.memory_space<hbm>> -> memref<1x1x30000xf32, #tpu.memory_space<hbm>>
    %dma_start3A_211 = tpu.memref_squeeze %dma_start3A_210 : memref<1x1x30000xf32, #tpu.memory_space<hbm>> -> memref<30000xf32, #tpu.memory_space<hbm>>
    %dma_start3A_212 = arith.constant 0 : i32
    %dma_start3A_213 = tpu.memref_slice %arg6[%arg1, %add3A_175, %dma_start3A_212] : memref<16x64x30000xf32, #tpu.memory_space<hbm>> -> memref<1x1x30000xf32, #tpu.memory_space<hbm>>
    %dma_start3A_214 = tpu.memref_squeeze %dma_start3A_213 : memref<1x1x30000xf32, #tpu.memory_space<hbm>> -> memref<30000xf32, #tpu.memory_space<hbm>>
    tpu.enqueue_dma source(%arg11 : memref<30000xf32, #tpu.memory_space<vmem>>) target(%dma_start3A_214 : memref<30000xf32, #tpu.memory_space<hbm>>) target_semaphore(%arg19 : memref<!tpu.dma_semaphore, #tpu.memory_space<semaphore_mem>>)
    %dma_wait3A_215 = arith.constant 0 : i32
    %dma_wait3A_216 = tpu.memref_slice %arg6[%arg1, %add3A_175, %dma_wait3A_215] : memref<16x64x30000xf32, #tpu.memory_space<hbm>> -> memref<1x1x30000xf32, #tpu.memory_space<hbm>>
    %dma_wait3A_217 = tpu.memref_squeeze %dma_wait3A_216 : memref<1x1x30000xf32, #tpu.memory_space<hbm>> -> memref<30000xf32, #tpu.memory_space<hbm>>
    %dma_wait3A_218 = arith.constant 0 : i32
    %dma_wait3A_219 = tpu.memref_slice %arg6[%arg1, %add3A_175, %dma_wait3A_218] : memref<16x64x30000xf32, #tpu.memory_space<hbm>> -> memref<1x1x30000xf32, #tpu.memory_space<hbm>>
    %dma_wait3A_220 = tpu.memref_squeeze %dma_wait3A_219 : memref<1x1x30000xf32, #tpu.memory_space<hbm>> -> memref<30000xf32, #tpu.memory_space<hbm>>
    tpu.wait_dma2 semaphore(%arg19 : memref<!tpu.dma_semaphore, #tpu.memory_space<semaphore_mem>>) src(%arg11 : memref<30000xf32, #tpu.memory_space<vmem>>) dst(%dma_wait3A_220 : memref<30000xf32, #tpu.memory_space<hbm>>)
    %add3A_221 = arith.constant 3 : i32
    %add3A_222 = arith.addi %mul3A_0, %add3A_221 : i32
    %dma_start3A_223 = arith.constant 0 : i32
    %dma_start3A_224 = tpu.memref_slice %arg2[%arg1, %add3A_222, %dma_start3A_223] : memref<16x64x30000xf32, #tpu.memory_space<hbm>> -> memref<1x1x30000xf32, #tpu.memory_space<hbm>>
    %dma_start3A_225 = tpu.memref_squeeze %dma_start3A_224 : memref<1x1x30000xf32, #tpu.memory_space<hbm>> -> memref<30000xf32, #tpu.memory_space<hbm>>
    %dma_start3A_226 = arith.constant 0 : i32
    %dma_start3A_227 = tpu.memref_slice %arg2[%arg1, %add3A_222, %dma_start3A_226] : memref<16x64x30000xf32, #tpu.memory_space<hbm>> -> memref<1x1x30000xf32, #tpu.memory_space<hbm>>
    %dma_start3A_228 = tpu.memref_squeeze %dma_start3A_227 : memref<1x1x30000xf32, #tpu.memory_space<hbm>> -> memref<30000xf32, #tpu.memory_space<hbm>>
    tpu.enqueue_dma source(%dma_start3A_228 : memref<30000xf32, #tpu.memory_space<hbm>>) target(%arg11 : memref<30000xf32, #tpu.memory_space<vmem>>) target_semaphore(%arg16 : memref<!tpu.dma_semaphore, #tpu.memory_space<semaphore_mem>>)
    %dma_wait3A_229 = arith.constant 0 : i32
    %dma_wait3A_230 = tpu.memref_slice %arg2[%arg1, %add3A_16, %dma_wait3A_229] : memref<16x64x30000xf32, #tpu.memory_space<hbm>> -> memref<1x1x30000xf32, #tpu.memory_space<hbm>>
    %dma_wait3A_231 = tpu.memref_squeeze %dma_wait3A_230 : memref<1x1x30000xf32, #tpu.memory_space<hbm>> -> memref<30000xf32, #tpu.memory_space<hbm>>
    %dma_wait3A_232 = arith.constant 0 : i32
    %dma_wait3A_233 = tpu.memref_slice %arg2[%arg1, %add3A_16, %dma_wait3A_232] : memref<16x64x30000xf32, #tpu.memory_space<hbm>> -> memref<1x1x30000xf32, #tpu.memory_space<hbm>>
    %dma_wait3A_234 = tpu.memref_squeeze %dma_wait3A_233 : memref<1x1x30000xf32, #tpu.memory_space<hbm>> -> memref<30000xf32, #tpu.memory_space<hbm>>
    tpu.wait_dma2 semaphore(%arg17 : memref<!tpu.dma_semaphore, #tpu.memory_space<semaphore_mem>>) src(%dma_wait3A_234 : memref<30000xf32, #tpu.memory_space<hbm>>) dst(%arg12 : memref<30000xf32, #tpu.memory_space<vmem>>)
    %add3A_235 = arith.constant 1 : i32
    %add3A_236 = arith.addi %mul3A_0, %add3A_235 : i32
    %min3A_237 = arith.constant 3 : i32
    %min3A_238 = vector.broadcast %min3A_237 : i32 to vector<16xi32>
    %min3A_239 = arith.minsi %iota3A, %min3A_238 : vector<16xi32>
    %mul3A_240 = arith.constant 64 : i32
    %mul3A_241 = vector.broadcast %mul3A_240 : i32 to vector<16xi32>
    %mul3A_242 = arith.muli %min3A_239, %mul3A_241 : vector<16xi32>
    %add3A_243 = vector.broadcast %add3A_236 : i32 to vector<16xi32>
    %add3A_244 = arith.addi %add3A_243, %mul3A_242 : vector<16xi32>
    %gather3A_245 = tpu.vector_load_idx %arg8[%add3A_244] : memref<256xi32, #tpu.memory_space<vmem>>[vector<16xi32>], vector<16xi32>,
    %gather3A_246 = tpu.vector_load_idx %arg9[%add3A_244] : memref<256xf32, #tpu.memory_space<vmem>>[vector<16xi32>], vector<16xf32>,
    %gather3A_247 = tpu.vector_load_idx %arg12[%gather3A_245] : memref<30000xf32, #tpu.memory_space<vmem>>[vector<16xi32>], vector<16xf32>,
    %max3A_248 = arith.maximumf %gather3A_247, %gather3A_246 : vector<16xf32>
    %eq3A_249 = arith.constant 0 : i32
    %eq3A_250 = vector.broadcast %eq3A_249 : i32 to vector<16xi32>
    %eq3A_251 = arith.cmpi eq, %iota3A, %eq3A_250 : vector<16xi32>
    tpu.vector_store_idx %arg12[%gather3A_245], %max3A_248 masked %eq3A_251 : memref<30000xf32, #tpu.memory_space<vmem>>[vector<16xi32>], vector<16xf32>, vector<16xi1>
    %gather3A_252 = tpu.vector_load_idx %arg12[%gather3A_245] : memref<30000xf32, #tpu.memory_space<vmem>>[vector<16xi32>], vector<16xf32>,
    %max3A_253 = arith.maximumf %gather3A_252, %gather3A_246 : vector<16xf32>
    %eq3A_254 = arith.constant 1 : i32
    %eq3A_255 = vector.broadcast %eq3A_254 : i32 to vector<16xi32>
    %eq3A_256 = arith.cmpi eq, %iota3A, %eq3A_255 : vector<16xi32>
    tpu.vector_store_idx %arg12[%gather3A_245], %max3A_253 masked %eq3A_256 : memref<30000xf32, #tpu.memory_space<vmem>>[vector<16xi32>], vector<16xf32>, vector<16xi1>
    %gather3A_257 = tpu.vector_load_idx %arg12[%gather3A_245] : memref<30000xf32, #tpu.memory_space<vmem>>[vector<16xi32>], vector<16xf32>,
    %max3A_258 = arith.maximumf %gather3A_257, %gather3A_246 : vector<16xf32>
    %eq3A_259 = arith.constant 2 : i32
    %eq3A_260 = vector.broadcast %eq3A_259 : i32 to vector<16xi32>
    %eq3A_261 = arith.cmpi eq, %iota3A, %eq3A_260 : vector<16xi32>
    tpu.vector_store_idx %arg12[%gather3A_245], %max3A_258 masked %eq3A_261 : memref<30000xf32, #tpu.memory_space<vmem>>[vector<16xi32>], vector<16xf32>, vector<16xi1>
    %gather3A_262 = tpu.vector_load_idx %arg12[%gather3A_245] : memref<30000xf32, #tpu.memory_space<vmem>>[vector<16xi32>], vector<16xf32>,
    %max3A_263 = arith.maximumf %gather3A_262, %gather3A_246 : vector<16xf32>
    %eq3A_264 = arith.constant 3 : i32
    %eq3A_265 = vector.broadcast %eq3A_264 : i32 to vector<16xi32>
    %eq3A_266 = arith.cmpi eq, %iota3A, %eq3A_265 : vector<16xi32>
    tpu.vector_store_idx %arg12[%gather3A_245], %max3A_263 masked %eq3A_266 : memref<30000xf32, #tpu.memory_space<vmem>>[vector<16xi32>], vector<16xf32>, vector<16xi1>
    %get3A_267 = arith.constant 0 : index
    %get3A_268 = tpu.vector_load %arg12[%get3A_267] {strides = array<i32>} : memref<30000xf32, #tpu.memory_space<vmem>>, vector<16xf32>,
    %eq3A_269 = arith.constant 1 : i32
    %eq3A_270 = vector.broadcast %eq3A_269 : i32 to vector<16xi32>
    %eq3A_271 = arith.cmpi eq, %iota3A, %eq3A_270 : vector<16xi32>
    %jit3A_272 = arith.constant 0.000000e+00 : f32
    %broadcast_in_dim3A_273 = vector.broadcast %jit3A_272 : f32 to vector<16xf32>
    %select_n3A_274 = arith.select %eq3A_271, %broadcast_in_dim3A_273, %get3A_268 : vector<16xi1>, vector<16xf32>
    %swap3A_275 = arith.constant 0 : index
    %swap3A_276 = tpu.vector_load %arg12[%swap3A_275] {strides = array<i32>} : memref<30000xf32, #tpu.memory_space<vmem>>, vector<16xf32>,
    tpu.vector_store %arg12[%swap3A_275], %select_n3A_274 {strides = array<i32>} : memref<30000xf32, #tpu.memory_space<vmem>>, vector<16xf32>,
    %dma_start3A_277 = arith.constant 0 : i32
    %dma_start3A_278 = tpu.memref_slice %arg6[%arg1, %add3A_236, %dma_start3A_277] : memref<16x64x30000xf32, #tpu.memory_space<hbm>> -> memref<1x1x30000xf32, #tpu.memory_space<hbm>>
    %dma_start3A_279 = tpu.memref_squeeze %dma_start3A_278 : memref<1x1x30000xf32, #tpu.memory_space<hbm>> -> memref<30000xf32, #tpu.memory_space<hbm>>
    %dma_start3A_280 = arith.constant 0 : i32
    %dma_start3A_281 = tpu.memref_slice %arg6[%arg1, %add3A_236, %dma_start3A_280] : memref<16x64x30000xf32, #tpu.memory_space<hbm>> -> memref<1x1x30000xf32, #tpu.memory_space<hbm>>
    %dma_start3A_282 = tpu.memref_squeeze %dma_start3A_281 : memref<1x1x30000xf32, #tpu.memory_space<hbm>> -> memref<30000xf32, #tpu.memory_space<hbm>>
    tpu.enqueue_dma source(%arg12 : memref<30000xf32, #tpu.memory_space<vmem>>) target(%dma_start3A_282 : memref<30000xf32, #tpu.memory_space<hbm>>) target_semaphore(%arg20 : memref<!tpu.dma_semaphore, #tpu.memory_space<semaphore_mem>>)
    %dma_wait3A_283 = arith.constant 0 : i32
    %dma_wait3A_284 = tpu.memref_slice %arg6[%arg1, %add3A_236, %dma_wait3A_283] : memref<16x64x30000xf32, #tpu.memory_space<hbm>> -> memref<1x1x30000xf32, #tpu.memory_space<hbm>>
    %dma_wait3A_285 = tpu.memref_squeeze %dma_wait3A_284 : memref<1x1x30000xf32, #tpu.memory_space<hbm>> -> memref<30000xf32, #tpu.memory_space<hbm>>
    %dma_wait3A_286 = arith.constant 0 : i32
    %dma_wait3A_287 = tpu.memref_slice %arg6[%arg1, %add3A_236, %dma_wait3A_286] : memref<16x64x30000xf32, #tpu.memory_space<hbm>> -> memref<1x1x30000xf32, #tpu.memory_space<hbm>>
    %dma_wait3A_288 = tpu.memref_squeeze %dma_wait3A_287 : memref<1x1x30000xf32, #tpu.memory_space<hbm>> -> memref<30000xf32, #tpu.memory_space<hbm>>
    tpu.wait_dma2 semaphore(%arg20 : memref<!tpu.dma_semaphore, #tpu.memory_space<semaphore_mem>>) src(%arg12 : memref<30000xf32, #tpu.memory_space<vmem>>) dst(%dma_wait3A_288 : memref<30000xf32, #tpu.memory_space<hbm>>)
    %add3A_289 = arith.constant 4 : i32
    %add3A_290 = arith.addi %mul3A_0, %add3A_289 : i32
    %dma_start3A_291 = arith.constant 0 : i32
    %dma_start3A_292 = tpu.memref_slice %arg2[%arg1, %add3A_290, %dma_start3A_291] : memref<16x64x30000xf32, #tpu.memory_space<hbm>> -> memref<1x1x30000xf32, #tpu.memory_space<hbm>>
    %dma_start3A_293 = tpu.memref_squeeze %dma_start3A_292 : memref<1x1x30000xf32, #tpu.memory_space<hbm>> -> memref<30000xf32, #tpu.memory_space<hbm>>
    %dma_start3A_294 = arith.constant 0 : i32
    %dma_start3A_295 = tpu.memref_slice %arg2[%arg1, %add3A_290, %dma_start3A_294] : memref<16x64x30000xf32, #tpu.memory_space<hbm>> -> memref<1x1x30000xf32, #tpu.memory_space<hbm>>
    %dma_start3A_296 = tpu.memref_squeeze %dma_start3A_295 : memref<1x1x30000xf32, #tpu.memory_space<hbm>> -> memref<30000xf32, #tpu.memory_space<hbm>>
    tpu.enqueue_dma source(%dma_start3A_296 : memref<30000xf32, #tpu.memory_space<hbm>>) target(%arg12 : memref<30000xf32, #tpu.memory_space<vmem>>) target_semaphore(%arg17 : memref<!tpu.dma_semaphore, #tpu.memory_space<semaphore_mem>>)
    %dma_wait3A_297 = arith.constant 0 : i32
    %dma_wait3A_298 = tpu.memref_slice %arg2[%arg1, %add3A_161, %dma_wait3A_297] : memref<16x64x30000xf32, #tpu.memory_space<hbm>> -> memref<1x1x30000xf32, #tpu.memory_space<hbm>>
    %dma_wait3A_299 = tpu.memref_squeeze %dma_wait3A_298 : memref<1x1x30000xf32, #tpu.memory_space<hbm>> -> memref<30000xf32, #tpu.memory_space<hbm>>
    %dma_wait3A_300 = arith.constant 0 : i32
    %dma_wait3A_301 = tpu.memref_slice %arg2[%arg1, %add3A_161, %dma_wait3A_300] : memref<16x64x30000xf32, #tpu.memory_space<hbm>> -> memref<1x1x30000xf32, #tpu.memory_space<hbm>>
    %dma_wait3A_302 = tpu.memref_squeeze %dma_wait3A_301 : memref<1x1x30000xf32, #tpu.memory_space<hbm>> -> memref<30000xf32, #tpu.memory_space<hbm>>
    tpu.wait_dma2 semaphore(%arg18 : memref<!tpu.dma_semaphore, #tpu.memory_space<semaphore_mem>>) src(%dma_wait3A_302 : memref<30000xf32, #tpu.memory_space<hbm>>) dst(%arg13 : memref<30000xf32, #tpu.memory_space<vmem>>)
    %add3A_303 = arith.constant 2 : i32
    %add3A_304 = arith.addi %mul3A_0, %add3A_303 : i32
    %min3A_305 = arith.constant 3 : i32
    %min3A_306 = vector.broadcast %min3A_305 : i32 to vector<16xi32>
    %min3A_307 = arith.minsi %iota3A, %min3A_306 : vector<16xi32>
    %mul3A_308 = arith.constant 64 : i32
    %mul3A_309 = vector.broadcast %mul3A_308 : i32 to vector<16xi32>
    %mul3A_310 = arith.muli %min3A_307, %mul3A_309 : vector<16xi32>
    %add3A_311 = vector.broadcast %add3A_304 : i32 to vector<16xi32>
    %add3A_312 = arith.addi %add3A_311, %mul3A_310 : vector<16xi32>
    %gather3A_313 = tpu.vector_load_idx %arg8[%add3A_312] : memref<256xi32, #tpu.memory_space<vmem>>[vector<16xi32>], vector<16xi32>,
    %gather3A_314 = tpu.vector_load_idx %arg9[%add3A_312] : memref<256xf32, #tpu.memory_space<vmem>>[vector<16xi32>], vector<16xf32>,
    %gather3A_315 = tpu.vector_load_idx %arg13[%gather3A_313] : memref<30000xf32, #tpu.memory_space<vmem>>[vector<16xi32>], vector<16xf32>,
    %max3A_316 = arith.maximumf %gather3A_315, %gather3A_314 : vector<16xf32>
    %eq3A_317 = arith.constant 0 : i32
    %eq3A_318 = vector.broadcast %eq3A_317 : i32 to vector<16xi32>
    %eq3A_319 = arith.cmpi eq, %iota3A, %eq3A_318 : vector<16xi32>
    tpu.vector_store_idx %arg13[%gather3A_313], %max3A_316 masked %eq3A_319 : memref<30000xf32, #tpu.memory_space<vmem>>[vector<16xi32>], vector<16xf32>, vector<16xi1>
    %gather3A_320 = tpu.vector_load_idx %arg13[%gather3A_313] : memref<30000xf32, #tpu.memory_space<vmem>>[vector<16xi32>], vector<16xf32>,
    %max3A_321 = arith.maximumf %gather3A_320, %gather3A_314 : vector<16xf32>
    %eq3A_322 = arith.constant 1 : i32
    %eq3A_323 = vector.broadcast %eq3A_322 : i32 to vector<16xi32>
    %eq3A_324 = arith.cmpi eq, %iota3A, %eq3A_323 : vector<16xi32>
    tpu.vector_store_idx %arg13[%gather3A_313], %max3A_321 masked %eq3A_324 : memref<30000xf32, #tpu.memory_space<vmem>>[vector<16xi32>], vector<16xf32>, vector<16xi1>
    %gather3A_325 = tpu.vector_load_idx %arg13[%gather3A_313] : memref<30000xf32, #tpu.memory_space<vmem>>[vector<16xi32>], vector<16xf32>,
    %max3A_326 = arith.maximumf %gather3A_325, %gather3A_314 : vector<16xf32>
    %eq3A_327 = arith.constant 2 : i32
    %eq3A_328 = vector.broadcast %eq3A_327 : i32 to vector<16xi32>
    %eq3A_329 = arith.cmpi eq, %iota3A, %eq3A_328 : vector<16xi32>
    tpu.vector_store_idx %arg13[%gather3A_313], %max3A_326 masked %eq3A_329 : memref<30000xf32, #tpu.memory_space<vmem>>[vector<16xi32>], vector<16xf32>, vector<16xi1>
    %gather3A_330 = tpu.vector_load_idx %arg13[%gather3A_313] : memref<30000xf32, #tpu.memory_space<vmem>>[vector<16xi32>], vector<16xf32>,
    %max3A_331 = arith.maximumf %gather3A_330, %gather3A_314 : vector<16xf32>
    %eq3A_332 = arith.constant 3 : i32
    %eq3A_333 = vector.broadcast %eq3A_332 : i32 to vector<16xi32>
    %eq3A_334 = arith.cmpi eq, %iota3A, %eq3A_333 : vector<16xi32>
    tpu.vector_store_idx %arg13[%gather3A_313], %max3A_331 masked %eq3A_334 : memref<30000xf32, #tpu.memory_space<vmem>>[vector<16xi32>], vector<16xf32>, vector<16xi1>
    %get3A_335 = arith.constant 0 : index
    %get3A_336 = tpu.vector_load %arg13[%get3A_335] {strides = array<i32>} : memref<30000xf32, #tpu.memory_space<vmem>>, vector<16xf32>,
    %eq3A_337 = arith.constant 1 : i32
    %eq3A_338 = vector.broadcast %eq3A_337 : i32 to vector<16xi32>
    %eq3A_339 = arith.cmpi eq, %iota3A, %eq3A_338 : vector<16xi32>
    %jit3A_340 = arith.constant 0.000000e+00 : f32
    %broadcast_in_dim3A_341 = vector.broadcast %jit3A_340 : f32 to vector<16xf32>
    %select_n3A_342 = arith.select %eq3A_339, %broadcast_in_dim3A_341, %get3A_336 : vector<16xi1>, vector<16xf32>
    %swap3A_343 = arith.constant 0 : index
    %swap3A_344 = tpu.vector_load %arg13[%swap3A_343] {strides = array<i32>} : memref<30000xf32, #tpu.memory_space<vmem>>, vector<16xf32>,
    tpu.vector_store %arg13[%swap3A_343], %select_n3A_342 {strides = array<i32>} : memref<30000xf32, #tpu.memory_space<vmem>>, vector<16xf32>,
    %dma_start3A_345 = arith.constant 0 : i32
    %dma_start3A_346 = tpu.memref_slice %arg6[%arg1, %add3A_304, %dma_start3A_345] : memref<16x64x30000xf32, #tpu.memory_space<hbm>> -> memref<1x1x30000xf32, #tpu.memory_space<hbm>>
    %dma_start3A_347 = tpu.memref_squeeze %dma_start3A_346 : memref<1x1x30000xf32, #tpu.memory_space<hbm>> -> memref<30000xf32, #tpu.memory_space<hbm>>
    %dma_start3A_348 = arith.constant 0 : i32
    %dma_start3A_349 = tpu.memref_slice %arg6[%arg1, %add3A_304, %dma_start3A_348] : memref<16x64x30000xf32, #tpu.memory_space<hbm>> -> memref<1x1x30000xf32, #tpu.memory_space<hbm>>
    %dma_start3A_350 = tpu.memref_squeeze %dma_start3A_349 : memref<1x1x30000xf32, #tpu.memory_space<hbm>> -> memref<30000xf32, #tpu.memory_space<hbm>>
    tpu.enqueue_dma source(%arg13 : memref<30000xf32, #tpu.memory_space<vmem>>) target(%dma_start3A_350 : memref<30000xf32, #tpu.memory_space<hbm>>) target_semaphore(%arg21 : memref<!tpu.dma_semaphore, #tpu.memory_space<semaphore_mem>>)
    %dma_wait3A_351 = arith.constant 0 : i32
    %dma_wait3A_352 = tpu.memref_slice %arg6[%arg1, %add3A_304, %dma_wait3A_351] : memref<16x64x30000xf32, #tpu.memory_space<hbm>> -> memref<1x1x30000xf32, #tpu.memory_space<hbm>>
    %dma_wait3A_353 = tpu.memref_squeeze %dma_wait3A_352 : memref<1x1x30000xf32, #tpu.memory_space<hbm>> -> memref<30000xf32, #tpu.memory_space<hbm>>
    %dma_wait3A_354 = arith.constant 0 : i32
    %dma_wait3A_355 = tpu.memref_slice %arg6[%arg1, %add3A_304, %dma_wait3A_354] : memref<16x64x30000xf32, #tpu.memory_space<hbm>> -> memref<1x1x30000xf32, #tpu.memory_space<hbm>>
    %dma_wait3A_356 = tpu.memref_squeeze %dma_wait3A_355 : memref<1x1x30000xf32, #tpu.memory_space<hbm>> -> memref<30000xf32, #tpu.memory_space<hbm>>
    tpu.wait_dma2 semaphore(%arg21 : memref<!tpu.dma_semaphore, #tpu.memory_space<semaphore_mem>>) src(%arg13 : memref<30000xf32, #tpu.memory_space<vmem>>) dst(%dma_wait3A_356 : memref<30000xf32, #tpu.memory_space<hbm>>)
    %add3A_357 = arith.constant 5 : i32
    %add3A_358 = arith.addi %mul3A_0, %add3A_357 : i32
    %dma_start3A_359 = arith.constant 0 : i32
    %dma_start3A_360 = tpu.memref_slice %arg2[%arg1, %add3A_358, %dma_start3A_359] : memref<16x64x30000xf32, #tpu.memory_space<hbm>> -> memref<1x1x30000xf32, #tpu.memory_space<hbm>>
    %dma_start3A_361 = tpu.memref_squeeze %dma_start3A_360 : memref<1x1x30000xf32, #tpu.memory_space<hbm>> -> memref<30000xf32, #tpu.memory_space<hbm>>
    %dma_start3A_362 = arith.constant 0 : i32
    %dma_start3A_363 = tpu.memref_slice %arg2[%arg1, %add3A_358, %dma_start3A_362] : memref<16x64x30000xf32, #tpu.memory_space<hbm>> -> memref<1x1x30000xf32, #tpu.memory_space<hbm>>
    %dma_start3A_364 = tpu.memref_squeeze %dma_start3A_363 : memref<1x1x30000xf32, #tpu.memory_space<hbm>> -> memref<30000xf32, #tpu.memory_space<hbm>>
    tpu.enqueue_dma source(%dma_start3A_364 : memref<30000xf32, #tpu.memory_space<hbm>>) target(%arg13 : memref<30000xf32, #tpu.memory_space<vmem>>) target_semaphore(%arg18 : memref<!tpu.dma_semaphore, #tpu.memory_space<semaphore_mem>>)
    %dma_wait3A_365 = arith.constant 0 : i32
    %dma_wait3A_366 = tpu.memref_slice %arg2[%arg1, %add3A_222, %dma_wait3A_365] : memref<16x64x30000xf32, #tpu.memory_space<hbm>> -> memref<1x1x30000xf32, #tpu.memory_space<hbm>>
    %dma_wait3A_367 = tpu.memref_squeeze %dma_wait3A_366 : memref<1x1x30000xf32, #tpu.memory_space<hbm>> -> memref<30000xf32, #tpu.memory_space<hbm>>
    %dma_wait3A_368 = arith.constant 0 : i32
    %dma_wait3A_369 = tpu.memref_slice %arg2[%arg1, %add3A_222, %dma_wait3A_368] : memref<16x64x30000xf32, #tpu.memory_space<hbm>> -> memref<1x1x30000xf32, #tpu.memory_space<hbm>>
    %dma_wait3A_370 = tpu.memref_squeeze %dma_wait3A_369 : memref<1x1x30000xf32, #tpu.memory_space<hbm>> -> memref<30000xf32, #tpu.memory_space<hbm>>
    tpu.wait_dma2 semaphore(%arg16 : memref<!tpu.dma_semaphore, #tpu.memory_space<semaphore_mem>>) src(%dma_wait3A_370 : memref<30000xf32, #tpu.memory_space<hbm>>) dst(%arg11 : memref<30000xf32, #tpu.memory_space<vmem>>)
    %add3A_371 = arith.constant 3 : i32
    %add3A_372 = arith.addi %mul3A_0, %add3A_371 : i32
    %min3A_373 = arith.constant 3 : i32
    %min3A_374 = vector.broadcast %min3A_373 : i32 to vector<16xi32>
    %min3A_375 = arith.minsi %iota3A, %min3A_374 : vector<16xi32>
    %mul3A_376 = arith.constant 64 : i32
    %mul3A_377 = vector.broadcast %mul3A_376 : i32 to vector<16xi32>
    %mul3A_378 = arith.muli %min3A_375, %mul3A_377 : vector<16xi32>
    %add3A_379 = vector.broadcast %add3A_372 : i32 to vector<16xi32>
    %add3A_380 = arith.addi %add3A_379, %mul3A_378 : vector<16xi32>
    %gather3A_381 = tpu.vector_load_idx %arg8[%add3A_380] : memref<256xi32, #tpu.memory_space<vmem>>[vector<16xi32>], vector<16xi32>,
    %gather3A_382 = tpu.vector_load_idx %arg9[%add3A_380] : memref<256xf32, #tpu.memory_space<vmem>>[vector<16xi32>], vector<16xf32>,
    %gather3A_383 = tpu.vector_load_idx %arg11[%gather3A_381] : memref<30000xf32, #tpu.memory_space<vmem>>[vector<16xi32>], vector<16xf32>,
    %max3A_384 = arith.maximumf %gather3A_383, %gather3A_382 : vector<16xf32>
    %eq3A_385 = arith.constant 0 : i32
    %eq3A_386 = vector.broadcast %eq3A_385 : i32 to vector<16xi32>
    %eq3A_387 = arith.cmpi eq, %iota3A, %eq3A_386 : vector<16xi32>
    tpu.vector_store_idx %arg11[%gather3A_381], %max3A_384 masked %eq3A_387 : memref<30000xf32, #tpu.memory_space<vmem>>[vector<16xi32>], vector<16xf32>, vector<16xi1>
    %gather3A_388 = tpu.vector_load_idx %arg11[%gather3A_381] : memref<30000xf32, #tpu.memory_space<vmem>>[vector<16xi32>], vector<16xf32>,
    %max3A_389 = arith.maximumf %gather3A_388, %gather3A_382 : vector<16xf32>
    %eq3A_390 = arith.constant 1 : i32
    %eq3A_391 = vector.broadcast %eq3A_390 : i32 to vector<16xi32>
    %eq3A_392 = arith.cmpi eq, %iota3A, %eq3A_391 : vector<16xi32>
    tpu.vector_store_idx %arg11[%gather3A_381], %max3A_389 masked %eq3A_392 : memref<30000xf32, #tpu.memory_space<vmem>>[vector<16xi32>], vector<16xf32>, vector<16xi1>
    %gather3A_393 = tpu.vector_load_idx %arg11[%gather3A_381] : memref<30000xf32, #tpu.memory_space<vmem>>[vector<16xi32>], vector<16xf32>,
    %max3A_394 = arith.maximumf %gather3A_393, %gather3A_382 : vector<16xf32>
    %eq3A_395 = arith.constant 2 : i32
    %eq3A_396 = vector.broadcast %eq3A_395 : i32 to vector<16xi32>
    %eq3A_397 = arith.cmpi eq, %iota3A, %eq3A_396 : vector<16xi32>
    tpu.vector_store_idx %arg11[%gather3A_381], %max3A_394 masked %eq3A_397 : memref<30000xf32, #tpu.memory_space<vmem>>[vector<16xi32>], vector<16xf32>, vector<16xi1>
    %gather3A_398 = tpu.vector_load_idx %arg11[%gather3A_381] : memref<30000xf32, #tpu.memory_space<vmem>>[vector<16xi32>], vector<16xf32>,
    %max3A_399 = arith.maximumf %gather3A_398, %gather3A_382 : vector<16xf32>
    %eq3A_400 = arith.constant 3 : i32
    %eq3A_401 = vector.broadcast %eq3A_400 : i32 to vector<16xi32>
    %eq3A_402 = arith.cmpi eq, %iota3A, %eq3A_401 : vector<16xi32>
    tpu.vector_store_idx %arg11[%gather3A_381], %max3A_399 masked %eq3A_402 : memref<30000xf32, #tpu.memory_space<vmem>>[vector<16xi32>], vector<16xf32>, vector<16xi1>
    %get3A_403 = arith.constant 0 : index
    %get3A_404 = tpu.vector_load %arg11[%get3A_403] {strides = array<i32>} : memref<30000xf32, #tpu.memory_space<vmem>>, vector<16xf32>,
    %eq3A_405 = arith.constant 1 : i32
    %eq3A_406 = vector.broadcast %eq3A_405 : i32 to vector<16xi32>
    %eq3A_407 = arith.cmpi eq, %iota3A, %eq3A_406 : vector<16xi32>
    %jit3A_408 = arith.constant 0.000000e+00 : f32
    %broadcast_in_dim3A_409 = vector.broadcast %jit3A_408 : f32 to vector<16xf32>
    %select_n3A_410 = arith.select %eq3A_407, %broadcast_in_dim3A_409, %get3A_404 : vector<16xi1>, vector<16xf32>
    %swap3A_411 = arith.constant 0 : index
    %swap3A_412 = tpu.vector_load %arg11[%swap3A_411] {strides = array<i32>} : memref<30000xf32, #tpu.memory_space<vmem>>, vector<16xf32>,
    tpu.vector_store %arg11[%swap3A_411], %select_n3A_410 {strides = array<i32>} : memref<30000xf32, #tpu.memory_space<vmem>>, vector<16xf32>,
    %dma_start3A_413 = arith.constant 0 : i32
    %dma_start3A_414 = tpu.memref_slice %arg6[%arg1, %add3A_372, %dma_start3A_413] : memref<16x64x30000xf32, #tpu.memory_space<hbm>> -> memref<1x1x30000xf32, #tpu.memory_space<hbm>>
    %dma_start3A_415 = tpu.memref_squeeze %dma_start3A_414 : memref<1x1x30000xf32, #tpu.memory_space<hbm>> -> memref<30000xf32, #tpu.memory_space<hbm>>
    %dma_start3A_416 = arith.constant 0 : i32
    %dma_start3A_417 = tpu.memref_slice %arg6[%arg1, %add3A_372, %dma_start3A_416] : memref<16x64x30000xf32, #tpu.memory_space<hbm>> -> memref<1x1x30000xf32, #tpu.memory_space<hbm>>
    %dma_start3A_418 = tpu.memref_squeeze %dma_start3A_417 : memref<1x1x30000xf32, #tpu.memory_space<hbm>> -> memref<30000xf32, #tpu.memory_space<hbm>>
    tpu.enqueue_dma source(%arg11 : memref<30000xf32, #tpu.memory_space<vmem>>) target(%dma_start3A_418 : memref<30000xf32, #tpu.memory_space<hbm>>) target_semaphore(%arg19 : memref<!tpu.dma_semaphore, #tpu.memory_space<semaphore_mem>>)
    %dma_wait3A_419 = arith.constant 0 : i32
    %dma_wait3A_420 = tpu.memref_slice %arg6[%arg1, %add3A_372, %dma_wait3A_419] : memref<16x64x30000xf32, #tpu.memory_space<hbm>> -> memref<1x1x30000xf32, #tpu.memory_space<hbm>>
    %dma_wait3A_421 = tpu.memref_squeeze %dma_wait3A_420 : memref<1x1x30000xf32, #tpu.memory_space<hbm>> -> memref<30000xf32, #tpu.memory_space<hbm>>
    %dma_wait3A_422 = arith.constant 0 : i32
    %dma_wait3A_423 = tpu.memref_slice %arg6[%arg1, %add3A_372, %dma_wait3A_422] : memref<16x64x30000xf32, #tpu.memory_space<hbm>> -> memref<1x1x30000xf32, #tpu.memory_space<hbm>>
    %dma_wait3A_424 = tpu.memref_squeeze %dma_wait3A_423 : memref<1x1x30000xf32, #tpu.memory_space<hbm>> -> memref<30000xf32, #tpu.memory_space<hbm>>
    tpu.wait_dma2 semaphore(%arg19 : memref<!tpu.dma_semaphore, #tpu.memory_space<semaphore_mem>>) src(%arg11 : memref<30000xf32, #tpu.memory_space<vmem>>) dst(%dma_wait3A_424 : memref<30000xf32, #tpu.memory_space<hbm>>)
    %add3A_425 = arith.constant 6 : i32
    %add3A_426 = arith.addi %mul3A_0, %add3A_425 : i32
    %dma_start3A_427 = arith.constant 0 : i32
    %dma_start3A_428 = tpu.memref_slice %arg2[%arg1, %add3A_426, %dma_start3A_427] : memref<16x64x30000xf32, #tpu.memory_space<hbm>> -> memref<1x1x30000xf32, #tpu.memory_space<hbm>>
    %dma_start3A_429 = tpu.memref_squeeze %dma_start3A_428 : memref<1x1x30000xf32, #tpu.memory_space<hbm>> -> memref<30000xf32, #tpu.memory_space<hbm>>
    %dma_start3A_430 = arith.constant 0 : i32
    %dma_start3A_431 = tpu.memref_slice %arg2[%arg1, %add3A_426, %dma_start3A_430] : memref<16x64x30000xf32, #tpu.memory_space<hbm>> -> memref<1x1x30000xf32, #tpu.memory_space<hbm>>
    %dma_start3A_432 = tpu.memref_squeeze %dma_start3A_431 : memref<1x1x30000xf32, #tpu.memory_space<hbm>> -> memref<30000xf32, #tpu.memory_space<hbm>>
    tpu.enqueue_dma source(%dma_start3A_432 : memref<30000xf32, #tpu.memory_space<hbm>>) target(%arg11 : memref<30000xf32, #tpu.memory_space<vmem>>) target_semaphore(%arg16 : memref<!tpu.dma_semaphore, #tpu.memory_space<semaphore_mem>>)
    %dma_wait3A_433 = arith.constant 0 : i32
    %dma_wait3A_434 = tpu.memref_slice %arg2[%arg1, %add3A_290, %dma_wait3A_433] : memref<16x64x30000xf32, #tpu.memory_space<hbm>> -> memref<1x1x30000xf32, #tpu.memory_space<hbm>>
    %dma_wait3A_435 = tpu.memref_squeeze %dma_wait3A_434 : memref<1x1x30000xf32, #tpu.memory_space<hbm>> -> memref<30000xf32, #tpu.memory_space<hbm>>
    %dma_wait3A_436 = arith.constant 0 : i32
    %dma_wait3A_437 = tpu.memref_slice %arg2[%arg1, %add3A_290, %dma_wait3A_436] : memref<16x64x30000xf32, #tpu.memory_space<hbm>> -> memref<1x1x30000xf32, #tpu.memory_space<hbm>>
    %dma_wait3A_438 = tpu.memref_squeeze %dma_wait3A_437 : memref<1x1x30000xf32, #tpu.memory_space<hbm>> -> memref<30000xf32, #tpu.memory_space<hbm>>
    tpu.wait_dma2 semaphore(%arg17 : memref<!tpu.dma_semaphore, #tpu.memory_space<semaphore_mem>>) src(%dma_wait3A_438 : memref<30000xf32, #tpu.memory_space<hbm>>) dst(%arg12 : memref<30000xf32, #tpu.memory_space<vmem>>)
    %add3A_439 = arith.constant 4 : i32
    %add3A_440 = arith.addi %mul3A_0, %add3A_439 : i32
    %min3A_441 = arith.constant 3 : i32
    %min3A_442 = vector.broadcast %min3A_441 : i32 to vector<16xi32>
    %min3A_443 = arith.minsi %iota3A, %min3A_442 : vector<16xi32>
    %mul3A_444 = arith.constant 64 : i32
    %mul3A_445 = vector.broadcast %mul3A_444 : i32 to vector<16xi32>
    %mul3A_446 = arith.muli %min3A_443, %mul3A_445 : vector<16xi32>
    %add3A_447 = vector.broadcast %add3A_440 : i32 to vector<16xi32>
    %add3A_448 = arith.addi %add3A_447, %mul3A_446 : vector<16xi32>
    %gather3A_449 = tpu.vector_load_idx %arg8[%add3A_448] : memref<256xi32, #tpu.memory_space<vmem>>[vector<16xi32>], vector<16xi32>,
    %gather3A_450 = tpu.vector_load_idx %arg9[%add3A_448] : memref<256xf32, #tpu.memory_space<vmem>>[vector<16xi32>], vector<16xf32>,
    %gather3A_451 = tpu.vector_load_idx %arg12[%gather3A_449] : memref<30000xf32, #tpu.memory_space<vmem>>[vector<16xi32>], vector<16xf32>,
    %max3A_452 = arith.maximumf %gather3A_451, %gather3A_450 : vector<16xf32>
    %eq3A_453 = arith.constant 0 : i32
    %eq3A_454 = vector.broadcast %eq3A_453 : i32 to vector<16xi32>
    %eq3A_455 = arith.cmpi eq, %iota3A, %eq3A_454 : vector<16xi32>
    tpu.vector_store_idx %arg12[%gather3A_449], %max3A_452 masked %eq3A_455 : memref<30000xf32, #tpu.memory_space<vmem>>[vector<16xi32>], vector<16xf32>, vector<16xi1>
    %gather3A_456 = tpu.vector_load_idx %arg12[%gather3A_449] : memref<30000xf32, #tpu.memory_space<vmem>>[vector<16xi32>], vector<16xf32>,
    %max3A_457 = arith.maximumf %gather3A_456, %gather3A_450 : vector<16xf32>
    %eq3A_458 = arith.constant 1 : i32
    %eq3A_459 = vector.broadcast %eq3A_458 : i32 to vector<16xi32>
    %eq3A_460 = arith.cmpi eq, %iota3A, %eq3A_459 : vector<16xi32>
    tpu.vector_store_idx %arg12[%gather3A_449], %max3A_457 masked %eq3A_460 : memref<30000xf32, #tpu.memory_space<vmem>>[vector<16xi32>], vector<16xf32>, vector<16xi1>
    %gather3A_461 = tpu.vector_load_idx %arg12[%gather3A_449] : memref<30000xf32, #tpu.memory_space<vmem>>[vector<16xi32>], vector<16xf32>,
    %max3A_462 = arith.maximumf %gather3A_461, %gather3A_450 : vector<16xf32>
    %eq3A_463 = arith.constant 2 : i32
    %eq3A_464 = vector.broadcast %eq3A_463 : i32 to vector<16xi32>
    %eq3A_465 = arith.cmpi eq, %iota3A, %eq3A_464 : vector<16xi32>
    tpu.vector_store_idx %arg12[%gather3A_449], %max3A_462 masked %eq3A_465 : memref<30000xf32, #tpu.memory_space<vmem>>[vector<16xi32>], vector<16xf32>, vector<16xi1>
    %gather3A_466 = tpu.vector_load_idx %arg12[%gather3A_449] : memref<30000xf32, #tpu.memory_space<vmem>>[vector<16xi32>], vector<16xf32>,
    %max3A_467 = arith.maximumf %gather3A_466, %gather3A_450 : vector<16xf32>
    %eq3A_468 = arith.constant 3 : i32
    %eq3A_469 = vector.broadcast %eq3A_468 : i32 to vector<16xi32>
    %eq3A_470 = arith.cmpi eq, %iota3A, %eq3A_469 : vector<16xi32>
    tpu.vector_store_idx %arg12[%gather3A_449], %max3A_467 masked %eq3A_470 : memref<30000xf32, #tpu.memory_space<vmem>>[vector<16xi32>], vector<16xf32>, vector<16xi1>
    %get3A_471 = arith.constant 0 : index
    %get3A_472 = tpu.vector_load %arg12[%get3A_471] {strides = array<i32>} : memref<30000xf32, #tpu.memory_space<vmem>>, vector<16xf32>,
    %eq3A_473 = arith.constant 1 : i32
    %eq3A_474 = vector.broadcast %eq3A_473 : i32 to vector<16xi32>
    %eq3A_475 = arith.cmpi eq, %iota3A, %eq3A_474 : vector<16xi32>
    %jit3A_476 = arith.constant 0.000000e+00 : f32
    %broadcast_in_dim3A_477 = vector.broadcast %jit3A_476 : f32 to vector<16xf32>
    %select_n3A_478 = arith.select %eq3A_475, %broadcast_in_dim3A_477, %get3A_472 : vector<16xi1>, vector<16xf32>
    %swap3A_479 = arith.constant 0 : index
    %swap3A_480 = tpu.vector_load %arg12[%swap3A_479] {strides = array<i32>} : memref<30000xf32, #tpu.memory_space<vmem>>, vector<16xf32>,
    tpu.vector_store %arg12[%swap3A_479], %select_n3A_478 {strides = array<i32>} : memref<30000xf32, #tpu.memory_space<vmem>>, vector<16xf32>,
    %dma_start3A_481 = arith.constant 0 : i32
    %dma_start3A_482 = tpu.memref_slice %arg6[%arg1, %add3A_440, %dma_start3A_481] : memref<16x64x30000xf32, #tpu.memory_space<hbm>> -> memref<1x1x30000xf32, #tpu.memory_space<hbm>>
    %dma_start3A_483 = tpu.memref_squeeze %dma_start3A_482 : memref<1x1x30000xf32, #tpu.memory_space<hbm>> -> memref<30000xf32, #tpu.memory_space<hbm>>
    %dma_start3A_484 = arith.constant 0 : i32
    %dma_start3A_485 = tpu.memref_slice %arg6[%arg1, %add3A_440, %dma_start3A_484] : memref<16x64x30000xf32, #tpu.memory_space<hbm>> -> memref<1x1x30000xf32, #tpu.memory_space<hbm>>
    %dma_start3A_486 = tpu.memref_squeeze %dma_start3A_485 : memref<1x1x30000xf32, #tpu.memory_space<hbm>> -> memref<30000xf32, #tpu.memory_space<hbm>>
    tpu.enqueue_dma source(%arg12 : memref<30000xf32, #tpu.memory_space<vmem>>) target(%dma_start3A_486 : memref<30000xf32, #tpu.memory_space<hbm>>) target_semaphore(%arg20 : memref<!tpu.dma_semaphore, #tpu.memory_space<semaphore_mem>>)
    %dma_wait3A_487 = arith.constant 0 : i32
    %dma_wait3A_488 = tpu.memref_slice %arg6[%arg1, %add3A_440, %dma_wait3A_487] : memref<16x64x30000xf32, #tpu.memory_space<hbm>> -> memref<1x1x30000xf32, #tpu.memory_space<hbm>>
    %dma_wait3A_489 = tpu.memref_squeeze %dma_wait3A_488 : memref<1x1x30000xf32, #tpu.memory_space<hbm>> -> memref<30000xf32, #tpu.memory_space<hbm>>
    %dma_wait3A_490 = arith.constant 0 : i32
    %dma_wait3A_491 = tpu.memref_slice %arg6[%arg1, %add3A_440, %dma_wait3A_490] : memref<16x64x30000xf32, #tpu.memory_space<hbm>> -> memref<1x1x30000xf32, #tpu.memory_space<hbm>>
    %dma_wait3A_492 = tpu.memref_squeeze %dma_wait3A_491 : memref<1x1x30000xf32, #tpu.memory_space<hbm>> -> memref<30000xf32, #tpu.memory_space<hbm>>
    tpu.wait_dma2 semaphore(%arg20 : memref<!tpu.dma_semaphore, #tpu.memory_space<semaphore_mem>>) src(%arg12 : memref<30000xf32, #tpu.memory_space<vmem>>) dst(%dma_wait3A_492 : memref<30000xf32, #tpu.memory_space<hbm>>)
    %add3A_493 = arith.constant 7 : i32
    %add3A_494 = arith.addi %mul3A_0, %add3A_493 : i32
    %dma_start3A_495 = arith.constant 0 : i32
    %dma_start3A_496 = tpu.memref_slice %arg2[%arg1, %add3A_494, %dma_start3A_495] : memref<16x64x30000xf32, #tpu.memory_space<hbm>> -> memref<1x1x30000xf32, #tpu.memory_space<hbm>>
    %dma_start3A_497 = tpu.memref_squeeze %dma_start3A_496 : memref<1x1x30000xf32, #tpu.memory_space<hbm>> -> memref<30000xf32, #tpu.memory_space<hbm>>
    %dma_start3A_498 = arith.constant 0 : i32
    %dma_start3A_499 = tpu.memref_slice %arg2[%arg1, %add3A_494, %dma_start3A_498] : memref<16x64x30000xf32, #tpu.memory_space<hbm>> -> memref<1x1x30000xf32, #tpu.memory_space<hbm>>
    %dma_start3A_500 = tpu.memref_squeeze %dma_start3A_499 : memref<1x1x30000xf32, #tpu.memory_space<hbm>> -> memref<30000xf32, #tpu.memory_space<hbm>>
    tpu.enqueue_dma source(%dma_start3A_500 : memref<30000xf32, #tpu.memory_space<hbm>>) target(%arg12 : memref<30000xf32, #tpu.memory_space<vmem>>) target_semaphore(%arg17 : memref<!tpu.dma_semaphore, #tpu.memory_space<semaphore_mem>>)
    %dma_wait3A_501 = arith.constant 0 : i32
    %dma_wait3A_502 = tpu.memref_slice %arg2[%arg1, %add3A_358, %dma_wait3A_501] : memref<16x64x30000xf32, #tpu.memory_space<hbm>> -> memref<1x1x30000xf32, #tpu.memory_space<hbm>>
    %dma_wait3A_503 = tpu.memref_squeeze %dma_wait3A_502 : memref<1x1x30000xf32, #tpu.memory_space<hbm>> -> memref<30000xf32, #tpu.memory_space<hbm>>
    %dma_wait3A_504 = arith.constant 0 : i32
    %dma_wait3A_505 = tpu.memref_slice %arg2[%arg1, %add3A_358, %dma_wait3A_504] : memref<16x64x30000xf32, #tpu.memory_space<hbm>> -> memref<1x1x30000xf32, #tpu.memory_space<hbm>>
    %dma_wait3A_506 = tpu.memref_squeeze %dma_wait3A_505 : memref<1x1x30000xf32, #tpu.memory_space<hbm>> -> memref<30000xf32, #tpu.memory_space<hbm>>
    tpu.wait_dma2 semaphore(%arg18 : memref<!tpu.dma_semaphore, #tpu.memory_space<semaphore_mem>>) src(%dma_wait3A_506 : memref<30000xf32, #tpu.memory_space<hbm>>) dst(%arg13 : memref<30000xf32, #tpu.memory_space<vmem>>)
    %add3A_507 = arith.constant 5 : i32
    %add3A_508 = arith.addi %mul3A_0, %add3A_507 : i32
    %min3A_509 = arith.constant 3 : i32
    %min3A_510 = vector.broadcast %min3A_509 : i32 to vector<16xi32>
    %min3A_511 = arith.minsi %iota3A, %min3A_510 : vector<16xi32>
    %mul3A_512 = arith.constant 64 : i32
    %mul3A_513 = vector.broadcast %mul3A_512 : i32 to vector<16xi32>
    %mul3A_514 = arith.muli %min3A_511, %mul3A_513 : vector<16xi32>
    %add3A_515 = vector.broadcast %add3A_508 : i32 to vector<16xi32>
    %add3A_516 = arith.addi %add3A_515, %mul3A_514 : vector<16xi32>
    %gather3A_517 = tpu.vector_load_idx %arg8[%add3A_516] : memref<256xi32, #tpu.memory_space<vmem>>[vector<16xi32>], vector<16xi32>,
    %gather3A_518 = tpu.vector_load_idx %arg9[%add3A_516] : memref<256xf32, #tpu.memory_space<vmem>>[vector<16xi32>], vector<16xf32>,
    %gather3A_519 = tpu.vector_load_idx %arg13[%gather3A_517] : memref<30000xf32, #tpu.memory_space<vmem>>[vector<16xi32>], vector<16xf32>,
    %max3A_520 = arith.maximumf %gather3A_519, %gather3A_518 : vector<16xf32>
    %eq3A_521 = arith.constant 0 : i32
    %eq3A_522 = vector.broadcast %eq3A_521 : i32 to vector<16xi32>
    %eq3A_523 = arith.cmpi eq, %iota3A, %eq3A_522 : vector<16xi32>
    tpu.vector_store_idx %arg13[%gather3A_517], %max3A_520 masked %eq3A_523 : memref<30000xf32, #tpu.memory_space<vmem>>[vector<16xi32>], vector<16xf32>, vector<16xi1>
    %gather3A_524 = tpu.vector_load_idx %arg13[%gather3A_517] : memref<30000xf32, #tpu.memory_space<vmem>>[vector<16xi32>], vector<16xf32>,
    %max3A_525 = arith.maximumf %gather3A_524, %gather3A_518 : vector<16xf32>
    %eq3A_526 = arith.constant 1 : i32
    %eq3A_527 = vector.broadcast %eq3A_526 : i32 to vector<16xi32>
    %eq3A_528 = arith.cmpi eq, %iota3A, %eq3A_527 : vector<16xi32>
    tpu.vector_store_idx %arg13[%gather3A_517], %max3A_525 masked %eq3A_528 : memref<30000xf32, #tpu.memory_space<vmem>>[vector<16xi32>], vector<16xf32>, vector<16xi1>
    %gather3A_529 = tpu.vector_load_idx %arg13[%gather3A_517] : memref<30000xf32, #tpu.memory_space<vmem>>[vector<16xi32>], vector<16xf32>,
    %max3A_530 = arith.maximumf %gather3A_529, %gather3A_518 : vector<16xf32>
    %eq3A_531 = arith.constant 2 : i32
    %eq3A_532 = vector.broadcast %eq3A_531 : i32 to vector<16xi32>
    %eq3A_533 = arith.cmpi eq, %iota3A, %eq3A_532 : vector<16xi32>
    tpu.vector_store_idx %arg13[%gather3A_517], %max3A_530 masked %eq3A_533 : memref<30000xf32, #tpu.memory_space<vmem>>[vector<16xi32>], vector<16xf32>, vector<16xi1>
    %gather3A_534 = tpu.vector_load_idx %arg13[%gather3A_517] : memref<30000xf32, #tpu.memory_space<vmem>>[vector<16xi32>], vector<16xf32>,
    %max3A_535 = arith.maximumf %gather3A_534, %gather3A_518 : vector<16xf32>
    %eq3A_536 = arith.constant 3 : i32
    %eq3A_537 = vector.broadcast %eq3A_536 : i32 to vector<16xi32>
    %eq3A_538 = arith.cmpi eq, %iota3A, %eq3A_537 : vector<16xi32>
    tpu.vector_store_idx %arg13[%gather3A_517], %max3A_535 masked %eq3A_538 : memref<30000xf32, #tpu.memory_space<vmem>>[vector<16xi32>], vector<16xf32>, vector<16xi1>
    %get3A_539 = arith.constant 0 : index
    %get3A_540 = tpu.vector_load %arg13[%get3A_539] {strides = array<i32>} : memref<30000xf32, #tpu.memory_space<vmem>>, vector<16xf32>,
    %eq3A_541 = arith.constant 1 : i32
    %eq3A_542 = vector.broadcast %eq3A_541 : i32 to vector<16xi32>
    %eq3A_543 = arith.cmpi eq, %iota3A, %eq3A_542 : vector<16xi32>
    %jit3A_544 = arith.constant 0.000000e+00 : f32
    %broadcast_in_dim3A_545 = vector.broadcast %jit3A_544 : f32 to vector<16xf32>
    %select_n3A_546 = arith.select %eq3A_543, %broadcast_in_dim3A_545, %get3A_540 : vector<16xi1>, vector<16xf32>
    %swap3A_547 = arith.constant 0 : index
    %swap3A_548 = tpu.vector_load %arg13[%swap3A_547] {strides = array<i32>} : memref<30000xf32, #tpu.memory_space<vmem>>, vector<16xf32>,
    tpu.vector_store %arg13[%swap3A_547], %select_n3A_546 {strides = array<i32>} : memref<30000xf32, #tpu.memory_space<vmem>>, vector<16xf32>,
    %dma_start3A_549 = arith.constant 0 : i32
    %dma_start3A_550 = tpu.memref_slice %arg6[%arg1, %add3A_508, %dma_start3A_549] : memref<16x64x30000xf32, #tpu.memory_space<hbm>> -> memref<1x1x30000xf32, #tpu.memory_space<hbm>>
    %dma_start3A_551 = tpu.memref_squeeze %dma_start3A_550 : memref<1x1x30000xf32, #tpu.memory_space<hbm>> -> memref<30000xf32, #tpu.memory_space<hbm>>
    %dma_start3A_552 = arith.constant 0 : i32
    %dma_start3A_553 = tpu.memref_slice %arg6[%arg1, %add3A_508, %dma_start3A_552] : memref<16x64x30000xf32, #tpu.memory_space<hbm>> -> memref<1x1x30000xf32, #tpu.memory_space<hbm>>
    %dma_start3A_554 = tpu.memref_squeeze %dma_start3A_553 : memref<1x1x30000xf32, #tpu.memory_space<hbm>> -> memref<30000xf32, #tpu.memory_space<hbm>>
    tpu.enqueue_dma source(%arg13 : memref<30000xf32, #tpu.memory_space<vmem>>) target(%dma_start3A_554 : memref<30000xf32, #tpu.memory_space<hbm>>) target_semaphore(%arg21 : memref<!tpu.dma_semaphore, #tpu.memory_space<semaphore_mem>>)
    %dma_wait3A_555 = arith.constant 0 : i32
    %dma_wait3A_556 = tpu.memref_slice %arg6[%arg1, %add3A_508, %dma_wait3A_555] : memref<16x64x30000xf32, #tpu.memory_space<hbm>> -> memref<1x1x30000xf32, #tpu.memory_space<hbm>>
    %dma_wait3A_557 = tpu.memref_squeeze %dma_wait3A_556 : memref<1x1x30000xf32, #tpu.memory_space<hbm>> -> memref<30000xf32, #tpu.memory_space<hbm>>
    %dma_wait3A_558 = arith.constant 0 : i32
    %dma_wait3A_559 = tpu.memref_slice %arg6[%arg1, %add3A_508, %dma_wait3A_558] : memref<16x64x30000xf32, #tpu.memory_space<hbm>> -> memref<1x1x30000xf32, #tpu.memory_space<hbm>>
    %dma_wait3A_560 = tpu.memref_squeeze %dma_wait3A_559 : memref<1x1x30000xf32, #tpu.memory_space<hbm>> -> memref<30000xf32, #tpu.memory_space<hbm>>
    tpu.wait_dma2 semaphore(%arg21 : memref<!tpu.dma_semaphore, #tpu.memory_space<semaphore_mem>>) src(%arg13 : memref<30000xf32, #tpu.memory_space<vmem>>) dst(%dma_wait3A_560 : memref<30000xf32, #tpu.memory_space<hbm>>)
    %add3A_561 = arith.constant 8 : i32
    %add3A_562 = arith.addi %mul3A_0, %add3A_561 : i32
    %dma_start3A_563 = arith.constant 0 : i32
    %dma_start3A_564 = tpu.memref_slice %arg2[%arg1, %add3A_562, %dma_start3A_563] : memref<16x64x30000xf32, #tpu.memory_space<hbm>> -> memref<1x1x30000xf32, #tpu.memory_space<hbm>>
    %dma_start3A_565 = tpu.memref_squeeze %dma_start3A_564 : memref<1x1x30000xf32, #tpu.memory_space<hbm>> -> memref<30000xf32, #tpu.memory_space<hbm>>
    %dma_start3A_566 = arith.constant 0 : i32
    %dma_start3A_567 = tpu.memref_slice %arg2[%arg1, %add3A_562, %dma_start3A_566] : memref<16x64x30000xf32, #tpu.memory_space<hbm>> -> memref<1x1x30000xf32, #tpu.memory_space<hbm>>
    %dma_start3A_568 = tpu.memref_squeeze %dma_start3A_567 : memref<1x1x30000xf32, #tpu.memory_space<hbm>> -> memref<30000xf32, #tpu.memory_space<hbm>>
    tpu.enqueue_dma source(%dma_start3A_568 : memref<30000xf32, #tpu.memory_space<hbm>>) target(%arg13 : memref<30000xf32, #tpu.memory_space<vmem>>) target_semaphore(%arg18 : memref<!tpu.dma_semaphore, #tpu.memory_space<semaphore_mem>>)
    %dma_wait3A_569 = arith.constant 0 : i32
    %dma_wait3A_570 = tpu.memref_slice %arg2[%arg1, %add3A_426, %dma_wait3A_569] : memref<16x64x30000xf32, #tpu.memory_space<hbm>> -> memref<1x1x30000xf32, #tpu.memory_space<hbm>>
    %dma_wait3A_571 = tpu.memref_squeeze %dma_wait3A_570 : memref<1x1x30000xf32, #tpu.memory_space<hbm>> -> memref<30000xf32, #tpu.memory_space<hbm>>
    %dma_wait3A_572 = arith.constant 0 : i32
    %dma_wait3A_573 = tpu.memref_slice %arg2[%arg1, %add3A_426, %dma_wait3A_572] : memref<16x64x30000xf32, #tpu.memory_space<hbm>> -> memref<1x1x30000xf32, #tpu.memory_space<hbm>>
    %dma_wait3A_574 = tpu.memref_squeeze %dma_wait3A_573 : memref<1x1x30000xf32, #tpu.memory_space<hbm>> -> memref<30000xf32, #tpu.memory_space<hbm>>
    tpu.wait_dma2 semaphore(%arg16 : memref<!tpu.dma_semaphore, #tpu.memory_space<semaphore_mem>>) src(%dma_wait3A_574 : memref<30000xf32, #tpu.memory_space<hbm>>) dst(%arg11 : memref<30000xf32, #tpu.memory_space<vmem>>)
    %add3A_575 = arith.constant 6 : i32
    %add3A_576 = arith.addi %mul3A_0, %add3A_575 : i32
    %min3A_577 = arith.constant 3 : i32
    %min3A_578 = vector.broadcast %min3A_577 : i32 to vector<16xi32>
    %min3A_579 = arith.minsi %iota3A, %min3A_578 : vector<16xi32>
    %mul3A_580 = arith.constant 64 : i32
    %mul3A_581 = vector.broadcast %mul3A_580 : i32 to vector<16xi32>
    %mul3A_582 = arith.muli %min3A_579, %mul3A_581 : vector<16xi32>
    %add3A_583 = vector.broadcast %add3A_576 : i32 to vector<16xi32>
    %add3A_584 = arith.addi %add3A_583, %mul3A_582 : vector<16xi32>
    %gather3A_585 = tpu.vector_load_idx %arg8[%add3A_584] : memref<256xi32, #tpu.memory_space<vmem>>[vector<16xi32>], vector<16xi32>,
    %gather3A_586 = tpu.vector_load_idx %arg9[%add3A_584] : memref<256xf32, #tpu.memory_space<vmem>>[vector<16xi32>], vector<16xf32>,
    %gather3A_587 = tpu.vector_load_idx %arg11[%gather3A_585] : memref<30000xf32, #tpu.memory_space<vmem>>[vector<16xi32>], vector<16xf32>,
    %max3A_588 = arith.maximumf %gather3A_587, %gather3A_586 : vector<16xf32>
    %eq3A_589 = arith.constant 0 : i32
    %eq3A_590 = vector.broadcast %eq3A_589 : i32 to vector<16xi32>
    %eq3A_591 = arith.cmpi eq, %iota3A, %eq3A_590 : vector<16xi32>
    tpu.vector_store_idx %arg11[%gather3A_585], %max3A_588 masked %eq3A_591 : memref<30000xf32, #tpu.memory_space<vmem>>[vector<16xi32>], vector<16xf32>, vector<16xi1>
    %gather3A_592 = tpu.vector_load_idx %arg11[%gather3A_585] : memref<30000xf32, #tpu.memory_space<vmem>>[vector<16xi32>], vector<16xf32>,
    %max3A_593 = arith.maximumf %gather3A_592, %gather3A_586 : vector<16xf32>
    %eq3A_594 = arith.constant 1 : i32
    %eq3A_595 = vector.broadcast %eq3A_594 : i32 to vector<16xi32>
    %eq3A_596 = arith.cmpi eq, %iota3A, %eq3A_595 : vector<16xi32>
    tpu.vector_store_idx %arg11[%gather3A_585], %max3A_593 masked %eq3A_596 : memref<30000xf32, #tpu.memory_space<vmem>>[vector<16xi32>], vector<16xf32>, vector<16xi1>
    %gather3A_597 = tpu.vector_load_idx %arg11[%gather3A_585] : memref<30000xf32, #tpu.memory_space<vmem>>[vector<16xi32>], vector<16xf32>,
    %max3A_598 = arith.maximumf %gather3A_597, %gather3A_586 : vector<16xf32>
    %eq3A_599 = arith.constant 2 : i32
    %eq3A_600 = vector.broadcast %eq3A_599 : i32 to vector<16xi32>
    %eq3A_601 = arith.cmpi eq, %iota3A, %eq3A_600 : vector<16xi32>
    tpu.vector_store_idx %arg11[%gather3A_585], %max3A_598 masked %eq3A_601 : memref<30000xf32, #tpu.memory_space<vmem>>[vector<16xi32>], vector<16xf32>, vector<16xi1>
    %gather3A_602 = tpu.vector_load_idx %arg11[%gather3A_585] : memref<30000xf32, #tpu.memory_space<vmem>>[vector<16xi32>], vector<16xf32>,
    %max3A_603 = arith.maximumf %gather3A_602, %gather3A_586 : vector<16xf32>
    %eq3A_604 = arith.constant 3 : i32
    %eq3A_605 = vector.broadcast %eq3A_604 : i32 to vector<16xi32>
    %eq3A_606 = arith.cmpi eq, %iota3A, %eq3A_605 : vector<16xi32>
    tpu.vector_store_idx %arg11[%gather3A_585], %max3A_603 masked %eq3A_606 : memref<30000xf32, #tpu.memory_space<vmem>>[vector<16xi32>], vector<16xf32>, vector<16xi1>
    %get3A_607 = arith.constant 0 : index
    %get3A_608 = tpu.vector_load %arg11[%get3A_607] {strides = array<i32>} : memref<30000xf32, #tpu.memory_space<vmem>>, vector<16xf32>,
    %eq3A_609 = arith.constant 1 : i32
    %eq3A_610 = vector.broadcast %eq3A_609 : i32 to vector<16xi32>
    %eq3A_611 = arith.cmpi eq, %iota3A, %eq3A_610 : vector<16xi32>
    %jit3A_612 = arith.constant 0.000000e+00 : f32
    %broadcast_in_dim3A_613 = vector.broadcast %jit3A_612 : f32 to vector<16xf32>
    %select_n3A_614 = arith.select %eq3A_611, %broadcast_in_dim3A_613, %get3A_608 : vector<16xi1>, vector<16xf32>
    %swap3A_615 = arith.constant 0 : index
    %swap3A_616 = tpu.vector_load %arg11[%swap3A_615] {strides = array<i32>} : memref<30000xf32, #tpu.memory_space<vmem>>, vector<16xf32>,
    tpu.vector_store %arg11[%swap3A_615], %select_n3A_614 {strides = array<i32>} : memref<30000xf32, #tpu.memory_space<vmem>>, vector<16xf32>,
    %dma_start3A_617 = arith.constant 0 : i32
    %dma_start3A_618 = tpu.memref_slice %arg6[%arg1, %add3A_576, %dma_start3A_617] : memref<16x64x30000xf32, #tpu.memory_space<hbm>> -> memref<1x1x30000xf32, #tpu.memory_space<hbm>>
    %dma_start3A_619 = tpu.memref_squeeze %dma_start3A_618 : memref<1x1x30000xf32, #tpu.memory_space<hbm>> -> memref<30000xf32, #tpu.memory_space<hbm>>
    %dma_start3A_620 = arith.constant 0 : i32
    %dma_start3A_621 = tpu.memref_slice %arg6[%arg1, %add3A_576, %dma_start3A_620] : memref<16x64x30000xf32, #tpu.memory_space<hbm>> -> memref<1x1x30000xf32, #tpu.memory_space<hbm>>
    %dma_start3A_622 = tpu.memref_squeeze %dma_start3A_621 : memref<1x1x30000xf32, #tpu.memory_space<hbm>> -> memref<30000xf32, #tpu.memory_space<hbm>>
    tpu.enqueue_dma source(%arg11 : memref<30000xf32, #tpu.memory_space<vmem>>) target(%dma_start3A_622 : memref<30000xf32, #tpu.memory_space<hbm>>) target_semaphore(%arg19 : memref<!tpu.dma_semaphore, #tpu.memory_space<semaphore_mem>>)
    %dma_wait3A_623 = arith.constant 0 : i32
    %dma_wait3A_624 = tpu.memref_slice %arg6[%arg1, %add3A_576, %dma_wait3A_623] : memref<16x64x30000xf32, #tpu.memory_space<hbm>> -> memref<1x1x30000xf32, #tpu.memory_space<hbm>>
    %dma_wait3A_625 = tpu.memref_squeeze %dma_wait3A_624 : memref<1x1x30000xf32, #tpu.memory_space<hbm>> -> memref<30000xf32, #tpu.memory_space<hbm>>
    %dma_wait3A_626 = arith.constant 0 : i32
    %dma_wait3A_627 = tpu.memref_slice %arg6[%arg1, %add3A_576, %dma_wait3A_626] : memref<16x64x30000xf32, #tpu.memory_space<hbm>> -> memref<1x1x30000xf32, #tpu.memory_space<hbm>>
    %dma_wait3A_628 = tpu.memref_squeeze %dma_wait3A_627 : memref<1x1x30000xf32, #tpu.memory_space<hbm>> -> memref<30000xf32, #tpu.memory_space<hbm>>
    tpu.wait_dma2 semaphore(%arg19 : memref<!tpu.dma_semaphore, #tpu.memory_space<semaphore_mem>>) src(%arg11 : memref<30000xf32, #tpu.memory_space<vmem>>) dst(%dma_wait3A_628 : memref<30000xf32, #tpu.memory_space<hbm>>)
    %add3A_629 = arith.constant 9 : i32
    %add3A_630 = arith.addi %mul3A_0, %add3A_629 : i32
    %dma_start3A_631 = arith.constant 0 : i32
    %dma_start3A_632 = tpu.memref_slice %arg2[%arg1, %add3A_630, %dma_start3A_631] : memref<16x64x30000xf32, #tpu.memory_space<hbm>> -> memref<1x1x30000xf32, #tpu.memory_space<hbm>>
    %dma_start3A_633 = tpu.memref_squeeze %dma_start3A_632 : memref<1x1x30000xf32, #tpu.memory_space<hbm>> -> memref<30000xf32, #tpu.memory_space<hbm>>
    %dma_start3A_634 = arith.constant 0 : i32
    %dma_start3A_635 = tpu.memref_slice %arg2[%arg1, %add3A_630, %dma_start3A_634] : memref<16x64x30000xf32, #tpu.memory_space<hbm>> -> memref<1x1x30000xf32, #tpu.memory_space<hbm>>
    %dma_start3A_636 = tpu.memref_squeeze %dma_start3A_635 : memref<1x1x30000xf32, #tpu.memory_space<hbm>> -> memref<30000xf32, #tpu.memory_space<hbm>>
    tpu.enqueue_dma source(%dma_start3A_636 : memref<30000xf32, #tpu.memory_space<hbm>>) target(%arg11 : memref<30000xf32, #tpu.memory_space<vmem>>) target_semaphore(%arg16 : memref<!tpu.dma_semaphore, #tpu.memory_space<semaphore_mem>>)
    %dma_wait3A_637 = arith.constant 0 : i32
    %dma_wait3A_638 = tpu.memref_slice %arg2[%arg1, %add3A_494, %dma_wait3A_637] : memref<16x64x30000xf32, #tpu.memory_space<hbm>> -> memref<1x1x30000xf32, #tpu.memory_space<hbm>>
    %dma_wait3A_639 = tpu.memref_squeeze %dma_wait3A_638 : memref<1x1x30000xf32, #tpu.memory_space<hbm>> -> memref<30000xf32, #tpu.memory_space<hbm>>
    %dma_wait3A_640 = arith.constant 0 : i32
    %dma_wait3A_641 = tpu.memref_slice %arg2[%arg1, %add3A_494, %dma_wait3A_640] : memref<16x64x30000xf32, #tpu.memory_space<hbm>> -> memref<1x1x30000xf32, #tpu.memory_space<hbm>>
    %dma_wait3A_642 = tpu.memref_squeeze %dma_wait3A_641 : memref<1x1x30000xf32, #tpu.memory_space<hbm>> -> memref<30000xf32, #tpu.memory_space<hbm>>
    tpu.wait_dma2 semaphore(%arg17 : memref<!tpu.dma_semaphore, #tpu.memory_space<semaphore_mem>>) src(%dma_wait3A_642 : memref<30000xf32, #tpu.memory_space<hbm>>) dst(%arg12 : memref<30000xf32, #tpu.memory_space<vmem>>)
    %add3A_643 = arith.constant 7 : i32
    %add3A_644 = arith.addi %mul3A_0, %add3A_643 : i32
    %min3A_645 = arith.constant 3 : i32
    %min3A_646 = vector.broadcast %min3A_645 : i32 to vector<16xi32>
    %min3A_647 = arith.minsi %iota3A, %min3A_646 : vector<16xi32>
    %mul3A_648 = arith.constant 64 : i32
    %mul3A_649 = vector.broadcast %mul3A_648 : i32 to vector<16xi32>
    %mul3A_650 = arith.muli %min3A_647, %mul3A_649 : vector<16xi32>
    %add3A_651 = vector.broadcast %add3A_644 : i32 to vector<16xi32>
    %add3A_652 = arith.addi %add3A_651, %mul3A_650 : vector<16xi32>
    %gather3A_653 = tpu.vector_load_idx %arg8[%add3A_652] : memref<256xi32, #tpu.memory_space<vmem>>[vector<16xi32>], vector<16xi32>,
    %gather3A_654 = tpu.vector_load_idx %arg9[%add3A_652] : memref<256xf32, #tpu.memory_space<vmem>>[vector<16xi32>], vector<16xf32>,
    %gather3A_655 = tpu.vector_load_idx %arg12[%gather3A_653] : memref<30000xf32, #tpu.memory_space<vmem>>[vector<16xi32>], vector<16xf32>,
    %max3A_656 = arith.maximumf %gather3A_655, %gather3A_654 : vector<16xf32>
    %eq3A_657 = arith.constant 0 : i32
    %eq3A_658 = vector.broadcast %eq3A_657 : i32 to vector<16xi32>
    %eq3A_659 = arith.cmpi eq, %iota3A, %eq3A_658 : vector<16xi32>
    tpu.vector_store_idx %arg12[%gather3A_653], %max3A_656 masked %eq3A_659 : memref<30000xf32, #tpu.memory_space<vmem>>[vector<16xi32>], vector<16xf32>, vector<16xi1>
    %gather3A_660 = tpu.vector_load_idx %arg12[%gather3A_653] : memref<30000xf32, #tpu.memory_space<vmem>>[vector<16xi32>], vector<16xf32>,
    %max3A_661 = arith.maximumf %gather3A_660, %gather3A_654 : vector<16xf32>
    %eq3A_662 = arith.constant 1 : i32
    %eq3A_663 = vector.broadcast %eq3A_662 : i32 to vector<16xi32>
    %eq3A_664 = arith.cmpi eq, %iota3A, %eq3A_663 : vector<16xi32>
    tpu.vector_store_idx %arg12[%gather3A_653], %max3A_661 masked %eq3A_664 : memref<30000xf32, #tpu.memory_space<vmem>>[vector<16xi32>], vector<16xf32>, vector<16xi1>
    %gather3A_665 = tpu.vector_load_idx %arg12[%gather3A_653] : memref<30000xf32, #tpu.memory_space<vmem>>[vector<16xi32>], vector<16xf32>,
    %max3A_666 = arith.maximumf %gather3A_665, %gather3A_654 : vector<16xf32>
    %eq3A_667 = arith.constant 2 : i32
    %eq3A_668 = vector.broadcast %eq3A_667 : i32 to vector<16xi32>
    %eq3A_669 = arith.cmpi eq, %iota3A, %eq3A_668 : vector<16xi32>
    tpu.vector_store_idx %arg12[%gather3A_653], %max3A_666 masked %eq3A_669 : memref<30000xf32, #tpu.memory_space<vmem>>[vector<16xi32>], vector<16xf32>, vector<16xi1>
    %gather3A_670 = tpu.vector_load_idx %arg12[%gather3A_653] : memref<30000xf32, #tpu.memory_space<vmem>>[vector<16xi32>], vector<16xf32>,
    %max3A_671 = arith.maximumf %gather3A_670, %gather3A_654 : vector<16xf32>
    %eq3A_672 = arith.constant 3 : i32
    %eq3A_673 = vector.broadcast %eq3A_672 : i32 to vector<16xi32>
    %eq3A_674 = arith.cmpi eq, %iota3A, %eq3A_673 : vector<16xi32>
    tpu.vector_store_idx %arg12[%gather3A_653], %max3A_671 masked %eq3A_674 : memref<30000xf32, #tpu.memory_space<vmem>>[vector<16xi32>], vector<16xf32>, vector<16xi1>
    %get3A_675 = arith.constant 0 : index
    %get3A_676 = tpu.vector_load %arg12[%get3A_675] {strides = array<i32>} : memref<30000xf32, #tpu.memory_space<vmem>>, vector<16xf32>,
    %eq3A_677 = arith.constant 1 : i32
    %eq3A_678 = vector.broadcast %eq3A_677 : i32 to vector<16xi32>
    %eq3A_679 = arith.cmpi eq, %iota3A, %eq3A_678 : vector<16xi32>
    %jit3A_680 = arith.constant 0.000000e+00 : f32
    %broadcast_in_dim3A_681 = vector.broadcast %jit3A_680 : f32 to vector<16xf32>
    %select_n3A_682 = arith.select %eq3A_679, %broadcast_in_dim3A_681, %get3A_676 : vector<16xi1>, vector<16xf32>
    %swap3A_683 = arith.constant 0 : index
    %swap3A_684 = tpu.vector_load %arg12[%swap3A_683] {strides = array<i32>} : memref<30000xf32, #tpu.memory_space<vmem>>, vector<16xf32>,
    tpu.vector_store %arg12[%swap3A_683], %select_n3A_682 {strides = array<i32>} : memref<30000xf32, #tpu.memory_space<vmem>>, vector<16xf32>,
    %dma_start3A_685 = arith.constant 0 : i32
    %dma_start3A_686 = tpu.memref_slice %arg6[%arg1, %add3A_644, %dma_start3A_685] : memref<16x64x30000xf32, #tpu.memory_space<hbm>> -> memref<1x1x30000xf32, #tpu.memory_space<hbm>>
    %dma_start3A_687 = tpu.memref_squeeze %dma_start3A_686 : memref<1x1x30000xf32, #tpu.memory_space<hbm>> -> memref<30000xf32, #tpu.memory_space<hbm>>
    %dma_start3A_688 = arith.constant 0 : i32
    %dma_start3A_689 = tpu.memref_slice %arg6[%arg1, %add3A_644, %dma_start3A_688] : memref<16x64x30000xf32, #tpu.memory_space<hbm>> -> memref<1x1x30000xf32, #tpu.memory_space<hbm>>
    %dma_start3A_690 = tpu.memref_squeeze %dma_start3A_689 : memref<1x1x30000xf32, #tpu.memory_space<hbm>> -> memref<30000xf32, #tpu.memory_space<hbm>>
    tpu.enqueue_dma source(%arg12 : memref<30000xf32, #tpu.memory_space<vmem>>) target(%dma_start3A_690 : memref<30000xf32, #tpu.memory_space<hbm>>) target_semaphore(%arg20 : memref<!tpu.dma_semaphore, #tpu.memory_space<semaphore_mem>>)
    %dma_wait3A_691 = arith.constant 0 : i32
    %dma_wait3A_692 = tpu.memref_slice %arg6[%arg1, %add3A_644, %dma_wait3A_691] : memref<16x64x30000xf32, #tpu.memory_space<hbm>> -> memref<1x1x30000xf32, #tpu.memory_space<hbm>>
    %dma_wait3A_693 = tpu.memref_squeeze %dma_wait3A_692 : memref<1x1x30000xf32, #tpu.memory_space<hbm>> -> memref<30000xf32, #tpu.memory_space<hbm>>
    %dma_wait3A_694 = arith.constant 0 : i32
    %dma_wait3A_695 = tpu.memref_slice %arg6[%arg1, %add3A_644, %dma_wait3A_694] : memref<16x64x30000xf32, #tpu.memory_space<hbm>> -> memref<1x1x30000xf32, #tpu.memory_space<hbm>>
    %dma_wait3A_696 = tpu.memref_squeeze %dma_wait3A_695 : memref<1x1x30000xf32, #tpu.memory_space<hbm>> -> memref<30000xf32, #tpu.memory_space<hbm>>
    tpu.wait_dma2 semaphore(%arg20 : memref<!tpu.dma_semaphore, #tpu.memory_space<semaphore_mem>>) src(%arg12 : memref<30000xf32, #tpu.memory_space<vmem>>) dst(%dma_wait3A_696 : memref<30000xf32, #tpu.memory_space<hbm>>)
    %add3A_697 = arith.constant 10 : i32
    %add3A_698 = arith.addi %mul3A_0, %add3A_697 : i32
    %dma_start3A_699 = arith.constant 0 : i32
    %dma_start3A_700 = tpu.memref_slice %arg2[%arg1, %add3A_698, %dma_start3A_699] : memref<16x64x30000xf32, #tpu.memory_space<hbm>> -> memref<1x1x30000xf32, #tpu.memory_space<hbm>>
    %dma_start3A_701 = tpu.memref_squeeze %dma_start3A_700 : memref<1x1x30000xf32, #tpu.memory_space<hbm>> -> memref<30000xf32, #tpu.memory_space<hbm>>
    %dma_start3A_702 = arith.constant 0 : i32
    %dma_start3A_703 = tpu.memref_slice %arg2[%arg1, %add3A_698, %dma_start3A_702] : memref<16x64x30000xf32, #tpu.memory_space<hbm>> -> memref<1x1x30000xf32, #tpu.memory_space<hbm>>
    %dma_start3A_704 = tpu.memref_squeeze %dma_start3A_703 : memref<1x1x30000xf32, #tpu.memory_space<hbm>> -> memref<30000xf32, #tpu.memory_space<hbm>>
    tpu.enqueue_dma source(%dma_start3A_704 : memref<30000xf32, #tpu.memory_space<hbm>>) target(%arg12 : memref<30000xf32, #tpu.memory_space<vmem>>) target_semaphore(%arg17 : memref<!tpu.dma_semaphore, #tpu.memory_space<semaphore_mem>>)
    %dma_wait3A_705 = arith.constant 0 : i32
    %dma_wait3A_706 = tpu.memref_slice %arg2[%arg1, %add3A_562, %dma_wait3A_705] : memref<16x64x30000xf32, #tpu.memory_space<hbm>> -> memref<1x1x30000xf32, #tpu.memory_space<hbm>>
    %dma_wait3A_707 = tpu.memref_squeeze %dma_wait3A_706 : memref<1x1x30000xf32, #tpu.memory_space<hbm>> -> memref<30000xf32, #tpu.memory_space<hbm>>
    %dma_wait3A_708 = arith.constant 0 : i32
    %dma_wait3A_709 = tpu.memref_slice %arg2[%arg1, %add3A_562, %dma_wait3A_708] : memref<16x64x30000xf32, #tpu.memory_space<hbm>> -> memref<1x1x30000xf32, #tpu.memory_space<hbm>>
    %dma_wait3A_710 = tpu.memref_squeeze %dma_wait3A_709 : memref<1x1x30000xf32, #tpu.memory_space<hbm>> -> memref<30000xf32, #tpu.memory_space<hbm>>
    tpu.wait_dma2 semaphore(%arg18 : memref<!tpu.dma_semaphore, #tpu.memory_space<semaphore_mem>>) src(%dma_wait3A_710 : memref<30000xf32, #tpu.memory_space<hbm>>) dst(%arg13 : memref<30000xf32, #tpu.memory_space<vmem>>)
    %add3A_711 = arith.constant 8 : i32
    %add3A_712 = arith.addi %mul3A_0, %add3A_711 : i32
    %min3A_713 = arith.constant 3 : i32
    %min3A_714 = vector.broadcast %min3A_713 : i32 to vector<16xi32>
    %min3A_715 = arith.minsi %iota3A, %min3A_714 : vector<16xi32>
    %mul3A_716 = arith.constant 64 : i32
    %mul3A_717 = vector.broadcast %mul3A_716 : i32 to vector<16xi32>
    %mul3A_718 = arith.muli %min3A_715, %mul3A_717 : vector<16xi32>
    %add3A_719 = vector.broadcast %add3A_712 : i32 to vector<16xi32>
    %add3A_720 = arith.addi %add3A_719, %mul3A_718 : vector<16xi32>
    %gather3A_721 = tpu.vector_load_idx %arg8[%add3A_720] : memref<256xi32, #tpu.memory_space<vmem>>[vector<16xi32>], vector<16xi32>,
    %gather3A_722 = tpu.vector_load_idx %arg9[%add3A_720] : memref<256xf32, #tpu.memory_space<vmem>>[vector<16xi32>], vector<16xf32>,
    %gather3A_723 = tpu.vector_load_idx %arg13[%gather3A_721] : memref<30000xf32, #tpu.memory_space<vmem>>[vector<16xi32>], vector<16xf32>,
    %max3A_724 = arith.maximumf %gather3A_723, %gather3A_722 : vector<16xf32>
    %eq3A_725 = arith.constant 0 : i32
    %eq3A_726 = vector.broadcast %eq3A_725 : i32 to vector<16xi32>
    %eq3A_727 = arith.cmpi eq, %iota3A, %eq3A_726 : vector<16xi32>
    tpu.vector_store_idx %arg13[%gather3A_721], %max3A_724 masked %eq3A_727 : memref<30000xf32, #tpu.memory_space<vmem>>[vector<16xi32>], vector<16xf32>, vector<16xi1>
    %gather3A_728 = tpu.vector_load_idx %arg13[%gather3A_721] : memref<30000xf32, #tpu.memory_space<vmem>>[vector<16xi32>], vector<16xf32>,
    %max3A_729 = arith.maximumf %gather3A_728, %gather3A_722 : vector<16xf32>
    %eq3A_730 = arith.constant 1 : i32
    %eq3A_731 = vector.broadcast %eq3A_730 : i32 to vector<16xi32>
    %eq3A_732 = arith.cmpi eq, %iota3A, %eq3A_731 : vector<16xi32>
    tpu.vector_store_idx %arg13[%gather3A_721], %max3A_729 masked %eq3A_732 : memref<30000xf32, #tpu.memory_space<vmem>>[vector<16xi32>], vector<16xf32>, vector<16xi1>
    %gather3A_733 = tpu.vector_load_idx %arg13[%gather3A_721] : memref<30000xf32, #tpu.memory_space<vmem>>[vector<16xi32>], vector<16xf32>,
    %max3A_734 = arith.maximumf %gather3A_733, %gather3A_722 : vector<16xf32>
    %eq3A_735 = arith.constant 2 : i32
    %eq3A_736 = vector.broadcast %eq3A_735 : i32 to vector<16xi32>
    %eq3A_737 = arith.cmpi eq, %iota3A, %eq3A_736 : vector<16xi32>
    tpu.vector_store_idx %arg13[%gather3A_721], %max3A_734 masked %eq3A_737 : memref<30000xf32, #tpu.memory_space<vmem>>[vector<16xi32>], vector<16xf32>, vector<16xi1>
    %gather3A_738 = tpu.vector_load_idx %arg13[%gather3A_721] : memref<30000xf32, #tpu.memory_space<vmem>>[vector<16xi32>], vector<16xf32>,
    %max3A_739 = arith.maximumf %gather3A_738, %gather3A_722 : vector<16xf32>
    %eq3A_740 = arith.constant 3 : i32
    %eq3A_741 = vector.broadcast %eq3A_740 : i32 to vector<16xi32>
    %eq3A_742 = arith.cmpi eq, %iota3A, %eq3A_741 : vector<16xi32>
    tpu.vector_store_idx %arg13[%gather3A_721], %max3A_739 masked %eq3A_742 : memref<30000xf32, #tpu.memory_space<vmem>>[vector<16xi32>], vector<16xf32>, vector<16xi1>
    %get3A_743 = arith.constant 0 : index
    %get3A_744 = tpu.vector_load %arg13[%get3A_743] {strides = array<i32>} : memref<30000xf32, #tpu.memory_space<vmem>>, vector<16xf32>,
    %eq3A_745 = arith.constant 1 : i32
    %eq3A_746 = vector.broadcast %eq3A_745 : i32 to vector<16xi32>
    %eq3A_747 = arith.cmpi eq, %iota3A, %eq3A_746 : vector<16xi32>
    %jit3A_748 = arith.constant 0.000000e+00 : f32
    %broadcast_in_dim3A_749 = vector.broadcast %jit3A_748 : f32 to vector<16xf32>
    %select_n3A_750 = arith.select %eq3A_747, %broadcast_in_dim3A_749, %get3A_744 : vector<16xi1>, vector<16xf32>
    %swap3A_751 = arith.constant 0 : index
    %swap3A_752 = tpu.vector_load %arg13[%swap3A_751] {strides = array<i32>} : memref<30000xf32, #tpu.memory_space<vmem>>, vector<16xf32>,
    tpu.vector_store %arg13[%swap3A_751], %select_n3A_750 {strides = array<i32>} : memref<30000xf32, #tpu.memory_space<vmem>>, vector<16xf32>,
    %dma_start3A_753 = arith.constant 0 : i32
    %dma_start3A_754 = tpu.memref_slice %arg6[%arg1, %add3A_712, %dma_start3A_753] : memref<16x64x30000xf32, #tpu.memory_space<hbm>> -> memref<1x1x30000xf32, #tpu.memory_space<hbm>>
    %dma_start3A_755 = tpu.memref_squeeze %dma_start3A_754 : memref<1x1x30000xf32, #tpu.memory_space<hbm>> -> memref<30000xf32, #tpu.memory_space<hbm>>
    %dma_start3A_756 = arith.constant 0 : i32
    %dma_start3A_757 = tpu.memref_slice %arg6[%arg1, %add3A_712, %dma_start3A_756] : memref<16x64x30000xf32, #tpu.memory_space<hbm>> -> memref<1x1x30000xf32, #tpu.memory_space<hbm>>
    %dma_start3A_758 = tpu.memref_squeeze %dma_start3A_757 : memref<1x1x30000xf32, #tpu.memory_space<hbm>> -> memref<30000xf32, #tpu.memory_space<hbm>>
    tpu.enqueue_dma source(%arg13 : memref<30000xf32, #tpu.memory_space<vmem>>) target(%dma_start3A_758 : memref<30000xf32, #tpu.memory_space<hbm>>) target_semaphore(%arg21 : memref<!tpu.dma_semaphore, #tpu.memory_space<semaphore_mem>>)
    %dma_wait3A_759 = arith.constant 0 : i32
    %dma_wait3A_760 = tpu.memref_slice %arg6[%arg1, %add3A_712, %dma_wait3A_759] : memref<16x64x30000xf32, #tpu.memory_space<hbm>> -> memref<1x1x30000xf32, #tpu.memory_space<hbm>>
    %dma_wait3A_761 = tpu.memref_squeeze %dma_wait3A_760 : memref<1x1x30000xf32, #tpu.memory_space<hbm>> -> memref<30000xf32, #tpu.memory_space<hbm>>
    %dma_wait3A_762 = arith.constant 0 : i32
    %dma_wait3A_763 = tpu.memref_slice %arg6[%arg1, %add3A_712, %dma_wait3A_762] : memref<16x64x30000xf32, #tpu.memory_space<hbm>> -> memref<1x1x30000xf32, #tpu.memory_space<hbm>>
    %dma_wait3A_764 = tpu.memref_squeeze %dma_wait3A_763 : memref<1x1x30000xf32, #tpu.memory_space<hbm>> -> memref<30000xf32, #tpu.memory_space<hbm>>
    tpu.wait_dma2 semaphore(%arg21 : memref<!tpu.dma_semaphore, #tpu.memory_space<semaphore_mem>>) src(%arg13 : memref<30000xf32, #tpu.memory_space<vmem>>) dst(%dma_wait3A_764 : memref<30000xf32, #tpu.memory_space<hbm>>)
    %add3A_765 = arith.constant 11 : i32
    %add3A_766 = arith.addi %mul3A_0, %add3A_765 : i32
    %dma_start3A_767 = arith.constant 0 : i32
    %dma_start3A_768 = tpu.memref_slice %arg2[%arg1, %add3A_766, %dma_start3A_767] : memref<16x64x30000xf32, #tpu.memory_space<hbm>> -> memref<1x1x30000xf32, #tpu.memory_space<hbm>>
    %dma_start3A_769 = tpu.memref_squeeze %dma_start3A_768 : memref<1x1x30000xf32, #tpu.memory_space<hbm>> -> memref<30000xf32, #tpu.memory_space<hbm>>
    %dma_start3A_770 = arith.constant 0 : i32
    %dma_start3A_771 = tpu.memref_slice %arg2[%arg1, %add3A_766, %dma_start3A_770] : memref<16x64x30000xf32, #tpu.memory_space<hbm>> -> memref<1x1x30000xf32, #tpu.memory_space<hbm>>
    %dma_start3A_772 = tpu.memref_squeeze %dma_start3A_771 : memref<1x1x30000xf32, #tpu.memory_space<hbm>> -> memref<30000xf32, #tpu.memory_space<hbm>>
    tpu.enqueue_dma source(%dma_start3A_772 : memref<30000xf32, #tpu.memory_space<hbm>>) target(%arg13 : memref<30000xf32, #tpu.memory_space<vmem>>) target_semaphore(%arg18 : memref<!tpu.dma_semaphore, #tpu.memory_space<semaphore_mem>>)
    %dma_wait3A_773 = arith.constant 0 : i32
    %dma_wait3A_774 = tpu.memref_slice %arg2[%arg1, %add3A_630, %dma_wait3A_773] : memref<16x64x30000xf32, #tpu.memory_space<hbm>> -> memref<1x1x30000xf32, #tpu.memory_space<hbm>>
    %dma_wait3A_775 = tpu.memref_squeeze %dma_wait3A_774 : memref<1x1x30000xf32, #tpu.memory_space<hbm>> -> memref<30000xf32, #tpu.memory_space<hbm>>
    %dma_wait3A_776 = arith.constant 0 : i32
    %dma_wait3A_777 = tpu.memref_slice %arg2[%arg1, %add3A_630, %dma_wait3A_776] : memref<16x64x30000xf32, #tpu.memory_space<hbm>> -> memref<1x1x30000xf32, #tpu.memory_space<hbm>>
    %dma_wait3A_778 = tpu.memref_squeeze %dma_wait3A_777 : memref<1x1x30000xf32, #tpu.memory_space<hbm>> -> memref<30000xf32, #tpu.memory_space<hbm>>
    tpu.wait_dma2 semaphore(%arg16 : memref<!tpu.dma_semaphore, #tpu.memory_space<semaphore_mem>>) src(%dma_wait3A_778 : memref<30000xf32, #tpu.memory_space<hbm>>) dst(%arg11 : memref<30000xf32, #tpu.memory_space<vmem>>)
    %add3A_779 = arith.constant 9 : i32
    %add3A_780 = arith.addi %mul3A_0, %add3A_779 : i32
    %min3A_781 = arith.constant 3 : i32
    %min3A_782 = vector.broadcast %min3A_781 : i32 to vector<16xi32>
    %min3A_783 = arith.minsi %iota3A, %min3A_782 : vector<16xi32>
    %mul3A_784 = arith.constant 64 : i32
    %mul3A_785 = vector.broadcast %mul3A_784 : i32 to vector<16xi32>
    %mul3A_786 = arith.muli %min3A_783, %mul3A_785 : vector<16xi32>
    %add3A_787 = vector.broadcast %add3A_780 : i32 to vector<16xi32>
    %add3A_788 = arith.addi %add3A_787, %mul3A_786 : vector<16xi32>
    %gather3A_789 = tpu.vector_load_idx %arg8[%add3A_788] : memref<256xi32, #tpu.memory_space<vmem>>[vector<16xi32>], vector<16xi32>,
    %gather3A_790 = tpu.vector_load_idx %arg9[%add3A_788] : memref<256xf32, #tpu.memory_space<vmem>>[vector<16xi32>], vector<16xf32>,
    %gather3A_791 = tpu.vector_load_idx %arg11[%gather3A_789] : memref<30000xf32, #tpu.memory_space<vmem>>[vector<16xi32>], vector<16xf32>,
    %max3A_792 = arith.maximumf %gather3A_791, %gather3A_790 : vector<16xf32>
    %eq3A_793 = arith.constant 0 : i32
    %eq3A_794 = vector.broadcast %eq3A_793 : i32 to vector<16xi32>
    %eq3A_795 = arith.cmpi eq, %iota3A, %eq3A_794 : vector<16xi32>
    tpu.vector_store_idx %arg11[%gather3A_789], %max3A_792 masked %eq3A_795 : memref<30000xf32, #tpu.memory_space<vmem>>[vector<16xi32>], vector<16xf32>, vector<16xi1>
    %gather3A_796 = tpu.vector_load_idx %arg11[%gather3A_789] : memref<30000xf32, #tpu.memory_space<vmem>>[vector<16xi32>], vector<16xf32>,
    %max3A_797 = arith.maximumf %gather3A_796, %gather3A_790 : vector<16xf32>
    %eq3A_798 = arith.constant 1 : i32
    %eq3A_799 = vector.broadcast %eq3A_798 : i32 to vector<16xi32>
    %eq3A_800 = arith.cmpi eq, %iota3A, %eq3A_799 : vector<16xi32>
    tpu.vector_store_idx %arg11[%gather3A_789], %max3A_797 masked %eq3A_800 : memref<30000xf32, #tpu.memory_space<vmem>>[vector<16xi32>], vector<16xf32>, vector<16xi1>
    %gather3A_801 = tpu.vector_load_idx %arg11[%gather3A_789] : memref<30000xf32, #tpu.memory_space<vmem>>[vector<16xi32>], vector<16xf32>,
    %max3A_802 = arith.maximumf %gather3A_801, %gather3A_790 : vector<16xf32>
    %eq3A_803 = arith.constant 2 : i32
    %eq3A_804 = vector.broadcast %eq3A_803 : i32 to vector<16xi32>
    %eq3A_805 = arith.cmpi eq, %iota3A, %eq3A_804 : vector<16xi32>
    tpu.vector_store_idx %arg11[%gather3A_789], %max3A_802 masked %eq3A_805 : memref<30000xf32, #tpu.memory_space<vmem>>[vector<16xi32>], vector<16xf32>, vector<16xi1>
    %gather3A_806 = tpu.vector_load_idx %arg11[%gather3A_789] : memref<30000xf32, #tpu.memory_space<vmem>>[vector<16xi32>], vector<16xf32>,
    %max3A_807 = arith.maximumf %gather3A_806, %gather3A_790 : vector<16xf32>
    %eq3A_808 = arith.constant 3 : i32
    %eq3A_809 = vector.broadcast %eq3A_808 : i32 to vector<16xi32>
    %eq3A_810 = arith.cmpi eq, %iota3A, %eq3A_809 : vector<16xi32>
    tpu.vector_store_idx %arg11[%gather3A_789], %max3A_807 masked %eq3A_810 : memref<30000xf32, #tpu.memory_space<vmem>>[vector<16xi32>], vector<16xf32>, vector<16xi1>
    %get3A_811 = arith.constant 0 : index
    %get3A_812 = tpu.vector_load %arg11[%get3A_811] {strides = array<i32>} : memref<30000xf32, #tpu.memory_space<vmem>>, vector<16xf32>,
    %eq3A_813 = arith.constant 1 : i32
    %eq3A_814 = vector.broadcast %eq3A_813 : i32 to vector<16xi32>
    %eq3A_815 = arith.cmpi eq, %iota3A, %eq3A_814 : vector<16xi32>
    %jit3A_816 = arith.constant 0.000000e+00 : f32
    %broadcast_in_dim3A_817 = vector.broadcast %jit3A_816 : f32 to vector<16xf32>
    %select_n3A_818 = arith.select %eq3A_815, %broadcast_in_dim3A_817, %get3A_812 : vector<16xi1>, vector<16xf32>
    %swap3A_819 = arith.constant 0 : index
    %swap3A_820 = tpu.vector_load %arg11[%swap3A_819] {strides = array<i32>} : memref<30000xf32, #tpu.memory_space<vmem>>, vector<16xf32>,
    tpu.vector_store %arg11[%swap3A_819], %select_n3A_818 {strides = array<i32>} : memref<30000xf32, #tpu.memory_space<vmem>>, vector<16xf32>,
    %dma_start3A_821 = arith.constant 0 : i32
    %dma_start3A_822 = tpu.memref_slice %arg6[%arg1, %add3A_780, %dma_start3A_821] : memref<16x64x30000xf32, #tpu.memory_space<hbm>> -> memref<1x1x30000xf32, #tpu.memory_space<hbm>>
    %dma_start3A_823 = tpu.memref_squeeze %dma_start3A_822 : memref<1x1x30000xf32, #tpu.memory_space<hbm>> -> memref<30000xf32, #tpu.memory_space<hbm>>
    %dma_start3A_824 = arith.constant 0 : i32
    %dma_start3A_825 = tpu.memref_slice %arg6[%arg1, %add3A_780, %dma_start3A_824] : memref<16x64x30000xf32, #tpu.memory_space<hbm>> -> memref<1x1x30000xf32, #tpu.memory_space<hbm>>
    %dma_start3A_826 = tpu.memref_squeeze %dma_start3A_825 : memref<1x1x30000xf32, #tpu.memory_space<hbm>> -> memref<30000xf32, #tpu.memory_space<hbm>>
    tpu.enqueue_dma source(%arg11 : memref<30000xf32, #tpu.memory_space<vmem>>) target(%dma_start3A_826 : memref<30000xf32, #tpu.memory_space<hbm>>) target_semaphore(%arg19 : memref<!tpu.dma_semaphore, #tpu.memory_space<semaphore_mem>>)
    %dma_wait3A_827 = arith.constant 0 : i32
    %dma_wait3A_828 = tpu.memref_slice %arg6[%arg1, %add3A_780, %dma_wait3A_827] : memref<16x64x30000xf32, #tpu.memory_space<hbm>> -> memref<1x1x30000xf32, #tpu.memory_space<hbm>>
    %dma_wait3A_829 = tpu.memref_squeeze %dma_wait3A_828 : memref<1x1x30000xf32, #tpu.memory_space<hbm>> -> memref<30000xf32, #tpu.memory_space<hbm>>
    %dma_wait3A_830 = arith.constant 0 : i32
    %dma_wait3A_831 = tpu.memref_slice %arg6[%arg1, %add3A_780, %dma_wait3A_830] : memref<16x64x30000xf32, #tpu.memory_space<hbm>> -> memref<1x1x30000xf32, #tpu.memory_space<hbm>>
    %dma_wait3A_832 = tpu.memref_squeeze %dma_wait3A_831 : memref<1x1x30000xf32, #tpu.memory_space<hbm>> -> memref<30000xf32, #tpu.memory_space<hbm>>
    tpu.wait_dma2 semaphore(%arg19 : memref<!tpu.dma_semaphore, #tpu.memory_space<semaphore_mem>>) src(%arg11 : memref<30000xf32, #tpu.memory_space<vmem>>) dst(%dma_wait3A_832 : memref<30000xf32, #tpu.memory_space<hbm>>)
    %add3A_833 = arith.constant 12 : i32
    %add3A_834 = arith.addi %mul3A_0, %add3A_833 : i32
    %dma_start3A_835 = arith.constant 0 : i32
    %dma_start3A_836 = tpu.memref_slice %arg2[%arg1, %add3A_834, %dma_start3A_835] : memref<16x64x30000xf32, #tpu.memory_space<hbm>> -> memref<1x1x30000xf32, #tpu.memory_space<hbm>>
    %dma_start3A_837 = tpu.memref_squeeze %dma_start3A_836 : memref<1x1x30000xf32, #tpu.memory_space<hbm>> -> memref<30000xf32, #tpu.memory_space<hbm>>
    %dma_start3A_838 = arith.constant 0 : i32
    %dma_start3A_839 = tpu.memref_slice %arg2[%arg1, %add3A_834, %dma_start3A_838] : memref<16x64x30000xf32, #tpu.memory_space<hbm>> -> memref<1x1x30000xf32, #tpu.memory_space<hbm>>
    %dma_start3A_840 = tpu.memref_squeeze %dma_start3A_839 : memref<1x1x30000xf32, #tpu.memory_space<hbm>> -> memref<30000xf32, #tpu.memory_space<hbm>>
    tpu.enqueue_dma source(%dma_start3A_840 : memref<30000xf32, #tpu.memory_space<hbm>>) target(%arg11 : memref<30000xf32, #tpu.memory_space<vmem>>) target_semaphore(%arg16 : memref<!tpu.dma_semaphore, #tpu.memory_space<semaphore_mem>>)
    %dma_wait3A_841 = arith.constant 0 : i32
    %dma_wait3A_842 = tpu.memref_slice %arg2[%arg1, %add3A_698, %dma_wait3A_841] : memref<16x64x30000xf32, #tpu.memory_space<hbm>> -> memref<1x1x30000xf32, #tpu.memory_space<hbm>>
    %dma_wait3A_843 = tpu.memref_squeeze %dma_wait3A_842 : memref<1x1x30000xf32, #tpu.memory_space<hbm>> -> memref<30000xf32, #tpu.memory_space<hbm>>
    %dma_wait3A_844 = arith.constant 0 : i32
    %dma_wait3A_845 = tpu.memref_slice %arg2[%arg1, %add3A_698, %dma_wait3A_844] : memref<16x64x30000xf32, #tpu.memory_space<hbm>> -> memref<1x1x30000xf32, #tpu.memory_space<hbm>>
    %dma_wait3A_846 = tpu.memref_squeeze %dma_wait3A_845 : memref<1x1x30000xf32, #tpu.memory_space<hbm>> -> memref<30000xf32, #tpu.memory_space<hbm>>
    tpu.wait_dma2 semaphore(%arg17 : memref<!tpu.dma_semaphore, #tpu.memory_space<semaphore_mem>>) src(%dma_wait3A_846 : memref<30000xf32, #tpu.memory_space<hbm>>) dst(%arg12 : memref<30000xf32, #tpu.memory_space<vmem>>)
    %add3A_847 = arith.constant 10 : i32
    %add3A_848 = arith.addi %mul3A_0, %add3A_847 : i32
    %min3A_849 = arith.constant 3 : i32
    %min3A_850 = vector.broadcast %min3A_849 : i32 to vector<16xi32>
    %min3A_851 = arith.minsi %iota3A, %min3A_850 : vector<16xi32>
    %mul3A_852 = arith.constant 64 : i32
    %mul3A_853 = vector.broadcast %mul3A_852 : i32 to vector<16xi32>
    %mul3A_854 = arith.muli %min3A_851, %mul3A_853 : vector<16xi32>
    %add3A_855 = vector.broadcast %add3A_848 : i32 to vector<16xi32>
    %add3A_856 = arith.addi %add3A_855, %mul3A_854 : vector<16xi32>
    %gather3A_857 = tpu.vector_load_idx %arg8[%add3A_856] : memref<256xi32, #tpu.memory_space<vmem>>[vector<16xi32>], vector<16xi32>,
    %gather3A_858 = tpu.vector_load_idx %arg9[%add3A_856] : memref<256xf32, #tpu.memory_space<vmem>>[vector<16xi32>], vector<16xf32>,
    %gather3A_859 = tpu.vector_load_idx %arg12[%gather3A_857] : memref<30000xf32, #tpu.memory_space<vmem>>[vector<16xi32>], vector<16xf32>,
    %max3A_860 = arith.maximumf %gather3A_859, %gather3A_858 : vector<16xf32>
    %eq3A_861 = arith.constant 0 : i32
    %eq3A_862 = vector.broadcast %eq3A_861 : i32 to vector<16xi32>
    %eq3A_863 = arith.cmpi eq, %iota3A, %eq3A_862 : vector<16xi32>
    tpu.vector_store_idx %arg12[%gather3A_857], %max3A_860 masked %eq3A_863 : memref<30000xf32, #tpu.memory_space<vmem>>[vector<16xi32>], vector<16xf32>, vector<16xi1>
    %gather3A_864 = tpu.vector_load_idx %arg12[%gather3A_857] : memref<30000xf32, #tpu.memory_space<vmem>>[vector<16xi32>], vector<16xf32>,
    %max3A_865 = arith.maximumf %gather3A_864, %gather3A_858 : vector<16xf32>
    %eq3A_866 = arith.constant 1 : i32
    %eq3A_867 = vector.broadcast %eq3A_866 : i32 to vector<16xi32>
    %eq3A_868 = arith.cmpi eq, %iota3A, %eq3A_867 : vector<16xi32>
    tpu.vector_store_idx %arg12[%gather3A_857], %max3A_865 masked %eq3A_868 : memref<30000xf32, #tpu.memory_space<vmem>>[vector<16xi32>], vector<16xf32>, vector<16xi1>
    %gather3A_869 = tpu.vector_load_idx %arg12[%gather3A_857] : memref<30000xf32, #tpu.memory_space<vmem>>[vector<16xi32>], vector<16xf32>,
    %max3A_870 = arith.maximumf %gather3A_869, %gather3A_858 : vector<16xf32>
    %eq3A_871 = arith.constant 2 : i32
    %eq3A_872 = vector.broadcast %eq3A_871 : i32 to vector<16xi32>
    %eq3A_873 = arith.cmpi eq, %iota3A, %eq3A_872 : vector<16xi32>
    tpu.vector_store_idx %arg12[%gather3A_857], %max3A_870 masked %eq3A_873 : memref<30000xf32, #tpu.memory_space<vmem>>[vector<16xi32>], vector<16xf32>, vector<16xi1>
    %gather3A_874 = tpu.vector_load_idx %arg12[%gather3A_857] : memref<30000xf32, #tpu.memory_space<vmem>>[vector<16xi32>], vector<16xf32>,
    %max3A_875 = arith.maximumf %gather3A_874, %gather3A_858 : vector<16xf32>
    %eq3A_876 = arith.constant 3 : i32
    %eq3A_877 = vector.broadcast %eq3A_876 : i32 to vector<16xi32>
    %eq3A_878 = arith.cmpi eq, %iota3A, %eq3A_877 : vector<16xi32>
    tpu.vector_store_idx %arg12[%gather3A_857], %max3A_875 masked %eq3A_878 : memref<30000xf32, #tpu.memory_space<vmem>>[vector<16xi32>], vector<16xf32>, vector<16xi1>
    %get3A_879 = arith.constant 0 : index
    %get3A_880 = tpu.vector_load %arg12[%get3A_879] {strides = array<i32>} : memref<30000xf32, #tpu.memory_space<vmem>>, vector<16xf32>,
    %eq3A_881 = arith.constant 1 : i32
    %eq3A_882 = vector.broadcast %eq3A_881 : i32 to vector<16xi32>
    %eq3A_883 = arith.cmpi eq, %iota3A, %eq3A_882 : vector<16xi32>
    %jit3A_884 = arith.constant 0.000000e+00 : f32
    %broadcast_in_dim3A_885 = vector.broadcast %jit3A_884 : f32 to vector<16xf32>
    %select_n3A_886 = arith.select %eq3A_883, %broadcast_in_dim3A_885, %get3A_880 : vector<16xi1>, vector<16xf32>
    %swap3A_887 = arith.constant 0 : index
    %swap3A_888 = tpu.vector_load %arg12[%swap3A_887] {strides = array<i32>} : memref<30000xf32, #tpu.memory_space<vmem>>, vector<16xf32>,
    tpu.vector_store %arg12[%swap3A_887], %select_n3A_886 {strides = array<i32>} : memref<30000xf32, #tpu.memory_space<vmem>>, vector<16xf32>,
    %dma_start3A_889 = arith.constant 0 : i32
    %dma_start3A_890 = tpu.memref_slice %arg6[%arg1, %add3A_848, %dma_start3A_889] : memref<16x64x30000xf32, #tpu.memory_space<hbm>> -> memref<1x1x30000xf32, #tpu.memory_space<hbm>>
    %dma_start3A_891 = tpu.memref_squeeze %dma_start3A_890 : memref<1x1x30000xf32, #tpu.memory_space<hbm>> -> memref<30000xf32, #tpu.memory_space<hbm>>
    %dma_start3A_892 = arith.constant 0 : i32
    %dma_start3A_893 = tpu.memref_slice %arg6[%arg1, %add3A_848, %dma_start3A_892] : memref<16x64x30000xf32, #tpu.memory_space<hbm>> -> memref<1x1x30000xf32, #tpu.memory_space<hbm>>
    %dma_start3A_894 = tpu.memref_squeeze %dma_start3A_893 : memref<1x1x30000xf32, #tpu.memory_space<hbm>> -> memref<30000xf32, #tpu.memory_space<hbm>>
    tpu.enqueue_dma source(%arg12 : memref<30000xf32, #tpu.memory_space<vmem>>) target(%dma_start3A_894 : memref<30000xf32, #tpu.memory_space<hbm>>) target_semaphore(%arg20 : memref<!tpu.dma_semaphore, #tpu.memory_space<semaphore_mem>>)
    %dma_wait3A_895 = arith.constant 0 : i32
    %dma_wait3A_896 = tpu.memref_slice %arg6[%arg1, %add3A_848, %dma_wait3A_895] : memref<16x64x30000xf32, #tpu.memory_space<hbm>> -> memref<1x1x30000xf32, #tpu.memory_space<hbm>>
    %dma_wait3A_897 = tpu.memref_squeeze %dma_wait3A_896 : memref<1x1x30000xf32, #tpu.memory_space<hbm>> -> memref<30000xf32, #tpu.memory_space<hbm>>
    %dma_wait3A_898 = arith.constant 0 : i32
    %dma_wait3A_899 = tpu.memref_slice %arg6[%arg1, %add3A_848, %dma_wait3A_898] : memref<16x64x30000xf32, #tpu.memory_space<hbm>> -> memref<1x1x30000xf32, #tpu.memory_space<hbm>>
    %dma_wait3A_900 = tpu.memref_squeeze %dma_wait3A_899 : memref<1x1x30000xf32, #tpu.memory_space<hbm>> -> memref<30000xf32, #tpu.memory_space<hbm>>
    tpu.wait_dma2 semaphore(%arg20 : memref<!tpu.dma_semaphore, #tpu.memory_space<semaphore_mem>>) src(%arg12 : memref<30000xf32, #tpu.memory_space<vmem>>) dst(%dma_wait3A_900 : memref<30000xf32, #tpu.memory_space<hbm>>)
    %add3A_901 = arith.constant 13 : i32
    %add3A_902 = arith.addi %mul3A_0, %add3A_901 : i32
    %dma_start3A_903 = arith.constant 0 : i32
    %dma_start3A_904 = tpu.memref_slice %arg2[%arg1, %add3A_902, %dma_start3A_903] : memref<16x64x30000xf32, #tpu.memory_space<hbm>> -> memref<1x1x30000xf32, #tpu.memory_space<hbm>>
    %dma_start3A_905 = tpu.memref_squeeze %dma_start3A_904 : memref<1x1x30000xf32, #tpu.memory_space<hbm>> -> memref<30000xf32, #tpu.memory_space<hbm>>
    %dma_start3A_906 = arith.constant 0 : i32
    %dma_start3A_907 = tpu.memref_slice %arg2[%arg1, %add3A_902, %dma_start3A_906] : memref<16x64x30000xf32, #tpu.memory_space<hbm>> -> memref<1x1x30000xf32, #tpu.memory_space<hbm>>
    %dma_start3A_908 = tpu.memref_squeeze %dma_start3A_907 : memref<1x1x30000xf32, #tpu.memory_space<hbm>> -> memref<30000xf32, #tpu.memory_space<hbm>>
    tpu.enqueue_dma source(%dma_start3A_908 : memref<30000xf32, #tpu.memory_space<hbm>>) target(%arg12 : memref<30000xf32, #tpu.memory_space<vmem>>) target_semaphore(%arg17 : memref<!tpu.dma_semaphore, #tpu.memory_space<semaphore_mem>>)
    %dma_wait3A_909 = arith.constant 0 : i32
    %dma_wait3A_910 = tpu.memref_slice %arg2[%arg1, %add3A_766, %dma_wait3A_909] : memref<16x64x30000xf32, #tpu.memory_space<hbm>> -> memref<1x1x30000xf32, #tpu.memory_space<hbm>>
    %dma_wait3A_911 = tpu.memref_squeeze %dma_wait3A_910 : memref<1x1x30000xf32, #tpu.memory_space<hbm>> -> memref<30000xf32, #tpu.memory_space<hbm>>
    %dma_wait3A_912 = arith.constant 0 : i32
    %dma_wait3A_913 = tpu.memref_slice %arg2[%arg1, %add3A_766, %dma_wait3A_912] : memref<16x64x30000xf32, #tpu.memory_space<hbm>> -> memref<1x1x30000xf32, #tpu.memory_space<hbm>>
    %dma_wait3A_914 = tpu.memref_squeeze %dma_wait3A_913 : memref<1x1x30000xf32, #tpu.memory_space<hbm>> -> memref<30000xf32, #tpu.memory_space<hbm>>
    tpu.wait_dma2 semaphore(%arg18 : memref<!tpu.dma_semaphore, #tpu.memory_space<semaphore_mem>>) src(%dma_wait3A_914 : memref<30000xf32, #tpu.memory_space<hbm>>) dst(%arg13 : memref<30000xf32, #tpu.memory_space<vmem>>)
    %add3A_915 = arith.constant 11 : i32
    %add3A_916 = arith.addi %mul3A_0, %add3A_915 : i32
    %min3A_917 = arith.constant 3 : i32
    %min3A_918 = vector.broadcast %min3A_917 : i32 to vector<16xi32>
    %min3A_919 = arith.minsi %iota3A, %min3A_918 : vector<16xi32>
    %mul3A_920 = arith.constant 64 : i32
    %mul3A_921 = vector.broadcast %mul3A_920 : i32 to vector<16xi32>
    %mul3A_922 = arith.muli %min3A_919, %mul3A_921 : vector<16xi32>
    %add3A_923 = vector.broadcast %add3A_916 : i32 to vector<16xi32>
    %add3A_924 = arith.addi %add3A_923, %mul3A_922 : vector<16xi32>
    %gather3A_925 = tpu.vector_load_idx %arg8[%add3A_924] : memref<256xi32, #tpu.memory_space<vmem>>[vector<16xi32>], vector<16xi32>,
    %gather3A_926 = tpu.vector_load_idx %arg9[%add3A_924] : memref<256xf32, #tpu.memory_space<vmem>>[vector<16xi32>], vector<16xf32>,
    %gather3A_927 = tpu.vector_load_idx %arg13[%gather3A_925] : memref<30000xf32, #tpu.memory_space<vmem>>[vector<16xi32>], vector<16xf32>,
    %max3A_928 = arith.maximumf %gather3A_927, %gather3A_926 : vector<16xf32>
    %eq3A_929 = arith.constant 0 : i32
    %eq3A_930 = vector.broadcast %eq3A_929 : i32 to vector<16xi32>
    %eq3A_931 = arith.cmpi eq, %iota3A, %eq3A_930 : vector<16xi32>
    tpu.vector_store_idx %arg13[%gather3A_925], %max3A_928 masked %eq3A_931 : memref<30000xf32, #tpu.memory_space<vmem>>[vector<16xi32>], vector<16xf32>, vector<16xi1>
    %gather3A_932 = tpu.vector_load_idx %arg13[%gather3A_925] : memref<30000xf32, #tpu.memory_space<vmem>>[vector<16xi32>], vector<16xf32>,
    %max3A_933 = arith.maximumf %gather3A_932, %gather3A_926 : vector<16xf32>
    %eq3A_934 = arith.constant 1 : i32
    %eq3A_935 = vector.broadcast %eq3A_934 : i32 to vector<16xi32>
    %eq3A_936 = arith.cmpi eq, %iota3A, %eq3A_935 : vector<16xi32>
    tpu.vector_store_idx %arg13[%gather3A_925], %max3A_933 masked %eq3A_936 : memref<30000xf32, #tpu.memory_space<vmem>>[vector<16xi32>], vector<16xf32>, vector<16xi1>
    %gather3A_937 = tpu.vector_load_idx %arg13[%gather3A_925] : memref<30000xf32, #tpu.memory_space<vmem>>[vector<16xi32>], vector<16xf32>,
    %max3A_938 = arith.maximumf %gather3A_937, %gather3A_926 : vector<16xf32>
    %eq3A_939 = arith.constant 2 : i32
    %eq3A_940 = vector.broadcast %eq3A_939 : i32 to vector<16xi32>
    %eq3A_941 = arith.cmpi eq, %iota3A, %eq3A_940 : vector<16xi32>
    tpu.vector_store_idx %arg13[%gather3A_925], %max3A_938 masked %eq3A_941 : memref<30000xf32, #tpu.memory_space<vmem>>[vector<16xi32>], vector<16xf32>, vector<16xi1>
    %gather3A_942 = tpu.vector_load_idx %arg13[%gather3A_925] : memref<30000xf32, #tpu.memory_space<vmem>>[vector<16xi32>], vector<16xf32>,
    %max3A_943 = arith.maximumf %gather3A_942, %gather3A_926 : vector<16xf32>
    %eq3A_944 = arith.constant 3 : i32
    %eq3A_945 = vector.broadcast %eq3A_944 : i32 to vector<16xi32>
    %eq3A_946 = arith.cmpi eq, %iota3A, %eq3A_945 : vector<16xi32>
    tpu.vector_store_idx %arg13[%gather3A_925], %max3A_943 masked %eq3A_946 : memref<30000xf32, #tpu.memory_space<vmem>>[vector<16xi32>], vector<16xf32>, vector<16xi1>
    %get3A_947 = arith.constant 0 : index
    %get3A_948 = tpu.vector_load %arg13[%get3A_947] {strides = array<i32>} : memref<30000xf32, #tpu.memory_space<vmem>>, vector<16xf32>,
    %eq3A_949 = arith.constant 1 : i32
    %eq3A_950 = vector.broadcast %eq3A_949 : i32 to vector<16xi32>
    %eq3A_951 = arith.cmpi eq, %iota3A, %eq3A_950 : vector<16xi32>
    %jit3A_952 = arith.constant 0.000000e+00 : f32
    %broadcast_in_dim3A_953 = vector.broadcast %jit3A_952 : f32 to vector<16xf32>
    %select_n3A_954 = arith.select %eq3A_951, %broadcast_in_dim3A_953, %get3A_948 : vector<16xi1>, vector<16xf32>
    %swap3A_955 = arith.constant 0 : index
    %swap3A_956 = tpu.vector_load %arg13[%swap3A_955] {strides = array<i32>} : memref<30000xf32, #tpu.memory_space<vmem>>, vector<16xf32>,
    tpu.vector_store %arg13[%swap3A_955], %select_n3A_954 {strides = array<i32>} : memref<30000xf32, #tpu.memory_space<vmem>>, vector<16xf32>,
    %dma_start3A_957 = arith.constant 0 : i32
    %dma_start3A_958 = tpu.memref_slice %arg6[%arg1, %add3A_916, %dma_start3A_957] : memref<16x64x30000xf32, #tpu.memory_space<hbm>> -> memref<1x1x30000xf32, #tpu.memory_space<hbm>>
    %dma_start3A_959 = tpu.memref_squeeze %dma_start3A_958 : memref<1x1x30000xf32, #tpu.memory_space<hbm>> -> memref<30000xf32, #tpu.memory_space<hbm>>
    %dma_start3A_960 = arith.constant 0 : i32
    %dma_start3A_961 = tpu.memref_slice %arg6[%arg1, %add3A_916, %dma_start3A_960] : memref<16x64x30000xf32, #tpu.memory_space<hbm>> -> memref<1x1x30000xf32, #tpu.memory_space<hbm>>
    %dma_start3A_962 = tpu.memref_squeeze %dma_start3A_961 : memref<1x1x30000xf32, #tpu.memory_space<hbm>> -> memref<30000xf32, #tpu.memory_space<hbm>>
    tpu.enqueue_dma source(%arg13 : memref<30000xf32, #tpu.memory_space<vmem>>) target(%dma_start3A_962 : memref<30000xf32, #tpu.memory_space<hbm>>) target_semaphore(%arg21 : memref<!tpu.dma_semaphore, #tpu.memory_space<semaphore_mem>>)
    %dma_wait3A_963 = arith.constant 0 : i32
    %dma_wait3A_964 = tpu.memref_slice %arg6[%arg1, %add3A_916, %dma_wait3A_963] : memref<16x64x30000xf32, #tpu.memory_space<hbm>> -> memref<1x1x30000xf32, #tpu.memory_space<hbm>>
    %dma_wait3A_965 = tpu.memref_squeeze %dma_wait3A_964 : memref<1x1x30000xf32, #tpu.memory_space<hbm>> -> memref<30000xf32, #tpu.memory_space<hbm>>
    %dma_wait3A_966 = arith.constant 0 : i32
    %dma_wait3A_967 = tpu.memref_slice %arg6[%arg1, %add3A_916, %dma_wait3A_966] : memref<16x64x30000xf32, #tpu.memory_space<hbm>> -> memref<1x1x30000xf32, #tpu.memory_space<hbm>>
    %dma_wait3A_968 = tpu.memref_squeeze %dma_wait3A_967 : memref<1x1x30000xf32, #tpu.memory_space<hbm>> -> memref<30000xf32, #tpu.memory_space<hbm>>
    tpu.wait_dma2 semaphore(%arg21 : memref<!tpu.dma_semaphore, #tpu.memory_space<semaphore_mem>>) src(%arg13 : memref<30000xf32, #tpu.memory_space<vmem>>) dst(%dma_wait3A_968 : memref<30000xf32, #tpu.memory_space<hbm>>)
    %add3A_969 = arith.constant 14 : i32
    %add3A_970 = arith.addi %mul3A_0, %add3A_969 : i32
    %dma_start3A_971 = arith.constant 0 : i32
    %dma_start3A_972 = tpu.memref_slice %arg2[%arg1, %add3A_970, %dma_start3A_971] : memref<16x64x30000xf32, #tpu.memory_space<hbm>> -> memref<1x1x30000xf32, #tpu.memory_space<hbm>>
    %dma_start3A_973 = tpu.memref_squeeze %dma_start3A_972 : memref<1x1x30000xf32, #tpu.memory_space<hbm>> -> memref<30000xf32, #tpu.memory_space<hbm>>
    %dma_start3A_974 = arith.constant 0 : i32
    %dma_start3A_975 = tpu.memref_slice %arg2[%arg1, %add3A_970, %dma_start3A_974] : memref<16x64x30000xf32, #tpu.memory_space<hbm>> -> memref<1x1x30000xf32, #tpu.memory_space<hbm>>
    %dma_start3A_976 = tpu.memref_squeeze %dma_start3A_975 : memref<1x1x30000xf32, #tpu.memory_space<hbm>> -> memref<30000xf32, #tpu.memory_space<hbm>>
    tpu.enqueue_dma source(%dma_start3A_976 : memref<30000xf32, #tpu.memory_space<hbm>>) target(%arg13 : memref<30000xf32, #tpu.memory_space<vmem>>) target_semaphore(%arg18 : memref<!tpu.dma_semaphore, #tpu.memory_space<semaphore_mem>>)
    %dma_wait3A_977 = arith.constant 0 : i32
    %dma_wait3A_978 = tpu.memref_slice %arg2[%arg1, %add3A_834, %dma_wait3A_977] : memref<16x64x30000xf32, #tpu.memory_space<hbm>> -> memref<1x1x30000xf32, #tpu.memory_space<hbm>>
    %dma_wait3A_979 = tpu.memref_squeeze %dma_wait3A_978 : memref<1x1x30000xf32, #tpu.memory_space<hbm>> -> memref<30000xf32, #tpu.memory_space<hbm>>
    %dma_wait3A_980 = arith.constant 0 : i32
    %dma_wait3A_981 = tpu.memref_slice %arg2[%arg1, %add3A_834, %dma_wait3A_980] : memref<16x64x30000xf32, #tpu.memory_space<hbm>> -> memref<1x1x30000xf32, #tpu.memory_space<hbm>>
    %dma_wait3A_982 = tpu.memref_squeeze %dma_wait3A_981 : memref<1x1x30000xf32, #tpu.memory_space<hbm>> -> memref<30000xf32, #tpu.memory_space<hbm>>
    tpu.wait_dma2 semaphore(%arg16 : memref<!tpu.dma_semaphore, #tpu.memory_space<semaphore_mem>>) src(%dma_wait3A_982 : memref<30000xf32, #tpu.memory_space<hbm>>) dst(%arg11 : memref<30000xf32, #tpu.memory_space<vmem>>)
    %add3A_983 = arith.constant 12 : i32
    %add3A_984 = arith.addi %mul3A_0, %add3A_983 : i32
    %min3A_985 = arith.constant 3 : i32
    %min3A_986 = vector.broadcast %min3A_985 : i32 to vector<16xi32>
    %min3A_987 = arith.minsi %iota3A, %min3A_986 : vector<16xi32>
    %mul3A_988 = arith.constant 64 : i32
    %mul3A_989 = vector.broadcast %mul3A_988 : i32 to vector<16xi32>
    %mul3A_990 = arith.muli %min3A_987, %mul3A_989 : vector<16xi32>
    %add3A_991 = vector.broadcast %add3A_984 : i32 to vector<16xi32>
    %add3A_992 = arith.addi %add3A_991, %mul3A_990 : vector<16xi32>
    %gather3A_993 = tpu.vector_load_idx %arg8[%add3A_992] : memref<256xi32, #tpu.memory_space<vmem>>[vector<16xi32>], vector<16xi32>,
    %gather3A_994 = tpu.vector_load_idx %arg9[%add3A_992] : memref<256xf32, #tpu.memory_space<vmem>>[vector<16xi32>], vector<16xf32>,
    %gather3A_995 = tpu.vector_load_idx %arg11[%gather3A_993] : memref<30000xf32, #tpu.memory_space<vmem>>[vector<16xi32>], vector<16xf32>,
    %max3A_996 = arith.maximumf %gather3A_995, %gather3A_994 : vector<16xf32>
    %eq3A_997 = arith.constant 0 : i32
    %eq3A_998 = vector.broadcast %eq3A_997 : i32 to vector<16xi32>
    %eq3A_999 = arith.cmpi eq, %iota3A, %eq3A_998 : vector<16xi32>
    tpu.vector_store_idx %arg11[%gather3A_993], %max3A_996 masked %eq3A_999 : memref<30000xf32, #tpu.memory_space<vmem>>[vector<16xi32>], vector<16xf32>, vector<16xi1>
    %gather3A_1000 = tpu.vector_load_idx %arg11[%gather3A_993] : memref<30000xf32, #tpu.memory_space<vmem>>[vector<16xi32>], vector<16xf32>,
    %max3A_1001 = arith.maximumf %gather3A_1000, %gather3A_994 : vector<16xf32>
    %eq3A_1002 = arith.constant 1 : i32
    %eq3A_1003 = vector.broadcast %eq3A_1002 : i32 to vector<16xi32>
    %eq3A_1004 = arith.cmpi eq, %iota3A, %eq3A_1003 : vector<16xi32>
    tpu.vector_store_idx %arg11[%gather3A_993], %max3A_1001 masked %eq3A_1004 : memref<30000xf32, #tpu.memory_space<vmem>>[vector<16xi32>], vector<16xf32>, vector<16xi1>
    %gather3A_1005 = tpu.vector_load_idx %arg11[%gather3A_993] : memref<30000xf32, #tpu.memory_space<vmem>>[vector<16xi32>], vector<16xf32>,
    %max3A_1006 = arith.maximumf %gather3A_1005, %gather3A_994 : vector<16xf32>
    %eq3A_1007 = arith.constant 2 : i32
    %eq3A_1008 = vector.broadcast %eq3A_1007 : i32 to vector<16xi32>
    %eq3A_1009 = arith.cmpi eq, %iota3A, %eq3A_1008 : vector<16xi32>
    tpu.vector_store_idx %arg11[%gather3A_993], %max3A_1006 masked %eq3A_1009 : memref<30000xf32, #tpu.memory_space<vmem>>[vector<16xi32>], vector<16xf32>, vector<16xi1>
    %gather3A_1010 = tpu.vector_load_idx %arg11[%gather3A_993] : memref<30000xf32, #tpu.memory_space<vmem>>[vector<16xi32>], vector<16xf32>,
    %max3A_1011 = arith.maximumf %gather3A_1010, %gather3A_994 : vector<16xf32>
    %eq3A_1012 = arith.constant 3 : i32
    %eq3A_1013 = vector.broadcast %eq3A_1012 : i32 to vector<16xi32>
    %eq3A_1014 = arith.cmpi eq, %iota3A, %eq3A_1013 : vector<16xi32>
    tpu.vector_store_idx %arg11[%gather3A_993], %max3A_1011 masked %eq3A_1014 : memref<30000xf32, #tpu.memory_space<vmem>>[vector<16xi32>], vector<16xf32>, vector<16xi1>
    %get3A_1015 = arith.constant 0 : index
    %get3A_1016 = tpu.vector_load %arg11[%get3A_1015] {strides = array<i32>} : memref<30000xf32, #tpu.memory_space<vmem>>, vector<16xf32>,
    %eq3A_1017 = arith.constant 1 : i32
    %eq3A_1018 = vector.broadcast %eq3A_1017 : i32 to vector<16xi32>
    %eq3A_1019 = arith.cmpi eq, %iota3A, %eq3A_1018 : vector<16xi32>
    %jit3A_1020 = arith.constant 0.000000e+00 : f32
    %broadcast_in_dim3A_1021 = vector.broadcast %jit3A_1020 : f32 to vector<16xf32>
    %select_n3A_1022 = arith.select %eq3A_1019, %broadcast_in_dim3A_1021, %get3A_1016 : vector<16xi1>, vector<16xf32>
    %swap3A_1023 = arith.constant 0 : index
    %swap3A_1024 = tpu.vector_load %arg11[%swap3A_1023] {strides = array<i32>} : memref<30000xf32, #tpu.memory_space<vmem>>, vector<16xf32>,
    tpu.vector_store %arg11[%swap3A_1023], %select_n3A_1022 {strides = array<i32>} : memref<30000xf32, #tpu.memory_space<vmem>>, vector<16xf32>,
    %dma_start3A_1025 = arith.constant 0 : i32
    %dma_start3A_1026 = tpu.memref_slice %arg6[%arg1, %add3A_984, %dma_start3A_1025] : memref<16x64x30000xf32, #tpu.memory_space<hbm>> -> memref<1x1x30000xf32, #tpu.memory_space<hbm>>
    %dma_start3A_1027 = tpu.memref_squeeze %dma_start3A_1026 : memref<1x1x30000xf32, #tpu.memory_space<hbm>> -> memref<30000xf32, #tpu.memory_space<hbm>>
    %dma_start3A_1028 = arith.constant 0 : i32
    %dma_start3A_1029 = tpu.memref_slice %arg6[%arg1, %add3A_984, %dma_start3A_1028] : memref<16x64x30000xf32, #tpu.memory_space<hbm>> -> memref<1x1x30000xf32, #tpu.memory_space<hbm>>
    %dma_start3A_1030 = tpu.memref_squeeze %dma_start3A_1029 : memref<1x1x30000xf32, #tpu.memory_space<hbm>> -> memref<30000xf32, #tpu.memory_space<hbm>>
    tpu.enqueue_dma source(%arg11 : memref<30000xf32, #tpu.memory_space<vmem>>) target(%dma_start3A_1030 : memref<30000xf32, #tpu.memory_space<hbm>>) target_semaphore(%arg19 : memref<!tpu.dma_semaphore, #tpu.memory_space<semaphore_mem>>)
    %dma_wait3A_1031 = arith.constant 0 : i32
    %dma_wait3A_1032 = tpu.memref_slice %arg6[%arg1, %add3A_984, %dma_wait3A_1031] : memref<16x64x30000xf32, #tpu.memory_space<hbm>> -> memref<1x1x30000xf32, #tpu.memory_space<hbm>>
    %dma_wait3A_1033 = tpu.memref_squeeze %dma_wait3A_1032 : memref<1x1x30000xf32, #tpu.memory_space<hbm>> -> memref<30000xf32, #tpu.memory_space<hbm>>
    %dma_wait3A_1034 = arith.constant 0 : i32
    %dma_wait3A_1035 = tpu.memref_slice %arg6[%arg1, %add3A_984, %dma_wait3A_1034] : memref<16x64x30000xf32, #tpu.memory_space<hbm>> -> memref<1x1x30000xf32, #tpu.memory_space<hbm>>
    %dma_wait3A_1036 = tpu.memref_squeeze %dma_wait3A_1035 : memref<1x1x30000xf32, #tpu.memory_space<hbm>> -> memref<30000xf32, #tpu.memory_space<hbm>>
    tpu.wait_dma2 semaphore(%arg19 : memref<!tpu.dma_semaphore, #tpu.memory_space<semaphore_mem>>) src(%arg11 : memref<30000xf32, #tpu.memory_space<vmem>>) dst(%dma_wait3A_1036 : memref<30000xf32, #tpu.memory_space<hbm>>)
    %add3A_1037 = arith.constant 15 : i32
    %add3A_1038 = arith.addi %mul3A_0, %add3A_1037 : i32
    %dma_start3A_1039 = arith.constant 0 : i32
    %dma_start3A_1040 = tpu.memref_slice %arg2[%arg1, %add3A_1038, %dma_start3A_1039] : memref<16x64x30000xf32, #tpu.memory_space<hbm>> -> memref<1x1x30000xf32, #tpu.memory_space<hbm>>
    %dma_start3A_1041 = tpu.memref_squeeze %dma_start3A_1040 : memref<1x1x30000xf32, #tpu.memory_space<hbm>> -> memref<30000xf32, #tpu.memory_space<hbm>>
    %dma_start3A_1042 = arith.constant 0 : i32
    %dma_start3A_1043 = tpu.memref_slice %arg2[%arg1, %add3A_1038, %dma_start3A_1042] : memref<16x64x30000xf32, #tpu.memory_space<hbm>> -> memref<1x1x30000xf32, #tpu.memory_space<hbm>>
    %dma_start3A_1044 = tpu.memref_squeeze %dma_start3A_1043 : memref<1x1x30000xf32, #tpu.memory_space<hbm>> -> memref<30000xf32, #tpu.memory_space<hbm>>
    tpu.enqueue_dma source(%dma_start3A_1044 : memref<30000xf32, #tpu.memory_space<hbm>>) target(%arg11 : memref<30000xf32, #tpu.memory_space<vmem>>) target_semaphore(%arg16 : memref<!tpu.dma_semaphore, #tpu.memory_space<semaphore_mem>>)
    %dma_wait3A_1045 = arith.constant 0 : i32
    %dma_wait3A_1046 = tpu.memref_slice %arg2[%arg1, %add3A_902, %dma_wait3A_1045] : memref<16x64x30000xf32, #tpu.memory_space<hbm>> -> memref<1x1x30000xf32, #tpu.memory_space<hbm>>
    %dma_wait3A_1047 = tpu.memref_squeeze %dma_wait3A_1046 : memref<1x1x30000xf32, #tpu.memory_space<hbm>> -> memref<30000xf32, #tpu.memory_space<hbm>>
    %dma_wait3A_1048 = arith.constant 0 : i32
    %dma_wait3A_1049 = tpu.memref_slice %arg2[%arg1, %add3A_902, %dma_wait3A_1048] : memref<16x64x30000xf32, #tpu.memory_space<hbm>> -> memref<1x1x30000xf32, #tpu.memory_space<hbm>>
    %dma_wait3A_1050 = tpu.memref_squeeze %dma_wait3A_1049 : memref<1x1x30000xf32, #tpu.memory_space<hbm>> -> memref<30000xf32, #tpu.memory_space<hbm>>
    tpu.wait_dma2 semaphore(%arg17 : memref<!tpu.dma_semaphore, #tpu.memory_space<semaphore_mem>>) src(%dma_wait3A_1050 : memref<30000xf32, #tpu.memory_space<hbm>>) dst(%arg12 : memref<30000xf32, #tpu.memory_space<vmem>>)
    %add3A_1051 = arith.constant 13 : i32
    %add3A_1052 = arith.addi %mul3A_0, %add3A_1051 : i32
    %min3A_1053 = arith.constant 3 : i32
    %min3A_1054 = vector.broadcast %min3A_1053 : i32 to vector<16xi32>
    %min3A_1055 = arith.minsi %iota3A, %min3A_1054 : vector<16xi32>
    %mul3A_1056 = arith.constant 64 : i32
    %mul3A_1057 = vector.broadcast %mul3A_1056 : i32 to vector<16xi32>
    %mul3A_1058 = arith.muli %min3A_1055, %mul3A_1057 : vector<16xi32>
    %add3A_1059 = vector.broadcast %add3A_1052 : i32 to vector<16xi32>
    %add3A_1060 = arith.addi %add3A_1059, %mul3A_1058 : vector<16xi32>
    %gather3A_1061 = tpu.vector_load_idx %arg8[%add3A_1060] : memref<256xi32, #tpu.memory_space<vmem>>[vector<16xi32>], vector<16xi32>,
    %gather3A_1062 = tpu.vector_load_idx %arg9[%add3A_1060] : memref<256xf32, #tpu.memory_space<vmem>>[vector<16xi32>], vector<16xf32>,
    %gather3A_1063 = tpu.vector_load_idx %arg12[%gather3A_1061] : memref<30000xf32, #tpu.memory_space<vmem>>[vector<16xi32>], vector<16xf32>,
    %max3A_1064 = arith.maximumf %gather3A_1063, %gather3A_1062 : vector<16xf32>
    %eq3A_1065 = arith.constant 0 : i32
    %eq3A_1066 = vector.broadcast %eq3A_1065 : i32 to vector<16xi32>
    %eq3A_1067 = arith.cmpi eq, %iota3A, %eq3A_1066 : vector<16xi32>
    tpu.vector_store_idx %arg12[%gather3A_1061], %max3A_1064 masked %eq3A_1067 : memref<30000xf32, #tpu.memory_space<vmem>>[vector<16xi32>], vector<16xf32>, vector<16xi1>
    %gather3A_1068 = tpu.vector_load_idx %arg12[%gather3A_1061] : memref<30000xf32, #tpu.memory_space<vmem>>[vector<16xi32>], vector<16xf32>,
    %max3A_1069 = arith.maximumf %gather3A_1068, %gather3A_1062 : vector<16xf32>
    %eq3A_1070 = arith.constant 1 : i32
    %eq3A_1071 = vector.broadcast %eq3A_1070 : i32 to vector<16xi32>
    %eq3A_1072 = arith.cmpi eq, %iota3A, %eq3A_1071 : vector<16xi32>
    tpu.vector_store_idx %arg12[%gather3A_1061], %max3A_1069 masked %eq3A_1072 : memref<30000xf32, #tpu.memory_space<vmem>>[vector<16xi32>], vector<16xf32>, vector<16xi1>
    %gather3A_1073 = tpu.vector_load_idx %arg12[%gather3A_1061] : memref<30000xf32, #tpu.memory_space<vmem>>[vector<16xi32>], vector<16xf32>,
    %max3A_1074 = arith.maximumf %gather3A_1073, %gather3A_1062 : vector<16xf32>
    %eq3A_1075 = arith.constant 2 : i32
    %eq3A_1076 = vector.broadcast %eq3A_1075 : i32 to vector<16xi32>
    %eq3A_1077 = arith.cmpi eq, %iota3A, %eq3A_1076 : vector<16xi32>
    tpu.vector_store_idx %arg12[%gather3A_1061], %max3A_1074 masked %eq3A_1077 : memref<30000xf32, #tpu.memory_space<vmem>>[vector<16xi32>], vector<16xf32>, vector<16xi1>
    %gather3A_1078 = tpu.vector_load_idx %arg12[%gather3A_1061] : memref<30000xf32, #tpu.memory_space<vmem>>[vector<16xi32>], vector<16xf32>,
    %max3A_1079 = arith.maximumf %gather3A_1078, %gather3A_1062 : vector<16xf32>
    %eq3A_1080 = arith.constant 3 : i32
    %eq3A_1081 = vector.broadcast %eq3A_1080 : i32 to vector<16xi32>
    %eq3A_1082 = arith.cmpi eq, %iota3A, %eq3A_1081 : vector<16xi32>
    tpu.vector_store_idx %arg12[%gather3A_1061], %max3A_1079 masked %eq3A_1082 : memref<30000xf32, #tpu.memory_space<vmem>>[vector<16xi32>], vector<16xf32>, vector<16xi1>
    %get3A_1083 = arith.constant 0 : index
    %get3A_1084 = tpu.vector_load %arg12[%get3A_1083] {strides = array<i32>} : memref<30000xf32, #tpu.memory_space<vmem>>, vector<16xf32>,
    %eq3A_1085 = arith.constant 1 : i32
    %eq3A_1086 = vector.broadcast %eq3A_1085 : i32 to vector<16xi32>
    %eq3A_1087 = arith.cmpi eq, %iota3A, %eq3A_1086 : vector<16xi32>
    %jit3A_1088 = arith.constant 0.000000e+00 : f32
    %broadcast_in_dim3A_1089 = vector.broadcast %jit3A_1088 : f32 to vector<16xf32>
    %select_n3A_1090 = arith.select %eq3A_1087, %broadcast_in_dim3A_1089, %get3A_1084 : vector<16xi1>, vector<16xf32>
    %swap3A_1091 = arith.constant 0 : index
    %swap3A_1092 = tpu.vector_load %arg12[%swap3A_1091] {strides = array<i32>} : memref<30000xf32, #tpu.memory_space<vmem>>, vector<16xf32>,
    tpu.vector_store %arg12[%swap3A_1091], %select_n3A_1090 {strides = array<i32>} : memref<30000xf32, #tpu.memory_space<vmem>>, vector<16xf32>,
    %dma_start3A_1093 = arith.constant 0 : i32
    %dma_start3A_1094 = tpu.memref_slice %arg6[%arg1, %add3A_1052, %dma_start3A_1093] : memref<16x64x30000xf32, #tpu.memory_space<hbm>> -> memref<1x1x30000xf32, #tpu.memory_space<hbm>>
    %dma_start3A_1095 = tpu.memref_squeeze %dma_start3A_1094 : memref<1x1x30000xf32, #tpu.memory_space<hbm>> -> memref<30000xf32, #tpu.memory_space<hbm>>
    %dma_start3A_1096 = arith.constant 0 : i32
    %dma_start3A_1097 = tpu.memref_slice %arg6[%arg1, %add3A_1052, %dma_start3A_1096] : memref<16x64x30000xf32, #tpu.memory_space<hbm>> -> memref<1x1x30000xf32, #tpu.memory_space<hbm>>
    %dma_start3A_1098 = tpu.memref_squeeze %dma_start3A_1097 : memref<1x1x30000xf32, #tpu.memory_space<hbm>> -> memref<30000xf32, #tpu.memory_space<hbm>>
    tpu.enqueue_dma source(%arg12 : memref<30000xf32, #tpu.memory_space<vmem>>) target(%dma_start3A_1098 : memref<30000xf32, #tpu.memory_space<hbm>>) target_semaphore(%arg20 : memref<!tpu.dma_semaphore, #tpu.memory_space<semaphore_mem>>)
    %dma_wait3A_1099 = arith.constant 0 : i32
    %dma_wait3A_1100 = tpu.memref_slice %arg6[%arg1, %add3A_1052, %dma_wait3A_1099] : memref<16x64x30000xf32, #tpu.memory_space<hbm>> -> memref<1x1x30000xf32, #tpu.memory_space<hbm>>
    %dma_wait3A_1101 = tpu.memref_squeeze %dma_wait3A_1100 : memref<1x1x30000xf32, #tpu.memory_space<hbm>> -> memref<30000xf32, #tpu.memory_space<hbm>>
    %dma_wait3A_1102 = arith.constant 0 : i32
    %dma_wait3A_1103 = tpu.memref_slice %arg6[%arg1, %add3A_1052, %dma_wait3A_1102] : memref<16x64x30000xf32, #tpu.memory_space<hbm>> -> memref<1x1x30000xf32, #tpu.memory_space<hbm>>
    %dma_wait3A_1104 = tpu.memref_squeeze %dma_wait3A_1103 : memref<1x1x30000xf32, #tpu.memory_space<hbm>> -> memref<30000xf32, #tpu.memory_space<hbm>>
    tpu.wait_dma2 semaphore(%arg20 : memref<!tpu.dma_semaphore, #tpu.memory_space<semaphore_mem>>) src(%arg12 : memref<30000xf32, #tpu.memory_space<vmem>>) dst(%dma_wait3A_1104 : memref<30000xf32, #tpu.memory_space<hbm>>)
    %add3A_1105 = arith.constant 16 : i32
    %add3A_1106 = arith.addi %mul3A_0, %add3A_1105 : i32
    %dma_start3A_1107 = arith.constant 0 : i32
    %dma_start3A_1108 = tpu.memref_slice %arg2[%arg1, %add3A_1106, %dma_start3A_1107] : memref<16x64x30000xf32, #tpu.memory_space<hbm>> -> memref<1x1x30000xf32, #tpu.memory_space<hbm>>
    %dma_start3A_1109 = tpu.memref_squeeze %dma_start3A_1108 : memref<1x1x30000xf32, #tpu.memory_space<hbm>> -> memref<30000xf32, #tpu.memory_space<hbm>>
    %dma_start3A_1110 = arith.constant 0 : i32
    %dma_start3A_1111 = tpu.memref_slice %arg2[%arg1, %add3A_1106, %dma_start3A_1110] : memref<16x64x30000xf32, #tpu.memory_space<hbm>> -> memref<1x1x30000xf32, #tpu.memory_space<hbm>>
    %dma_start3A_1112 = tpu.memref_squeeze %dma_start3A_1111 : memref<1x1x30000xf32, #tpu.memory_space<hbm>> -> memref<30000xf32, #tpu.memory_space<hbm>>
    tpu.enqueue_dma source(%dma_start3A_1112 : memref<30000xf32, #tpu.memory_space<hbm>>) target(%arg12 : memref<30000xf32, #tpu.memory_space<vmem>>) target_semaphore(%arg17 : memref<!tpu.dma_semaphore, #tpu.memory_space<semaphore_mem>>)
    %dma_wait3A_1113 = arith.constant 0 : i32
    %dma_wait3A_1114 = tpu.memref_slice %arg2[%arg1, %add3A_970, %dma_wait3A_1113] : memref<16x64x30000xf32, #tpu.memory_space<hbm>> -> memref<1x1x30000xf32, #tpu.memory_space<hbm>>
    %dma_wait3A_1115 = tpu.memref_squeeze %dma_wait3A_1114 : memref<1x1x30000xf32, #tpu.memory_space<hbm>> -> memref<30000xf32, #tpu.memory_space<hbm>>
    %dma_wait3A_1116 = arith.constant 0 : i32
    %dma_wait3A_1117 = tpu.memref_slice %arg2[%arg1, %add3A_970, %dma_wait3A_1116] : memref<16x64x30000xf32, #tpu.memory_space<hbm>> -> memref<1x1x30000xf32, #tpu.memory_space<hbm>>
    %dma_wait3A_1118 = tpu.memref_squeeze %dma_wait3A_1117 : memref<1x1x30000xf32, #tpu.memory_space<hbm>> -> memref<30000xf32, #tpu.memory_space<hbm>>
    tpu.wait_dma2 semaphore(%arg18 : memref<!tpu.dma_semaphore, #tpu.memory_space<semaphore_mem>>) src(%dma_wait3A_1118 : memref<30000xf32, #tpu.memory_space<hbm>>) dst(%arg13 : memref<30000xf32, #tpu.memory_space<vmem>>)
    %add3A_1119 = arith.constant 14 : i32
    %add3A_1120 = arith.addi %mul3A_0, %add3A_1119 : i32
    %min3A_1121 = arith.constant 3 : i32
    %min3A_1122 = vector.broadcast %min3A_1121 : i32 to vector<16xi32>
    %min3A_1123 = arith.minsi %iota3A, %min3A_1122 : vector<16xi32>
    %mul3A_1124 = arith.constant 64 : i32
    %mul3A_1125 = vector.broadcast %mul3A_1124 : i32 to vector<16xi32>
    %mul3A_1126 = arith.muli %min3A_1123, %mul3A_1125 : vector<16xi32>
    %add3A_1127 = vector.broadcast %add3A_1120 : i32 to vector<16xi32>
    %add3A_1128 = arith.addi %add3A_1127, %mul3A_1126 : vector<16xi32>
    %gather3A_1129 = tpu.vector_load_idx %arg8[%add3A_1128] : memref<256xi32, #tpu.memory_space<vmem>>[vector<16xi32>], vector<16xi32>,
    %gather3A_1130 = tpu.vector_load_idx %arg9[%add3A_1128] : memref<256xf32, #tpu.memory_space<vmem>>[vector<16xi32>], vector<16xf32>,
    %gather3A_1131 = tpu.vector_load_idx %arg13[%gather3A_1129] : memref<30000xf32, #tpu.memory_space<vmem>>[vector<16xi32>], vector<16xf32>,
    %max3A_1132 = arith.maximumf %gather3A_1131, %gather3A_1130 : vector<16xf32>
    %eq3A_1133 = arith.constant 0 : i32
    %eq3A_1134 = vector.broadcast %eq3A_1133 : i32 to vector<16xi32>
    %eq3A_1135 = arith.cmpi eq, %iota3A, %eq3A_1134 : vector<16xi32>
    tpu.vector_store_idx %arg13[%gather3A_1129], %max3A_1132 masked %eq3A_1135 : memref<30000xf32, #tpu.memory_space<vmem>>[vector<16xi32>], vector<16xf32>, vector<16xi1>
    %gather3A_1136 = tpu.vector_load_idx %arg13[%gather3A_1129] : memref<30000xf32, #tpu.memory_space<vmem>>[vector<16xi32>], vector<16xf32>,
    %max3A_1137 = arith.maximumf %gather3A_1136, %gather3A_1130 : vector<16xf32>
    %eq3A_1138 = arith.constant 1 : i32
    %eq3A_1139 = vector.broadcast %eq3A_1138 : i32 to vector<16xi32>
    %eq3A_1140 = arith.cmpi eq, %iota3A, %eq3A_1139 : vector<16xi32>
    tpu.vector_store_idx %arg13[%gather3A_1129], %max3A_1137 masked %eq3A_1140 : memref<30000xf32, #tpu.memory_space<vmem>>[vector<16xi32>], vector<16xf32>, vector<16xi1>
    %gather3A_1141 = tpu.vector_load_idx %arg13[%gather3A_1129] : memref<30000xf32, #tpu.memory_space<vmem>>[vector<16xi32>], vector<16xf32>,
    %max3A_1142 = arith.maximumf %gather3A_1141, %gather3A_1130 : vector<16xf32>
    %eq3A_1143 = arith.constant 2 : i32
    %eq3A_1144 = vector.broadcast %eq3A_1143 : i32 to vector<16xi32>
    %eq3A_1145 = arith.cmpi eq, %iota3A, %eq3A_1144 : vector<16xi32>
    tpu.vector_store_idx %arg13[%gather3A_1129], %max3A_1142 masked %eq3A_1145 : memref<30000xf32, #tpu.memory_space<vmem>>[vector<16xi32>], vector<16xf32>, vector<16xi1>
    %gather3A_1146 = tpu.vector_load_idx %arg13[%gather3A_1129] : memref<30000xf32, #tpu.memory_space<vmem>>[vector<16xi32>], vector<16xf32>,
    %max3A_1147 = arith.maximumf %gather3A_1146, %gather3A_1130 : vector<16xf32>
    %eq3A_1148 = arith.constant 3 : i32
    %eq3A_1149 = vector.broadcast %eq3A_1148 : i32 to vector<16xi32>
    %eq3A_1150 = arith.cmpi eq, %iota3A, %eq3A_1149 : vector<16xi32>
    tpu.vector_store_idx %arg13[%gather3A_1129], %max3A_1147 masked %eq3A_1150 : memref<30000xf32, #tpu.memory_space<vmem>>[vector<16xi32>], vector<16xf32>, vector<16xi1>
    %get3A_1151 = arith.constant 0 : index
    %get3A_1152 = tpu.vector_load %arg13[%get3A_1151] {strides = array<i32>} : memref<30000xf32, #tpu.memory_space<vmem>>, vector<16xf32>,
    %eq3A_1153 = arith.constant 1 : i32
    %eq3A_1154 = vector.broadcast %eq3A_1153 : i32 to vector<16xi32>
    %eq3A_1155 = arith.cmpi eq, %iota3A, %eq3A_1154 : vector<16xi32>
    %jit3A_1156 = arith.constant 0.000000e+00 : f32
    %broadcast_in_dim3A_1157 = vector.broadcast %jit3A_1156 : f32 to vector<16xf32>
    %select_n3A_1158 = arith.select %eq3A_1155, %broadcast_in_dim3A_1157, %get3A_1152 : vector<16xi1>, vector<16xf32>
    %swap3A_1159 = arith.constant 0 : index
    %swap3A_1160 = tpu.vector_load %arg13[%swap3A_1159] {strides = array<i32>} : memref<30000xf32, #tpu.memory_space<vmem>>, vector<16xf32>,
    tpu.vector_store %arg13[%swap3A_1159], %select_n3A_1158 {strides = array<i32>} : memref<30000xf32, #tpu.memory_space<vmem>>, vector<16xf32>,
    %dma_start3A_1161 = arith.constant 0 : i32
    %dma_start3A_1162 = tpu.memref_slice %arg6[%arg1, %add3A_1120, %dma_start3A_1161] : memref<16x64x30000xf32, #tpu.memory_space<hbm>> -> memref<1x1x30000xf32, #tpu.memory_space<hbm>>
    %dma_start3A_1163 = tpu.memref_squeeze %dma_start3A_1162 : memref<1x1x30000xf32, #tpu.memory_space<hbm>> -> memref<30000xf32, #tpu.memory_space<hbm>>
    %dma_start3A_1164 = arith.constant 0 : i32
    %dma_start3A_1165 = tpu.memref_slice %arg6[%arg1, %add3A_1120, %dma_start3A_1164] : memref<16x64x30000xf32, #tpu.memory_space<hbm>> -> memref<1x1x30000xf32, #tpu.memory_space<hbm>>
    %dma_start3A_1166 = tpu.memref_squeeze %dma_start3A_1165 : memref<1x1x30000xf32, #tpu.memory_space<hbm>> -> memref<30000xf32, #tpu.memory_space<hbm>>
    tpu.enqueue_dma source(%arg13 : memref<30000xf32, #tpu.memory_space<vmem>>) target(%dma_start3A_1166 : memref<30000xf32, #tpu.memory_space<hbm>>) target_semaphore(%arg21 : memref<!tpu.dma_semaphore, #tpu.memory_space<semaphore_mem>>)
    %dma_wait3A_1167 = arith.constant 0 : i32
    %dma_wait3A_1168 = tpu.memref_slice %arg6[%arg1, %add3A_1120, %dma_wait3A_1167] : memref<16x64x30000xf32, #tpu.memory_space<hbm>> -> memref<1x1x30000xf32, #tpu.memory_space<hbm>>
    %dma_wait3A_1169 = tpu.memref_squeeze %dma_wait3A_1168 : memref<1x1x30000xf32, #tpu.memory_space<hbm>> -> memref<30000xf32, #tpu.memory_space<hbm>>
    %dma_wait3A_1170 = arith.constant 0 : i32
    %dma_wait3A_1171 = tpu.memref_slice %arg6[%arg1, %add3A_1120, %dma_wait3A_1170] : memref<16x64x30000xf32, #tpu.memory_space<hbm>> -> memref<1x1x30000xf32, #tpu.memory_space<hbm>>
    %dma_wait3A_1172 = tpu.memref_squeeze %dma_wait3A_1171 : memref<1x1x30000xf32, #tpu.memory_space<hbm>> -> memref<30000xf32, #tpu.memory_space<hbm>>
    tpu.wait_dma2 semaphore(%arg21 : memref<!tpu.dma_semaphore, #tpu.memory_space<semaphore_mem>>) src(%arg13 : memref<30000xf32, #tpu.memory_space<vmem>>) dst(%dma_wait3A_1172 : memref<30000xf32, #tpu.memory_space<hbm>>)
    %add3A_1173 = arith.constant 17 : i32
    %add3A_1174 = arith.addi %mul3A_0, %add3A_1173 : i32
    %dma_start3A_1175 = arith.constant 0 : i32
    %dma_start3A_1176 = tpu.memref_slice %arg2[%arg1, %add3A_1174, %dma_start3A_1175] : memref<16x64x30000xf32, #tpu.memory_space<hbm>> -> memref<1x1x30000xf32, #tpu.memory_space<hbm>>
    %dma_start3A_1177 = tpu.memref_squeeze %dma_start3A_1176 : memref<1x1x30000xf32, #tpu.memory_space<hbm>> -> memref<30000xf32, #tpu.memory_space<hbm>>
    %dma_start3A_1178 = arith.constant 0 : i32
    %dma_start3A_1179 = tpu.memref_slice %arg2[%arg1, %add3A_1174, %dma_start3A_1178] : memref<16x64x30000xf32, #tpu.memory_space<hbm>> -> memref<1x1x30000xf32, #tpu.memory_space<hbm>>
    %dma_start3A_1180 = tpu.memref_squeeze %dma_start3A_1179 : memref<1x1x30000xf32, #tpu.memory_space<hbm>> -> memref<30000xf32, #tpu.memory_space<hbm>>
    tpu.enqueue_dma source(%dma_start3A_1180 : memref<30000xf32, #tpu.memory_space<hbm>>) target(%arg13 : memref<30000xf32, #tpu.memory_space<vmem>>) target_semaphore(%arg18 : memref<!tpu.dma_semaphore, #tpu.memory_space<semaphore_mem>>)
    %dma_wait3A_1181 = arith.constant 0 : i32
    %dma_wait3A_1182 = tpu.memref_slice %arg2[%arg1, %add3A_1038, %dma_wait3A_1181] : memref<16x64x30000xf32, #tpu.memory_space<hbm>> -> memref<1x1x30000xf32, #tpu.memory_space<hbm>>
    %dma_wait3A_1183 = tpu.memref_squeeze %dma_wait3A_1182 : memref<1x1x30000xf32, #tpu.memory_space<hbm>> -> memref<30000xf32, #tpu.memory_space<hbm>>
    %dma_wait3A_1184 = arith.constant 0 : i32
    %dma_wait3A_1185 = tpu.memref_slice %arg2[%arg1, %add3A_1038, %dma_wait3A_1184] : memref<16x64x30000xf32, #tpu.memory_space<hbm>> -> memref<1x1x30000xf32, #tpu.memory_space<hbm>>
    %dma_wait3A_1186 = tpu.memref_squeeze %dma_wait3A_1185 : memref<1x1x30000xf32, #tpu.memory_space<hbm>> -> memref<30000xf32, #tpu.memory_space<hbm>>
    tpu.wait_dma2 semaphore(%arg16 : memref<!tpu.dma_semaphore, #tpu.memory_space<semaphore_mem>>) src(%dma_wait3A_1186 : memref<30000xf32, #tpu.memory_space<hbm>>) dst(%arg11 : memref<30000xf32, #tpu.memory_space<vmem>>)
    %add3A_1187 = arith.constant 15 : i32
    %add3A_1188 = arith.addi %mul3A_0, %add3A_1187 : i32
    %min3A_1189 = arith.constant 3 : i32
    %min3A_1190 = vector.broadcast %min3A_1189 : i32 to vector<16xi32>
    %min3A_1191 = arith.minsi %iota3A, %min3A_1190 : vector<16xi32>
    %mul3A_1192 = arith.constant 64 : i32
    %mul3A_1193 = vector.broadcast %mul3A_1192 : i32 to vector<16xi32>
    %mul3A_1194 = arith.muli %min3A_1191, %mul3A_1193 : vector<16xi32>
    %add3A_1195 = vector.broadcast %add3A_1188 : i32 to vector<16xi32>
    %add3A_1196 = arith.addi %add3A_1195, %mul3A_1194 : vector<16xi32>
    %gather3A_1197 = tpu.vector_load_idx %arg8[%add3A_1196] : memref<256xi32, #tpu.memory_space<vmem>>[vector<16xi32>], vector<16xi32>,
    %gather3A_1198 = tpu.vector_load_idx %arg9[%add3A_1196] : memref<256xf32, #tpu.memory_space<vmem>>[vector<16xi32>], vector<16xf32>,
    %gather3A_1199 = tpu.vector_load_idx %arg11[%gather3A_1197] : memref<30000xf32, #tpu.memory_space<vmem>>[vector<16xi32>], vector<16xf32>,
    %max3A_1200 = arith.maximumf %gather3A_1199, %gather3A_1198 : vector<16xf32>
    %eq3A_1201 = arith.constant 0 : i32
    %eq3A_1202 = vector.broadcast %eq3A_1201 : i32 to vector<16xi32>
    %eq3A_1203 = arith.cmpi eq, %iota3A, %eq3A_1202 : vector<16xi32>
    tpu.vector_store_idx %arg11[%gather3A_1197], %max3A_1200 masked %eq3A_1203 : memref<30000xf32, #tpu.memory_space<vmem>>[vector<16xi32>], vector<16xf32>, vector<16xi1>
    %gather3A_1204 = tpu.vector_load_idx %arg11[%gather3A_1197] : memref<30000xf32, #tpu.memory_space<vmem>>[vector<16xi32>], vector<16xf32>,
    %max3A_1205 = arith.maximumf %gather3A_1204, %gather3A_1198 : vector<16xf32>
    %eq3A_1206 = arith.constant 1 : i32
    %eq3A_1207 = vector.broadcast %eq3A_1206 : i32 to vector<16xi32>
    %eq3A_1208 = arith.cmpi eq, %iota3A, %eq3A_1207 : vector<16xi32>
    tpu.vector_store_idx %arg11[%gather3A_1197], %max3A_1205 masked %eq3A_1208 : memref<30000xf32, #tpu.memory_space<vmem>>[vector<16xi32>], vector<16xf32>, vector<16xi1>
    %gather3A_1209 = tpu.vector_load_idx %arg11[%gather3A_1197] : memref<30000xf32, #tpu.memory_space<vmem>>[vector<16xi32>], vector<16xf32>,
    %max3A_1210 = arith.maximumf %gather3A_1209, %gather3A_1198 : vector<16xf32>
    %eq3A_1211 = arith.constant 2 : i32
    %eq3A_1212 = vector.broadcast %eq3A_1211 : i32 to vector<16xi32>
    %eq3A_1213 = arith.cmpi eq, %iota3A, %eq3A_1212 : vector<16xi32>
    tpu.vector_store_idx %arg11[%gather3A_1197], %max3A_1210 masked %eq3A_1213 : memref<30000xf32, #tpu.memory_space<vmem>>[vector<16xi32>], vector<16xf32>, vector<16xi1>
    %gather3A_1214 = tpu.vector_load_idx %arg11[%gather3A_1197] : memref<30000xf32, #tpu.memory_space<vmem>>[vector<16xi32>], vector<16xf32>,
    %max3A_1215 = arith.maximumf %gather3A_1214, %gather3A_1198 : vector<16xf32>
    %eq3A_1216 = arith.constant 3 : i32
    %eq3A_1217 = vector.broadcast %eq3A_1216 : i32 to vector<16xi32>
    %eq3A_1218 = arith.cmpi eq, %iota3A, %eq3A_1217 : vector<16xi32>
    tpu.vector_store_idx %arg11[%gather3A_1197], %max3A_1215 masked %eq3A_1218 : memref<30000xf32, #tpu.memory_space<vmem>>[vector<16xi32>], vector<16xf32>, vector<16xi1>
    %get3A_1219 = arith.constant 0 : index
    %get3A_1220 = tpu.vector_load %arg11[%get3A_1219] {strides = array<i32>} : memref<30000xf32, #tpu.memory_space<vmem>>, vector<16xf32>,
    %eq3A_1221 = arith.constant 1 : i32
    %eq3A_1222 = vector.broadcast %eq3A_1221 : i32 to vector<16xi32>
    %eq3A_1223 = arith.cmpi eq, %iota3A, %eq3A_1222 : vector<16xi32>
    %jit3A_1224 = arith.constant 0.000000e+00 : f32
    %broadcast_in_dim3A_1225 = vector.broadcast %jit3A_1224 : f32 to vector<16xf32>
    %select_n3A_1226 = arith.select %eq3A_1223, %broadcast_in_dim3A_1225, %get3A_1220 : vector<16xi1>, vector<16xf32>
    %swap3A_1227 = arith.constant 0 : index
    %swap3A_1228 = tpu.vector_load %arg11[%swap3A_1227] {strides = array<i32>} : memref<30000xf32, #tpu.memory_space<vmem>>, vector<16xf32>,
    tpu.vector_store %arg11[%swap3A_1227], %select_n3A_1226 {strides = array<i32>} : memref<30000xf32, #tpu.memory_space<vmem>>, vector<16xf32>,
    %dma_start3A_1229 = arith.constant 0 : i32
    %dma_start3A_1230 = tpu.memref_slice %arg6[%arg1, %add3A_1188, %dma_start3A_1229] : memref<16x64x30000xf32, #tpu.memory_space<hbm>> -> memref<1x1x30000xf32, #tpu.memory_space<hbm>>
    %dma_start3A_1231 = tpu.memref_squeeze %dma_start3A_1230 : memref<1x1x30000xf32, #tpu.memory_space<hbm>> -> memref<30000xf32, #tpu.memory_space<hbm>>
    %dma_start3A_1232 = arith.constant 0 : i32
    %dma_start3A_1233 = tpu.memref_slice %arg6[%arg1, %add3A_1188, %dma_start3A_1232] : memref<16x64x30000xf32, #tpu.memory_space<hbm>> -> memref<1x1x30000xf32, #tpu.memory_space<hbm>>
    %dma_start3A_1234 = tpu.memref_squeeze %dma_start3A_1233 : memref<1x1x30000xf32, #tpu.memory_space<hbm>> -> memref<30000xf32, #tpu.memory_space<hbm>>
    tpu.enqueue_dma source(%arg11 : memref<30000xf32, #tpu.memory_space<vmem>>) target(%dma_start3A_1234 : memref<30000xf32, #tpu.memory_space<hbm>>) target_semaphore(%arg19 : memref<!tpu.dma_semaphore, #tpu.memory_space<semaphore_mem>>)
    %dma_wait3A_1235 = arith.constant 0 : i32
    %dma_wait3A_1236 = tpu.memref_slice %arg6[%arg1, %add3A_1188, %dma_wait3A_1235] : memref<16x64x30000xf32, #tpu.memory_space<hbm>> -> memref<1x1x30000xf32, #tpu.memory_space<hbm>>
    %dma_wait3A_1237 = tpu.memref_squeeze %dma_wait3A_1236 : memref<1x1x30000xf32, #tpu.memory_space<hbm>> -> memref<30000xf32, #tpu.memory_space<hbm>>
    %dma_wait3A_1238 = arith.constant 0 : i32
    %dma_wait3A_1239 = tpu.memref_slice %arg6[%arg1, %add3A_1188, %dma_wait3A_1238] : memref<16x64x30000xf32, #tpu.memory_space<hbm>> -> memref<1x1x30000xf32, #tpu.memory_space<hbm>>
    %dma_wait3A_1240 = tpu.memref_squeeze %dma_wait3A_1239 : memref<1x1x30000xf32, #tpu.memory_space<hbm>> -> memref<30000xf32, #tpu.memory_space<hbm>>
    tpu.wait_dma2 semaphore(%arg19 : memref<!tpu.dma_semaphore, #tpu.memory_space<semaphore_mem>>) src(%arg11 : memref<30000xf32, #tpu.memory_space<vmem>>) dst(%dma_wait3A_1240 : memref<30000xf32, #tpu.memory_space<hbm>>)
    %add3A_1241 = arith.constant 18 : i32
    %add3A_1242 = arith.addi %mul3A_0, %add3A_1241 : i32
    %dma_start3A_1243 = arith.constant 0 : i32
    %dma_start3A_1244 = tpu.memref_slice %arg2[%arg1, %add3A_1242, %dma_start3A_1243] : memref<16x64x30000xf32, #tpu.memory_space<hbm>> -> memref<1x1x30000xf32, #tpu.memory_space<hbm>>
    %dma_start3A_1245 = tpu.memref_squeeze %dma_start3A_1244 : memref<1x1x30000xf32, #tpu.memory_space<hbm>> -> memref<30000xf32, #tpu.memory_space<hbm>>
    %dma_start3A_1246 = arith.constant 0 : i32
    %dma_start3A_1247 = tpu.memref_slice %arg2[%arg1, %add3A_1242, %dma_start3A_1246] : memref<16x64x30000xf32, #tpu.memory_space<hbm>> -> memref<1x1x30000xf32, #tpu.memory_space<hbm>>
    %dma_start3A_1248 = tpu.memref_squeeze %dma_start3A_1247 : memref<1x1x30000xf32, #tpu.memory_space<hbm>> -> memref<30000xf32, #tpu.memory_space<hbm>>
    tpu.enqueue_dma source(%dma_start3A_1248 : memref<30000xf32, #tpu.memory_space<hbm>>) target(%arg11 : memref<30000xf32, #tpu.memory_space<vmem>>) target_semaphore(%arg16 : memref<!tpu.dma_semaphore, #tpu.memory_space<semaphore_mem>>)
    %dma_wait3A_1249 = arith.constant 0 : i32
    %dma_wait3A_1250 = tpu.memref_slice %arg2[%arg1, %add3A_1106, %dma_wait3A_1249] : memref<16x64x30000xf32, #tpu.memory_space<hbm>> -> memref<1x1x30000xf32, #tpu.memory_space<hbm>>
    %dma_wait3A_1251 = tpu.memref_squeeze %dma_wait3A_1250 : memref<1x1x30000xf32, #tpu.memory_space<hbm>> -> memref<30000xf32, #tpu.memory_space<hbm>>
    %dma_wait3A_1252 = arith.constant 0 : i32
    %dma_wait3A_1253 = tpu.memref_slice %arg2[%arg1, %add3A_1106, %dma_wait3A_1252] : memref<16x64x30000xf32, #tpu.memory_space<hbm>> -> memref<1x1x30000xf32, #tpu.memory_space<hbm>>
    %dma_wait3A_1254 = tpu.memref_squeeze %dma_wait3A_1253 : memref<1x1x30000xf32, #tpu.memory_space<hbm>> -> memref<30000xf32, #tpu.memory_space<hbm>>
    tpu.wait_dma2 semaphore(%arg17 : memref<!tpu.dma_semaphore, #tpu.memory_space<semaphore_mem>>) src(%dma_wait3A_1254 : memref<30000xf32, #tpu.memory_space<hbm>>) dst(%arg12 : memref<30000xf32, #tpu.memory_space<vmem>>)
    %add3A_1255 = arith.constant 16 : i32
    %add3A_1256 = arith.addi %mul3A_0, %add3A_1255 : i32
    %min3A_1257 = arith.constant 3 : i32
    %min3A_1258 = vector.broadcast %min3A_1257 : i32 to vector<16xi32>
    %min3A_1259 = arith.minsi %iota3A, %min3A_1258 : vector<16xi32>
    %mul3A_1260 = arith.constant 64 : i32
    %mul3A_1261 = vector.broadcast %mul3A_1260 : i32 to vector<16xi32>
    %mul3A_1262 = arith.muli %min3A_1259, %mul3A_1261 : vector<16xi32>
    %add3A_1263 = vector.broadcast %add3A_1256 : i32 to vector<16xi32>
    %add3A_1264 = arith.addi %add3A_1263, %mul3A_1262 : vector<16xi32>
    %gather3A_1265 = tpu.vector_load_idx %arg8[%add3A_1264] : memref<256xi32, #tpu.memory_space<vmem>>[vector<16xi32>], vector<16xi32>,
    %gather3A_1266 = tpu.vector_load_idx %arg9[%add3A_1264] : memref<256xf32, #tpu.memory_space<vmem>>[vector<16xi32>], vector<16xf32>,
    %gather3A_1267 = tpu.vector_load_idx %arg12[%gather3A_1265] : memref<30000xf32, #tpu.memory_space<vmem>>[vector<16xi32>], vector<16xf32>,
    %max3A_1268 = arith.maximumf %gather3A_1267, %gather3A_1266 : vector<16xf32>
    %eq3A_1269 = arith.constant 0 : i32
    %eq3A_1270 = vector.broadcast %eq3A_1269 : i32 to vector<16xi32>
    %eq3A_1271 = arith.cmpi eq, %iota3A, %eq3A_1270 : vector<16xi32>
    tpu.vector_store_idx %arg12[%gather3A_1265], %max3A_1268 masked %eq3A_1271 : memref<30000xf32, #tpu.memory_space<vmem>>[vector<16xi32>], vector<16xf32>, vector<16xi1>
    %gather3A_1272 = tpu.vector_load_idx %arg12[%gather3A_1265] : memref<30000xf32, #tpu.memory_space<vmem>>[vector<16xi32>], vector<16xf32>,
    %max3A_1273 = arith.maximumf %gather3A_1272, %gather3A_1266 : vector<16xf32>
    %eq3A_1274 = arith.constant 1 : i32
    %eq3A_1275 = vector.broadcast %eq3A_1274 : i32 to vector<16xi32>
    %eq3A_1276 = arith.cmpi eq, %iota3A, %eq3A_1275 : vector<16xi32>
    tpu.vector_store_idx %arg12[%gather3A_1265], %max3A_1273 masked %eq3A_1276 : memref<30000xf32, #tpu.memory_space<vmem>>[vector<16xi32>], vector<16xf32>, vector<16xi1>
    %gather3A_1277 = tpu.vector_load_idx %arg12[%gather3A_1265] : memref<30000xf32, #tpu.memory_space<vmem>>[vector<16xi32>], vector<16xf32>,
    %max3A_1278 = arith.maximumf %gather3A_1277, %gather3A_1266 : vector<16xf32>
    %eq3A_1279 = arith.constant 2 : i32
    %eq3A_1280 = vector.broadcast %eq3A_1279 : i32 to vector<16xi32>
    %eq3A_1281 = arith.cmpi eq, %iota3A, %eq3A_1280 : vector<16xi32>
    tpu.vector_store_idx %arg12[%gather3A_1265], %max3A_1278 masked %eq3A_1281 : memref<30000xf32, #tpu.memory_space<vmem>>[vector<16xi32>], vector<16xf32>, vector<16xi1>
    %gather3A_1282 = tpu.vector_load_idx %arg12[%gather3A_1265] : memref<30000xf32, #tpu.memory_space<vmem>>[vector<16xi32>], vector<16xf32>,
    %max3A_1283 = arith.maximumf %gather3A_1282, %gather3A_1266 : vector<16xf32>
    %eq3A_1284 = arith.constant 3 : i32
    %eq3A_1285 = vector.broadcast %eq3A_1284 : i32 to vector<16xi32>
    %eq3A_1286 = arith.cmpi eq, %iota3A, %eq3A_1285 : vector<16xi32>
    tpu.vector_store_idx %arg12[%gather3A_1265], %max3A_1283 masked %eq3A_1286 : memref<30000xf32, #tpu.memory_space<vmem>>[vector<16xi32>], vector<16xf32>, vector<16xi1>
    %get3A_1287 = arith.constant 0 : index
    %get3A_1288 = tpu.vector_load %arg12[%get3A_1287] {strides = array<i32>} : memref<30000xf32, #tpu.memory_space<vmem>>, vector<16xf32>,
    %eq3A_1289 = arith.constant 1 : i32
    %eq3A_1290 = vector.broadcast %eq3A_1289 : i32 to vector<16xi32>
    %eq3A_1291 = arith.cmpi eq, %iota3A, %eq3A_1290 : vector<16xi32>
    %jit3A_1292 = arith.constant 0.000000e+00 : f32
    %broadcast_in_dim3A_1293 = vector.broadcast %jit3A_1292 : f32 to vector<16xf32>
    %select_n3A_1294 = arith.select %eq3A_1291, %broadcast_in_dim3A_1293, %get3A_1288 : vector<16xi1>, vector<16xf32>
    %swap3A_1295 = arith.constant 0 : index
    %swap3A_1296 = tpu.vector_load %arg12[%swap3A_1295] {strides = array<i32>} : memref<30000xf32, #tpu.memory_space<vmem>>, vector<16xf32>,
    tpu.vector_store %arg12[%swap3A_1295], %select_n3A_1294 {strides = array<i32>} : memref<30000xf32, #tpu.memory_space<vmem>>, vector<16xf32>,
    %dma_start3A_1297 = arith.constant 0 : i32
    %dma_start3A_1298 = tpu.memref_slice %arg6[%arg1, %add3A_1256, %dma_start3A_1297] : memref<16x64x30000xf32, #tpu.memory_space<hbm>> -> memref<1x1x30000xf32, #tpu.memory_space<hbm>>
    %dma_start3A_1299 = tpu.memref_squeeze %dma_start3A_1298 : memref<1x1x30000xf32, #tpu.memory_space<hbm>> -> memref<30000xf32, #tpu.memory_space<hbm>>
    %dma_start3A_1300 = arith.constant 0 : i32
    %dma_start3A_1301 = tpu.memref_slice %arg6[%arg1, %add3A_1256, %dma_start3A_1300] : memref<16x64x30000xf32, #tpu.memory_space<hbm>> -> memref<1x1x30000xf32, #tpu.memory_space<hbm>>
    %dma_start3A_1302 = tpu.memref_squeeze %dma_start3A_1301 : memref<1x1x30000xf32, #tpu.memory_space<hbm>> -> memref<30000xf32, #tpu.memory_space<hbm>>
    tpu.enqueue_dma source(%arg12 : memref<30000xf32, #tpu.memory_space<vmem>>) target(%dma_start3A_1302 : memref<30000xf32, #tpu.memory_space<hbm>>) target_semaphore(%arg20 : memref<!tpu.dma_semaphore, #tpu.memory_space<semaphore_mem>>)
    %dma_wait3A_1303 = arith.constant 0 : i32
    %dma_wait3A_1304 = tpu.memref_slice %arg6[%arg1, %add3A_1256, %dma_wait3A_1303] : memref<16x64x30000xf32, #tpu.memory_space<hbm>> -> memref<1x1x30000xf32, #tpu.memory_space<hbm>>
    %dma_wait3A_1305 = tpu.memref_squeeze %dma_wait3A_1304 : memref<1x1x30000xf32, #tpu.memory_space<hbm>> -> memref<30000xf32, #tpu.memory_space<hbm>>
    %dma_wait3A_1306 = arith.constant 0 : i32
    %dma_wait3A_1307 = tpu.memref_slice %arg6[%arg1, %add3A_1256, %dma_wait3A_1306] : memref<16x64x30000xf32, #tpu.memory_space<hbm>> -> memref<1x1x30000xf32, #tpu.memory_space<hbm>>
    %dma_wait3A_1308 = tpu.memref_squeeze %dma_wait3A_1307 : memref<1x1x30000xf32, #tpu.memory_space<hbm>> -> memref<30000xf32, #tpu.memory_space<hbm>>
    tpu.wait_dma2 semaphore(%arg20 : memref<!tpu.dma_semaphore, #tpu.memory_space<semaphore_mem>>) src(%arg12 : memref<30000xf32, #tpu.memory_space<vmem>>) dst(%dma_wait3A_1308 : memref<30000xf32, #tpu.memory_space<hbm>>)
    %add3A_1309 = arith.constant 19 : i32
    %add3A_1310 = arith.addi %mul3A_0, %add3A_1309 : i32
    %dma_start3A_1311 = arith.constant 0 : i32
    %dma_start3A_1312 = tpu.memref_slice %arg2[%arg1, %add3A_1310, %dma_start3A_1311] : memref<16x64x30000xf32, #tpu.memory_space<hbm>> -> memref<1x1x30000xf32, #tpu.memory_space<hbm>>
    %dma_start3A_1313 = tpu.memref_squeeze %dma_start3A_1312 : memref<1x1x30000xf32, #tpu.memory_space<hbm>> -> memref<30000xf32, #tpu.memory_space<hbm>>
    %dma_start3A_1314 = arith.constant 0 : i32
    %dma_start3A_1315 = tpu.memref_slice %arg2[%arg1, %add3A_1310, %dma_start3A_1314] : memref<16x64x30000xf32, #tpu.memory_space<hbm>> -> memref<1x1x30000xf32, #tpu.memory_space<hbm>>
    %dma_start3A_1316 = tpu.memref_squeeze %dma_start3A_1315 : memref<1x1x30000xf32, #tpu.memory_space<hbm>> -> memref<30000xf32, #tpu.memory_space<hbm>>
    tpu.enqueue_dma source(%dma_start3A_1316 : memref<30000xf32, #tpu.memory_space<hbm>>) target(%arg12 : memref<30000xf32, #tpu.memory_space<vmem>>) target_semaphore(%arg17 : memref<!tpu.dma_semaphore, #tpu.memory_space<semaphore_mem>>)
    %dma_wait3A_1317 = arith.constant 0 : i32
    %dma_wait3A_1318 = tpu.memref_slice %arg2[%arg1, %add3A_1174, %dma_wait3A_1317] : memref<16x64x30000xf32, #tpu.memory_space<hbm>> -> memref<1x1x30000xf32, #tpu.memory_space<hbm>>
    %dma_wait3A_1319 = tpu.memref_squeeze %dma_wait3A_1318 : memref<1x1x30000xf32, #tpu.memory_space<hbm>> -> memref<30000xf32, #tpu.memory_space<hbm>>
    %dma_wait3A_1320 = arith.constant 0 : i32
    %dma_wait3A_1321 = tpu.memref_slice %arg2[%arg1, %add3A_1174, %dma_wait3A_1320] : memref<16x64x30000xf32, #tpu.memory_space<hbm>> -> memref<1x1x30000xf32, #tpu.memory_space<hbm>>
    %dma_wait3A_1322 = tpu.memref_squeeze %dma_wait3A_1321 : memref<1x1x30000xf32, #tpu.memory_space<hbm>> -> memref<30000xf32, #tpu.memory_space<hbm>>
    tpu.wait_dma2 semaphore(%arg18 : memref<!tpu.dma_semaphore, #tpu.memory_space<semaphore_mem>>) src(%dma_wait3A_1322 : memref<30000xf32, #tpu.memory_space<hbm>>) dst(%arg13 : memref<30000xf32, #tpu.memory_space<vmem>>)
    %add3A_1323 = arith.constant 17 : i32
    %add3A_1324 = arith.addi %mul3A_0, %add3A_1323 : i32
    %min3A_1325 = arith.constant 3 : i32
    %min3A_1326 = vector.broadcast %min3A_1325 : i32 to vector<16xi32>
    %min3A_1327 = arith.minsi %iota3A, %min3A_1326 : vector<16xi32>
    %mul3A_1328 = arith.constant 64 : i32
    %mul3A_1329 = vector.broadcast %mul3A_1328 : i32 to vector<16xi32>
    %mul3A_1330 = arith.muli %min3A_1327, %mul3A_1329 : vector<16xi32>
    %add3A_1331 = vector.broadcast %add3A_1324 : i32 to vector<16xi32>
    %add3A_1332 = arith.addi %add3A_1331, %mul3A_1330 : vector<16xi32>
    %gather3A_1333 = tpu.vector_load_idx %arg8[%add3A_1332] : memref<256xi32, #tpu.memory_space<vmem>>[vector<16xi32>], vector<16xi32>,
    %gather3A_1334 = tpu.vector_load_idx %arg9[%add3A_1332] : memref<256xf32, #tpu.memory_space<vmem>>[vector<16xi32>], vector<16xf32>,
    %gather3A_1335 = tpu.vector_load_idx %arg13[%gather3A_1333] : memref<30000xf32, #tpu.memory_space<vmem>>[vector<16xi32>], vector<16xf32>,
    %max3A_1336 = arith.maximumf %gather3A_1335, %gather3A_1334 : vector<16xf32>
    %eq3A_1337 = arith.constant 0 : i32
    %eq3A_1338 = vector.broadcast %eq3A_1337 : i32 to vector<16xi32>
    %eq3A_1339 = arith.cmpi eq, %iota3A, %eq3A_1338 : vector<16xi32>
    tpu.vector_store_idx %arg13[%gather3A_1333], %max3A_1336 masked %eq3A_1339 : memref<30000xf32, #tpu.memory_space<vmem>>[vector<16xi32>], vector<16xf32>, vector<16xi1>
    %gather3A_1340 = tpu.vector_load_idx %arg13[%gather3A_1333] : memref<30000xf32, #tpu.memory_space<vmem>>[vector<16xi32>], vector<16xf32>,
    %max3A_1341 = arith.maximumf %gather3A_1340, %gather3A_1334 : vector<16xf32>
    %eq3A_1342 = arith.constant 1 : i32
    %eq3A_1343 = vector.broadcast %eq3A_1342 : i32 to vector<16xi32>
    %eq3A_1344 = arith.cmpi eq, %iota3A, %eq3A_1343 : vector<16xi32>
    tpu.vector_store_idx %arg13[%gather3A_1333], %max3A_1341 masked %eq3A_1344 : memref<30000xf32, #tpu.memory_space<vmem>>[vector<16xi32>], vector<16xf32>, vector<16xi1>
    %gather3A_1345 = tpu.vector_load_idx %arg13[%gather3A_1333] : memref<30000xf32, #tpu.memory_space<vmem>>[vector<16xi32>], vector<16xf32>,
    %max3A_1346 = arith.maximumf %gather3A_1345, %gather3A_1334 : vector<16xf32>
    %eq3A_1347 = arith.constant 2 : i32
    %eq3A_1348 = vector.broadcast %eq3A_1347 : i32 to vector<16xi32>
    %eq3A_1349 = arith.cmpi eq, %iota3A, %eq3A_1348 : vector<16xi32>
    tpu.vector_store_idx %arg13[%gather3A_1333], %max3A_1346 masked %eq3A_1349 : memref<30000xf32, #tpu.memory_space<vmem>>[vector<16xi32>], vector<16xf32>, vector<16xi1>
    %gather3A_1350 = tpu.vector_load_idx %arg13[%gather3A_1333] : memref<30000xf32, #tpu.memory_space<vmem>>[vector<16xi32>], vector<16xf32>,
    %max3A_1351 = arith.maximumf %gather3A_1350, %gather3A_1334 : vector<16xf32>
    %eq3A_1352 = arith.constant 3 : i32
    %eq3A_1353 = vector.broadcast %eq3A_1352 : i32 to vector<16xi32>
    %eq3A_1354 = arith.cmpi eq, %iota3A, %eq3A_1353 : vector<16xi32>
    tpu.vector_store_idx %arg13[%gather3A_1333], %max3A_1351 masked %eq3A_1354 : memref<30000xf32, #tpu.memory_space<vmem>>[vector<16xi32>], vector<16xf32>, vector<16xi1>
    %get3A_1355 = arith.constant 0 : index
    %get3A_1356 = tpu.vector_load %arg13[%get3A_1355] {strides = array<i32>} : memref<30000xf32, #tpu.memory_space<vmem>>, vector<16xf32>,
    %eq3A_1357 = arith.constant 1 : i32
    %eq3A_1358 = vector.broadcast %eq3A_1357 : i32 to vector<16xi32>
    %eq3A_1359 = arith.cmpi eq, %iota3A, %eq3A_1358 : vector<16xi32>
    %jit3A_1360 = arith.constant 0.000000e+00 : f32
    %broadcast_in_dim3A_1361 = vector.broadcast %jit3A_1360 : f32 to vector<16xf32>
    %select_n3A_1362 = arith.select %eq3A_1359, %broadcast_in_dim3A_1361, %get3A_1356 : vector<16xi1>, vector<16xf32>
    %swap3A_1363 = arith.constant 0 : index
    %swap3A_1364 = tpu.vector_load %arg13[%swap3A_1363] {strides = array<i32>} : memref<30000xf32, #tpu.memory_space<vmem>>, vector<16xf32>,
    tpu.vector_store %arg13[%swap3A_1363], %select_n3A_1362 {strides = array<i32>} : memref<30000xf32, #tpu.memory_space<vmem>>, vector<16xf32>,
    %dma_start3A_1365 = arith.constant 0 : i32
    %dma_start3A_1366 = tpu.memref_slice %arg6[%arg1, %add3A_1324, %dma_start3A_1365] : memref<16x64x30000xf32, #tpu.memory_space<hbm>> -> memref<1x1x30000xf32, #tpu.memory_space<hbm>>
    %dma_start3A_1367 = tpu.memref_squeeze %dma_start3A_1366 : memref<1x1x30000xf32, #tpu.memory_space<hbm>> -> memref<30000xf32, #tpu.memory_space<hbm>>
    %dma_start3A_1368 = arith.constant 0 : i32
    %dma_start3A_1369 = tpu.memref_slice %arg6[%arg1, %add3A_1324, %dma_start3A_1368] : memref<16x64x30000xf32, #tpu.memory_space<hbm>> -> memref<1x1x30000xf32, #tpu.memory_space<hbm>>
    %dma_start3A_1370 = tpu.memref_squeeze %dma_start3A_1369 : memref<1x1x30000xf32, #tpu.memory_space<hbm>> -> memref<30000xf32, #tpu.memory_space<hbm>>
    tpu.enqueue_dma source(%arg13 : memref<30000xf32, #tpu.memory_space<vmem>>) target(%dma_start3A_1370 : memref<30000xf32, #tpu.memory_space<hbm>>) target_semaphore(%arg21 : memref<!tpu.dma_semaphore, #tpu.memory_space<semaphore_mem>>)
    %dma_wait3A_1371 = arith.constant 0 : i32
    %dma_wait3A_1372 = tpu.memref_slice %arg6[%arg1, %add3A_1324, %dma_wait3A_1371] : memref<16x64x30000xf32, #tpu.memory_space<hbm>> -> memref<1x1x30000xf32, #tpu.memory_space<hbm>>
    %dma_wait3A_1373 = tpu.memref_squeeze %dma_wait3A_1372 : memref<1x1x30000xf32, #tpu.memory_space<hbm>> -> memref<30000xf32, #tpu.memory_space<hbm>>
    %dma_wait3A_1374 = arith.constant 0 : i32
    %dma_wait3A_1375 = tpu.memref_slice %arg6[%arg1, %add3A_1324, %dma_wait3A_1374] : memref<16x64x30000xf32, #tpu.memory_space<hbm>> -> memref<1x1x30000xf32, #tpu.memory_space<hbm>>
    %dma_wait3A_1376 = tpu.memref_squeeze %dma_wait3A_1375 : memref<1x1x30000xf32, #tpu.memory_space<hbm>> -> memref<30000xf32, #tpu.memory_space<hbm>>
    tpu.wait_dma2 semaphore(%arg21 : memref<!tpu.dma_semaphore, #tpu.memory_space<semaphore_mem>>) src(%arg13 : memref<30000xf32, #tpu.memory_space<vmem>>) dst(%dma_wait3A_1376 : memref<30000xf32, #tpu.memory_space<hbm>>)
    %add3A_1377 = arith.constant 20 : i32
    %add3A_1378 = arith.addi %mul3A_0, %add3A_1377 : i32
    %dma_start3A_1379 = arith.constant 0 : i32
    %dma_start3A_1380 = tpu.memref_slice %arg2[%arg1, %add3A_1378, %dma_start3A_1379] : memref<16x64x30000xf32, #tpu.memory_space<hbm>> -> memref<1x1x30000xf32, #tpu.memory_space<hbm>>
    %dma_start3A_1381 = tpu.memref_squeeze %dma_start3A_1380 : memref<1x1x30000xf32, #tpu.memory_space<hbm>> -> memref<30000xf32, #tpu.memory_space<hbm>>
    %dma_start3A_1382 = arith.constant 0 : i32
    %dma_start3A_1383 = tpu.memref_slice %arg2[%arg1, %add3A_1378, %dma_start3A_1382] : memref<16x64x30000xf32, #tpu.memory_space<hbm>> -> memref<1x1x30000xf32, #tpu.memory_space<hbm>>
    %dma_start3A_1384 = tpu.memref_squeeze %dma_start3A_1383 : memref<1x1x30000xf32, #tpu.memory_space<hbm>> -> memref<30000xf32, #tpu.memory_space<hbm>>
    tpu.enqueue_dma source(%dma_start3A_1384 : memref<30000xf32, #tpu.memory_space<hbm>>) target(%arg13 : memref<30000xf32, #tpu.memory_space<vmem>>) target_semaphore(%arg18 : memref<!tpu.dma_semaphore, #tpu.memory_space<semaphore_mem>>)
    %dma_wait3A_1385 = arith.constant 0 : i32
    %dma_wait3A_1386 = tpu.memref_slice %arg2[%arg1, %add3A_1242, %dma_wait3A_1385] : memref<16x64x30000xf32, #tpu.memory_space<hbm>> -> memref<1x1x30000xf32, #tpu.memory_space<hbm>>
    %dma_wait3A_1387 = tpu.memref_squeeze %dma_wait3A_1386 : memref<1x1x30000xf32, #tpu.memory_space<hbm>> -> memref<30000xf32, #tpu.memory_space<hbm>>
    %dma_wait3A_1388 = arith.constant 0 : i32
    %dma_wait3A_1389 = tpu.memref_slice %arg2[%arg1, %add3A_1242, %dma_wait3A_1388] : memref<16x64x30000xf32, #tpu.memory_space<hbm>> -> memref<1x1x30000xf32, #tpu.memory_space<hbm>>
    %dma_wait3A_1390 = tpu.memref_squeeze %dma_wait3A_1389 : memref<1x1x30000xf32, #tpu.memory_space<hbm>> -> memref<30000xf32, #tpu.memory_space<hbm>>
    tpu.wait_dma2 semaphore(%arg16 : memref<!tpu.dma_semaphore, #tpu.memory_space<semaphore_mem>>) src(%dma_wait3A_1390 : memref<30000xf32, #tpu.memory_space<hbm>>) dst(%arg11 : memref<30000xf32, #tpu.memory_space<vmem>>)
    %add3A_1391 = arith.constant 18 : i32
    %add3A_1392 = arith.addi %mul3A_0, %add3A_1391 : i32
    %min3A_1393 = arith.constant 3 : i32
    %min3A_1394 = vector.broadcast %min3A_1393 : i32 to vector<16xi32>
    %min3A_1395 = arith.minsi %iota3A, %min3A_1394 : vector<16xi32>
    %mul3A_1396 = arith.constant 64 : i32
    %mul3A_1397 = vector.broadcast %mul3A_1396 : i32 to vector<16xi32>
    %mul3A_1398 = arith.muli %min3A_1395, %mul3A_1397 : vector<16xi32>
    %add3A_1399 = vector.broadcast %add3A_1392 : i32 to vector<16xi32>
    %add3A_1400 = arith.addi %add3A_1399, %mul3A_1398 : vector<16xi32>
    %gather3A_1401 = tpu.vector_load_idx %arg8[%add3A_1400] : memref<256xi32, #tpu.memory_space<vmem>>[vector<16xi32>], vector<16xi32>,
    %gather3A_1402 = tpu.vector_load_idx %arg9[%add3A_1400] : memref<256xf32, #tpu.memory_space<vmem>>[vector<16xi32>], vector<16xf32>,
    %gather3A_1403 = tpu.vector_load_idx %arg11[%gather3A_1401] : memref<30000xf32, #tpu.memory_space<vmem>>[vector<16xi32>], vector<16xf32>,
    %max3A_1404 = arith.maximumf %gather3A_1403, %gather3A_1402 : vector<16xf32>
    %eq3A_1405 = arith.constant 0 : i32
    %eq3A_1406 = vector.broadcast %eq3A_1405 : i32 to vector<16xi32>
    %eq3A_1407 = arith.cmpi eq, %iota3A, %eq3A_1406 : vector<16xi32>
    tpu.vector_store_idx %arg11[%gather3A_1401], %max3A_1404 masked %eq3A_1407 : memref<30000xf32, #tpu.memory_space<vmem>>[vector<16xi32>], vector<16xf32>, vector<16xi1>
    %gather3A_1408 = tpu.vector_load_idx %arg11[%gather3A_1401] : memref<30000xf32, #tpu.memory_space<vmem>>[vector<16xi32>], vector<16xf32>,
    %max3A_1409 = arith.maximumf %gather3A_1408, %gather3A_1402 : vector<16xf32>
    %eq3A_1410 = arith.constant 1 : i32
    %eq3A_1411 = vector.broadcast %eq3A_1410 : i32 to vector<16xi32>
    %eq3A_1412 = arith.cmpi eq, %iota3A, %eq3A_1411 : vector<16xi32>
    tpu.vector_store_idx %arg11[%gather3A_1401], %max3A_1409 masked %eq3A_1412 : memref<30000xf32, #tpu.memory_space<vmem>>[vector<16xi32>], vector<16xf32>, vector<16xi1>
    %gather3A_1413 = tpu.vector_load_idx %arg11[%gather3A_1401] : memref<30000xf32, #tpu.memory_space<vmem>>[vector<16xi32>], vector<16xf32>,
    %max3A_1414 = arith.maximumf %gather3A_1413, %gather3A_1402 : vector<16xf32>
    %eq3A_1415 = arith.constant 2 : i32
    %eq3A_1416 = vector.broadcast %eq3A_1415 : i32 to vector<16xi32>
    %eq3A_1417 = arith.cmpi eq, %iota3A, %eq3A_1416 : vector<16xi32>
    tpu.vector_store_idx %arg11[%gather3A_1401], %max3A_1414 masked %eq3A_1417 : memref<30000xf32, #tpu.memory_space<vmem>>[vector<16xi32>], vector<16xf32>, vector<16xi1>
    %gather3A_1418 = tpu.vector_load_idx %arg11[%gather3A_1401] : memref<30000xf32, #tpu.memory_space<vmem>>[vector<16xi32>], vector<16xf32>,
    %max3A_1419 = arith.maximumf %gather3A_1418, %gather3A_1402 : vector<16xf32>
    %eq3A_1420 = arith.constant 3 : i32
    %eq3A_1421 = vector.broadcast %eq3A_1420 : i32 to vector<16xi32>
    %eq3A_1422 = arith.cmpi eq, %iota3A, %eq3A_1421 : vector<16xi32>
    tpu.vector_store_idx %arg11[%gather3A_1401], %max3A_1419 masked %eq3A_1422 : memref<30000xf32, #tpu.memory_space<vmem>>[vector<16xi32>], vector<16xf32>, vector<16xi1>
    %get3A_1423 = arith.constant 0 : index
    %get3A_1424 = tpu.vector_load %arg11[%get3A_1423] {strides = array<i32>} : memref<30000xf32, #tpu.memory_space<vmem>>, vector<16xf32>,
    %eq3A_1425 = arith.constant 1 : i32
    %eq3A_1426 = vector.broadcast %eq3A_1425 : i32 to vector<16xi32>
    %eq3A_1427 = arith.cmpi eq, %iota3A, %eq3A_1426 : vector<16xi32>
    %jit3A_1428 = arith.constant 0.000000e+00 : f32
    %broadcast_in_dim3A_1429 = vector.broadcast %jit3A_1428 : f32 to vector<16xf32>
    %select_n3A_1430 = arith.select %eq3A_1427, %broadcast_in_dim3A_1429, %get3A_1424 : vector<16xi1>, vector<16xf32>
    %swap3A_1431 = arith.constant 0 : index
    %swap3A_1432 = tpu.vector_load %arg11[%swap3A_1431] {strides = array<i32>} : memref<30000xf32, #tpu.memory_space<vmem>>, vector<16xf32>,
    tpu.vector_store %arg11[%swap3A_1431], %select_n3A_1430 {strides = array<i32>} : memref<30000xf32, #tpu.memory_space<vmem>>, vector<16xf32>,
    %dma_start3A_1433 = arith.constant 0 : i32
    %dma_start3A_1434 = tpu.memref_slice %arg6[%arg1, %add3A_1392, %dma_start3A_1433] : memref<16x64x30000xf32, #tpu.memory_space<hbm>> -> memref<1x1x30000xf32, #tpu.memory_space<hbm>>
    %dma_start3A_1435 = tpu.memref_squeeze %dma_start3A_1434 : memref<1x1x30000xf32, #tpu.memory_space<hbm>> -> memref<30000xf32, #tpu.memory_space<hbm>>
    %dma_start3A_1436 = arith.constant 0 : i32
    %dma_start3A_1437 = tpu.memref_slice %arg6[%arg1, %add3A_1392, %dma_start3A_1436] : memref<16x64x30000xf32, #tpu.memory_space<hbm>> -> memref<1x1x30000xf32, #tpu.memory_space<hbm>>
    %dma_start3A_1438 = tpu.memref_squeeze %dma_start3A_1437 : memref<1x1x30000xf32, #tpu.memory_space<hbm>> -> memref<30000xf32, #tpu.memory_space<hbm>>
    tpu.enqueue_dma source(%arg11 : memref<30000xf32, #tpu.memory_space<vmem>>) target(%dma_start3A_1438 : memref<30000xf32, #tpu.memory_space<hbm>>) target_semaphore(%arg19 : memref<!tpu.dma_semaphore, #tpu.memory_space<semaphore_mem>>)
    %dma_wait3A_1439 = arith.constant 0 : i32
    %dma_wait3A_1440 = tpu.memref_slice %arg6[%arg1, %add3A_1392, %dma_wait3A_1439] : memref<16x64x30000xf32, #tpu.memory_space<hbm>> -> memref<1x1x30000xf32, #tpu.memory_space<hbm>>
    %dma_wait3A_1441 = tpu.memref_squeeze %dma_wait3A_1440 : memref<1x1x30000xf32, #tpu.memory_space<hbm>> -> memref<30000xf32, #tpu.memory_space<hbm>>
    %dma_wait3A_1442 = arith.constant 0 : i32
    %dma_wait3A_1443 = tpu.memref_slice %arg6[%arg1, %add3A_1392, %dma_wait3A_1442] : memref<16x64x30000xf32, #tpu.memory_space<hbm>> -> memref<1x1x30000xf32, #tpu.memory_space<hbm>>
    %dma_wait3A_1444 = tpu.memref_squeeze %dma_wait3A_1443 : memref<1x1x30000xf32, #tpu.memory_space<hbm>> -> memref<30000xf32, #tpu.memory_space<hbm>>
    tpu.wait_dma2 semaphore(%arg19 : memref<!tpu.dma_semaphore, #tpu.memory_space<semaphore_mem>>) src(%arg11 : memref<30000xf32, #tpu.memory_space<vmem>>) dst(%dma_wait3A_1444 : memref<30000xf32, #tpu.memory_space<hbm>>)
    %add3A_1445 = arith.constant 21 : i32
    %add3A_1446 = arith.addi %mul3A_0, %add3A_1445 : i32
    %dma_start3A_1447 = arith.constant 0 : i32
    %dma_start3A_1448 = tpu.memref_slice %arg2[%arg1, %add3A_1446, %dma_start3A_1447] : memref<16x64x30000xf32, #tpu.memory_space<hbm>> -> memref<1x1x30000xf32, #tpu.memory_space<hbm>>
    %dma_start3A_1449 = tpu.memref_squeeze %dma_start3A_1448 : memref<1x1x30000xf32, #tpu.memory_space<hbm>> -> memref<30000xf32, #tpu.memory_space<hbm>>
    %dma_start3A_1450 = arith.constant 0 : i32
    %dma_start3A_1451 = tpu.memref_slice %arg2[%arg1, %add3A_1446, %dma_start3A_1450] : memref<16x64x30000xf32, #tpu.memory_space<hbm>> -> memref<1x1x30000xf32, #tpu.memory_space<hbm>>
    %dma_start3A_1452 = tpu.memref_squeeze %dma_start3A_1451 : memref<1x1x30000xf32, #tpu.memory_space<hbm>> -> memref<30000xf32, #tpu.memory_space<hbm>>
    tpu.enqueue_dma source(%dma_start3A_1452 : memref<30000xf32, #tpu.memory_space<hbm>>) target(%arg11 : memref<30000xf32, #tpu.memory_space<vmem>>) target_semaphore(%arg16 : memref<!tpu.dma_semaphore, #tpu.memory_space<semaphore_mem>>)
    %dma_wait3A_1453 = arith.constant 0 : i32
    %dma_wait3A_1454 = tpu.memref_slice %arg2[%arg1, %add3A_1310, %dma_wait3A_1453] : memref<16x64x30000xf32, #tpu.memory_space<hbm>> -> memref<1x1x30000xf32, #tpu.memory_space<hbm>>
    %dma_wait3A_1455 = tpu.memref_squeeze %dma_wait3A_1454 : memref<1x1x30000xf32, #tpu.memory_space<hbm>> -> memref<30000xf32, #tpu.memory_space<hbm>>
    %dma_wait3A_1456 = arith.constant 0 : i32
    %dma_wait3A_1457 = tpu.memref_slice %arg2[%arg1, %add3A_1310, %dma_wait3A_1456] : memref<16x64x30000xf32, #tpu.memory_space<hbm>> -> memref<1x1x30000xf32, #tpu.memory_space<hbm>>
    %dma_wait3A_1458 = tpu.memref_squeeze %dma_wait3A_1457 : memref<1x1x30000xf32, #tpu.memory_space<hbm>> -> memref<30000xf32, #tpu.memory_space<hbm>>
    tpu.wait_dma2 semaphore(%arg17 : memref<!tpu.dma_semaphore, #tpu.memory_space<semaphore_mem>>) src(%dma_wait3A_1458 : memref<30000xf32, #tpu.memory_space<hbm>>) dst(%arg12 : memref<30000xf32, #tpu.memory_space<vmem>>)
    %add3A_1459 = arith.constant 19 : i32
    %add3A_1460 = arith.addi %mul3A_0, %add3A_1459 : i32
    %min3A_1461 = arith.constant 3 : i32
    %min3A_1462 = vector.broadcast %min3A_1461 : i32 to vector<16xi32>
    %min3A_1463 = arith.minsi %iota3A, %min3A_1462 : vector<16xi32>
    %mul3A_1464 = arith.constant 64 : i32
    %mul3A_1465 = vector.broadcast %mul3A_1464 : i32 to vector<16xi32>
    %mul3A_1466 = arith.muli %min3A_1463, %mul3A_1465 : vector<16xi32>
    %add3A_1467 = vector.broadcast %add3A_1460 : i32 to vector<16xi32>
    %add3A_1468 = arith.addi %add3A_1467, %mul3A_1466 : vector<16xi32>
    %gather3A_1469 = tpu.vector_load_idx %arg8[%add3A_1468] : memref<256xi32, #tpu.memory_space<vmem>>[vector<16xi32>], vector<16xi32>,
    %gather3A_1470 = tpu.vector_load_idx %arg9[%add3A_1468] : memref<256xf32, #tpu.memory_space<vmem>>[vector<16xi32>], vector<16xf32>,
    %gather3A_1471 = tpu.vector_load_idx %arg12[%gather3A_1469] : memref<30000xf32, #tpu.memory_space<vmem>>[vector<16xi32>], vector<16xf32>,
    %max3A_1472 = arith.maximumf %gather3A_1471, %gather3A_1470 : vector<16xf32>
    %eq3A_1473 = arith.constant 0 : i32
    %eq3A_1474 = vector.broadcast %eq3A_1473 : i32 to vector<16xi32>
    %eq3A_1475 = arith.cmpi eq, %iota3A, %eq3A_1474 : vector<16xi32>
    tpu.vector_store_idx %arg12[%gather3A_1469], %max3A_1472 masked %eq3A_1475 : memref<30000xf32, #tpu.memory_space<vmem>>[vector<16xi32>], vector<16xf32>, vector<16xi1>
    %gather3A_1476 = tpu.vector_load_idx %arg12[%gather3A_1469] : memref<30000xf32, #tpu.memory_space<vmem>>[vector<16xi32>], vector<16xf32>,
    %max3A_1477 = arith.maximumf %gather3A_1476, %gather3A_1470 : vector<16xf32>
    %eq3A_1478 = arith.constant 1 : i32
    %eq3A_1479 = vector.broadcast %eq3A_1478 : i32 to vector<16xi32>
    %eq3A_1480 = arith.cmpi eq, %iota3A, %eq3A_1479 : vector<16xi32>
    tpu.vector_store_idx %arg12[%gather3A_1469], %max3A_1477 masked %eq3A_1480 : memref<30000xf32, #tpu.memory_space<vmem>>[vector<16xi32>], vector<16xf32>, vector<16xi1>
    %gather3A_1481 = tpu.vector_load_idx %arg12[%gather3A_1469] : memref<30000xf32, #tpu.memory_space<vmem>>[vector<16xi32>], vector<16xf32>,
    %max3A_1482 = arith.maximumf %gather3A_1481, %gather3A_1470 : vector<16xf32>
    %eq3A_1483 = arith.constant 2 : i32
    %eq3A_1484 = vector.broadcast %eq3A_1483 : i32 to vector<16xi32>
    %eq3A_1485 = arith.cmpi eq, %iota3A, %eq3A_1484 : vector<16xi32>
    tpu.vector_store_idx %arg12[%gather3A_1469], %max3A_1482 masked %eq3A_1485 : memref<30000xf32, #tpu.memory_space<vmem>>[vector<16xi32>], vector<16xf32>, vector<16xi1>
    %gather3A_1486 = tpu.vector_load_idx %arg12[%gather3A_1469] : memref<30000xf32, #tpu.memory_space<vmem>>[vector<16xi32>], vector<16xf32>,
    %max3A_1487 = arith.maximumf %gather3A_1486, %gather3A_1470 : vector<16xf32>
    %eq3A_1488 = arith.constant 3 : i32
    %eq3A_1489 = vector.broadcast %eq3A_1488 : i32 to vector<16xi32>
    %eq3A_1490 = arith.cmpi eq, %iota3A, %eq3A_1489 : vector<16xi32>
    tpu.vector_store_idx %arg12[%gather3A_1469], %max3A_1487 masked %eq3A_1490 : memref<30000xf32, #tpu.memory_space<vmem>>[vector<16xi32>], vector<16xf32>, vector<16xi1>
    %get3A_1491 = arith.constant 0 : index
    %get3A_1492 = tpu.vector_load %arg12[%get3A_1491] {strides = array<i32>} : memref<30000xf32, #tpu.memory_space<vmem>>, vector<16xf32>,
    %eq3A_1493 = arith.constant 1 : i32
    %eq3A_1494 = vector.broadcast %eq3A_1493 : i32 to vector<16xi32>
    %eq3A_1495 = arith.cmpi eq, %iota3A, %eq3A_1494 : vector<16xi32>
    %jit3A_1496 = arith.constant 0.000000e+00 : f32
    %broadcast_in_dim3A_1497 = vector.broadcast %jit3A_1496 : f32 to vector<16xf32>
    %select_n3A_1498 = arith.select %eq3A_1495, %broadcast_in_dim3A_1497, %get3A_1492 : vector<16xi1>, vector<16xf32>
    %swap3A_1499 = arith.constant 0 : index
    %swap3A_1500 = tpu.vector_load %arg12[%swap3A_1499] {strides = array<i32>} : memref<30000xf32, #tpu.memory_space<vmem>>, vector<16xf32>,
    tpu.vector_store %arg12[%swap3A_1499], %select_n3A_1498 {strides = array<i32>} : memref<30000xf32, #tpu.memory_space<vmem>>, vector<16xf32>,
    %dma_start3A_1501 = arith.constant 0 : i32
    %dma_start3A_1502 = tpu.memref_slice %arg6[%arg1, %add3A_1460, %dma_start3A_1501] : memref<16x64x30000xf32, #tpu.memory_space<hbm>> -> memref<1x1x30000xf32, #tpu.memory_space<hbm>>
    %dma_start3A_1503 = tpu.memref_squeeze %dma_start3A_1502 : memref<1x1x30000xf32, #tpu.memory_space<hbm>> -> memref<30000xf32, #tpu.memory_space<hbm>>
    %dma_start3A_1504 = arith.constant 0 : i32
    %dma_start3A_1505 = tpu.memref_slice %arg6[%arg1, %add3A_1460, %dma_start3A_1504] : memref<16x64x30000xf32, #tpu.memory_space<hbm>> -> memref<1x1x30000xf32, #tpu.memory_space<hbm>>
    %dma_start3A_1506 = tpu.memref_squeeze %dma_start3A_1505 : memref<1x1x30000xf32, #tpu.memory_space<hbm>> -> memref<30000xf32, #tpu.memory_space<hbm>>
    tpu.enqueue_dma source(%arg12 : memref<30000xf32, #tpu.memory_space<vmem>>) target(%dma_start3A_1506 : memref<30000xf32, #tpu.memory_space<hbm>>) target_semaphore(%arg20 : memref<!tpu.dma_semaphore, #tpu.memory_space<semaphore_mem>>)
    %dma_wait3A_1507 = arith.constant 0 : i32
    %dma_wait3A_1508 = tpu.memref_slice %arg6[%arg1, %add3A_1460, %dma_wait3A_1507] : memref<16x64x30000xf32, #tpu.memory_space<hbm>> -> memref<1x1x30000xf32, #tpu.memory_space<hbm>>
    %dma_wait3A_1509 = tpu.memref_squeeze %dma_wait3A_1508 : memref<1x1x30000xf32, #tpu.memory_space<hbm>> -> memref<30000xf32, #tpu.memory_space<hbm>>
    %dma_wait3A_1510 = arith.constant 0 : i32
    %dma_wait3A_1511 = tpu.memref_slice %arg6[%arg1, %add3A_1460, %dma_wait3A_1510] : memref<16x64x30000xf32, #tpu.memory_space<hbm>> -> memref<1x1x30000xf32, #tpu.memory_space<hbm>>
    %dma_wait3A_1512 = tpu.memref_squeeze %dma_wait3A_1511 : memref<1x1x30000xf32, #tpu.memory_space<hbm>> -> memref<30000xf32, #tpu.memory_space<hbm>>
    tpu.wait_dma2 semaphore(%arg20 : memref<!tpu.dma_semaphore, #tpu.memory_space<semaphore_mem>>) src(%arg12 : memref<30000xf32, #tpu.memory_space<vmem>>) dst(%dma_wait3A_1512 : memref<30000xf32, #tpu.memory_space<hbm>>)
    %add3A_1513 = arith.constant 22 : i32
    %add3A_1514 = arith.addi %mul3A_0, %add3A_1513 : i32
    %dma_start3A_1515 = arith.constant 0 : i32
    %dma_start3A_1516 = tpu.memref_slice %arg2[%arg1, %add3A_1514, %dma_start3A_1515] : memref<16x64x30000xf32, #tpu.memory_space<hbm>> -> memref<1x1x30000xf32, #tpu.memory_space<hbm>>
    %dma_start3A_1517 = tpu.memref_squeeze %dma_start3A_1516 : memref<1x1x30000xf32, #tpu.memory_space<hbm>> -> memref<30000xf32, #tpu.memory_space<hbm>>
    %dma_start3A_1518 = arith.constant 0 : i32
    %dma_start3A_1519 = tpu.memref_slice %arg2[%arg1, %add3A_1514, %dma_start3A_1518] : memref<16x64x30000xf32, #tpu.memory_space<hbm>> -> memref<1x1x30000xf32, #tpu.memory_space<hbm>>
    %dma_start3A_1520 = tpu.memref_squeeze %dma_start3A_1519 : memref<1x1x30000xf32, #tpu.memory_space<hbm>> -> memref<30000xf32, #tpu.memory_space<hbm>>
    tpu.enqueue_dma source(%dma_start3A_1520 : memref<30000xf32, #tpu.memory_space<hbm>>) target(%arg12 : memref<30000xf32, #tpu.memory_space<vmem>>) target_semaphore(%arg17 : memref<!tpu.dma_semaphore, #tpu.memory_space<semaphore_mem>>)
    %dma_wait3A_1521 = arith.constant 0 : i32
    %dma_wait3A_1522 = tpu.memref_slice %arg2[%arg1, %add3A_1378, %dma_wait3A_1521] : memref<16x64x30000xf32, #tpu.memory_space<hbm>> -> memref<1x1x30000xf32, #tpu.memory_space<hbm>>
    %dma_wait3A_1523 = tpu.memref_squeeze %dma_wait3A_1522 : memref<1x1x30000xf32, #tpu.memory_space<hbm>> -> memref<30000xf32, #tpu.memory_space<hbm>>
    %dma_wait3A_1524 = arith.constant 0 : i32
    %dma_wait3A_1525 = tpu.memref_slice %arg2[%arg1, %add3A_1378, %dma_wait3A_1524] : memref<16x64x30000xf32, #tpu.memory_space<hbm>> -> memref<1x1x30000xf32, #tpu.memory_space<hbm>>
    %dma_wait3A_1526 = tpu.memref_squeeze %dma_wait3A_1525 : memref<1x1x30000xf32, #tpu.memory_space<hbm>> -> memref<30000xf32, #tpu.memory_space<hbm>>
    tpu.wait_dma2 semaphore(%arg18 : memref<!tpu.dma_semaphore, #tpu.memory_space<semaphore_mem>>) src(%dma_wait3A_1526 : memref<30000xf32, #tpu.memory_space<hbm>>) dst(%arg13 : memref<30000xf32, #tpu.memory_space<vmem>>)
    %add3A_1527 = arith.constant 20 : i32
    %add3A_1528 = arith.addi %mul3A_0, %add3A_1527 : i32
    %min3A_1529 = arith.constant 3 : i32
    %min3A_1530 = vector.broadcast %min3A_1529 : i32 to vector<16xi32>
    %min3A_1531 = arith.minsi %iota3A, %min3A_1530 : vector<16xi32>
    %mul3A_1532 = arith.constant 64 : i32
    %mul3A_1533 = vector.broadcast %mul3A_1532 : i32 to vector<16xi32>
    %mul3A_1534 = arith.muli %min3A_1531, %mul3A_1533 : vector<16xi32>
    %add3A_1535 = vector.broadcast %add3A_1528 : i32 to vector<16xi32>
    %add3A_1536 = arith.addi %add3A_1535, %mul3A_1534 : vector<16xi32>
    %gather3A_1537 = tpu.vector_load_idx %arg8[%add3A_1536] : memref<256xi32, #tpu.memory_space<vmem>>[vector<16xi32>], vector<16xi32>,
    %gather3A_1538 = tpu.vector_load_idx %arg9[%add3A_1536] : memref<256xf32, #tpu.memory_space<vmem>>[vector<16xi32>], vector<16xf32>,
    %gather3A_1539 = tpu.vector_load_idx %arg13[%gather3A_1537] : memref<30000xf32, #tpu.memory_space<vmem>>[vector<16xi32>], vector<16xf32>,
    %max3A_1540 = arith.maximumf %gather3A_1539, %gather3A_1538 : vector<16xf32>
    %eq3A_1541 = arith.constant 0 : i32
    %eq3A_1542 = vector.broadcast %eq3A_1541 : i32 to vector<16xi32>
    %eq3A_1543 = arith.cmpi eq, %iota3A, %eq3A_1542 : vector<16xi32>
    tpu.vector_store_idx %arg13[%gather3A_1537], %max3A_1540 masked %eq3A_1543 : memref<30000xf32, #tpu.memory_space<vmem>>[vector<16xi32>], vector<16xf32>, vector<16xi1>
    %gather3A_1544 = tpu.vector_load_idx %arg13[%gather3A_1537] : memref<30000xf32, #tpu.memory_space<vmem>>[vector<16xi32>], vector<16xf32>,
    %max3A_1545 = arith.maximumf %gather3A_1544, %gather3A_1538 : vector<16xf32>
    %eq3A_1546 = arith.constant 1 : i32
    %eq3A_1547 = vector.broadcast %eq3A_1546 : i32 to vector<16xi32>
    %eq3A_1548 = arith.cmpi eq, %iota3A, %eq3A_1547 : vector<16xi32>
    tpu.vector_store_idx %arg13[%gather3A_1537], %max3A_1545 masked %eq3A_1548 : memref<30000xf32, #tpu.memory_space<vmem>>[vector<16xi32>], vector<16xf32>, vector<16xi1>
    %gather3A_1549 = tpu.vector_load_idx %arg13[%gather3A_1537] : memref<30000xf32, #tpu.memory_space<vmem>>[vector<16xi32>], vector<16xf32>,
    %max3A_1550 = arith.maximumf %gather3A_1549, %gather3A_1538 : vector<16xf32>
    %eq3A_1551 = arith.constant 2 : i32
    %eq3A_1552 = vector.broadcast %eq3A_1551 : i32 to vector<16xi32>
    %eq3A_1553 = arith.cmpi eq, %iota3A, %eq3A_1552 : vector<16xi32>
    tpu.vector_store_idx %arg13[%gather3A_1537], %max3A_1550 masked %eq3A_1553 : memref<30000xf32, #tpu.memory_space<vmem>>[vector<16xi32>], vector<16xf32>, vector<16xi1>
    %gather3A_1554 = tpu.vector_load_idx %arg13[%gather3A_1537] : memref<30000xf32, #tpu.memory_space<vmem>>[vector<16xi32>], vector<16xf32>,
    %max3A_1555 = arith.maximumf %gather3A_1554, %gather3A_1538 : vector<16xf32>
    %eq3A_1556 = arith.constant 3 : i32
    %eq3A_1557 = vector.broadcast %eq3A_1556 : i32 to vector<16xi32>
    %eq3A_1558 = arith.cmpi eq, %iota3A, %eq3A_1557 : vector<16xi32>
    tpu.vector_store_idx %arg13[%gather3A_1537], %max3A_1555 masked %eq3A_1558 : memref<30000xf32, #tpu.memory_space<vmem>>[vector<16xi32>], vector<16xf32>, vector<16xi1>
    %get3A_1559 = arith.constant 0 : index
    %get3A_1560 = tpu.vector_load %arg13[%get3A_1559] {strides = array<i32>} : memref<30000xf32, #tpu.memory_space<vmem>>, vector<16xf32>,
    %eq3A_1561 = arith.constant 1 : i32
    %eq3A_1562 = vector.broadcast %eq3A_1561 : i32 to vector<16xi32>
    %eq3A_1563 = arith.cmpi eq, %iota3A, %eq3A_1562 : vector<16xi32>
    %jit3A_1564 = arith.constant 0.000000e+00 : f32
    %broadcast_in_dim3A_1565 = vector.broadcast %jit3A_1564 : f32 to vector<16xf32>
    %select_n3A_1566 = arith.select %eq3A_1563, %broadcast_in_dim3A_1565, %get3A_1560 : vector<16xi1>, vector<16xf32>
    %swap3A_1567 = arith.constant 0 : index
    %swap3A_1568 = tpu.vector_load %arg13[%swap3A_1567] {strides = array<i32>} : memref<30000xf32, #tpu.memory_space<vmem>>, vector<16xf32>,
    tpu.vector_store %arg13[%swap3A_1567], %select_n3A_1566 {strides = array<i32>} : memref<30000xf32, #tpu.memory_space<vmem>>, vector<16xf32>,
    %dma_start3A_1569 = arith.constant 0 : i32
    %dma_start3A_1570 = tpu.memref_slice %arg6[%arg1, %add3A_1528, %dma_start3A_1569] : memref<16x64x30000xf32, #tpu.memory_space<hbm>> -> memref<1x1x30000xf32, #tpu.memory_space<hbm>>
    %dma_start3A_1571 = tpu.memref_squeeze %dma_start3A_1570 : memref<1x1x30000xf32, #tpu.memory_space<hbm>> -> memref<30000xf32, #tpu.memory_space<hbm>>
    %dma_start3A_1572 = arith.constant 0 : i32
    %dma_start3A_1573 = tpu.memref_slice %arg6[%arg1, %add3A_1528, %dma_start3A_1572] : memref<16x64x30000xf32, #tpu.memory_space<hbm>> -> memref<1x1x30000xf32, #tpu.memory_space<hbm>>
    %dma_start3A_1574 = tpu.memref_squeeze %dma_start3A_1573 : memref<1x1x30000xf32, #tpu.memory_space<hbm>> -> memref<30000xf32, #tpu.memory_space<hbm>>
    tpu.enqueue_dma source(%arg13 : memref<30000xf32, #tpu.memory_space<vmem>>) target(%dma_start3A_1574 : memref<30000xf32, #tpu.memory_space<hbm>>) target_semaphore(%arg21 : memref<!tpu.dma_semaphore, #tpu.memory_space<semaphore_mem>>)
    %dma_wait3A_1575 = arith.constant 0 : i32
    %dma_wait3A_1576 = tpu.memref_slice %arg6[%arg1, %add3A_1528, %dma_wait3A_1575] : memref<16x64x30000xf32, #tpu.memory_space<hbm>> -> memref<1x1x30000xf32, #tpu.memory_space<hbm>>
    %dma_wait3A_1577 = tpu.memref_squeeze %dma_wait3A_1576 : memref<1x1x30000xf32, #tpu.memory_space<hbm>> -> memref<30000xf32, #tpu.memory_space<hbm>>
    %dma_wait3A_1578 = arith.constant 0 : i32
    %dma_wait3A_1579 = tpu.memref_slice %arg6[%arg1, %add3A_1528, %dma_wait3A_1578] : memref<16x64x30000xf32, #tpu.memory_space<hbm>> -> memref<1x1x30000xf32, #tpu.memory_space<hbm>>
    %dma_wait3A_1580 = tpu.memref_squeeze %dma_wait3A_1579 : memref<1x1x30000xf32, #tpu.memory_space<hbm>> -> memref<30000xf32, #tpu.memory_space<hbm>>
    tpu.wait_dma2 semaphore(%arg21 : memref<!tpu.dma_semaphore, #tpu.memory_space<semaphore_mem>>) src(%arg13 : memref<30000xf32, #tpu.memory_space<vmem>>) dst(%dma_wait3A_1580 : memref<30000xf32, #tpu.memory_space<hbm>>)
    %add3A_1581 = arith.constant 23 : i32
    %add3A_1582 = arith.addi %mul3A_0, %add3A_1581 : i32
    %dma_start3A_1583 = arith.constant 0 : i32
    %dma_start3A_1584 = tpu.memref_slice %arg2[%arg1, %add3A_1582, %dma_start3A_1583] : memref<16x64x30000xf32, #tpu.memory_space<hbm>> -> memref<1x1x30000xf32, #tpu.memory_space<hbm>>
    %dma_start3A_1585 = tpu.memref_squeeze %dma_start3A_1584 : memref<1x1x30000xf32, #tpu.memory_space<hbm>> -> memref<30000xf32, #tpu.memory_space<hbm>>
    %dma_start3A_1586 = arith.constant 0 : i32
    %dma_start3A_1587 = tpu.memref_slice %arg2[%arg1, %add3A_1582, %dma_start3A_1586] : memref<16x64x30000xf32, #tpu.memory_space<hbm>> -> memref<1x1x30000xf32, #tpu.memory_space<hbm>>
    %dma_start3A_1588 = tpu.memref_squeeze %dma_start3A_1587 : memref<1x1x30000xf32, #tpu.memory_space<hbm>> -> memref<30000xf32, #tpu.memory_space<hbm>>
    tpu.enqueue_dma source(%dma_start3A_1588 : memref<30000xf32, #tpu.memory_space<hbm>>) target(%arg13 : memref<30000xf32, #tpu.memory_space<vmem>>) target_semaphore(%arg18 : memref<!tpu.dma_semaphore, #tpu.memory_space<semaphore_mem>>)
    %dma_wait3A_1589 = arith.constant 0 : i32
    %dma_wait3A_1590 = tpu.memref_slice %arg2[%arg1, %add3A_1446, %dma_wait3A_1589] : memref<16x64x30000xf32, #tpu.memory_space<hbm>> -> memref<1x1x30000xf32, #tpu.memory_space<hbm>>
    %dma_wait3A_1591 = tpu.memref_squeeze %dma_wait3A_1590 : memref<1x1x30000xf32, #tpu.memory_space<hbm>> -> memref<30000xf32, #tpu.memory_space<hbm>>
    %dma_wait3A_1592 = arith.constant 0 : i32
    %dma_wait3A_1593 = tpu.memref_slice %arg2[%arg1, %add3A_1446, %dma_wait3A_1592] : memref<16x64x30000xf32, #tpu.memory_space<hbm>> -> memref<1x1x30000xf32, #tpu.memory_space<hbm>>
    %dma_wait3A_1594 = tpu.memref_squeeze %dma_wait3A_1593 : memref<1x1x30000xf32, #tpu.memory_space<hbm>> -> memref<30000xf32, #tpu.memory_space<hbm>>
    tpu.wait_dma2 semaphore(%arg16 : memref<!tpu.dma_semaphore, #tpu.memory_space<semaphore_mem>>) src(%dma_wait3A_1594 : memref<30000xf32, #tpu.memory_space<hbm>>) dst(%arg11 : memref<30000xf32, #tpu.memory_space<vmem>>)
    %add3A_1595 = arith.constant 21 : i32
    %add3A_1596 = arith.addi %mul3A_0, %add3A_1595 : i32
    %min3A_1597 = arith.constant 3 : i32
    %min3A_1598 = vector.broadcast %min3A_1597 : i32 to vector<16xi32>
    %min3A_1599 = arith.minsi %iota3A, %min3A_1598 : vector<16xi32>
    %mul3A_1600 = arith.constant 64 : i32
    %mul3A_1601 = vector.broadcast %mul3A_1600 : i32 to vector<16xi32>
    %mul3A_1602 = arith.muli %min3A_1599, %mul3A_1601 : vector<16xi32>
    %add3A_1603 = vector.broadcast %add3A_1596 : i32 to vector<16xi32>
    %add3A_1604 = arith.addi %add3A_1603, %mul3A_1602 : vector<16xi32>
    %gather3A_1605 = tpu.vector_load_idx %arg8[%add3A_1604] : memref<256xi32, #tpu.memory_space<vmem>>[vector<16xi32>], vector<16xi32>,
    %gather3A_1606 = tpu.vector_load_idx %arg9[%add3A_1604] : memref<256xf32, #tpu.memory_space<vmem>>[vector<16xi32>], vector<16xf32>,
    %gather3A_1607 = tpu.vector_load_idx %arg11[%gather3A_1605] : memref<30000xf32, #tpu.memory_space<vmem>>[vector<16xi32>], vector<16xf32>,
    %max3A_1608 = arith.maximumf %gather3A_1607, %gather3A_1606 : vector<16xf32>
    %eq3A_1609 = arith.constant 0 : i32
    %eq3A_1610 = vector.broadcast %eq3A_1609 : i32 to vector<16xi32>
    %eq3A_1611 = arith.cmpi eq, %iota3A, %eq3A_1610 : vector<16xi32>
    tpu.vector_store_idx %arg11[%gather3A_1605], %max3A_1608 masked %eq3A_1611 : memref<30000xf32, #tpu.memory_space<vmem>>[vector<16xi32>], vector<16xf32>, vector<16xi1>
    %gather3A_1612 = tpu.vector_load_idx %arg11[%gather3A_1605] : memref<30000xf32, #tpu.memory_space<vmem>>[vector<16xi32>], vector<16xf32>,
    %max3A_1613 = arith.maximumf %gather3A_1612, %gather3A_1606 : vector<16xf32>
    %eq3A_1614 = arith.constant 1 : i32
    %eq3A_1615 = vector.broadcast %eq3A_1614 : i32 to vector<16xi32>
    %eq3A_1616 = arith.cmpi eq, %iota3A, %eq3A_1615 : vector<16xi32>
    tpu.vector_store_idx %arg11[%gather3A_1605], %max3A_1613 masked %eq3A_1616 : memref<30000xf32, #tpu.memory_space<vmem>>[vector<16xi32>], vector<16xf32>, vector<16xi1>
    %gather3A_1617 = tpu.vector_load_idx %arg11[%gather3A_1605] : memref<30000xf32, #tpu.memory_space<vmem>>[vector<16xi32>], vector<16xf32>,
    %max3A_1618 = arith.maximumf %gather3A_1617, %gather3A_1606 : vector<16xf32>
    %eq3A_1619 = arith.constant 2 : i32
    %eq3A_1620 = vector.broadcast %eq3A_1619 : i32 to vector<16xi32>
    %eq3A_1621 = arith.cmpi eq, %iota3A, %eq3A_1620 : vector<16xi32>
    tpu.vector_store_idx %arg11[%gather3A_1605], %max3A_1618 masked %eq3A_1621 : memref<30000xf32, #tpu.memory_space<vmem>>[vector<16xi32>], vector<16xf32>, vector<16xi1>
    %gather3A_1622 = tpu.vector_load_idx %arg11[%gather3A_1605] : memref<30000xf32, #tpu.memory_space<vmem>>[vector<16xi32>], vector<16xf32>,
    %max3A_1623 = arith.maximumf %gather3A_1622, %gather3A_1606 : vector<16xf32>
    %eq3A_1624 = arith.constant 3 : i32
    %eq3A_1625 = vector.broadcast %eq3A_1624 : i32 to vector<16xi32>
    %eq3A_1626 = arith.cmpi eq, %iota3A, %eq3A_1625 : vector<16xi32>
    tpu.vector_store_idx %arg11[%gather3A_1605], %max3A_1623 masked %eq3A_1626 : memref<30000xf32, #tpu.memory_space<vmem>>[vector<16xi32>], vector<16xf32>, vector<16xi1>
    %get3A_1627 = arith.constant 0 : index
    %get3A_1628 = tpu.vector_load %arg11[%get3A_1627] {strides = array<i32>} : memref<30000xf32, #tpu.memory_space<vmem>>, vector<16xf32>,
    %eq3A_1629 = arith.constant 1 : i32
    %eq3A_1630 = vector.broadcast %eq3A_1629 : i32 to vector<16xi32>
    %eq3A_1631 = arith.cmpi eq, %iota3A, %eq3A_1630 : vector<16xi32>
    %jit3A_1632 = arith.constant 0.000000e+00 : f32
    %broadcast_in_dim3A_1633 = vector.broadcast %jit3A_1632 : f32 to vector<16xf32>
    %select_n3A_1634 = arith.select %eq3A_1631, %broadcast_in_dim3A_1633, %get3A_1628 : vector<16xi1>, vector<16xf32>
    %swap3A_1635 = arith.constant 0 : index
    %swap3A_1636 = tpu.vector_load %arg11[%swap3A_1635] {strides = array<i32>} : memref<30000xf32, #tpu.memory_space<vmem>>, vector<16xf32>,
    tpu.vector_store %arg11[%swap3A_1635], %select_n3A_1634 {strides = array<i32>} : memref<30000xf32, #tpu.memory_space<vmem>>, vector<16xf32>,
    %dma_start3A_1637 = arith.constant 0 : i32
    %dma_start3A_1638 = tpu.memref_slice %arg6[%arg1, %add3A_1596, %dma_start3A_1637] : memref<16x64x30000xf32, #tpu.memory_space<hbm>> -> memref<1x1x30000xf32, #tpu.memory_space<hbm>>
    %dma_start3A_1639 = tpu.memref_squeeze %dma_start3A_1638 : memref<1x1x30000xf32, #tpu.memory_space<hbm>> -> memref<30000xf32, #tpu.memory_space<hbm>>
    %dma_start3A_1640 = arith.constant 0 : i32
    %dma_start3A_1641 = tpu.memref_slice %arg6[%arg1, %add3A_1596, %dma_start3A_1640] : memref<16x64x30000xf32, #tpu.memory_space<hbm>> -> memref<1x1x30000xf32, #tpu.memory_space<hbm>>
    %dma_start3A_1642 = tpu.memref_squeeze %dma_start3A_1641 : memref<1x1x30000xf32, #tpu.memory_space<hbm>> -> memref<30000xf32, #tpu.memory_space<hbm>>
    tpu.enqueue_dma source(%arg11 : memref<30000xf32, #tpu.memory_space<vmem>>) target(%dma_start3A_1642 : memref<30000xf32, #tpu.memory_space<hbm>>) target_semaphore(%arg19 : memref<!tpu.dma_semaphore, #tpu.memory_space<semaphore_mem>>)
    %dma_wait3A_1643 = arith.constant 0 : i32
    %dma_wait3A_1644 = tpu.memref_slice %arg6[%arg1, %add3A_1596, %dma_wait3A_1643] : memref<16x64x30000xf32, #tpu.memory_space<hbm>> -> memref<1x1x30000xf32, #tpu.memory_space<hbm>>
    %dma_wait3A_1645 = tpu.memref_squeeze %dma_wait3A_1644 : memref<1x1x30000xf32, #tpu.memory_space<hbm>> -> memref<30000xf32, #tpu.memory_space<hbm>>
    %dma_wait3A_1646 = arith.constant 0 : i32
    %dma_wait3A_1647 = tpu.memref_slice %arg6[%arg1, %add3A_1596, %dma_wait3A_1646] : memref<16x64x30000xf32, #tpu.memory_space<hbm>> -> memref<1x1x30000xf32, #tpu.memory_space<hbm>>
    %dma_wait3A_1648 = tpu.memref_squeeze %dma_wait3A_1647 : memref<1x1x30000xf32, #tpu.memory_space<hbm>> -> memref<30000xf32, #tpu.memory_space<hbm>>
    tpu.wait_dma2 semaphore(%arg19 : memref<!tpu.dma_semaphore, #tpu.memory_space<semaphore_mem>>) src(%arg11 : memref<30000xf32, #tpu.memory_space<vmem>>) dst(%dma_wait3A_1648 : memref<30000xf32, #tpu.memory_space<hbm>>)
    %add3A_1649 = arith.constant 24 : i32
    %add3A_1650 = arith.addi %mul3A_0, %add3A_1649 : i32
    %dma_start3A_1651 = arith.constant 0 : i32
    %dma_start3A_1652 = tpu.memref_slice %arg2[%arg1, %add3A_1650, %dma_start3A_1651] : memref<16x64x30000xf32, #tpu.memory_space<hbm>> -> memref<1x1x30000xf32, #tpu.memory_space<hbm>>
    %dma_start3A_1653 = tpu.memref_squeeze %dma_start3A_1652 : memref<1x1x30000xf32, #tpu.memory_space<hbm>> -> memref<30000xf32, #tpu.memory_space<hbm>>
    %dma_start3A_1654 = arith.constant 0 : i32
    %dma_start3A_1655 = tpu.memref_slice %arg2[%arg1, %add3A_1650, %dma_start3A_1654] : memref<16x64x30000xf32, #tpu.memory_space<hbm>> -> memref<1x1x30000xf32, #tpu.memory_space<hbm>>
    %dma_start3A_1656 = tpu.memref_squeeze %dma_start3A_1655 : memref<1x1x30000xf32, #tpu.memory_space<hbm>> -> memref<30000xf32, #tpu.memory_space<hbm>>
    tpu.enqueue_dma source(%dma_start3A_1656 : memref<30000xf32, #tpu.memory_space<hbm>>) target(%arg11 : memref<30000xf32, #tpu.memory_space<vmem>>) target_semaphore(%arg16 : memref<!tpu.dma_semaphore, #tpu.memory_space<semaphore_mem>>)
    %dma_wait3A_1657 = arith.constant 0 : i32
    %dma_wait3A_1658 = tpu.memref_slice %arg2[%arg1, %add3A_1514, %dma_wait3A_1657] : memref<16x64x30000xf32, #tpu.memory_space<hbm>> -> memref<1x1x30000xf32, #tpu.memory_space<hbm>>
    %dma_wait3A_1659 = tpu.memref_squeeze %dma_wait3A_1658 : memref<1x1x30000xf32, #tpu.memory_space<hbm>> -> memref<30000xf32, #tpu.memory_space<hbm>>
    %dma_wait3A_1660 = arith.constant 0 : i32
    %dma_wait3A_1661 = tpu.memref_slice %arg2[%arg1, %add3A_1514, %dma_wait3A_1660] : memref<16x64x30000xf32, #tpu.memory_space<hbm>> -> memref<1x1x30000xf32, #tpu.memory_space<hbm>>
    %dma_wait3A_1662 = tpu.memref_squeeze %dma_wait3A_1661 : memref<1x1x30000xf32, #tpu.memory_space<hbm>> -> memref<30000xf32, #tpu.memory_space<hbm>>
    tpu.wait_dma2 semaphore(%arg17 : memref<!tpu.dma_semaphore, #tpu.memory_space<semaphore_mem>>) src(%dma_wait3A_1662 : memref<30000xf32, #tpu.memory_space<hbm>>) dst(%arg12 : memref<30000xf32, #tpu.memory_space<vmem>>)
    %add3A_1663 = arith.constant 22 : i32
    %add3A_1664 = arith.addi %mul3A_0, %add3A_1663 : i32
    %min3A_1665 = arith.constant 3 : i32
    %min3A_1666 = vector.broadcast %min3A_1665 : i32 to vector<16xi32>
    %min3A_1667 = arith.minsi %iota3A, %min3A_1666 : vector<16xi32>
    %mul3A_1668 = arith.constant 64 : i32
    %mul3A_1669 = vector.broadcast %mul3A_1668 : i32 to vector<16xi32>
    %mul3A_1670 = arith.muli %min3A_1667, %mul3A_1669 : vector<16xi32>
    %add3A_1671 = vector.broadcast %add3A_1664 : i32 to vector<16xi32>
    %add3A_1672 = arith.addi %add3A_1671, %mul3A_1670 : vector<16xi32>
    %gather3A_1673 = tpu.vector_load_idx %arg8[%add3A_1672] : memref<256xi32, #tpu.memory_space<vmem>>[vector<16xi32>], vector<16xi32>,
    %gather3A_1674 = tpu.vector_load_idx %arg9[%add3A_1672] : memref<256xf32, #tpu.memory_space<vmem>>[vector<16xi32>], vector<16xf32>,
    %gather3A_1675 = tpu.vector_load_idx %arg12[%gather3A_1673] : memref<30000xf32, #tpu.memory_space<vmem>>[vector<16xi32>], vector<16xf32>,
    %max3A_1676 = arith.maximumf %gather3A_1675, %gather3A_1674 : vector<16xf32>
    %eq3A_1677 = arith.constant 0 : i32
    %eq3A_1678 = vector.broadcast %eq3A_1677 : i32 to vector<16xi32>
    %eq3A_1679 = arith.cmpi eq, %iota3A, %eq3A_1678 : vector<16xi32>
    tpu.vector_store_idx %arg12[%gather3A_1673], %max3A_1676 masked %eq3A_1679 : memref<30000xf32, #tpu.memory_space<vmem>>[vector<16xi32>], vector<16xf32>, vector<16xi1>
    %gather3A_1680 = tpu.vector_load_idx %arg12[%gather3A_1673] : memref<30000xf32, #tpu.memory_space<vmem>>[vector<16xi32>], vector<16xf32>,
    %max3A_1681 = arith.maximumf %gather3A_1680, %gather3A_1674 : vector<16xf32>
    %eq3A_1682 = arith.constant 1 : i32
    %eq3A_1683 = vector.broadcast %eq3A_1682 : i32 to vector<16xi32>
    %eq3A_1684 = arith.cmpi eq, %iota3A, %eq3A_1683 : vector<16xi32>
    tpu.vector_store_idx %arg12[%gather3A_1673], %max3A_1681 masked %eq3A_1684 : memref<30000xf32, #tpu.memory_space<vmem>>[vector<16xi32>], vector<16xf32>, vector<16xi1>
    %gather3A_1685 = tpu.vector_load_idx %arg12[%gather3A_1673] : memref<30000xf32, #tpu.memory_space<vmem>>[vector<16xi32>], vector<16xf32>,
    %max3A_1686 = arith.maximumf %gather3A_1685, %gather3A_1674 : vector<16xf32>
    %eq3A_1687 = arith.constant 2 : i32
    %eq3A_1688 = vector.broadcast %eq3A_1687 : i32 to vector<16xi32>
    %eq3A_1689 = arith.cmpi eq, %iota3A, %eq3A_1688 : vector<16xi32>
    tpu.vector_store_idx %arg12[%gather3A_1673], %max3A_1686 masked %eq3A_1689 : memref<30000xf32, #tpu.memory_space<vmem>>[vector<16xi32>], vector<16xf32>, vector<16xi1>
    %gather3A_1690 = tpu.vector_load_idx %arg12[%gather3A_1673] : memref<30000xf32, #tpu.memory_space<vmem>>[vector<16xi32>], vector<16xf32>,
    %max3A_1691 = arith.maximumf %gather3A_1690, %gather3A_1674 : vector<16xf32>
    %eq3A_1692 = arith.constant 3 : i32
    %eq3A_1693 = vector.broadcast %eq3A_1692 : i32 to vector<16xi32>
    %eq3A_1694 = arith.cmpi eq, %iota3A, %eq3A_1693 : vector<16xi32>
    tpu.vector_store_idx %arg12[%gather3A_1673], %max3A_1691 masked %eq3A_1694 : memref<30000xf32, #tpu.memory_space<vmem>>[vector<16xi32>], vector<16xf32>, vector<16xi1>
    %get3A_1695 = arith.constant 0 : index
    %get3A_1696 = tpu.vector_load %arg12[%get3A_1695] {strides = array<i32>} : memref<30000xf32, #tpu.memory_space<vmem>>, vector<16xf32>,
    %eq3A_1697 = arith.constant 1 : i32
    %eq3A_1698 = vector.broadcast %eq3A_1697 : i32 to vector<16xi32>
    %eq3A_1699 = arith.cmpi eq, %iota3A, %eq3A_1698 : vector<16xi32>
    %jit3A_1700 = arith.constant 0.000000e+00 : f32
    %broadcast_in_dim3A_1701 = vector.broadcast %jit3A_1700 : f32 to vector<16xf32>
    %select_n3A_1702 = arith.select %eq3A_1699, %broadcast_in_dim3A_1701, %get3A_1696 : vector<16xi1>, vector<16xf32>
    %swap3A_1703 = arith.constant 0 : index
    %swap3A_1704 = tpu.vector_load %arg12[%swap3A_1703] {strides = array<i32>} : memref<30000xf32, #tpu.memory_space<vmem>>, vector<16xf32>,
    tpu.vector_store %arg12[%swap3A_1703], %select_n3A_1702 {strides = array<i32>} : memref<30000xf32, #tpu.memory_space<vmem>>, vector<16xf32>,
    %dma_start3A_1705 = arith.constant 0 : i32
    %dma_start3A_1706 = tpu.memref_slice %arg6[%arg1, %add3A_1664, %dma_start3A_1705] : memref<16x64x30000xf32, #tpu.memory_space<hbm>> -> memref<1x1x30000xf32, #tpu.memory_space<hbm>>
    %dma_start3A_1707 = tpu.memref_squeeze %dma_start3A_1706 : memref<1x1x30000xf32, #tpu.memory_space<hbm>> -> memref<30000xf32, #tpu.memory_space<hbm>>
    %dma_start3A_1708 = arith.constant 0 : i32
    %dma_start3A_1709 = tpu.memref_slice %arg6[%arg1, %add3A_1664, %dma_start3A_1708] : memref<16x64x30000xf32, #tpu.memory_space<hbm>> -> memref<1x1x30000xf32, #tpu.memory_space<hbm>>
    %dma_start3A_1710 = tpu.memref_squeeze %dma_start3A_1709 : memref<1x1x30000xf32, #tpu.memory_space<hbm>> -> memref<30000xf32, #tpu.memory_space<hbm>>
    tpu.enqueue_dma source(%arg12 : memref<30000xf32, #tpu.memory_space<vmem>>) target(%dma_start3A_1710 : memref<30000xf32, #tpu.memory_space<hbm>>) target_semaphore(%arg20 : memref<!tpu.dma_semaphore, #tpu.memory_space<semaphore_mem>>)
    %dma_wait3A_1711 = arith.constant 0 : i32
    %dma_wait3A_1712 = tpu.memref_slice %arg6[%arg1, %add3A_1664, %dma_wait3A_1711] : memref<16x64x30000xf32, #tpu.memory_space<hbm>> -> memref<1x1x30000xf32, #tpu.memory_space<hbm>>
    %dma_wait3A_1713 = tpu.memref_squeeze %dma_wait3A_1712 : memref<1x1x30000xf32, #tpu.memory_space<hbm>> -> memref<30000xf32, #tpu.memory_space<hbm>>
    %dma_wait3A_1714 = arith.constant 0 : i32
    %dma_wait3A_1715 = tpu.memref_slice %arg6[%arg1, %add3A_1664, %dma_wait3A_1714] : memref<16x64x30000xf32, #tpu.memory_space<hbm>> -> memref<1x1x30000xf32, #tpu.memory_space<hbm>>
    %dma_wait3A_1716 = tpu.memref_squeeze %dma_wait3A_1715 : memref<1x1x30000xf32, #tpu.memory_space<hbm>> -> memref<30000xf32, #tpu.memory_space<hbm>>
    tpu.wait_dma2 semaphore(%arg20 : memref<!tpu.dma_semaphore, #tpu.memory_space<semaphore_mem>>) src(%arg12 : memref<30000xf32, #tpu.memory_space<vmem>>) dst(%dma_wait3A_1716 : memref<30000xf32, #tpu.memory_space<hbm>>)
    %add3A_1717 = arith.constant 25 : i32
    %add3A_1718 = arith.addi %mul3A_0, %add3A_1717 : i32
    %dma_start3A_1719 = arith.constant 0 : i32
    %dma_start3A_1720 = tpu.memref_slice %arg2[%arg1, %add3A_1718, %dma_start3A_1719] : memref<16x64x30000xf32, #tpu.memory_space<hbm>> -> memref<1x1x30000xf32, #tpu.memory_space<hbm>>
    %dma_start3A_1721 = tpu.memref_squeeze %dma_start3A_1720 : memref<1x1x30000xf32, #tpu.memory_space<hbm>> -> memref<30000xf32, #tpu.memory_space<hbm>>
    %dma_start3A_1722 = arith.constant 0 : i32
    %dma_start3A_1723 = tpu.memref_slice %arg2[%arg1, %add3A_1718, %dma_start3A_1722] : memref<16x64x30000xf32, #tpu.memory_space<hbm>> -> memref<1x1x30000xf32, #tpu.memory_space<hbm>>
    %dma_start3A_1724 = tpu.memref_squeeze %dma_start3A_1723 : memref<1x1x30000xf32, #tpu.memory_space<hbm>> -> memref<30000xf32, #tpu.memory_space<hbm>>
    tpu.enqueue_dma source(%dma_start3A_1724 : memref<30000xf32, #tpu.memory_space<hbm>>) target(%arg12 : memref<30000xf32, #tpu.memory_space<vmem>>) target_semaphore(%arg17 : memref<!tpu.dma_semaphore, #tpu.memory_space<semaphore_mem>>)
    %dma_wait3A_1725 = arith.constant 0 : i32
    %dma_wait3A_1726 = tpu.memref_slice %arg2[%arg1, %add3A_1582, %dma_wait3A_1725] : memref<16x64x30000xf32, #tpu.memory_space<hbm>> -> memref<1x1x30000xf32, #tpu.memory_space<hbm>>
    %dma_wait3A_1727 = tpu.memref_squeeze %dma_wait3A_1726 : memref<1x1x30000xf32, #tpu.memory_space<hbm>> -> memref<30000xf32, #tpu.memory_space<hbm>>
    %dma_wait3A_1728 = arith.constant 0 : i32
    %dma_wait3A_1729 = tpu.memref_slice %arg2[%arg1, %add3A_1582, %dma_wait3A_1728] : memref<16x64x30000xf32, #tpu.memory_space<hbm>> -> memref<1x1x30000xf32, #tpu.memory_space<hbm>>
    %dma_wait3A_1730 = tpu.memref_squeeze %dma_wait3A_1729 : memref<1x1x30000xf32, #tpu.memory_space<hbm>> -> memref<30000xf32, #tpu.memory_space<hbm>>
    tpu.wait_dma2 semaphore(%arg18 : memref<!tpu.dma_semaphore, #tpu.memory_space<semaphore_mem>>) src(%dma_wait3A_1730 : memref<30000xf32, #tpu.memory_space<hbm>>) dst(%arg13 : memref<30000xf32, #tpu.memory_space<vmem>>)
    %add3A_1731 = arith.constant 23 : i32
    %add3A_1732 = arith.addi %mul3A_0, %add3A_1731 : i32
    %min3A_1733 = arith.constant 3 : i32
    %min3A_1734 = vector.broadcast %min3A_1733 : i32 to vector<16xi32>
    %min3A_1735 = arith.minsi %iota3A, %min3A_1734 : vector<16xi32>
    %mul3A_1736 = arith.constant 64 : i32
    %mul3A_1737 = vector.broadcast %mul3A_1736 : i32 to vector<16xi32>
    %mul3A_1738 = arith.muli %min3A_1735, %mul3A_1737 : vector<16xi32>
    %add3A_1739 = vector.broadcast %add3A_1732 : i32 to vector<16xi32>
    %add3A_1740 = arith.addi %add3A_1739, %mul3A_1738 : vector<16xi32>
    %gather3A_1741 = tpu.vector_load_idx %arg8[%add3A_1740] : memref<256xi32, #tpu.memory_space<vmem>>[vector<16xi32>], vector<16xi32>,
    %gather3A_1742 = tpu.vector_load_idx %arg9[%add3A_1740] : memref<256xf32, #tpu.memory_space<vmem>>[vector<16xi32>], vector<16xf32>,
    %gather3A_1743 = tpu.vector_load_idx %arg13[%gather3A_1741] : memref<30000xf32, #tpu.memory_space<vmem>>[vector<16xi32>], vector<16xf32>,
    %max3A_1744 = arith.maximumf %gather3A_1743, %gather3A_1742 : vector<16xf32>
    %eq3A_1745 = arith.constant 0 : i32
    %eq3A_1746 = vector.broadcast %eq3A_1745 : i32 to vector<16xi32>
    %eq3A_1747 = arith.cmpi eq, %iota3A, %eq3A_1746 : vector<16xi32>
    tpu.vector_store_idx %arg13[%gather3A_1741], %max3A_1744 masked %eq3A_1747 : memref<30000xf32, #tpu.memory_space<vmem>>[vector<16xi32>], vector<16xf32>, vector<16xi1>
    %gather3A_1748 = tpu.vector_load_idx %arg13[%gather3A_1741] : memref<30000xf32, #tpu.memory_space<vmem>>[vector<16xi32>], vector<16xf32>,
    %max3A_1749 = arith.maximumf %gather3A_1748, %gather3A_1742 : vector<16xf32>
    %eq3A_1750 = arith.constant 1 : i32
    %eq3A_1751 = vector.broadcast %eq3A_1750 : i32 to vector<16xi32>
    %eq3A_1752 = arith.cmpi eq, %iota3A, %eq3A_1751 : vector<16xi32>
    tpu.vector_store_idx %arg13[%gather3A_1741], %max3A_1749 masked %eq3A_1752 : memref<30000xf32, #tpu.memory_space<vmem>>[vector<16xi32>], vector<16xf32>, vector<16xi1>
    %gather3A_1753 = tpu.vector_load_idx %arg13[%gather3A_1741] : memref<30000xf32, #tpu.memory_space<vmem>>[vector<16xi32>], vector<16xf32>,
    %max3A_1754 = arith.maximumf %gather3A_1753, %gather3A_1742 : vector<16xf32>
    %eq3A_1755 = arith.constant 2 : i32
    %eq3A_1756 = vector.broadcast %eq3A_1755 : i32 to vector<16xi32>
    %eq3A_1757 = arith.cmpi eq, %iota3A, %eq3A_1756 : vector<16xi32>
    tpu.vector_store_idx %arg13[%gather3A_1741], %max3A_1754 masked %eq3A_1757 : memref<30000xf32, #tpu.memory_space<vmem>>[vector<16xi32>], vector<16xf32>, vector<16xi1>
    %gather3A_1758 = tpu.vector_load_idx %arg13[%gather3A_1741] : memref<30000xf32, #tpu.memory_space<vmem>>[vector<16xi32>], vector<16xf32>,
    %max3A_1759 = arith.maximumf %gather3A_1758, %gather3A_1742 : vector<16xf32>
    %eq3A_1760 = arith.constant 3 : i32
    %eq3A_1761 = vector.broadcast %eq3A_1760 : i32 to vector<16xi32>
    %eq3A_1762 = arith.cmpi eq, %iota3A, %eq3A_1761 : vector<16xi32>
    tpu.vector_store_idx %arg13[%gather3A_1741], %max3A_1759 masked %eq3A_1762 : memref<30000xf32, #tpu.memory_space<vmem>>[vector<16xi32>], vector<16xf32>, vector<16xi1>
    %get3A_1763 = arith.constant 0 : index
    %get3A_1764 = tpu.vector_load %arg13[%get3A_1763] {strides = array<i32>} : memref<30000xf32, #tpu.memory_space<vmem>>, vector<16xf32>,
    %eq3A_1765 = arith.constant 1 : i32
    %eq3A_1766 = vector.broadcast %eq3A_1765 : i32 to vector<16xi32>
    %eq3A_1767 = arith.cmpi eq, %iota3A, %eq3A_1766 : vector<16xi32>
    %jit3A_1768 = arith.constant 0.000000e+00 : f32
    %broadcast_in_dim3A_1769 = vector.broadcast %jit3A_1768 : f32 to vector<16xf32>
    %select_n3A_1770 = arith.select %eq3A_1767, %broadcast_in_dim3A_1769, %get3A_1764 : vector<16xi1>, vector<16xf32>
    %swap3A_1771 = arith.constant 0 : index
    %swap3A_1772 = tpu.vector_load %arg13[%swap3A_1771] {strides = array<i32>} : memref<30000xf32, #tpu.memory_space<vmem>>, vector<16xf32>,
    tpu.vector_store %arg13[%swap3A_1771], %select_n3A_1770 {strides = array<i32>} : memref<30000xf32, #tpu.memory_space<vmem>>, vector<16xf32>,
    %dma_start3A_1773 = arith.constant 0 : i32
    %dma_start3A_1774 = tpu.memref_slice %arg6[%arg1, %add3A_1732, %dma_start3A_1773] : memref<16x64x30000xf32, #tpu.memory_space<hbm>> -> memref<1x1x30000xf32, #tpu.memory_space<hbm>>
    %dma_start3A_1775 = tpu.memref_squeeze %dma_start3A_1774 : memref<1x1x30000xf32, #tpu.memory_space<hbm>> -> memref<30000xf32, #tpu.memory_space<hbm>>
    %dma_start3A_1776 = arith.constant 0 : i32
    %dma_start3A_1777 = tpu.memref_slice %arg6[%arg1, %add3A_1732, %dma_start3A_1776] : memref<16x64x30000xf32, #tpu.memory_space<hbm>> -> memref<1x1x30000xf32, #tpu.memory_space<hbm>>
    %dma_start3A_1778 = tpu.memref_squeeze %dma_start3A_1777 : memref<1x1x30000xf32, #tpu.memory_space<hbm>> -> memref<30000xf32, #tpu.memory_space<hbm>>
    tpu.enqueue_dma source(%arg13 : memref<30000xf32, #tpu.memory_space<vmem>>) target(%dma_start3A_1778 : memref<30000xf32, #tpu.memory_space<hbm>>) target_semaphore(%arg21 : memref<!tpu.dma_semaphore, #tpu.memory_space<semaphore_mem>>)
    %dma_wait3A_1779 = arith.constant 0 : i32
    %dma_wait3A_1780 = tpu.memref_slice %arg6[%arg1, %add3A_1732, %dma_wait3A_1779] : memref<16x64x30000xf32, #tpu.memory_space<hbm>> -> memref<1x1x30000xf32, #tpu.memory_space<hbm>>
    %dma_wait3A_1781 = tpu.memref_squeeze %dma_wait3A_1780 : memref<1x1x30000xf32, #tpu.memory_space<hbm>> -> memref<30000xf32, #tpu.memory_space<hbm>>
    %dma_wait3A_1782 = arith.constant 0 : i32
    %dma_wait3A_1783 = tpu.memref_slice %arg6[%arg1, %add3A_1732, %dma_wait3A_1782] : memref<16x64x30000xf32, #tpu.memory_space<hbm>> -> memref<1x1x30000xf32, #tpu.memory_space<hbm>>
    %dma_wait3A_1784 = tpu.memref_squeeze %dma_wait3A_1783 : memref<1x1x30000xf32, #tpu.memory_space<hbm>> -> memref<30000xf32, #tpu.memory_space<hbm>>
    tpu.wait_dma2 semaphore(%arg21 : memref<!tpu.dma_semaphore, #tpu.memory_space<semaphore_mem>>) src(%arg13 : memref<30000xf32, #tpu.memory_space<vmem>>) dst(%dma_wait3A_1784 : memref<30000xf32, #tpu.memory_space<hbm>>)
    %add3A_1785 = arith.constant 26 : i32
    %add3A_1786 = arith.addi %mul3A_0, %add3A_1785 : i32
    %dma_start3A_1787 = arith.constant 0 : i32
    %dma_start3A_1788 = tpu.memref_slice %arg2[%arg1, %add3A_1786, %dma_start3A_1787] : memref<16x64x30000xf32, #tpu.memory_space<hbm>> -> memref<1x1x30000xf32, #tpu.memory_space<hbm>>
    %dma_start3A_1789 = tpu.memref_squeeze %dma_start3A_1788 : memref<1x1x30000xf32, #tpu.memory_space<hbm>> -> memref<30000xf32, #tpu.memory_space<hbm>>
    %dma_start3A_1790 = arith.constant 0 : i32
    %dma_start3A_1791 = tpu.memref_slice %arg2[%arg1, %add3A_1786, %dma_start3A_1790] : memref<16x64x30000xf32, #tpu.memory_space<hbm>> -> memref<1x1x30000xf32, #tpu.memory_space<hbm>>
    %dma_start3A_1792 = tpu.memref_squeeze %dma_start3A_1791 : memref<1x1x30000xf32, #tpu.memory_space<hbm>> -> memref<30000xf32, #tpu.memory_space<hbm>>
    tpu.enqueue_dma source(%dma_start3A_1792 : memref<30000xf32, #tpu.memory_space<hbm>>) target(%arg13 : memref<30000xf32, #tpu.memory_space<vmem>>) target_semaphore(%arg18 : memref<!tpu.dma_semaphore, #tpu.memory_space<semaphore_mem>>)
    %dma_wait3A_1793 = arith.constant 0 : i32
    %dma_wait3A_1794 = tpu.memref_slice %arg2[%arg1, %add3A_1650, %dma_wait3A_1793] : memref<16x64x30000xf32, #tpu.memory_space<hbm>> -> memref<1x1x30000xf32, #tpu.memory_space<hbm>>
    %dma_wait3A_1795 = tpu.memref_squeeze %dma_wait3A_1794 : memref<1x1x30000xf32, #tpu.memory_space<hbm>> -> memref<30000xf32, #tpu.memory_space<hbm>>
    %dma_wait3A_1796 = arith.constant 0 : i32
    %dma_wait3A_1797 = tpu.memref_slice %arg2[%arg1, %add3A_1650, %dma_wait3A_1796] : memref<16x64x30000xf32, #tpu.memory_space<hbm>> -> memref<1x1x30000xf32, #tpu.memory_space<hbm>>
    %dma_wait3A_1798 = tpu.memref_squeeze %dma_wait3A_1797 : memref<1x1x30000xf32, #tpu.memory_space<hbm>> -> memref<30000xf32, #tpu.memory_space<hbm>>
    tpu.wait_dma2 semaphore(%arg16 : memref<!tpu.dma_semaphore, #tpu.memory_space<semaphore_mem>>) src(%dma_wait3A_1798 : memref<30000xf32, #tpu.memory_space<hbm>>) dst(%arg11 : memref<30000xf32, #tpu.memory_space<vmem>>)
    %add3A_1799 = arith.constant 24 : i32
    %add3A_1800 = arith.addi %mul3A_0, %add3A_1799 : i32
    %min3A_1801 = arith.constant 3 : i32
    %min3A_1802 = vector.broadcast %min3A_1801 : i32 to vector<16xi32>
    %min3A_1803 = arith.minsi %iota3A, %min3A_1802 : vector<16xi32>
    %mul3A_1804 = arith.constant 64 : i32
    %mul3A_1805 = vector.broadcast %mul3A_1804 : i32 to vector<16xi32>
    %mul3A_1806 = arith.muli %min3A_1803, %mul3A_1805 : vector<16xi32>
    %add3A_1807 = vector.broadcast %add3A_1800 : i32 to vector<16xi32>
    %add3A_1808 = arith.addi %add3A_1807, %mul3A_1806 : vector<16xi32>
    %gather3A_1809 = tpu.vector_load_idx %arg8[%add3A_1808] : memref<256xi32, #tpu.memory_space<vmem>>[vector<16xi32>], vector<16xi32>,
    %gather3A_1810 = tpu.vector_load_idx %arg9[%add3A_1808] : memref<256xf32, #tpu.memory_space<vmem>>[vector<16xi32>], vector<16xf32>,
    %gather3A_1811 = tpu.vector_load_idx %arg11[%gather3A_1809] : memref<30000xf32, #tpu.memory_space<vmem>>[vector<16xi32>], vector<16xf32>,
    %max3A_1812 = arith.maximumf %gather3A_1811, %gather3A_1810 : vector<16xf32>
    %eq3A_1813 = arith.constant 0 : i32
    %eq3A_1814 = vector.broadcast %eq3A_1813 : i32 to vector<16xi32>
    %eq3A_1815 = arith.cmpi eq, %iota3A, %eq3A_1814 : vector<16xi32>
    tpu.vector_store_idx %arg11[%gather3A_1809], %max3A_1812 masked %eq3A_1815 : memref<30000xf32, #tpu.memory_space<vmem>>[vector<16xi32>], vector<16xf32>, vector<16xi1>
    %gather3A_1816 = tpu.vector_load_idx %arg11[%gather3A_1809] : memref<30000xf32, #tpu.memory_space<vmem>>[vector<16xi32>], vector<16xf32>,
    %max3A_1817 = arith.maximumf %gather3A_1816, %gather3A_1810 : vector<16xf32>
    %eq3A_1818 = arith.constant 1 : i32
    %eq3A_1819 = vector.broadcast %eq3A_1818 : i32 to vector<16xi32>
    %eq3A_1820 = arith.cmpi eq, %iota3A, %eq3A_1819 : vector<16xi32>
    tpu.vector_store_idx %arg11[%gather3A_1809], %max3A_1817 masked %eq3A_1820 : memref<30000xf32, #tpu.memory_space<vmem>>[vector<16xi32>], vector<16xf32>, vector<16xi1>
    %gather3A_1821 = tpu.vector_load_idx %arg11[%gather3A_1809] : memref<30000xf32, #tpu.memory_space<vmem>>[vector<16xi32>], vector<16xf32>,
    %max3A_1822 = arith.maximumf %gather3A_1821, %gather3A_1810 : vector<16xf32>
    %eq3A_1823 = arith.constant 2 : i32
    %eq3A_1824 = vector.broadcast %eq3A_1823 : i32 to vector<16xi32>
    %eq3A_1825 = arith.cmpi eq, %iota3A, %eq3A_1824 : vector<16xi32>
    tpu.vector_store_idx %arg11[%gather3A_1809], %max3A_1822 masked %eq3A_1825 : memref<30000xf32, #tpu.memory_space<vmem>>[vector<16xi32>], vector<16xf32>, vector<16xi1>
    %gather3A_1826 = tpu.vector_load_idx %arg11[%gather3A_1809] : memref<30000xf32, #tpu.memory_space<vmem>>[vector<16xi32>], vector<16xf32>,
    %max3A_1827 = arith.maximumf %gather3A_1826, %gather3A_1810 : vector<16xf32>
    %eq3A_1828 = arith.constant 3 : i32
    %eq3A_1829 = vector.broadcast %eq3A_1828 : i32 to vector<16xi32>
    %eq3A_1830 = arith.cmpi eq, %iota3A, %eq3A_1829 : vector<16xi32>
    tpu.vector_store_idx %arg11[%gather3A_1809], %max3A_1827 masked %eq3A_1830 : memref<30000xf32, #tpu.memory_space<vmem>>[vector<16xi32>], vector<16xf32>, vector<16xi1>
    %get3A_1831 = arith.constant 0 : index
    %get3A_1832 = tpu.vector_load %arg11[%get3A_1831] {strides = array<i32>} : memref<30000xf32, #tpu.memory_space<vmem>>, vector<16xf32>,
    %eq3A_1833 = arith.constant 1 : i32
    %eq3A_1834 = vector.broadcast %eq3A_1833 : i32 to vector<16xi32>
    %eq3A_1835 = arith.cmpi eq, %iota3A, %eq3A_1834 : vector<16xi32>
    %jit3A_1836 = arith.constant 0.000000e+00 : f32
    %broadcast_in_dim3A_1837 = vector.broadcast %jit3A_1836 : f32 to vector<16xf32>
    %select_n3A_1838 = arith.select %eq3A_1835, %broadcast_in_dim3A_1837, %get3A_1832 : vector<16xi1>, vector<16xf32>
    %swap3A_1839 = arith.constant 0 : index
    %swap3A_1840 = tpu.vector_load %arg11[%swap3A_1839] {strides = array<i32>} : memref<30000xf32, #tpu.memory_space<vmem>>, vector<16xf32>,
    tpu.vector_store %arg11[%swap3A_1839], %select_n3A_1838 {strides = array<i32>} : memref<30000xf32, #tpu.memory_space<vmem>>, vector<16xf32>,
    %dma_start3A_1841 = arith.constant 0 : i32
    %dma_start3A_1842 = tpu.memref_slice %arg6[%arg1, %add3A_1800, %dma_start3A_1841] : memref<16x64x30000xf32, #tpu.memory_space<hbm>> -> memref<1x1x30000xf32, #tpu.memory_space<hbm>>
    %dma_start3A_1843 = tpu.memref_squeeze %dma_start3A_1842 : memref<1x1x30000xf32, #tpu.memory_space<hbm>> -> memref<30000xf32, #tpu.memory_space<hbm>>
    %dma_start3A_1844 = arith.constant 0 : i32
    %dma_start3A_1845 = tpu.memref_slice %arg6[%arg1, %add3A_1800, %dma_start3A_1844] : memref<16x64x30000xf32, #tpu.memory_space<hbm>> -> memref<1x1x30000xf32, #tpu.memory_space<hbm>>
    %dma_start3A_1846 = tpu.memref_squeeze %dma_start3A_1845 : memref<1x1x30000xf32, #tpu.memory_space<hbm>> -> memref<30000xf32, #tpu.memory_space<hbm>>
    tpu.enqueue_dma source(%arg11 : memref<30000xf32, #tpu.memory_space<vmem>>) target(%dma_start3A_1846 : memref<30000xf32, #tpu.memory_space<hbm>>) target_semaphore(%arg19 : memref<!tpu.dma_semaphore, #tpu.memory_space<semaphore_mem>>)
    %dma_wait3A_1847 = arith.constant 0 : i32
    %dma_wait3A_1848 = tpu.memref_slice %arg6[%arg1, %add3A_1800, %dma_wait3A_1847] : memref<16x64x30000xf32, #tpu.memory_space<hbm>> -> memref<1x1x30000xf32, #tpu.memory_space<hbm>>
    %dma_wait3A_1849 = tpu.memref_squeeze %dma_wait3A_1848 : memref<1x1x30000xf32, #tpu.memory_space<hbm>> -> memref<30000xf32, #tpu.memory_space<hbm>>
    %dma_wait3A_1850 = arith.constant 0 : i32
    %dma_wait3A_1851 = tpu.memref_slice %arg6[%arg1, %add3A_1800, %dma_wait3A_1850] : memref<16x64x30000xf32, #tpu.memory_space<hbm>> -> memref<1x1x30000xf32, #tpu.memory_space<hbm>>
    %dma_wait3A_1852 = tpu.memref_squeeze %dma_wait3A_1851 : memref<1x1x30000xf32, #tpu.memory_space<hbm>> -> memref<30000xf32, #tpu.memory_space<hbm>>
    tpu.wait_dma2 semaphore(%arg19 : memref<!tpu.dma_semaphore, #tpu.memory_space<semaphore_mem>>) src(%arg11 : memref<30000xf32, #tpu.memory_space<vmem>>) dst(%dma_wait3A_1852 : memref<30000xf32, #tpu.memory_space<hbm>>)
    %add3A_1853 = arith.constant 27 : i32
    %add3A_1854 = arith.addi %mul3A_0, %add3A_1853 : i32
    %dma_start3A_1855 = arith.constant 0 : i32
    %dma_start3A_1856 = tpu.memref_slice %arg2[%arg1, %add3A_1854, %dma_start3A_1855] : memref<16x64x30000xf32, #tpu.memory_space<hbm>> -> memref<1x1x30000xf32, #tpu.memory_space<hbm>>
    %dma_start3A_1857 = tpu.memref_squeeze %dma_start3A_1856 : memref<1x1x30000xf32, #tpu.memory_space<hbm>> -> memref<30000xf32, #tpu.memory_space<hbm>>
    %dma_start3A_1858 = arith.constant 0 : i32
    %dma_start3A_1859 = tpu.memref_slice %arg2[%arg1, %add3A_1854, %dma_start3A_1858] : memref<16x64x30000xf32, #tpu.memory_space<hbm>> -> memref<1x1x30000xf32, #tpu.memory_space<hbm>>
    %dma_start3A_1860 = tpu.memref_squeeze %dma_start3A_1859 : memref<1x1x30000xf32, #tpu.memory_space<hbm>> -> memref<30000xf32, #tpu.memory_space<hbm>>
    tpu.enqueue_dma source(%dma_start3A_1860 : memref<30000xf32, #tpu.memory_space<hbm>>) target(%arg11 : memref<30000xf32, #tpu.memory_space<vmem>>) target_semaphore(%arg16 : memref<!tpu.dma_semaphore, #tpu.memory_space<semaphore_mem>>)
    %dma_wait3A_1861 = arith.constant 0 : i32
    %dma_wait3A_1862 = tpu.memref_slice %arg2[%arg1, %add3A_1718, %dma_wait3A_1861] : memref<16x64x30000xf32, #tpu.memory_space<hbm>> -> memref<1x1x30000xf32, #tpu.memory_space<hbm>>
    %dma_wait3A_1863 = tpu.memref_squeeze %dma_wait3A_1862 : memref<1x1x30000xf32, #tpu.memory_space<hbm>> -> memref<30000xf32, #tpu.memory_space<hbm>>
    %dma_wait3A_1864 = arith.constant 0 : i32
    %dma_wait3A_1865 = tpu.memref_slice %arg2[%arg1, %add3A_1718, %dma_wait3A_1864] : memref<16x64x30000xf32, #tpu.memory_space<hbm>> -> memref<1x1x30000xf32, #tpu.memory_space<hbm>>
    %dma_wait3A_1866 = tpu.memref_squeeze %dma_wait3A_1865 : memref<1x1x30000xf32, #tpu.memory_space<hbm>> -> memref<30000xf32, #tpu.memory_space<hbm>>
    tpu.wait_dma2 semaphore(%arg17 : memref<!tpu.dma_semaphore, #tpu.memory_space<semaphore_mem>>) src(%dma_wait3A_1866 : memref<30000xf32, #tpu.memory_space<hbm>>) dst(%arg12 : memref<30000xf32, #tpu.memory_space<vmem>>)
    %add3A_1867 = arith.constant 25 : i32
    %add3A_1868 = arith.addi %mul3A_0, %add3A_1867 : i32
    %min3A_1869 = arith.constant 3 : i32
    %min3A_1870 = vector.broadcast %min3A_1869 : i32 to vector<16xi32>
    %min3A_1871 = arith.minsi %iota3A, %min3A_1870 : vector<16xi32>
    %mul3A_1872 = arith.constant 64 : i32
    %mul3A_1873 = vector.broadcast %mul3A_1872 : i32 to vector<16xi32>
    %mul3A_1874 = arith.muli %min3A_1871, %mul3A_1873 : vector<16xi32>
    %add3A_1875 = vector.broadcast %add3A_1868 : i32 to vector<16xi32>
    %add3A_1876 = arith.addi %add3A_1875, %mul3A_1874 : vector<16xi32>
    %gather3A_1877 = tpu.vector_load_idx %arg8[%add3A_1876] : memref<256xi32, #tpu.memory_space<vmem>>[vector<16xi32>], vector<16xi32>,
    %gather3A_1878 = tpu.vector_load_idx %arg9[%add3A_1876] : memref<256xf32, #tpu.memory_space<vmem>>[vector<16xi32>], vector<16xf32>,
    %gather3A_1879 = tpu.vector_load_idx %arg12[%gather3A_1877] : memref<30000xf32, #tpu.memory_space<vmem>>[vector<16xi32>], vector<16xf32>,
    %max3A_1880 = arith.maximumf %gather3A_1879, %gather3A_1878 : vector<16xf32>
    %eq3A_1881 = arith.constant 0 : i32
    %eq3A_1882 = vector.broadcast %eq3A_1881 : i32 to vector<16xi32>
    %eq3A_1883 = arith.cmpi eq, %iota3A, %eq3A_1882 : vector<16xi32>
    tpu.vector_store_idx %arg12[%gather3A_1877], %max3A_1880 masked %eq3A_1883 : memref<30000xf32, #tpu.memory_space<vmem>>[vector<16xi32>], vector<16xf32>, vector<16xi1>
    %gather3A_1884 = tpu.vector_load_idx %arg12[%gather3A_1877] : memref<30000xf32, #tpu.memory_space<vmem>>[vector<16xi32>], vector<16xf32>,
    %max3A_1885 = arith.maximumf %gather3A_1884, %gather3A_1878 : vector<16xf32>
    %eq3A_1886 = arith.constant 1 : i32
    %eq3A_1887 = vector.broadcast %eq3A_1886 : i32 to vector<16xi32>
    %eq3A_1888 = arith.cmpi eq, %iota3A, %eq3A_1887 : vector<16xi32>
    tpu.vector_store_idx %arg12[%gather3A_1877], %max3A_1885 masked %eq3A_1888 : memref<30000xf32, #tpu.memory_space<vmem>>[vector<16xi32>], vector<16xf32>, vector<16xi1>
    %gather3A_1889 = tpu.vector_load_idx %arg12[%gather3A_1877] : memref<30000xf32, #tpu.memory_space<vmem>>[vector<16xi32>], vector<16xf32>,
    %max3A_1890 = arith.maximumf %gather3A_1889, %gather3A_1878 : vector<16xf32>
    %eq3A_1891 = arith.constant 2 : i32
    %eq3A_1892 = vector.broadcast %eq3A_1891 : i32 to vector<16xi32>
    %eq3A_1893 = arith.cmpi eq, %iota3A, %eq3A_1892 : vector<16xi32>
    tpu.vector_store_idx %arg12[%gather3A_1877], %max3A_1890 masked %eq3A_1893 : memref<30000xf32, #tpu.memory_space<vmem>>[vector<16xi32>], vector<16xf32>, vector<16xi1>
    %gather3A_1894 = tpu.vector_load_idx %arg12[%gather3A_1877] : memref<30000xf32, #tpu.memory_space<vmem>>[vector<16xi32>], vector<16xf32>,
    %max3A_1895 = arith.maximumf %gather3A_1894, %gather3A_1878 : vector<16xf32>
    %eq3A_1896 = arith.constant 3 : i32
    %eq3A_1897 = vector.broadcast %eq3A_1896 : i32 to vector<16xi32>
    %eq3A_1898 = arith.cmpi eq, %iota3A, %eq3A_1897 : vector<16xi32>
    tpu.vector_store_idx %arg12[%gather3A_1877], %max3A_1895 masked %eq3A_1898 : memref<30000xf32, #tpu.memory_space<vmem>>[vector<16xi32>], vector<16xf32>, vector<16xi1>
    %get3A_1899 = arith.constant 0 : index
    %get3A_1900 = tpu.vector_load %arg12[%get3A_1899] {strides = array<i32>} : memref<30000xf32, #tpu.memory_space<vmem>>, vector<16xf32>,
    %eq3A_1901 = arith.constant 1 : i32
    %eq3A_1902 = vector.broadcast %eq3A_1901 : i32 to vector<16xi32>
    %eq3A_1903 = arith.cmpi eq, %iota3A, %eq3A_1902 : vector<16xi32>
    %jit3A_1904 = arith.constant 0.000000e+00 : f32
    %broadcast_in_dim3A_1905 = vector.broadcast %jit3A_1904 : f32 to vector<16xf32>
    %select_n3A_1906 = arith.select %eq3A_1903, %broadcast_in_dim3A_1905, %get3A_1900 : vector<16xi1>, vector<16xf32>
    %swap3A_1907 = arith.constant 0 : index
    %swap3A_1908 = tpu.vector_load %arg12[%swap3A_1907] {strides = array<i32>} : memref<30000xf32, #tpu.memory_space<vmem>>, vector<16xf32>,
    tpu.vector_store %arg12[%swap3A_1907], %select_n3A_1906 {strides = array<i32>} : memref<30000xf32, #tpu.memory_space<vmem>>, vector<16xf32>,
    %dma_start3A_1909 = arith.constant 0 : i32
    %dma_start3A_1910 = tpu.memref_slice %arg6[%arg1, %add3A_1868, %dma_start3A_1909] : memref<16x64x30000xf32, #tpu.memory_space<hbm>> -> memref<1x1x30000xf32, #tpu.memory_space<hbm>>
    %dma_start3A_1911 = tpu.memref_squeeze %dma_start3A_1910 : memref<1x1x30000xf32, #tpu.memory_space<hbm>> -> memref<30000xf32, #tpu.memory_space<hbm>>
    %dma_start3A_1912 = arith.constant 0 : i32
    %dma_start3A_1913 = tpu.memref_slice %arg6[%arg1, %add3A_1868, %dma_start3A_1912] : memref<16x64x30000xf32, #tpu.memory_space<hbm>> -> memref<1x1x30000xf32, #tpu.memory_space<hbm>>
    %dma_start3A_1914 = tpu.memref_squeeze %dma_start3A_1913 : memref<1x1x30000xf32, #tpu.memory_space<hbm>> -> memref<30000xf32, #tpu.memory_space<hbm>>
    tpu.enqueue_dma source(%arg12 : memref<30000xf32, #tpu.memory_space<vmem>>) target(%dma_start3A_1914 : memref<30000xf32, #tpu.memory_space<hbm>>) target_semaphore(%arg20 : memref<!tpu.dma_semaphore, #tpu.memory_space<semaphore_mem>>)
    %dma_wait3A_1915 = arith.constant 0 : i32
    %dma_wait3A_1916 = tpu.memref_slice %arg6[%arg1, %add3A_1868, %dma_wait3A_1915] : memref<16x64x30000xf32, #tpu.memory_space<hbm>> -> memref<1x1x30000xf32, #tpu.memory_space<hbm>>
    %dma_wait3A_1917 = tpu.memref_squeeze %dma_wait3A_1916 : memref<1x1x30000xf32, #tpu.memory_space<hbm>> -> memref<30000xf32, #tpu.memory_space<hbm>>
    %dma_wait3A_1918 = arith.constant 0 : i32
    %dma_wait3A_1919 = tpu.memref_slice %arg6[%arg1, %add3A_1868, %dma_wait3A_1918] : memref<16x64x30000xf32, #tpu.memory_space<hbm>> -> memref<1x1x30000xf32, #tpu.memory_space<hbm>>
    %dma_wait3A_1920 = tpu.memref_squeeze %dma_wait3A_1919 : memref<1x1x30000xf32, #tpu.memory_space<hbm>> -> memref<30000xf32, #tpu.memory_space<hbm>>
    tpu.wait_dma2 semaphore(%arg20 : memref<!tpu.dma_semaphore, #tpu.memory_space<semaphore_mem>>) src(%arg12 : memref<30000xf32, #tpu.memory_space<vmem>>) dst(%dma_wait3A_1920 : memref<30000xf32, #tpu.memory_space<hbm>>)
    %add3A_1921 = arith.constant 28 : i32
    %add3A_1922 = arith.addi %mul3A_0, %add3A_1921 : i32
    %dma_start3A_1923 = arith.constant 0 : i32
    %dma_start3A_1924 = tpu.memref_slice %arg2[%arg1, %add3A_1922, %dma_start3A_1923] : memref<16x64x30000xf32, #tpu.memory_space<hbm>> -> memref<1x1x30000xf32, #tpu.memory_space<hbm>>
    %dma_start3A_1925 = tpu.memref_squeeze %dma_start3A_1924 : memref<1x1x30000xf32, #tpu.memory_space<hbm>> -> memref<30000xf32, #tpu.memory_space<hbm>>
    %dma_start3A_1926 = arith.constant 0 : i32
    %dma_start3A_1927 = tpu.memref_slice %arg2[%arg1, %add3A_1922, %dma_start3A_1926] : memref<16x64x30000xf32, #tpu.memory_space<hbm>> -> memref<1x1x30000xf32, #tpu.memory_space<hbm>>
    %dma_start3A_1928 = tpu.memref_squeeze %dma_start3A_1927 : memref<1x1x30000xf32, #tpu.memory_space<hbm>> -> memref<30000xf32, #tpu.memory_space<hbm>>
    tpu.enqueue_dma source(%dma_start3A_1928 : memref<30000xf32, #tpu.memory_space<hbm>>) target(%arg12 : memref<30000xf32, #tpu.memory_space<vmem>>) target_semaphore(%arg17 : memref<!tpu.dma_semaphore, #tpu.memory_space<semaphore_mem>>)
    %dma_wait3A_1929 = arith.constant 0 : i32
    %dma_wait3A_1930 = tpu.memref_slice %arg2[%arg1, %add3A_1786, %dma_wait3A_1929] : memref<16x64x30000xf32, #tpu.memory_space<hbm>> -> memref<1x1x30000xf32, #tpu.memory_space<hbm>>
    %dma_wait3A_1931 = tpu.memref_squeeze %dma_wait3A_1930 : memref<1x1x30000xf32, #tpu.memory_space<hbm>> -> memref<30000xf32, #tpu.memory_space<hbm>>
    %dma_wait3A_1932 = arith.constant 0 : i32
    %dma_wait3A_1933 = tpu.memref_slice %arg2[%arg1, %add3A_1786, %dma_wait3A_1932] : memref<16x64x30000xf32, #tpu.memory_space<hbm>> -> memref<1x1x30000xf32, #tpu.memory_space<hbm>>
    %dma_wait3A_1934 = tpu.memref_squeeze %dma_wait3A_1933 : memref<1x1x30000xf32, #tpu.memory_space<hbm>> -> memref<30000xf32, #tpu.memory_space<hbm>>
    tpu.wait_dma2 semaphore(%arg18 : memref<!tpu.dma_semaphore, #tpu.memory_space<semaphore_mem>>) src(%dma_wait3A_1934 : memref<30000xf32, #tpu.memory_space<hbm>>) dst(%arg13 : memref<30000xf32, #tpu.memory_space<vmem>>)
    %add3A_1935 = arith.constant 26 : i32
    %add3A_1936 = arith.addi %mul3A_0, %add3A_1935 : i32
    %min3A_1937 = arith.constant 3 : i32
    %min3A_1938 = vector.broadcast %min3A_1937 : i32 to vector<16xi32>
    %min3A_1939 = arith.minsi %iota3A, %min3A_1938 : vector<16xi32>
    %mul3A_1940 = arith.constant 64 : i32
    %mul3A_1941 = vector.broadcast %mul3A_1940 : i32 to vector<16xi32>
    %mul3A_1942 = arith.muli %min3A_1939, %mul3A_1941 : vector<16xi32>
    %add3A_1943 = vector.broadcast %add3A_1936 : i32 to vector<16xi32>
    %add3A_1944 = arith.addi %add3A_1943, %mul3A_1942 : vector<16xi32>
    %gather3A_1945 = tpu.vector_load_idx %arg8[%add3A_1944] : memref<256xi32, #tpu.memory_space<vmem>>[vector<16xi32>], vector<16xi32>,
    %gather3A_1946 = tpu.vector_load_idx %arg9[%add3A_1944] : memref<256xf32, #tpu.memory_space<vmem>>[vector<16xi32>], vector<16xf32>,
    %gather3A_1947 = tpu.vector_load_idx %arg13[%gather3A_1945] : memref<30000xf32, #tpu.memory_space<vmem>>[vector<16xi32>], vector<16xf32>,
    %max3A_1948 = arith.maximumf %gather3A_1947, %gather3A_1946 : vector<16xf32>
    %eq3A_1949 = arith.constant 0 : i32
    %eq3A_1950 = vector.broadcast %eq3A_1949 : i32 to vector<16xi32>
    %eq3A_1951 = arith.cmpi eq, %iota3A, %eq3A_1950 : vector<16xi32>
    tpu.vector_store_idx %arg13[%gather3A_1945], %max3A_1948 masked %eq3A_1951 : memref<30000xf32, #tpu.memory_space<vmem>>[vector<16xi32>], vector<16xf32>, vector<16xi1>
    %gather3A_1952 = tpu.vector_load_idx %arg13[%gather3A_1945] : memref<30000xf32, #tpu.memory_space<vmem>>[vector<16xi32>], vector<16xf32>,
    %max3A_1953 = arith.maximumf %gather3A_1952, %gather3A_1946 : vector<16xf32>
    %eq3A_1954 = arith.constant 1 : i32
    %eq3A_1955 = vector.broadcast %eq3A_1954 : i32 to vector<16xi32>
    %eq3A_1956 = arith.cmpi eq, %iota3A, %eq3A_1955 : vector<16xi32>
    tpu.vector_store_idx %arg13[%gather3A_1945], %max3A_1953 masked %eq3A_1956 : memref<30000xf32, #tpu.memory_space<vmem>>[vector<16xi32>], vector<16xf32>, vector<16xi1>
    %gather3A_1957 = tpu.vector_load_idx %arg13[%gather3A_1945] : memref<30000xf32, #tpu.memory_space<vmem>>[vector<16xi32>], vector<16xf32>,
    %max3A_1958 = arith.maximumf %gather3A_1957, %gather3A_1946 : vector<16xf32>
    %eq3A_1959 = arith.constant 2 : i32
    %eq3A_1960 = vector.broadcast %eq3A_1959 : i32 to vector<16xi32>
    %eq3A_1961 = arith.cmpi eq, %iota3A, %eq3A_1960 : vector<16xi32>
    tpu.vector_store_idx %arg13[%gather3A_1945], %max3A_1958 masked %eq3A_1961 : memref<30000xf32, #tpu.memory_space<vmem>>[vector<16xi32>], vector<16xf32>, vector<16xi1>
    %gather3A_1962 = tpu.vector_load_idx %arg13[%gather3A_1945] : memref<30000xf32, #tpu.memory_space<vmem>>[vector<16xi32>], vector<16xf32>,
    %max3A_1963 = arith.maximumf %gather3A_1962, %gather3A_1946 : vector<16xf32>
    %eq3A_1964 = arith.constant 3 : i32
    %eq3A_1965 = vector.broadcast %eq3A_1964 : i32 to vector<16xi32>
    %eq3A_1966 = arith.cmpi eq, %iota3A, %eq3A_1965 : vector<16xi32>
    tpu.vector_store_idx %arg13[%gather3A_1945], %max3A_1963 masked %eq3A_1966 : memref<30000xf32, #tpu.memory_space<vmem>>[vector<16xi32>], vector<16xf32>, vector<16xi1>
    %get3A_1967 = arith.constant 0 : index
    %get3A_1968 = tpu.vector_load %arg13[%get3A_1967] {strides = array<i32>} : memref<30000xf32, #tpu.memory_space<vmem>>, vector<16xf32>,
    %eq3A_1969 = arith.constant 1 : i32
    %eq3A_1970 = vector.broadcast %eq3A_1969 : i32 to vector<16xi32>
    %eq3A_1971 = arith.cmpi eq, %iota3A, %eq3A_1970 : vector<16xi32>
    %jit3A_1972 = arith.constant 0.000000e+00 : f32
    %broadcast_in_dim3A_1973 = vector.broadcast %jit3A_1972 : f32 to vector<16xf32>
    %select_n3A_1974 = arith.select %eq3A_1971, %broadcast_in_dim3A_1973, %get3A_1968 : vector<16xi1>, vector<16xf32>
    %swap3A_1975 = arith.constant 0 : index
    %swap3A_1976 = tpu.vector_load %arg13[%swap3A_1975] {strides = array<i32>} : memref<30000xf32, #tpu.memory_space<vmem>>, vector<16xf32>,
    tpu.vector_store %arg13[%swap3A_1975], %select_n3A_1974 {strides = array<i32>} : memref<30000xf32, #tpu.memory_space<vmem>>, vector<16xf32>,
    %dma_start3A_1977 = arith.constant 0 : i32
    %dma_start3A_1978 = tpu.memref_slice %arg6[%arg1, %add3A_1936, %dma_start3A_1977] : memref<16x64x30000xf32, #tpu.memory_space<hbm>> -> memref<1x1x30000xf32, #tpu.memory_space<hbm>>
    %dma_start3A_1979 = tpu.memref_squeeze %dma_start3A_1978 : memref<1x1x30000xf32, #tpu.memory_space<hbm>> -> memref<30000xf32, #tpu.memory_space<hbm>>
    %dma_start3A_1980 = arith.constant 0 : i32
    %dma_start3A_1981 = tpu.memref_slice %arg6[%arg1, %add3A_1936, %dma_start3A_1980] : memref<16x64x30000xf32, #tpu.memory_space<hbm>> -> memref<1x1x30000xf32, #tpu.memory_space<hbm>>
    %dma_start3A_1982 = tpu.memref_squeeze %dma_start3A_1981 : memref<1x1x30000xf32, #tpu.memory_space<hbm>> -> memref<30000xf32, #tpu.memory_space<hbm>>
    tpu.enqueue_dma source(%arg13 : memref<30000xf32, #tpu.memory_space<vmem>>) target(%dma_start3A_1982 : memref<30000xf32, #tpu.memory_space<hbm>>) target_semaphore(%arg21 : memref<!tpu.dma_semaphore, #tpu.memory_space<semaphore_mem>>)
    %dma_wait3A_1983 = arith.constant 0 : i32
    %dma_wait3A_1984 = tpu.memref_slice %arg6[%arg1, %add3A_1936, %dma_wait3A_1983] : memref<16x64x30000xf32, #tpu.memory_space<hbm>> -> memref<1x1x30000xf32, #tpu.memory_space<hbm>>
    %dma_wait3A_1985 = tpu.memref_squeeze %dma_wait3A_1984 : memref<1x1x30000xf32, #tpu.memory_space<hbm>> -> memref<30000xf32, #tpu.memory_space<hbm>>
    %dma_wait3A_1986 = arith.constant 0 : i32
    %dma_wait3A_1987 = tpu.memref_slice %arg6[%arg1, %add3A_1936, %dma_wait3A_1986] : memref<16x64x30000xf32, #tpu.memory_space<hbm>> -> memref<1x1x30000xf32, #tpu.memory_space<hbm>>
    %dma_wait3A_1988 = tpu.memref_squeeze %dma_wait3A_1987 : memref<1x1x30000xf32, #tpu.memory_space<hbm>> -> memref<30000xf32, #tpu.memory_space<hbm>>
    tpu.wait_dma2 semaphore(%arg21 : memref<!tpu.dma_semaphore, #tpu.memory_space<semaphore_mem>>) src(%arg13 : memref<30000xf32, #tpu.memory_space<vmem>>) dst(%dma_wait3A_1988 : memref<30000xf32, #tpu.memory_space<hbm>>)
    %add3A_1989 = arith.constant 29 : i32
    %add3A_1990 = arith.addi %mul3A_0, %add3A_1989 : i32
    %dma_start3A_1991 = arith.constant 0 : i32
    %dma_start3A_1992 = tpu.memref_slice %arg2[%arg1, %add3A_1990, %dma_start3A_1991] : memref<16x64x30000xf32, #tpu.memory_space<hbm>> -> memref<1x1x30000xf32, #tpu.memory_space<hbm>>
    %dma_start3A_1993 = tpu.memref_squeeze %dma_start3A_1992 : memref<1x1x30000xf32, #tpu.memory_space<hbm>> -> memref<30000xf32, #tpu.memory_space<hbm>>
    %dma_start3A_1994 = arith.constant 0 : i32
    %dma_start3A_1995 = tpu.memref_slice %arg2[%arg1, %add3A_1990, %dma_start3A_1994] : memref<16x64x30000xf32, #tpu.memory_space<hbm>> -> memref<1x1x30000xf32, #tpu.memory_space<hbm>>
    %dma_start3A_1996 = tpu.memref_squeeze %dma_start3A_1995 : memref<1x1x30000xf32, #tpu.memory_space<hbm>> -> memref<30000xf32, #tpu.memory_space<hbm>>
    tpu.enqueue_dma source(%dma_start3A_1996 : memref<30000xf32, #tpu.memory_space<hbm>>) target(%arg13 : memref<30000xf32, #tpu.memory_space<vmem>>) target_semaphore(%arg18 : memref<!tpu.dma_semaphore, #tpu.memory_space<semaphore_mem>>)
    %dma_wait3A_1997 = arith.constant 0 : i32
    %dma_wait3A_1998 = tpu.memref_slice %arg2[%arg1, %add3A_1854, %dma_wait3A_1997] : memref<16x64x30000xf32, #tpu.memory_space<hbm>> -> memref<1x1x30000xf32, #tpu.memory_space<hbm>>
    %dma_wait3A_1999 = tpu.memref_squeeze %dma_wait3A_1998 : memref<1x1x30000xf32, #tpu.memory_space<hbm>> -> memref<30000xf32, #tpu.memory_space<hbm>>
    %dma_wait3A_2000 = arith.constant 0 : i32
    %dma_wait3A_2001 = tpu.memref_slice %arg2[%arg1, %add3A_1854, %dma_wait3A_2000] : memref<16x64x30000xf32, #tpu.memory_space<hbm>> -> memref<1x1x30000xf32, #tpu.memory_space<hbm>>
    %dma_wait3A_2002 = tpu.memref_squeeze %dma_wait3A_2001 : memref<1x1x30000xf32, #tpu.memory_space<hbm>> -> memref<30000xf32, #tpu.memory_space<hbm>>
    tpu.wait_dma2 semaphore(%arg16 : memref<!tpu.dma_semaphore, #tpu.memory_space<semaphore_mem>>) src(%dma_wait3A_2002 : memref<30000xf32, #tpu.memory_space<hbm>>) dst(%arg11 : memref<30000xf32, #tpu.memory_space<vmem>>)
    %add3A_2003 = arith.constant 27 : i32
    %add3A_2004 = arith.addi %mul3A_0, %add3A_2003 : i32
    %min3A_2005 = arith.constant 3 : i32
    %min3A_2006 = vector.broadcast %min3A_2005 : i32 to vector<16xi32>
    %min3A_2007 = arith.minsi %iota3A, %min3A_2006 : vector<16xi32>
    %mul3A_2008 = arith.constant 64 : i32
    %mul3A_2009 = vector.broadcast %mul3A_2008 : i32 to vector<16xi32>
    %mul3A_2010 = arith.muli %min3A_2007, %mul3A_2009 : vector<16xi32>
    %add3A_2011 = vector.broadcast %add3A_2004 : i32 to vector<16xi32>
    %add3A_2012 = arith.addi %add3A_2011, %mul3A_2010 : vector<16xi32>
    %gather3A_2013 = tpu.vector_load_idx %arg8[%add3A_2012] : memref<256xi32, #tpu.memory_space<vmem>>[vector<16xi32>], vector<16xi32>,
    %gather3A_2014 = tpu.vector_load_idx %arg9[%add3A_2012] : memref<256xf32, #tpu.memory_space<vmem>>[vector<16xi32>], vector<16xf32>,
    %gather3A_2015 = tpu.vector_load_idx %arg11[%gather3A_2013] : memref<30000xf32, #tpu.memory_space<vmem>>[vector<16xi32>], vector<16xf32>,
    %max3A_2016 = arith.maximumf %gather3A_2015, %gather3A_2014 : vector<16xf32>
    %eq3A_2017 = arith.constant 0 : i32
    %eq3A_2018 = vector.broadcast %eq3A_2017 : i32 to vector<16xi32>
    %eq3A_2019 = arith.cmpi eq, %iota3A, %eq3A_2018 : vector<16xi32>
    tpu.vector_store_idx %arg11[%gather3A_2013], %max3A_2016 masked %eq3A_2019 : memref<30000xf32, #tpu.memory_space<vmem>>[vector<16xi32>], vector<16xf32>, vector<16xi1>
    %gather3A_2020 = tpu.vector_load_idx %arg11[%gather3A_2013] : memref<30000xf32, #tpu.memory_space<vmem>>[vector<16xi32>], vector<16xf32>,
    %max3A_2021 = arith.maximumf %gather3A_2020, %gather3A_2014 : vector<16xf32>
    %eq3A_2022 = arith.constant 1 : i32
    %eq3A_2023 = vector.broadcast %eq3A_2022 : i32 to vector<16xi32>
    %eq3A_2024 = arith.cmpi eq, %iota3A, %eq3A_2023 : vector<16xi32>
    tpu.vector_store_idx %arg11[%gather3A_2013], %max3A_2021 masked %eq3A_2024 : memref<30000xf32, #tpu.memory_space<vmem>>[vector<16xi32>], vector<16xf32>, vector<16xi1>
    %gather3A_2025 = tpu.vector_load_idx %arg11[%gather3A_2013] : memref<30000xf32, #tpu.memory_space<vmem>>[vector<16xi32>], vector<16xf32>,
    %max3A_2026 = arith.maximumf %gather3A_2025, %gather3A_2014 : vector<16xf32>
    %eq3A_2027 = arith.constant 2 : i32
    %eq3A_2028 = vector.broadcast %eq3A_2027 : i32 to vector<16xi32>
    %eq3A_2029 = arith.cmpi eq, %iota3A, %eq3A_2028 : vector<16xi32>
    tpu.vector_store_idx %arg11[%gather3A_2013], %max3A_2026 masked %eq3A_2029 : memref<30000xf32, #tpu.memory_space<vmem>>[vector<16xi32>], vector<16xf32>, vector<16xi1>
    %gather3A_2030 = tpu.vector_load_idx %arg11[%gather3A_2013] : memref<30000xf32, #tpu.memory_space<vmem>>[vector<16xi32>], vector<16xf32>,
    %max3A_2031 = arith.maximumf %gather3A_2030, %gather3A_2014 : vector<16xf32>
    %eq3A_2032 = arith.constant 3 : i32
    %eq3A_2033 = vector.broadcast %eq3A_2032 : i32 to vector<16xi32>
    %eq3A_2034 = arith.cmpi eq, %iota3A, %eq3A_2033 : vector<16xi32>
    tpu.vector_store_idx %arg11[%gather3A_2013], %max3A_2031 masked %eq3A_2034 : memref<30000xf32, #tpu.memory_space<vmem>>[vector<16xi32>], vector<16xf32>, vector<16xi1>
    %get3A_2035 = arith.constant 0 : index
    %get3A_2036 = tpu.vector_load %arg11[%get3A_2035] {strides = array<i32>} : memref<30000xf32, #tpu.memory_space<vmem>>, vector<16xf32>,
    %eq3A_2037 = arith.constant 1 : i32
    %eq3A_2038 = vector.broadcast %eq3A_2037 : i32 to vector<16xi32>
    %eq3A_2039 = arith.cmpi eq, %iota3A, %eq3A_2038 : vector<16xi32>
    %jit3A_2040 = arith.constant 0.000000e+00 : f32
    %broadcast_in_dim3A_2041 = vector.broadcast %jit3A_2040 : f32 to vector<16xf32>
    %select_n3A_2042 = arith.select %eq3A_2039, %broadcast_in_dim3A_2041, %get3A_2036 : vector<16xi1>, vector<16xf32>
    %swap3A_2043 = arith.constant 0 : index
    %swap3A_2044 = tpu.vector_load %arg11[%swap3A_2043] {strides = array<i32>} : memref<30000xf32, #tpu.memory_space<vmem>>, vector<16xf32>,
    tpu.vector_store %arg11[%swap3A_2043], %select_n3A_2042 {strides = array<i32>} : memref<30000xf32, #tpu.memory_space<vmem>>, vector<16xf32>,
    %dma_start3A_2045 = arith.constant 0 : i32
    %dma_start3A_2046 = tpu.memref_slice %arg6[%arg1, %add3A_2004, %dma_start3A_2045] : memref<16x64x30000xf32, #tpu.memory_space<hbm>> -> memref<1x1x30000xf32, #tpu.memory_space<hbm>>
    %dma_start3A_2047 = tpu.memref_squeeze %dma_start3A_2046 : memref<1x1x30000xf32, #tpu.memory_space<hbm>> -> memref<30000xf32, #tpu.memory_space<hbm>>
    %dma_start3A_2048 = arith.constant 0 : i32
    %dma_start3A_2049 = tpu.memref_slice %arg6[%arg1, %add3A_2004, %dma_start3A_2048] : memref<16x64x30000xf32, #tpu.memory_space<hbm>> -> memref<1x1x30000xf32, #tpu.memory_space<hbm>>
    %dma_start3A_2050 = tpu.memref_squeeze %dma_start3A_2049 : memref<1x1x30000xf32, #tpu.memory_space<hbm>> -> memref<30000xf32, #tpu.memory_space<hbm>>
    tpu.enqueue_dma source(%arg11 : memref<30000xf32, #tpu.memory_space<vmem>>) target(%dma_start3A_2050 : memref<30000xf32, #tpu.memory_space<hbm>>) target_semaphore(%arg19 : memref<!tpu.dma_semaphore, #tpu.memory_space<semaphore_mem>>)
    %dma_wait3A_2051 = arith.constant 0 : i32
    %dma_wait3A_2052 = tpu.memref_slice %arg6[%arg1, %add3A_2004, %dma_wait3A_2051] : memref<16x64x30000xf32, #tpu.memory_space<hbm>> -> memref<1x1x30000xf32, #tpu.memory_space<hbm>>
    %dma_wait3A_2053 = tpu.memref_squeeze %dma_wait3A_2052 : memref<1x1x30000xf32, #tpu.memory_space<hbm>> -> memref<30000xf32, #tpu.memory_space<hbm>>
    %dma_wait3A_2054 = arith.constant 0 : i32
    %dma_wait3A_2055 = tpu.memref_slice %arg6[%arg1, %add3A_2004, %dma_wait3A_2054] : memref<16x64x30000xf32, #tpu.memory_space<hbm>> -> memref<1x1x30000xf32, #tpu.memory_space<hbm>>
    %dma_wait3A_2056 = tpu.memref_squeeze %dma_wait3A_2055 : memref<1x1x30000xf32, #tpu.memory_space<hbm>> -> memref<30000xf32, #tpu.memory_space<hbm>>
    tpu.wait_dma2 semaphore(%arg19 : memref<!tpu.dma_semaphore, #tpu.memory_space<semaphore_mem>>) src(%arg11 : memref<30000xf32, #tpu.memory_space<vmem>>) dst(%dma_wait3A_2056 : memref<30000xf32, #tpu.memory_space<hbm>>)
    %add3A_2057 = arith.constant 30 : i32
    %add3A_2058 = arith.addi %mul3A_0, %add3A_2057 : i32
    %dma_start3A_2059 = arith.constant 0 : i32
    %dma_start3A_2060 = tpu.memref_slice %arg2[%arg1, %add3A_2058, %dma_start3A_2059] : memref<16x64x30000xf32, #tpu.memory_space<hbm>> -> memref<1x1x30000xf32, #tpu.memory_space<hbm>>
    %dma_start3A_2061 = tpu.memref_squeeze %dma_start3A_2060 : memref<1x1x30000xf32, #tpu.memory_space<hbm>> -> memref<30000xf32, #tpu.memory_space<hbm>>
    %dma_start3A_2062 = arith.constant 0 : i32
    %dma_start3A_2063 = tpu.memref_slice %arg2[%arg1, %add3A_2058, %dma_start3A_2062] : memref<16x64x30000xf32, #tpu.memory_space<hbm>> -> memref<1x1x30000xf32, #tpu.memory_space<hbm>>
    %dma_start3A_2064 = tpu.memref_squeeze %dma_start3A_2063 : memref<1x1x30000xf32, #tpu.memory_space<hbm>> -> memref<30000xf32, #tpu.memory_space<hbm>>
    tpu.enqueue_dma source(%dma_start3A_2064 : memref<30000xf32, #tpu.memory_space<hbm>>) target(%arg11 : memref<30000xf32, #tpu.memory_space<vmem>>) target_semaphore(%arg16 : memref<!tpu.dma_semaphore, #tpu.memory_space<semaphore_mem>>)
    %dma_wait3A_2065 = arith.constant 0 : i32
    %dma_wait3A_2066 = tpu.memref_slice %arg2[%arg1, %add3A_1922, %dma_wait3A_2065] : memref<16x64x30000xf32, #tpu.memory_space<hbm>> -> memref<1x1x30000xf32, #tpu.memory_space<hbm>>
    %dma_wait3A_2067 = tpu.memref_squeeze %dma_wait3A_2066 : memref<1x1x30000xf32, #tpu.memory_space<hbm>> -> memref<30000xf32, #tpu.memory_space<hbm>>
    %dma_wait3A_2068 = arith.constant 0 : i32
    %dma_wait3A_2069 = tpu.memref_slice %arg2[%arg1, %add3A_1922, %dma_wait3A_2068] : memref<16x64x30000xf32, #tpu.memory_space<hbm>> -> memref<1x1x30000xf32, #tpu.memory_space<hbm>>
    %dma_wait3A_2070 = tpu.memref_squeeze %dma_wait3A_2069 : memref<1x1x30000xf32, #tpu.memory_space<hbm>> -> memref<30000xf32, #tpu.memory_space<hbm>>
    tpu.wait_dma2 semaphore(%arg17 : memref<!tpu.dma_semaphore, #tpu.memory_space<semaphore_mem>>) src(%dma_wait3A_2070 : memref<30000xf32, #tpu.memory_space<hbm>>) dst(%arg12 : memref<30000xf32, #tpu.memory_space<vmem>>)
    %add3A_2071 = arith.constant 28 : i32
    %add3A_2072 = arith.addi %mul3A_0, %add3A_2071 : i32
    %min3A_2073 = arith.constant 3 : i32
    %min3A_2074 = vector.broadcast %min3A_2073 : i32 to vector<16xi32>
    %min3A_2075 = arith.minsi %iota3A, %min3A_2074 : vector<16xi32>
    %mul3A_2076 = arith.constant 64 : i32
    %mul3A_2077 = vector.broadcast %mul3A_2076 : i32 to vector<16xi32>
    %mul3A_2078 = arith.muli %min3A_2075, %mul3A_2077 : vector<16xi32>
    %add3A_2079 = vector.broadcast %add3A_2072 : i32 to vector<16xi32>
    %add3A_2080 = arith.addi %add3A_2079, %mul3A_2078 : vector<16xi32>
    %gather3A_2081 = tpu.vector_load_idx %arg8[%add3A_2080] : memref<256xi32, #tpu.memory_space<vmem>>[vector<16xi32>], vector<16xi32>,
    %gather3A_2082 = tpu.vector_load_idx %arg9[%add3A_2080] : memref<256xf32, #tpu.memory_space<vmem>>[vector<16xi32>], vector<16xf32>,
    %gather3A_2083 = tpu.vector_load_idx %arg12[%gather3A_2081] : memref<30000xf32, #tpu.memory_space<vmem>>[vector<16xi32>], vector<16xf32>,
    %max3A_2084 = arith.maximumf %gather3A_2083, %gather3A_2082 : vector<16xf32>
    %eq3A_2085 = arith.constant 0 : i32
    %eq3A_2086 = vector.broadcast %eq3A_2085 : i32 to vector<16xi32>
    %eq3A_2087 = arith.cmpi eq, %iota3A, %eq3A_2086 : vector<16xi32>
    tpu.vector_store_idx %arg12[%gather3A_2081], %max3A_2084 masked %eq3A_2087 : memref<30000xf32, #tpu.memory_space<vmem>>[vector<16xi32>], vector<16xf32>, vector<16xi1>
    %gather3A_2088 = tpu.vector_load_idx %arg12[%gather3A_2081] : memref<30000xf32, #tpu.memory_space<vmem>>[vector<16xi32>], vector<16xf32>,
    %max3A_2089 = arith.maximumf %gather3A_2088, %gather3A_2082 : vector<16xf32>
    %eq3A_2090 = arith.constant 1 : i32
    %eq3A_2091 = vector.broadcast %eq3A_2090 : i32 to vector<16xi32>
    %eq3A_2092 = arith.cmpi eq, %iota3A, %eq3A_2091 : vector<16xi32>
    tpu.vector_store_idx %arg12[%gather3A_2081], %max3A_2089 masked %eq3A_2092 : memref<30000xf32, #tpu.memory_space<vmem>>[vector<16xi32>], vector<16xf32>, vector<16xi1>
    %gather3A_2093 = tpu.vector_load_idx %arg12[%gather3A_2081] : memref<30000xf32, #tpu.memory_space<vmem>>[vector<16xi32>], vector<16xf32>,
    %max3A_2094 = arith.maximumf %gather3A_2093, %gather3A_2082 : vector<16xf32>
    %eq3A_2095 = arith.constant 2 : i32
    %eq3A_2096 = vector.broadcast %eq3A_2095 : i32 to vector<16xi32>
    %eq3A_2097 = arith.cmpi eq, %iota3A, %eq3A_2096 : vector<16xi32>
    tpu.vector_store_idx %arg12[%gather3A_2081], %max3A_2094 masked %eq3A_2097 : memref<30000xf32, #tpu.memory_space<vmem>>[vector<16xi32>], vector<16xf32>, vector<16xi1>
    %gather3A_2098 = tpu.vector_load_idx %arg12[%gather3A_2081] : memref<30000xf32, #tpu.memory_space<vmem>>[vector<16xi32>], vector<16xf32>,
    %max3A_2099 = arith.maximumf %gather3A_2098, %gather3A_2082 : vector<16xf32>
    %eq3A_2100 = arith.constant 3 : i32
    %eq3A_2101 = vector.broadcast %eq3A_2100 : i32 to vector<16xi32>
    %eq3A_2102 = arith.cmpi eq, %iota3A, %eq3A_2101 : vector<16xi32>
    tpu.vector_store_idx %arg12[%gather3A_2081], %max3A_2099 masked %eq3A_2102 : memref<30000xf32, #tpu.memory_space<vmem>>[vector<16xi32>], vector<16xf32>, vector<16xi1>
    %get3A_2103 = arith.constant 0 : index
    %get3A_2104 = tpu.vector_load %arg12[%get3A_2103] {strides = array<i32>} : memref<30000xf32, #tpu.memory_space<vmem>>, vector<16xf32>,
    %eq3A_2105 = arith.constant 1 : i32
    %eq3A_2106 = vector.broadcast %eq3A_2105 : i32 to vector<16xi32>
    %eq3A_2107 = arith.cmpi eq, %iota3A, %eq3A_2106 : vector<16xi32>
    %jit3A_2108 = arith.constant 0.000000e+00 : f32
    %broadcast_in_dim3A_2109 = vector.broadcast %jit3A_2108 : f32 to vector<16xf32>
    %select_n3A_2110 = arith.select %eq3A_2107, %broadcast_in_dim3A_2109, %get3A_2104 : vector<16xi1>, vector<16xf32>
    %swap3A_2111 = arith.constant 0 : index
    %swap3A_2112 = tpu.vector_load %arg12[%swap3A_2111] {strides = array<i32>} : memref<30000xf32, #tpu.memory_space<vmem>>, vector<16xf32>,
    tpu.vector_store %arg12[%swap3A_2111], %select_n3A_2110 {strides = array<i32>} : memref<30000xf32, #tpu.memory_space<vmem>>, vector<16xf32>,
    %dma_start3A_2113 = arith.constant 0 : i32
    %dma_start3A_2114 = tpu.memref_slice %arg6[%arg1, %add3A_2072, %dma_start3A_2113] : memref<16x64x30000xf32, #tpu.memory_space<hbm>> -> memref<1x1x30000xf32, #tpu.memory_space<hbm>>
    %dma_start3A_2115 = tpu.memref_squeeze %dma_start3A_2114 : memref<1x1x30000xf32, #tpu.memory_space<hbm>> -> memref<30000xf32, #tpu.memory_space<hbm>>
    %dma_start3A_2116 = arith.constant 0 : i32
    %dma_start3A_2117 = tpu.memref_slice %arg6[%arg1, %add3A_2072, %dma_start3A_2116] : memref<16x64x30000xf32, #tpu.memory_space<hbm>> -> memref<1x1x30000xf32, #tpu.memory_space<hbm>>
    %dma_start3A_2118 = tpu.memref_squeeze %dma_start3A_2117 : memref<1x1x30000xf32, #tpu.memory_space<hbm>> -> memref<30000xf32, #tpu.memory_space<hbm>>
    tpu.enqueue_dma source(%arg12 : memref<30000xf32, #tpu.memory_space<vmem>>) target(%dma_start3A_2118 : memref<30000xf32, #tpu.memory_space<hbm>>) target_semaphore(%arg20 : memref<!tpu.dma_semaphore, #tpu.memory_space<semaphore_mem>>)
    %dma_wait3A_2119 = arith.constant 0 : i32
    %dma_wait3A_2120 = tpu.memref_slice %arg6[%arg1, %add3A_2072, %dma_wait3A_2119] : memref<16x64x30000xf32, #tpu.memory_space<hbm>> -> memref<1x1x30000xf32, #tpu.memory_space<hbm>>
    %dma_wait3A_2121 = tpu.memref_squeeze %dma_wait3A_2120 : memref<1x1x30000xf32, #tpu.memory_space<hbm>> -> memref<30000xf32, #tpu.memory_space<hbm>>
    %dma_wait3A_2122 = arith.constant 0 : i32
    %dma_wait3A_2123 = tpu.memref_slice %arg6[%arg1, %add3A_2072, %dma_wait3A_2122] : memref<16x64x30000xf32, #tpu.memory_space<hbm>> -> memref<1x1x30000xf32, #tpu.memory_space<hbm>>
    %dma_wait3A_2124 = tpu.memref_squeeze %dma_wait3A_2123 : memref<1x1x30000xf32, #tpu.memory_space<hbm>> -> memref<30000xf32, #tpu.memory_space<hbm>>
    tpu.wait_dma2 semaphore(%arg20 : memref<!tpu.dma_semaphore, #tpu.memory_space<semaphore_mem>>) src(%arg12 : memref<30000xf32, #tpu.memory_space<vmem>>) dst(%dma_wait3A_2124 : memref<30000xf32, #tpu.memory_space<hbm>>)
    %add3A_2125 = arith.constant 31 : i32
    %add3A_2126 = arith.addi %mul3A_0, %add3A_2125 : i32
    %dma_start3A_2127 = arith.constant 0 : i32
    %dma_start3A_2128 = tpu.memref_slice %arg2[%arg1, %add3A_2126, %dma_start3A_2127] : memref<16x64x30000xf32, #tpu.memory_space<hbm>> -> memref<1x1x30000xf32, #tpu.memory_space<hbm>>
    %dma_start3A_2129 = tpu.memref_squeeze %dma_start3A_2128 : memref<1x1x30000xf32, #tpu.memory_space<hbm>> -> memref<30000xf32, #tpu.memory_space<hbm>>
    %dma_start3A_2130 = arith.constant 0 : i32
    %dma_start3A_2131 = tpu.memref_slice %arg2[%arg1, %add3A_2126, %dma_start3A_2130] : memref<16x64x30000xf32, #tpu.memory_space<hbm>> -> memref<1x1x30000xf32, #tpu.memory_space<hbm>>
    %dma_start3A_2132 = tpu.memref_squeeze %dma_start3A_2131 : memref<1x1x30000xf32, #tpu.memory_space<hbm>> -> memref<30000xf32, #tpu.memory_space<hbm>>
    tpu.enqueue_dma source(%dma_start3A_2132 : memref<30000xf32, #tpu.memory_space<hbm>>) target(%arg12 : memref<30000xf32, #tpu.memory_space<vmem>>) target_semaphore(%arg17 : memref<!tpu.dma_semaphore, #tpu.memory_space<semaphore_mem>>)
    %dma_wait3A_2133 = arith.constant 0 : i32
    %dma_wait3A_2134 = tpu.memref_slice %arg2[%arg1, %add3A_1990, %dma_wait3A_2133] : memref<16x64x30000xf32, #tpu.memory_space<hbm>> -> memref<1x1x30000xf32, #tpu.memory_space<hbm>>
    %dma_wait3A_2135 = tpu.memref_squeeze %dma_wait3A_2134 : memref<1x1x30000xf32, #tpu.memory_space<hbm>> -> memref<30000xf32, #tpu.memory_space<hbm>>
    %dma_wait3A_2136 = arith.constant 0 : i32
    %dma_wait3A_2137 = tpu.memref_slice %arg2[%arg1, %add3A_1990, %dma_wait3A_2136] : memref<16x64x30000xf32, #tpu.memory_space<hbm>> -> memref<1x1x30000xf32, #tpu.memory_space<hbm>>
    %dma_wait3A_2138 = tpu.memref_squeeze %dma_wait3A_2137 : memref<1x1x30000xf32, #tpu.memory_space<hbm>> -> memref<30000xf32, #tpu.memory_space<hbm>>
    tpu.wait_dma2 semaphore(%arg18 : memref<!tpu.dma_semaphore, #tpu.memory_space<semaphore_mem>>) src(%dma_wait3A_2138 : memref<30000xf32, #tpu.memory_space<hbm>>) dst(%arg13 : memref<30000xf32, #tpu.memory_space<vmem>>)
    %add3A_2139 = arith.constant 29 : i32
    %add3A_2140 = arith.addi %mul3A_0, %add3A_2139 : i32
    %min3A_2141 = arith.constant 3 : i32
    %min3A_2142 = vector.broadcast %min3A_2141 : i32 to vector<16xi32>
    %min3A_2143 = arith.minsi %iota3A, %min3A_2142 : vector<16xi32>
    %mul3A_2144 = arith.constant 64 : i32
    %mul3A_2145 = vector.broadcast %mul3A_2144 : i32 to vector<16xi32>
    %mul3A_2146 = arith.muli %min3A_2143, %mul3A_2145 : vector<16xi32>
    %add3A_2147 = vector.broadcast %add3A_2140 : i32 to vector<16xi32>
    %add3A_2148 = arith.addi %add3A_2147, %mul3A_2146 : vector<16xi32>
    %gather3A_2149 = tpu.vector_load_idx %arg8[%add3A_2148] : memref<256xi32, #tpu.memory_space<vmem>>[vector<16xi32>], vector<16xi32>,
    %gather3A_2150 = tpu.vector_load_idx %arg9[%add3A_2148] : memref<256xf32, #tpu.memory_space<vmem>>[vector<16xi32>], vector<16xf32>,
    %gather3A_2151 = tpu.vector_load_idx %arg13[%gather3A_2149] : memref<30000xf32, #tpu.memory_space<vmem>>[vector<16xi32>], vector<16xf32>,
    %max3A_2152 = arith.maximumf %gather3A_2151, %gather3A_2150 : vector<16xf32>
    %eq3A_2153 = arith.constant 0 : i32
    %eq3A_2154 = vector.broadcast %eq3A_2153 : i32 to vector<16xi32>
    %eq3A_2155 = arith.cmpi eq, %iota3A, %eq3A_2154 : vector<16xi32>
    tpu.vector_store_idx %arg13[%gather3A_2149], %max3A_2152 masked %eq3A_2155 : memref<30000xf32, #tpu.memory_space<vmem>>[vector<16xi32>], vector<16xf32>, vector<16xi1>
    %gather3A_2156 = tpu.vector_load_idx %arg13[%gather3A_2149] : memref<30000xf32, #tpu.memory_space<vmem>>[vector<16xi32>], vector<16xf32>,
    %max3A_2157 = arith.maximumf %gather3A_2156, %gather3A_2150 : vector<16xf32>
    %eq3A_2158 = arith.constant 1 : i32
    %eq3A_2159 = vector.broadcast %eq3A_2158 : i32 to vector<16xi32>
    %eq3A_2160 = arith.cmpi eq, %iota3A, %eq3A_2159 : vector<16xi32>
    tpu.vector_store_idx %arg13[%gather3A_2149], %max3A_2157 masked %eq3A_2160 : memref<30000xf32, #tpu.memory_space<vmem>>[vector<16xi32>], vector<16xf32>, vector<16xi1>
    %gather3A_2161 = tpu.vector_load_idx %arg13[%gather3A_2149] : memref<30000xf32, #tpu.memory_space<vmem>>[vector<16xi32>], vector<16xf32>,
    %max3A_2162 = arith.maximumf %gather3A_2161, %gather3A_2150 : vector<16xf32>
    %eq3A_2163 = arith.constant 2 : i32
    %eq3A_2164 = vector.broadcast %eq3A_2163 : i32 to vector<16xi32>
    %eq3A_2165 = arith.cmpi eq, %iota3A, %eq3A_2164 : vector<16xi32>
    tpu.vector_store_idx %arg13[%gather3A_2149], %max3A_2162 masked %eq3A_2165 : memref<30000xf32, #tpu.memory_space<vmem>>[vector<16xi32>], vector<16xf32>, vector<16xi1>
    %gather3A_2166 = tpu.vector_load_idx %arg13[%gather3A_2149] : memref<30000xf32, #tpu.memory_space<vmem>>[vector<16xi32>], vector<16xf32>,
    %max3A_2167 = arith.maximumf %gather3A_2166, %gather3A_2150 : vector<16xf32>
    %eq3A_2168 = arith.constant 3 : i32
    %eq3A_2169 = vector.broadcast %eq3A_2168 : i32 to vector<16xi32>
    %eq3A_2170 = arith.cmpi eq, %iota3A, %eq3A_2169 : vector<16xi32>
    tpu.vector_store_idx %arg13[%gather3A_2149], %max3A_2167 masked %eq3A_2170 : memref<30000xf32, #tpu.memory_space<vmem>>[vector<16xi32>], vector<16xf32>, vector<16xi1>
    %get3A_2171 = arith.constant 0 : index
    %get3A_2172 = tpu.vector_load %arg13[%get3A_2171] {strides = array<i32>} : memref<30000xf32, #tpu.memory_space<vmem>>, vector<16xf32>,
    %eq3A_2173 = arith.constant 1 : i32
    %eq3A_2174 = vector.broadcast %eq3A_2173 : i32 to vector<16xi32>
    %eq3A_2175 = arith.cmpi eq, %iota3A, %eq3A_2174 : vector<16xi32>
    %jit3A_2176 = arith.constant 0.000000e+00 : f32
    %broadcast_in_dim3A_2177 = vector.broadcast %jit3A_2176 : f32 to vector<16xf32>
    %select_n3A_2178 = arith.select %eq3A_2175, %broadcast_in_dim3A_2177, %get3A_2172 : vector<16xi1>, vector<16xf32>
    %swap3A_2179 = arith.constant 0 : index
    %swap3A_2180 = tpu.vector_load %arg13[%swap3A_2179] {strides = array<i32>} : memref<30000xf32, #tpu.memory_space<vmem>>, vector<16xf32>,
    tpu.vector_store %arg13[%swap3A_2179], %select_n3A_2178 {strides = array<i32>} : memref<30000xf32, #tpu.memory_space<vmem>>, vector<16xf32>,
    %dma_start3A_2181 = arith.constant 0 : i32
    %dma_start3A_2182 = tpu.memref_slice %arg6[%arg1, %add3A_2140, %dma_start3A_2181] : memref<16x64x30000xf32, #tpu.memory_space<hbm>> -> memref<1x1x30000xf32, #tpu.memory_space<hbm>>
    %dma_start3A_2183 = tpu.memref_squeeze %dma_start3A_2182 : memref<1x1x30000xf32, #tpu.memory_space<hbm>> -> memref<30000xf32, #tpu.memory_space<hbm>>
    %dma_start3A_2184 = arith.constant 0 : i32
    %dma_start3A_2185 = tpu.memref_slice %arg6[%arg1, %add3A_2140, %dma_start3A_2184] : memref<16x64x30000xf32, #tpu.memory_space<hbm>> -> memref<1x1x30000xf32, #tpu.memory_space<hbm>>
    %dma_start3A_2186 = tpu.memref_squeeze %dma_start3A_2185 : memref<1x1x30000xf32, #tpu.memory_space<hbm>> -> memref<30000xf32, #tpu.memory_space<hbm>>
    tpu.enqueue_dma source(%arg13 : memref<30000xf32, #tpu.memory_space<vmem>>) target(%dma_start3A_2186 : memref<30000xf32, #tpu.memory_space<hbm>>) target_semaphore(%arg21 : memref<!tpu.dma_semaphore, #tpu.memory_space<semaphore_mem>>)
    %dma_wait3A_2187 = arith.constant 0 : i32
    %dma_wait3A_2188 = tpu.memref_slice %arg2[%arg1, %add3A_2058, %dma_wait3A_2187] : memref<16x64x30000xf32, #tpu.memory_space<hbm>> -> memref<1x1x30000xf32, #tpu.memory_space<hbm>>
    %dma_wait3A_2189 = tpu.memref_squeeze %dma_wait3A_2188 : memref<1x1x30000xf32, #tpu.memory_space<hbm>> -> memref<30000xf32, #tpu.memory_space<hbm>>
    %dma_wait3A_2190 = arith.constant 0 : i32
    %dma_wait3A_2191 = tpu.memref_slice %arg2[%arg1, %add3A_2058, %dma_wait3A_2190] : memref<16x64x30000xf32, #tpu.memory_space<hbm>> -> memref<1x1x30000xf32, #tpu.memory_space<hbm>>
    %dma_wait3A_2192 = tpu.memref_squeeze %dma_wait3A_2191 : memref<1x1x30000xf32, #tpu.memory_space<hbm>> -> memref<30000xf32, #tpu.memory_space<hbm>>
    tpu.wait_dma2 semaphore(%arg16 : memref<!tpu.dma_semaphore, #tpu.memory_space<semaphore_mem>>) src(%dma_wait3A_2192 : memref<30000xf32, #tpu.memory_space<hbm>>) dst(%arg11 : memref<30000xf32, #tpu.memory_space<vmem>>)
    %add3A_2193 = arith.constant 30 : i32
    %add3A_2194 = arith.addi %mul3A_0, %add3A_2193 : i32
    %min3A_2195 = arith.constant 3 : i32
    %min3A_2196 = vector.broadcast %min3A_2195 : i32 to vector<16xi32>
    %min3A_2197 = arith.minsi %iota3A, %min3A_2196 : vector<16xi32>
    %mul3A_2198 = arith.constant 64 : i32
    %mul3A_2199 = vector.broadcast %mul3A_2198 : i32 to vector<16xi32>
    %mul3A_2200 = arith.muli %min3A_2197, %mul3A_2199 : vector<16xi32>
    %add3A_2201 = vector.broadcast %add3A_2194 : i32 to vector<16xi32>
    %add3A_2202 = arith.addi %add3A_2201, %mul3A_2200 : vector<16xi32>
    %gather3A_2203 = tpu.vector_load_idx %arg8[%add3A_2202] : memref<256xi32, #tpu.memory_space<vmem>>[vector<16xi32>], vector<16xi32>,
    %gather3A_2204 = tpu.vector_load_idx %arg9[%add3A_2202] : memref<256xf32, #tpu.memory_space<vmem>>[vector<16xi32>], vector<16xf32>,
    %gather3A_2205 = tpu.vector_load_idx %arg11[%gather3A_2203] : memref<30000xf32, #tpu.memory_space<vmem>>[vector<16xi32>], vector<16xf32>,
    %max3A_2206 = arith.maximumf %gather3A_2205, %gather3A_2204 : vector<16xf32>
    %eq3A_2207 = arith.constant 0 : i32
    %eq3A_2208 = vector.broadcast %eq3A_2207 : i32 to vector<16xi32>
    %eq3A_2209 = arith.cmpi eq, %iota3A, %eq3A_2208 : vector<16xi32>
    tpu.vector_store_idx %arg11[%gather3A_2203], %max3A_2206 masked %eq3A_2209 : memref<30000xf32, #tpu.memory_space<vmem>>[vector<16xi32>], vector<16xf32>, vector<16xi1>
    %gather3A_2210 = tpu.vector_load_idx %arg11[%gather3A_2203] : memref<30000xf32, #tpu.memory_space<vmem>>[vector<16xi32>], vector<16xf32>,
    %max3A_2211 = arith.maximumf %gather3A_2210, %gather3A_2204 : vector<16xf32>
    %eq3A_2212 = arith.constant 1 : i32
    %eq3A_2213 = vector.broadcast %eq3A_2212 : i32 to vector<16xi32>
    %eq3A_2214 = arith.cmpi eq, %iota3A, %eq3A_2213 : vector<16xi32>
    tpu.vector_store_idx %arg11[%gather3A_2203], %max3A_2211 masked %eq3A_2214 : memref<30000xf32, #tpu.memory_space<vmem>>[vector<16xi32>], vector<16xf32>, vector<16xi1>
    %gather3A_2215 = tpu.vector_load_idx %arg11[%gather3A_2203] : memref<30000xf32, #tpu.memory_space<vmem>>[vector<16xi32>], vector<16xf32>,
    %max3A_2216 = arith.maximumf %gather3A_2215, %gather3A_2204 : vector<16xf32>
    %eq3A_2217 = arith.constant 2 : i32
    %eq3A_2218 = vector.broadcast %eq3A_2217 : i32 to vector<16xi32>
    %eq3A_2219 = arith.cmpi eq, %iota3A, %eq3A_2218 : vector<16xi32>
    tpu.vector_store_idx %arg11[%gather3A_2203], %max3A_2216 masked %eq3A_2219 : memref<30000xf32, #tpu.memory_space<vmem>>[vector<16xi32>], vector<16xf32>, vector<16xi1>
    %gather3A_2220 = tpu.vector_load_idx %arg11[%gather3A_2203] : memref<30000xf32, #tpu.memory_space<vmem>>[vector<16xi32>], vector<16xf32>,
    %max3A_2221 = arith.maximumf %gather3A_2220, %gather3A_2204 : vector<16xf32>
    %eq3A_2222 = arith.constant 3 : i32
    %eq3A_2223 = vector.broadcast %eq3A_2222 : i32 to vector<16xi32>
    %eq3A_2224 = arith.cmpi eq, %iota3A, %eq3A_2223 : vector<16xi32>
    tpu.vector_store_idx %arg11[%gather3A_2203], %max3A_2221 masked %eq3A_2224 : memref<30000xf32, #tpu.memory_space<vmem>>[vector<16xi32>], vector<16xf32>, vector<16xi1>
    %get3A_2225 = arith.constant 0 : index
    %get3A_2226 = tpu.vector_load %arg11[%get3A_2225] {strides = array<i32>} : memref<30000xf32, #tpu.memory_space<vmem>>, vector<16xf32>,
    %eq3A_2227 = arith.constant 1 : i32
    %eq3A_2228 = vector.broadcast %eq3A_2227 : i32 to vector<16xi32>
    %eq3A_2229 = arith.cmpi eq, %iota3A, %eq3A_2228 : vector<16xi32>
    %jit3A_2230 = arith.constant 0.000000e+00 : f32
    %broadcast_in_dim3A_2231 = vector.broadcast %jit3A_2230 : f32 to vector<16xf32>
    %select_n3A_2232 = arith.select %eq3A_2229, %broadcast_in_dim3A_2231, %get3A_2226 : vector<16xi1>, vector<16xf32>
    %swap3A_2233 = arith.constant 0 : index
    %swap3A_2234 = tpu.vector_load %arg11[%swap3A_2233] {strides = array<i32>} : memref<30000xf32, #tpu.memory_space<vmem>>, vector<16xf32>,
    tpu.vector_store %arg11[%swap3A_2233], %select_n3A_2232 {strides = array<i32>} : memref<30000xf32, #tpu.memory_space<vmem>>, vector<16xf32>,
    %dma_start3A_2235 = arith.constant 0 : i32
    %dma_start3A_2236 = tpu.memref_slice %arg6[%arg1, %add3A_2194, %dma_start3A_2235] : memref<16x64x30000xf32, #tpu.memory_space<hbm>> -> memref<1x1x30000xf32, #tpu.memory_space<hbm>>
    %dma_start3A_2237 = tpu.memref_squeeze %dma_start3A_2236 : memref<1x1x30000xf32, #tpu.memory_space<hbm>> -> memref<30000xf32, #tpu.memory_space<hbm>>
    %dma_start3A_2238 = arith.constant 0 : i32
    %dma_start3A_2239 = tpu.memref_slice %arg6[%arg1, %add3A_2194, %dma_start3A_2238] : memref<16x64x30000xf32, #tpu.memory_space<hbm>> -> memref<1x1x30000xf32, #tpu.memory_space<hbm>>
    %dma_start3A_2240 = tpu.memref_squeeze %dma_start3A_2239 : memref<1x1x30000xf32, #tpu.memory_space<hbm>> -> memref<30000xf32, #tpu.memory_space<hbm>>
    tpu.enqueue_dma source(%arg11 : memref<30000xf32, #tpu.memory_space<vmem>>) target(%dma_start3A_2240 : memref<30000xf32, #tpu.memory_space<hbm>>) target_semaphore(%arg19 : memref<!tpu.dma_semaphore, #tpu.memory_space<semaphore_mem>>)
    %dma_wait3A_2241 = arith.constant 0 : i32
    %dma_wait3A_2242 = tpu.memref_slice %arg2[%arg1, %add3A_2126, %dma_wait3A_2241] : memref<16x64x30000xf32, #tpu.memory_space<hbm>> -> memref<1x1x30000xf32, #tpu.memory_space<hbm>>
    %dma_wait3A_2243 = tpu.memref_squeeze %dma_wait3A_2242 : memref<1x1x30000xf32, #tpu.memory_space<hbm>> -> memref<30000xf32, #tpu.memory_space<hbm>>
    %dma_wait3A_2244 = arith.constant 0 : i32
    %dma_wait3A_2245 = tpu.memref_slice %arg2[%arg1, %add3A_2126, %dma_wait3A_2244] : memref<16x64x30000xf32, #tpu.memory_space<hbm>> -> memref<1x1x30000xf32, #tpu.memory_space<hbm>>
    %dma_wait3A_2246 = tpu.memref_squeeze %dma_wait3A_2245 : memref<1x1x30000xf32, #tpu.memory_space<hbm>> -> memref<30000xf32, #tpu.memory_space<hbm>>
    tpu.wait_dma2 semaphore(%arg17 : memref<!tpu.dma_semaphore, #tpu.memory_space<semaphore_mem>>) src(%dma_wait3A_2246 : memref<30000xf32, #tpu.memory_space<hbm>>) dst(%arg12 : memref<30000xf32, #tpu.memory_space<vmem>>)
    %add3A_2247 = arith.constant 31 : i32
    %add3A_2248 = arith.addi %mul3A_0, %add3A_2247 : i32
    %min3A_2249 = arith.constant 3 : i32
    %min3A_2250 = vector.broadcast %min3A_2249 : i32 to vector<16xi32>
    %min3A_2251 = arith.minsi %iota3A, %min3A_2250 : vector<16xi32>
    %mul3A_2252 = arith.constant 64 : i32
    %mul3A_2253 = vector.broadcast %mul3A_2252 : i32 to vector<16xi32>
    %mul3A_2254 = arith.muli %min3A_2251, %mul3A_2253 : vector<16xi32>
    %add3A_2255 = vector.broadcast %add3A_2248 : i32 to vector<16xi32>
    %add3A_2256 = arith.addi %add3A_2255, %mul3A_2254 : vector<16xi32>
    %gather3A_2257 = tpu.vector_load_idx %arg8[%add3A_2256] : memref<256xi32, #tpu.memory_space<vmem>>[vector<16xi32>], vector<16xi32>,
    %gather3A_2258 = tpu.vector_load_idx %arg9[%add3A_2256] : memref<256xf32, #tpu.memory_space<vmem>>[vector<16xi32>], vector<16xf32>,
    %gather3A_2259 = tpu.vector_load_idx %arg12[%gather3A_2257] : memref<30000xf32, #tpu.memory_space<vmem>>[vector<16xi32>], vector<16xf32>,
    %max3A_2260 = arith.maximumf %gather3A_2259, %gather3A_2258 : vector<16xf32>
    %eq3A_2261 = arith.constant 0 : i32
    %eq3A_2262 = vector.broadcast %eq3A_2261 : i32 to vector<16xi32>
    %eq3A_2263 = arith.cmpi eq, %iota3A, %eq3A_2262 : vector<16xi32>
    tpu.vector_store_idx %arg12[%gather3A_2257], %max3A_2260 masked %eq3A_2263 : memref<30000xf32, #tpu.memory_space<vmem>>[vector<16xi32>], vector<16xf32>, vector<16xi1>
    %gather3A_2264 = tpu.vector_load_idx %arg12[%gather3A_2257] : memref<30000xf32, #tpu.memory_space<vmem>>[vector<16xi32>], vector<16xf32>,
    %max3A_2265 = arith.maximumf %gather3A_2264, %gather3A_2258 : vector<16xf32>
    %eq3A_2266 = arith.constant 1 : i32
    %eq3A_2267 = vector.broadcast %eq3A_2266 : i32 to vector<16xi32>
    %eq3A_2268 = arith.cmpi eq, %iota3A, %eq3A_2267 : vector<16xi32>
    tpu.vector_store_idx %arg12[%gather3A_2257], %max3A_2265 masked %eq3A_2268 : memref<30000xf32, #tpu.memory_space<vmem>>[vector<16xi32>], vector<16xf32>, vector<16xi1>
    %gather3A_2269 = tpu.vector_load_idx %arg12[%gather3A_2257] : memref<30000xf32, #tpu.memory_space<vmem>>[vector<16xi32>], vector<16xf32>,
    %max3A_2270 = arith.maximumf %gather3A_2269, %gather3A_2258 : vector<16xf32>
    %eq3A_2271 = arith.constant 2 : i32
    %eq3A_2272 = vector.broadcast %eq3A_2271 : i32 to vector<16xi32>
    %eq3A_2273 = arith.cmpi eq, %iota3A, %eq3A_2272 : vector<16xi32>
    tpu.vector_store_idx %arg12[%gather3A_2257], %max3A_2270 masked %eq3A_2273 : memref<30000xf32, #tpu.memory_space<vmem>>[vector<16xi32>], vector<16xf32>, vector<16xi1>
    %gather3A_2274 = tpu.vector_load_idx %arg12[%gather3A_2257] : memref<30000xf32, #tpu.memory_space<vmem>>[vector<16xi32>], vector<16xf32>,
    %max3A_2275 = arith.maximumf %gather3A_2274, %gather3A_2258 : vector<16xf32>
    %eq3A_2276 = arith.constant 3 : i32
    %eq3A_2277 = vector.broadcast %eq3A_2276 : i32 to vector<16xi32>
    %eq3A_2278 = arith.cmpi eq, %iota3A, %eq3A_2277 : vector<16xi32>
    tpu.vector_store_idx %arg12[%gather3A_2257], %max3A_2275 masked %eq3A_2278 : memref<30000xf32, #tpu.memory_space<vmem>>[vector<16xi32>], vector<16xf32>, vector<16xi1>
    %get3A_2279 = arith.constant 0 : index
    %get3A_2280 = tpu.vector_load %arg12[%get3A_2279] {strides = array<i32>} : memref<30000xf32, #tpu.memory_space<vmem>>, vector<16xf32>,
    %eq3A_2281 = arith.constant 1 : i32
    %eq3A_2282 = vector.broadcast %eq3A_2281 : i32 to vector<16xi32>
    %eq3A_2283 = arith.cmpi eq, %iota3A, %eq3A_2282 : vector<16xi32>
    %jit3A_2284 = arith.constant 0.000000e+00 : f32
    %broadcast_in_dim3A_2285 = vector.broadcast %jit3A_2284 : f32 to vector<16xf32>
    %select_n3A_2286 = arith.select %eq3A_2283, %broadcast_in_dim3A_2285, %get3A_2280 : vector<16xi1>, vector<16xf32>
    %swap3A_2287 = arith.constant 0 : index
    %swap3A_2288 = tpu.vector_load %arg12[%swap3A_2287] {strides = array<i32>} : memref<30000xf32, #tpu.memory_space<vmem>>, vector<16xf32>,
    tpu.vector_store %arg12[%swap3A_2287], %select_n3A_2286 {strides = array<i32>} : memref<30000xf32, #tpu.memory_space<vmem>>, vector<16xf32>,
    %dma_start3A_2289 = arith.constant 0 : i32
    %dma_start3A_2290 = tpu.memref_slice %arg6[%arg1, %add3A_2248, %dma_start3A_2289] : memref<16x64x30000xf32, #tpu.memory_space<hbm>> -> memref<1x1x30000xf32, #tpu.memory_space<hbm>>
    %dma_start3A_2291 = tpu.memref_squeeze %dma_start3A_2290 : memref<1x1x30000xf32, #tpu.memory_space<hbm>> -> memref<30000xf32, #tpu.memory_space<hbm>>
    %dma_start3A_2292 = arith.constant 0 : i32
    %dma_start3A_2293 = tpu.memref_slice %arg6[%arg1, %add3A_2248, %dma_start3A_2292] : memref<16x64x30000xf32, #tpu.memory_space<hbm>> -> memref<1x1x30000xf32, #tpu.memory_space<hbm>>
    %dma_start3A_2294 = tpu.memref_squeeze %dma_start3A_2293 : memref<1x1x30000xf32, #tpu.memory_space<hbm>> -> memref<30000xf32, #tpu.memory_space<hbm>>
    tpu.enqueue_dma source(%arg12 : memref<30000xf32, #tpu.memory_space<vmem>>) target(%dma_start3A_2294 : memref<30000xf32, #tpu.memory_space<hbm>>) target_semaphore(%arg20 : memref<!tpu.dma_semaphore, #tpu.memory_space<semaphore_mem>>)
    %dma_wait3A_2295 = arith.constant 0 : i32
    %dma_wait3A_2296 = tpu.memref_slice %arg6[%arg1, %add3A_2140, %dma_wait3A_2295] : memref<16x64x30000xf32, #tpu.memory_space<hbm>> -> memref<1x1x30000xf32, #tpu.memory_space<hbm>>
    %dma_wait3A_2297 = tpu.memref_squeeze %dma_wait3A_2296 : memref<1x1x30000xf32, #tpu.memory_space<hbm>> -> memref<30000xf32, #tpu.memory_space<hbm>>
    %dma_wait3A_2298 = arith.constant 0 : i32
    %dma_wait3A_2299 = tpu.memref_slice %arg6[%arg1, %add3A_2140, %dma_wait3A_2298] : memref<16x64x30000xf32, #tpu.memory_space<hbm>> -> memref<1x1x30000xf32, #tpu.memory_space<hbm>>
    %dma_wait3A_2300 = tpu.memref_squeeze %dma_wait3A_2299 : memref<1x1x30000xf32, #tpu.memory_space<hbm>> -> memref<30000xf32, #tpu.memory_space<hbm>>
    tpu.wait_dma2 semaphore(%arg21 : memref<!tpu.dma_semaphore, #tpu.memory_space<semaphore_mem>>) src(%arg13 : memref<30000xf32, #tpu.memory_space<vmem>>) dst(%dma_wait3A_2300 : memref<30000xf32, #tpu.memory_space<hbm>>)
    %dma_wait3A_2301 = arith.constant 0 : i32
    %dma_wait3A_2302 = tpu.memref_slice %arg6[%arg1, %add3A_2194, %dma_wait3A_2301] : memref<16x64x30000xf32, #tpu.memory_space<hbm>> -> memref<1x1x30000xf32, #tpu.memory_space<hbm>>
    %dma_wait3A_2303 = tpu.memref_squeeze %dma_wait3A_2302 : memref<1x1x30000xf32, #tpu.memory_space<hbm>> -> memref<30000xf32, #tpu.memory_space<hbm>>
    %dma_wait3A_2304 = arith.constant 0 : i32
    %dma_wait3A_2305 = tpu.memref_slice %arg6[%arg1, %add3A_2194, %dma_wait3A_2304] : memref<16x64x30000xf32, #tpu.memory_space<hbm>> -> memref<1x1x30000xf32, #tpu.memory_space<hbm>>
    %dma_wait3A_2306 = tpu.memref_squeeze %dma_wait3A_2305 : memref<1x1x30000xf32, #tpu.memory_space<hbm>> -> memref<30000xf32, #tpu.memory_space<hbm>>
    tpu.wait_dma2 semaphore(%arg19 : memref<!tpu.dma_semaphore, #tpu.memory_space<semaphore_mem>>) src(%arg11 : memref<30000xf32, #tpu.memory_space<vmem>>) dst(%dma_wait3A_2306 : memref<30000xf32, #tpu.memory_space<hbm>>)
    %dma_wait3A_2307 = arith.constant 0 : i32
    %dma_wait3A_2308 = tpu.memref_slice %arg6[%arg1, %add3A_2248, %dma_wait3A_2307] : memref<16x64x30000xf32, #tpu.memory_space<hbm>> -> memref<1x1x30000xf32, #tpu.memory_space<hbm>>
    %dma_wait3A_2309 = tpu.memref_squeeze %dma_wait3A_2308 : memref<1x1x30000xf32, #tpu.memory_space<hbm>> -> memref<30000xf32, #tpu.memory_space<hbm>>
    %dma_wait3A_2310 = arith.constant 0 : i32
    %dma_wait3A_2311 = tpu.memref_slice %arg6[%arg1, %add3A_2248, %dma_wait3A_2310] : memref<16x64x30000xf32, #tpu.memory_space<hbm>> -> memref<1x1x30000xf32, #tpu.memory_space<hbm>>
    %dma_wait3A_2312 = tpu.memref_squeeze %dma_wait3A_2311 : memref<1x1x30000xf32, #tpu.memory_space<hbm>> -> memref<30000xf32, #tpu.memory_space<hbm>>
    tpu.wait_dma2 semaphore(%arg20 : memref<!tpu.dma_semaphore, #tpu.memory_space<semaphore_mem>>) src(%arg12 : memref<30000xf32, #tpu.memory_space<vmem>>) dst(%dma_wait3A_2312 : memref<30000xf32, #tpu.memory_space<hbm>>)
    return
  }
}

</mosaic_0001>

<sc_bundles>
// kernel: _pointer_generator_sc.3.cloned.1.call-start
scs
__scs_entry_jumppad:
0x0: {  	(pc) =	sbr.rel $0x88, $3  }
0x1: {  	(tag) =	ssettag $0x0;
	lr =	simm.s32 $0x1  }
0x2: {  	[smem:$0x3F9D] =	sst lr;
	_ =	strace $0xD0000000  }
0x3: {  	_ = 	snop  }
0x4: {  	_ = 	snop  }
0x5: {  	_ = 	snop  }
0x6: {  	_ = 	snop  }
0x7: {  	_ = 	snop  }
__scs_overlays_trampoline_lowered:
0x8: {  	[smem:$0x3FAC] =	sst s0  }
0x9: {  	[smem:$0x3FAD] =	sst s1  }
0xa: {  	[smem:$0x3FAE] =	sst s2  }
0xb: {  	[smem:$0x3FAF] =	sst s3  }
0xc: {  	[smem:$0x3FB0] =	sst s4  }
0xd: {  	[smem:$0x3FB1] =	sst s5  }
0xe: {  	[smem:$0x3FB2] =	sst s6  }
0xf: {  	[smem:$0x3FB3] =	sst s7  }
0x10: {  	[smem:$0x3FB4] =	sst s8  }
0x11: {  	[smem:$0x3FB5] =	sst s9;
	s0 =	simm.s32 @!p0 $0x0  }
0x12: {  	s1 =	sld [smem:$0x3F9B];
	s0 =	simm.s32 @p0 $0x1  }
0x13: {  	[smem:$0x3FB6] =	sst s0;
	s0 =	simm.s32 @!p1 $0x0  }
0x14: {  	s2 =	sld [smem:$0x3F9A];
	s0 =	simm.s32 @p1 $0x1  }
0x15: {  	[smem:$0x3FB7] =	sst s0;
	s0 =	simm.s32 @!p2 $0x0  }
0x16: {  	s3 =	sld [smem:$0x3FDB];
	s0 =	simm.s32 @p2 $0x1  }
0x17: {  	s4 =	simm.s32 $0x1BF5;
	[smem:$0x3FB9] =	sst s0  }
0x18: {  	s0 =	sld [smem:$0x3F9C];
	_ =	swait.ge [sflag:s4], $0x0  }
0x19: {  	s7 =	sld [smem:$0x3F9D]  }
0x1a: {  	s8 =	sadd.s32 $0xFFFFE003, lr  }
0x1b: {  	s9 =	sadd.s32 $0xFFFFFEF7, lr;
	s5 =	simm.s32 $0xFFFFFFFF;
	p2 =	slt.u32 s8, $0xFFFFF086  }
0x1c: {  	p1 =	slt.u32 s9, $0xF7A;
	s5 =	simm.s32 @!p2 $0x0  }
0x1d: {  	s5 =	simm.s32 @p1 $0x1;
	p0 =	seq.s32 s7, s2  }
0x1e: {  	s7 =	smul.u32 @!p0 $0xF7A, s2;
	p2 =	seq.s32 @!p0 s5, $0x0  }
0x1f: {  	s9 =	smul.u32 $0xF7A, s1;
	s8 =	simm.s32 @!p0 $0x1BF5;
	p2 =	por !p2, p0  }
0x20: {  	[sflag:s8] =	ssyncset.s32 @!p0 $0xFFFFF086;
	s6 =	sadd.s32 @!p0 s3, s7;
	s7 =	simm.s32 @!p0 $0x108  }
0x21: {  	s3 =	sadd.s32 s3, s9;
	s6 =	sadd.s32 @!p0 $0x88, s6;
	s7 =	simm.s32 @p2 $0x1082  }
0x22: {  	[simem:s7], [sflag:s8] =	dma.local @!p0 [hbm:s6], $0xF7A  }
0x23: {  	s9 =	sor.u32 $0xD0000000, s2;
	s6 =	simm.s32 $0x108;
	_ =	swait.ge @!p0 [sflag:s8], $0x0  }
0x24: {  	s3 =	sadd.s32 $0x88, s3;
	s6 =	simm.s32 @!p1 $0x1082;
	[sflag:s4] =	ssyncset.s32 $0xFFFFF086  }
0x25: {  	[simem:s6], [sflag:s4] =	dma.local [hbm:s3], $0xF7A  }
0x26: {  	[smem:$0x3F9D] =	sst s1;
	(tag) =	ssettag s2;
	_ =	strace s9  }
0x27: {  	s1 =	sld [smem:$0x3FAD]  }
0x28: {  	s2 =	sld [smem:$0x3FAE]  }
0x29: {  	s4 =	sld [smem:$0x3FB0]  }
0x2a: {  	p0 =	seq.s32 s5, $0x0;
	s5 =	sld [smem:$0x3FB1]  }
0x2b: {  	s6 =	sld [smem:$0x3FB2]  }
0x2c: {  	s7 =	sld [smem:$0x3FB3]  }
0x2d: {  	s3 =	simm.s32 $0x108;
	s8 =	sld [smem:$0x3FB4]  }
0x2e: {  	s3 =	simm.s32 @!p0 $0x1082;
	s9 =	sld [smem:$0x3FB5]  }
0x2f: {  	lr =	sadd.s32 s0, s3;
	s0 =	sld [smem:$0x3FAC]  }
0x30: {  	s3 =	sld [smem:$0x3FAF]  }
0x31: {  	[smem:$0x3FB8] =	sst s10  }
0x32: {  	s10 =	sld [smem:$0x3FB6];
	_ =	sdelay $0x3  }
0x33: {  	p0 =	seq.s32 s10, $0x1;
	s10 =	sld [smem:$0x3FB8];
	_ =	sdelay $0x3  }
0x34: {  	[smem:$0x3FB8] =	sst s10  }
0x35: {  	s10 =	sld [smem:$0x3FB7];
	_ =	sdelay $0x3  }
0x36: {  	p1 =	seq.s32 s10, $0x1;
	s10 =	sld [smem:$0x3FB8];
	_ =	sdelay $0x3  }
0x37: {  	[smem:$0x3FB8] =	sst s10  }
0x38: {  	s10 =	sld [smem:$0x3FB9]  }
0x39: {  	_ = 	snop;
	(pc) =	sbr.ind lr, $3  }
0x3a: {  	_ = 	snop  }
0x3b: {  	_ = 	snop  }
0x3c: {  	p2 =	seq.s32 s10, $0x1;
	s10 =	sld [smem:$0x3FB8]  }
0x3d: {  	_ =	shalt  }
0x3e: {  	_ =	shalt  }
0x3f: {  	_ =	shalt  }
0x40: {  	_ =	shalt  }
0x41: {  	_ =	shalt  }
0x42: {  	_ =	shalt  }
0x43: {  	_ =	shalt  }
0x44: {  	_ =	shalt  }
0x45: {  	_ =	shalt  }
0x46: {  	_ =	shalt  }
0x47: {  	_ =	shalt  }
0x48: {  	_ =	shalt  }
0x49: {  	_ =	shalt  }
0x4a: {  	_ =	shalt  }
0x4b: {  	_ =	shalt  }
0x4c: {  	_ =	shalt  }
0x4d: {  	_ =	shalt  }
0x4e: {  	_ =	shalt  }
0x4f: {  	_ =	shalt  }
0x50: {  	_ =	shalt  }
0x51: {  	_ =	shalt  }
0x52: {  	_ =	shalt  }
0x53: {  	_ =	shalt  }
0x54: {  	_ =	shalt  }
0x55: {  	_ =	shalt  }
0x56: {  	_ =	shalt  }
0x57: {  	_ =	shalt  }
0x58: {  	_ =	shalt  }
0x59: {  	_ =	shalt  }
0x5a: {  	_ =	shalt  }
0x5b: {  	_ =	shalt  }
0x5c: {  	_ =	shalt  }
0x5d: {  	_ =	shalt  }
0x5e: {  	_ =	shalt  }
0x5f: {  	_ =	shalt  }
0x60: {  	_ =	shalt  }
0x61: {  	_ =	shalt  }
0x62: {  	_ =	shalt  }
0x63: {  	_ =	shalt  }
0x64: {  	_ =	shalt  }
0x65: {  	_ =	shalt  }
0x66: {  	_ =	shalt  }
0x67: {  	_ =	shalt  }
0x68: {  	_ =	shalt  }
0x69: {  	_ =	shalt  }
0x6a: {  	_ =	shalt  }
0x6b: {  	_ =	shalt  }
0x6c: {  	_ =	shalt  }
0x6d: {  	_ =	shalt  }
0x6e: {  	_ =	shalt  }
0x6f: {  	_ =	shalt  }
0x70: {  	_ =	shalt  }
0x71: {  	_ =	shalt  }
0x72: {  	_ =	shalt  }
0x73: {  	_ =	shalt  }
0x74: {  	_ =	shalt  }
0x75: {  	_ =	shalt  }
0x76: {  	_ =	shalt  }
0x77: {  	_ =	shalt  }
0x78: {  	_ =	shalt  }
0x79: {  	_ =	shalt  }
0x7a: {  	_ =	shalt  }
0x7b: {  	_ =	shalt  }
0x7c: {  	_ =	shalt  }
0x7d: {  	_ =	shalt  }
0x7e: {  	_ =	shalt  }
0x7f: {  	_ =	shalt  }
0x80: {  	_ =	shalt  }
0x81: {  	_ =	shalt  }
0x82: {  	_ =	shalt  }
0x83: {  	_ =	shalt  }
0x84: {  	_ =	shalt  }
0x85: {  	_ =	shalt  }
0x86: {  	_ =	shalt  }
0x87: {  	_ =	shalt  }
.Lfunc_end0:
.L_simem_size_0:
called_computation_lowered:
.L_overlay_start_0:
0x88: {  	s2 =	sld [smem:$0x3FD9]  }
0x89: {  	s3 =	sld [smem:$0x3FFE];
	_ =	sdelay $0x1  }
0x8a: {  	s1 =	srdreg.scid  }
0x8b: {  	s0 =	sand.u32 $0x1, s1  }
0x8c: {  	s18 =	sshll.u32 s0, $0xA;
	s2 =	sadd.s32 s3, s2  }
0x8d: {  	s2 =	sadd.s32 s2, s18  }
0x8e: {  	[smem:$0x3FC4] =	sst s2  }
0x8f: {  	_ = 	snop  }
0x90: {  	s2 =	sld [smem:$0x3FC9]  }
0x91: {  	s19 =	sld [smem:$0x3FC8]  }
0x92: {  	s4 =	sld [smem:$0x3FC7]  }
0x93: {  	s5 =	sld [smem:$0x3FC6]  }
0x94: {  	s6 =	sld [smem:$0x3FD0];
	(tm) =	ssettm $0x1  }
0x95: {  	s7 =	sld [smem:$0x3FFB];
	_ =	sdelay $0x3  }
0x96: {  	_ =	strace s7  }
0x97: {  	s7 =	sld [smem:$0x3FFC];
	_ =	sdelay $0x3  }
0x98: {  	_ =	strace s7  }
0x99: {  	s7 =	sld [smem:$0x3FFD];
	_ =	sdelay $0x3  }
0x9a: {  	_ =	strace s7  }
0x9b: {  	_ =	strace $0x8FFFFFFF  }
0x9c: {  	s20 =	sld [smem:$0x3FDB];
	_ =	sdelay $0x1  }
0x9d: {  	s8 =	simm.s32 $_scs_section_size  }
0x9e: {  	s9 =	simm.s32 $_size__tile_overlayer_lowered;
	s10 =	simm.s32 $_tile_overlayer_lowered  }
0x9f: {  	s23 =	simm.s32 $0x1BFF;
	s22 =	sshll.u32 s10, $0x1;
	s7 =	sadd.s32 s8, s20  }
0xa0: {  	s11 =	simm.s32 $0x0;
	s21 =	sshll.u32 s9, $0x1;
	s9 =	sadd.s32 s22, s7  }
0xa1: {  	[timem:s11], [sflag:s23] =	dma.local [hbm:s9], s21  }
0xa2: {  	_ =	swait.ge [sflag:s23], s21  }
0xa3: {  	s8 =	ssub.s32 $0x0, s21;
	[sflag:s23] =	ssyncset.done $0x0  }
0xa4: {  	[sflag:s23] =	ssyncadd.s32 s8;
	_ =	sdelay $0x1  }
0xa5: {  	s24 =	simm.s32 $0x1B8B  }
0xa6: {  	_ =	swait.ge [sflag:s24], $0x1  }
0xa7: {  	[sflag:s24] =	ssyncset.done $0x0  }
0xa8: {  	s25 =	simm.s32 $0x1B8E;
	[sflag:s24] =	ssyncadd.s32 $0xFFFFFFFF  }
0xa9: {  	s26 =	simm.s32 $execute0_lowered;
	[smem:$0x3FD2] =	sst s25  }
0xaa: {  	s8 =	sshll.u32 s26, $0x1;
	_ =	strace $0x80000046;
	[dreg:$0x1] =	wrdreg $0xFFFFFFFF  }
0xab: {  	s28 =	simm.s32 $_size_execute0_lowered;
	s7 =	sadd.s32 s7, s8;
	[dreg:$0x0] =	wrdreg $0x0  }
0xac: {  	s8 =	sshll.u32 s28, $0x1;
	[dreg:$0x2] =	wrdreg s7  }
0xad: {  	[dreg:$0x3] =	wrdreg s8  }
0xae: {  	[dreg:$0x4] =	wrdreg $0xC0  }
0xaf: {  	_ =	task [dreg:s11], $0x5FFFF  }
0xb0: {  	[dreg:$0x1] =	wrdreg $0xFFFFFFFF  }
0xb1: {  	[dreg:$0x0] =	wrdreg $0x60  }
0xb2: {  	[dreg:$0x2] =	wrdreg s2  }
0xb3: {  	[dreg:$0x3] =	wrdreg s19  }
0xb4: {  	[dreg:$0x4] =	wrdreg s4  }
0xb5: {  	[dreg:$0x5] =	wrdreg s5  }
0xb6: {  	[dreg:$0x6] =	wrdreg s6  }
0xb7: {  	[dreg:$0x7] =	wrdreg $0x9  }
0xb8: {  	_ =	task.clear_ibuf [dreg:s11], $0x8FFFF;
	_ =	strace $0x90000046  }
0xb9: {  	s29 =	simm.s32 $0x9;
	_ =	strace $0x80000048  }
0xba: {  	_ =	swait.ge [sflag:s29], $0x1  }
0xbb: {  	[sflag:s29] =	ssyncadd.s32 $0xFFFFFFFF  }
0xbc: {  	_ =	strace $0x90000048  }
0xbd: {  	_ =	sfence  }
0xbe: {  	s30 =	sld [smem:$0x0];
	_ =	sdelay $0x2  }
0xbf: {  	s31 =	sshll.u32 s1, $0xD;
	s1 =	sshrl.u32 s1, $0x2  }
0xc0: {  	s3 =	sand.u32 $0x4000, s31;
	s1 =	sadd.s32 s1, s30  }
0xc1: {  	s0 =	sor.u32 s3, s0;
	s1 =	sshll.u32 s1, $0x11  }
0xc2: {  	s0 =	sor.u32 s1, s0  }
0xc3: {  	s0 =	sadd.s32 $0x8F2B, s0  }
0xc4: {  	[sflag:s0] =	ssyncadd.remote.s32 $0x1  }
0xc5: {  	_ =	sfence.sel $0xFFFF  }
0xc6: {  	[dreg:$0x0] =	wrdreg $0xFFFFFFFF;
	(pc) =	sbr.abs _section_cstart, $3  }
0xc7: {  	[dreg:$0x1] =	wrdreg $0xFFFFFFFF  }
0xc8: {  	_ =	task.clear_ibuf [dreg:s11], $0x2FFFF;
	_ =	strace $0x9FFFFFFF  }
0xc9: {  	(tm) =	ssettm $0x7FFFFFFF  }
tec
execute0_lowered:
.L_overlay_start_1:
0x0: {  	(tag) =	ssettag $0x1  }
0x1: {  	s3 =	rddreg [dreg:$0x1];
	s0 =	srdreg.scid  }
0x2: {  	s4 =	rddreg [dreg:$0x2];
	s1 =	stileid.u32  }
0x3: {  	s31 =	simm.s32 $0x0;
	s2 =	sand.u32 $0x1, s0;
	s10 =	smul.u32 $0x1D6000, s1  }
0x4: {  	[smem:$0x7FF] =	sst s31;
	s21 =	sshll.u32 s1, $0xB;
	s23 =	sshll.u32 s1, $0x5  }
0x5: {  	s0 =	ssub.s32 $0x2, s2;
	s6 =	smul.u32 $0xEB000, s2;
	s3 =	sadd.s32 s3, s21  }
0x6: {  	s30 =	sadd.s32 s4, s23;
	s5 =	sshrl.u32 s0, $0x1;
	[dreg:$0x6] =	wrdreg s3  }
0x7: {  	[dreg:$0x7] =	wrdreg s30;
	s0 =	ssub.s32 s0, s5  }
0x8: {  	s28 =	sadd.s32 s6, s10;
	[smem:$0x7EF] =	sst s0;
	s0 =	sshll.u32 s2, $0x5  }
0x9: {  	s2 =	sshllo.u32 s2, $0x5;
	s22 =	sor.u32 $0x8, s0;
	s24 =	sor.u32 $0x9, s0  }
0xa: {  	s26 =	sor.u32 $0xA, s0;
	s29 =	sor.u32 $0xB, s0;
	[smem:$0x7FD] =	sst s2  }
0xb: {  	s9 =	sor.u32 $0xC, s0;
	s12 =	sor.u32 $0xE, s0;
	[smem:$0x7E5] =	sst s22  }
0xc: {  	s16 =	sor.u32 $0xF, s0;
	s18 =	sor.u32 $0x10, s0;
	[smem:$0x7E6] =	sst s24  }
0xd: {  	s21 =	sor.u32 $0x11, s0;
	s5 =	sshrl.u32 s22, $0x3;
	[smem:$0x7E7] =	sst s26  }
0xe: {  	s25 =	sshrl.u32 s24, $0x3;
	s7 =	sshrl.u32 s26, $0x3;
	[smem:$0x7E8] =	sst s29  }
0xf: {  	s8 =	sshrl.u32 s29, $0x3;
	[smem:$0x7E9] =	sst s9;
	s5 =	smul.u32 $0x3AC00, s5  }
0x10: {  	[smem:$0x7EB] =	sst s12;
	s13 =	sshrl.u32 s12, $0x3;
	s6 =	smul.u32 $0x3AC00, s25  }
0x11: {  	[smem:$0x7EC] =	sst s16;
	s17 =	sshrl.u32 s16, $0x3;
	s7 =	smul.u32 $0x3AC00, s7  }
0x12: {  	[smem:$0x7ED] =	sst s18;
	s20 =	sshrl.u32 s18, $0x3;
	s1 =	smul.u32 $0x3AC00, s8  }
0x13: {  	[smem:$0x7EE] =	sst s21;
	s23 =	sshrl.u32 s21, $0x3;
	s22 =	smul.u32 $0x3AC00, s20  }
0x14: {  	s8 =	sshrl.u32 s9, $0x3;
	s9 =	sor.u32 $0xD, s0;
	s26 =	smul.u32 $0x3AC00, s23  }
0x15: {  	s25 =	sor.u32 $0x12, s0;
	s4 =	smul.u32 $0x3AC00, s8;
	[smem:$0x7EA] =	sst s9  }
0x16: {  	s11 =	sshrl.u32 s9, $0x3;
	[smem:$0x7F0] =	sst s25;
	s29 =	sshrl.u32 s25, $0x3  }
0x17: {  	s9 =	sor.u32 $0x16, s0;
	s14 =	sadd.s32 s10, s5;
	s3 =	smul.u32 $0x3AC00, s11  }
0x18: {  	s15 =	sadd.s32 s10, s6;
	s19 =	sadd.s32 s10, s7;
	s5 =	smul.u32 $0x3AC00, s17  }
0x19: {  	s24 =	sadd.s32 s10, s1;
	s1 =	smul.u32 $0x3AC00, s29;
	s21 =	sadd.s32 s10, s22  }
0x1a: {  	s23 =	sadd.s32 s10, s26;
	s7 =	sor.u32 $0x15, s0;
	[smem:$0x7F4] =	sst s9  }
0x1b: {  	s18 =	sshrl.u32 s9, $0x3;
	s22 =	sor.u32 $0x17, s0;
	s29 =	sor.u32 $0x18, s0  }
0x1c: {  	s30 =	sadd.s32 s10, s4;
	s4 =	smul.u32 $0x3AC00, s13;
	[smem:$0x7F3] =	sst s7  }
0x1d: {  	s8 =	sshrl.u32 s7, $0x3;
	[smem:$0x7F5] =	sst s22;
	s16 =	smul.u32 $0x3AC00, s18  }
0x1e: {  	s26 =	sshrl.u32 s22, $0x3;
	[smem:$0x7F6] =	sst s29;
	s17 =	sshrl.u32 s29, $0x3  }
0x1f: {  	s18 =	sor.u32 $0x19, s0;
	s29 =	sor.u32 $0x1A, s0;
	s11 =	sadd.s32 s10, s3  }
0x20: {  	s20 =	sadd.s32 s10, s5;
	s3 =	sor.u32 $0x13, s0;
	s25 =	sadd.s32 s10, s1  }
0x21: {  	s5 =	sor.u32 $0x14, s0;
	s13 =	smul.u32 $0x3AC00, s8;
	[smem:$0x7F7] =	sst s18  }
0x22: {  	s7 =	smul.u32 $0x3AC00, s17;
	s22 =	sshrl.u32 s18, $0x3;
	[smem:$0x7F8] =	sst s29  }
0x23: {  	s1 =	sshrl.u32 s29, $0x3;
	s18 =	sor.u32 $0x1C, s0;
	s29 =	sor.u32 $0x1E, s0  }
0x24: {  	s12 =	sadd.s32 s10, s4;
	[smem:$0x7F1] =	sst s3;
	s4 =	sshrl.u32 s3, $0x3  }
0x25: {  	[smem:$0x7F2] =	sst s5;
	s6 =	sshrl.u32 s5, $0x3;
	s3 =	smul.u32 $0x3AC00, s4  }
0x26: {  	s5 =	sor.u32 $0x1B, s0;
	[smem:$0x7FA] =	sst s18;
	s4 =	smul.u32 $0x3AC00, s6  }
0x27: {  	s18 =	sshrl.u32 s18, $0x3;
	[smem:$0x7FC] =	sst s29;
	s6 =	smul.u32 $0x3AC00, s26  }
0x28: {  	s29 =	sshrl.u32 s29, $0x3;
	s26 =	sadd.s32 s10, s7;
	s18 =	smul.u32 $0x3AC00, s18  }
0x29: {  	[smem:$0x7F9] =	sst s5;
	s29 =	smul.u32 $0x3AC00, s29;
	s9 =	sadd.s32 s10, s3  }
0x2a: {  	s8 =	sadd.s32 s10, s4;
	s17 =	sadd.s32 s10, s6;
	s3 =	smul.u32 $0x3AC00, s22  }
0x2b: {  	s4 =	smul.u32 $0x3AC00, s1;
	s6 =	sshrl.u32 s5, $0x3;
	s22 =	sor.u32 $0x1D, s0  }
0x2c: {  	s7 =	smul.u32 $0x3AC00, s6;
	s5 =	sadd.s32 s10, s3;
	s3 =	sshrl.u32 s2, $0x3  }
0x2d: {  	[smem:$0x7FB] =	sst s22;
	s22 =	sshrl.u32 s22, $0x3;
	s1 =	smul.u32 $0x3AC00, s3  }
0x2e: {  	s16 =	sadd.s32 s10, s16;
	s13 =	sadd.s32 s10, s13;
	s22 =	smul.u32 $0x3AC00, s22  }
0x2f: {  	s6 =	sadd.s32 s10, s7;
	s7 =	sadd.s32 s10, s18;
	s1 =	sadd.s32 s10, s1  }
0x30: {  	s18 =	sadd.s32 s10, s22;
	[smem:$0x7E4] =	sst s1;
	s1 =	sshrl.u32 s28, $0x3  }
0x31: {  	s22 =	sadd.s32 s10, s29;
	s29 =	rddreg [dreg:$0x0];
	s2 =	sor.u32 $0x10, s1  }
0x32: {  	s4 =	sadd.s32 s10, s4;
	s28 =	rddreg [dreg:$0x4];
	s10 =	sadd.s32 s29, s2  }
0x33: {  	s3 =	sor.u32 $0x20, s1;
	s2 =	sadd.s32 s28, s2;
	[dreg:$0x8] =	wrdreg s10  }
0x34: {  	[dreg:$0x9] =	wrdreg s2;
	s10 =	sadd.s32 s29, s3  }
0x35: {  	s3 =	sadd.s32 s28, s3;
	s2 =	sor.u32 $0x30, s1;
	[dreg:$0xa] =	wrdreg s10  }
0x36: {  	[dreg:$0xb] =	wrdreg s3;
	s10 =	sadd.s32 s29, s2  }
0x37: {  	s3 =	sor.u32 $0x40, s1;
	s2 =	sadd.s32 s28, s2;
	[dreg:$0xc] =	wrdreg s10  }
0x38: {  	[dreg:$0xd] =	wrdreg s2;
	s10 =	sadd.s32 s29, s3  }
0x39: {  	[dreg:$0xe] =	wrdreg s10;
	s10 =	sadd.s32 s28, s3  }
0x3a: {  	s3 =	sadd.s32 s29, s1;
	[dreg:$0xf] =	wrdreg s10  }
0x3b: {  	s2 =	sor.u32 $0x50, s1;
	[dreg:$0x10] =	wrdreg s3;
	s10 =	sadd.s32 s28, s1  }
0x3c: {  	s15 =	sshrl.u32 s15, $0x3;
	[dreg:$0x11] =	wrdreg s10;
	s10 =	sadd.s32 s29, s2  }
0x3d: {  	s3 =	sor.u32 $0x60, s1;
	s2 =	sadd.s32 s28, s2;
	[dreg:$0x12] =	wrdreg s10  }
0x3e: {  	[dreg:$0x13] =	wrdreg s2;
	s2 =	sshrl.u32 s14, $0x3;
	s14 =	sadd.s32 s29, s3  }
0x3f: {  	s1 =	sor.u32 $0x70, s1;
	s3 =	sadd.s32 s28, s3;
	[dreg:$0x14] =	wrdreg s14  }
0x40: {  	[dreg:$0x15] =	wrdreg s3;
	s3 =	sor.u32 $0x10, s15;
	s15 =	sadd.s32 s29, s1  }
0x41: {  	s1 =	sadd.s32 s28, s1;
	[dreg:$0x16] =	wrdreg s15  }
0x42: {  	s19 =	sshrl.u32 s19, $0x3;
	[dreg:$0x17] =	wrdreg s1  }
0x43: {  	s1 =	sor.u32 $0x20, s19;
	s19 =	sshrl.u32 s24, $0x3;
	s24 =	sadd.s32 s29, s2  }
0x44: {  	s2 =	sadd.s32 s28, s2;
	[dreg:$0x18] =	wrdreg s24  }
0x45: {  	s21 =	sshrl.u32 s21, $0x3;
	s14 =	sadd.s32 s29, s3;
	[dreg:$0x19] =	wrdreg s2  }
0x46: {  	s11 =	sshrl.u32 s11, $0x3;
	s3 =	sadd.s32 s28, s3;
	[dreg:$0x1a] =	wrdreg s14  }
0x47: {  	s2 =	sor.u32 $0x30, s19;
	[dreg:$0x1b] =	wrdreg s3;
	s19 =	sadd.s32 s29, s1  }
0x48: {  	s15 =	sshrl.u32 s30, $0x3;
	s1 =	sadd.s32 s28, s1;
	[dreg:$0x1c] =	wrdreg s19  }
0x49: {  	s30 =	sshrl.u32 s12, $0x3;
	[dreg:$0x1d] =	wrdreg s1;
	s12 =	sadd.s32 s29, s2  }
0x4a: {  	s3 =	sor.u32 $0x40, s15;
	s2 =	sadd.s32 s28, s2;
	[dreg:$0x1e] =	wrdreg s12  }
0x4b: {  	s8 =	sshrl.u32 s8, $0x3;
	s15 =	sadd.s32 s29, s3;
	[dreg:$0x1f] =	wrdreg s2  }
0x4c: {  	s24 =	sor.u32 $0x50, s11;
	s3 =	sadd.s32 s28, s3;
	[smem:$0x7C4] =	sst s15  }
0x4d: {  	s19 =	sshrl.u32 s20, $0x3;
	s20 =	sadd.s32 s29, s24;
	[smem:$0x7C5] =	sst s3  }
0x4e: {  	s14 =	sor.u32 $0x60, s30;
	s1 =	sadd.s32 s28, s24;
	[smem:$0x7C6] =	sst s20  }
0x4f: {  	s24 =	sshrl.u32 s23, $0x3;
	s30 =	sadd.s32 s29, s14;
	[smem:$0x7C7] =	sst s1  }
0x50: {  	s3 =	sor.u32 $0x70, s19;
	[smem:$0x7C8] =	sst s30;
	s2 =	sadd.s32 s28, s14  }
0x51: {  	s12 =	sor.u32 $0x10, s24;
	s20 =	sadd.s32 s29, s21;
	[smem:$0x7C9] =	sst s2  }
0x52: {  	s14 =	sshrl.u32 s25, $0x3;
	s1 =	sadd.s32 s28, s21;
	[smem:$0x7CC] =	sst s20  }
0x53: {  	s24 =	sor.u32 $0x40, s8;
	s15 =	sadd.s32 s29, s3;
	[smem:$0x7CD] =	sst s1  }
0x54: {  	s25 =	sshrl.u32 s13, $0x3;
	s3 =	sadd.s32 s28, s3;
	[smem:$0x7CA] =	sst s15  }
0x55: {  	s13 =	sshrl.u32 s17, $0x3;
	s23 =	sadd.s32 s29, s12;
	[smem:$0x7CB] =	sst s3  }
0x56: {  	s17 =	sshrl.u32 s26, $0x3;
	s2 =	sadd.s32 s28, s12;
	[smem:$0x7CE] =	sst s23  }
0x57: {  	s19 =	sor.u32 $0x20, s14;
	s14 =	sadd.s32 s29, s24;
	[smem:$0x7CF] =	sst s2  }
0x58: {  	s10 =	sor.u32 $0x50, s25;
	s25 =	sadd.s32 s29, s17;
	[smem:$0x7D4] =	sst s14  }
0x59: {  	s21 =	sshrl.u32 s9, $0x3;
	s30 =	sadd.s32 s29, s19;
	[smem:$0x7DC] =	sst s25  }
0x5a: {  	s1 =	sor.u32 $0x30, s21;
	s3 =	sadd.s32 s28, s19;
	[smem:$0x7D0] =	sst s30  }
0x5b: {  	s11 =	sadd.s32 s29, s1;
	[smem:$0x7D1] =	sst s3  }
0x5c: {  	s5 =	sshrl.u32 s5, $0x3;
	s1 =	sadd.s32 s28, s1;
	[smem:$0x7D2] =	sst s11  }
0x5d: {  	s12 =	sshrl.u32 s16, $0x3;
	s2 =	sadd.s32 s28, s24;
	[smem:$0x7D3] =	sst s1  }
0x5e: {  	s20 =	sor.u32 $0x10, s5;
	s16 =	sadd.s32 s29, s10;
	[smem:$0x7D5] =	sst s2  }
0x5f: {  	v0 =	vimm.s32 $0xC0804000;
	s24 =	sshrl.u32 s6, $0x3;
	s6 =	sadd.s32 s29, s20;
	[smem:$0x7D6] =	sst s16  }
0x60: {  	v0 =	vunpack.c.0.s8.s32 v0;
	[smem:$0x7DE] =	sst s6  }
0x61: {  	s9 =	sshrl.u32 s18, $0x3;
	s26 =	sor.u32 $0x30, s24;
	s24 =	sld [smem:$0x7E5]  }
0x62: {  	vm0 =	vcmask $0xF00;
	v0 =	vand.u32 $0xFF, v0;
	s3 =	sadd.s32 s28, s10;
	s10 =	sor.u32 $0x50, s9;
	s9 =	sld [smem:$0x7E9]  }
0x63: {  	v31 =	vnsel vm0, $0xC0, v0;
	s15 =	sor.u32 $0x70, s13;
	s13 =	sor.u32 $0x1, s0;
	s11 =	sld [smem:$0x7EB]  }
0x64: {  	s14 =	sor.u32 $0x2, s0;
	v1 =	vor.u32 s13, v31;
	s13 =	sld [smem:$0x7ED]  }
0x65: {  	v2 =	vor.u32 s14, v31;
	s14 =	sld [smem:$0x7EE]  }
0x66: {  	s21 =	sadd.s32 s29, s15;
	[smem:$0x7D7] =	sst s3  }
0x67: {  	s2 =	sadd.s32 s28, s15;
	[smem:$0x7DA] =	sst s21  }
0x68: {  	s23 =	sshrl.u32 s4, $0x3;
	s1 =	sor.u32 $0x60, s12;
	[smem:$0x7DB] =	sst s2  }
0x69: {  	s30 =	sshrl.u32 s7, $0x3;
	s2 =	sor.u32 $0x20, s23;
	s23 =	sld [smem:$0x7E4]  }
0x6a: {  	s12 =	sshrl.u32 s22, $0x3;
	s4 =	sor.u32 $0x40, s30;
	s30 =	sld [smem:$0x7E7]  }
0x6b: {  	s19 =	sadd.s32 s29, s1;
	s22 =	sor.u32 $0x60, s12;
	s12 =	sld [smem:$0x7EC]  }
0x6c: {  	s1 =	sadd.s32 s28, s1;
	[smem:$0x7D8] =	sst s19  }
0x6d: {  	s3 =	sadd.s32 s28, s17;
	[smem:$0x7D9] =	sst s1  }
0x6e: {  	s21 =	sadd.s32 s28, s26;
	[smem:$0x7DD] =	sst s3  }
0x6f: {  	[smem:$0x7E3] =	sst s21  }
0x70: {  	s1 =	sadd.s32 s28, s20;
	s20 =	sadd.s32 s29, s26;
	s26 =	sld [smem:$0x7E6]  }
0x71: {  	s7 =	sadd.s32 s29, s2;
	[smem:$0x7DF] =	sst s1  }
0x72: {  	s8 =	sadd.s32 s28, s2;
	[smem:$0x7E0] =	sst s7  }
0x73: {  	[smem:$0x7E1] =	sst s8  }
0x74: {  	s15 =	sor.u32 $0x3, s0;
	[smem:$0x7E2] =	sst s20;
	s2 =	sshrl.u32 s23, $0x3  }
0x75: {  	s5 =	sadd.s32 s28, s10;
	s7 =	sld [smem:$0x7E8];
	s25 =	sor.u32 $0x70, s2  }
0x76: {  	s2 =	sadd.s32 s29, s10;
	s10 =	sld [smem:$0x7EA];
	_ =	strace $0x80000047  }
0x77: {  	s16 =	sor.u32 $0x4, s0;
	v3 =	vor.u32 s15, v31;
	s15 =	sld [smem:$0x7EF]  }
0x78: {  	s17 =	sor.u32 $0x5, s0;
	v4 =	vor.u32 s16, v31;
	s16 =	sld [smem:$0x7F0]  }
0x79: {  	s18 =	sor.u32 $0x6, s0;
	v5 =	vor.u32 s17, v31;
	s17 =	sld [smem:$0x7F1]  }
0x7a: {  	v6 =	vor.u32 s18, v31;
	s19 =	sor.u32 $0x7, s0;
	s18 =	sld [smem:$0x7F2]  }
0x7b: {  	v7 =	vor.u32 s19, v31;
	s19 =	sld [smem:$0x7F3]  }
0x7c: {  	s20 =	sld [smem:$0x7F4]  }
0x7d: {  	s21 =	sld [smem:$0x7F5]  }
0x7e: {  	s3 =	sadd.s32 s29, s22;
	v11 =	vor.u32 s7, v31;
	s7 =	sadd.s32 s28, s22;
	s22 =	sld [smem:$0x7F6]  }
0x7f: {  	s23 =	sld [smem:$0x7F7]  }
0x80: {  	v0 =	vor.u32 s0, v31;
	s0 =	sadd.s32 s28, s4;
	s1 =	sadd.s32 s29, s4;
	v8 =	vor.u32 s24, v31;
	s24 =	sld [smem:$0x7F8]  }
0x81: {  	vm1 =	vcmask $0xB08;
	vm2 =	vcmask $0xF0C;
	s4 =	sadd.s32 s29, s25;
	s8 =	sadd.s32 s28, s25;
	s25 =	sld [smem:$0x7F9]  }
0x82: {  	v32 =	vlaneseq.u32;
	vm0 =	vcmask $0x704;
	v9 =	vor.u32 s26, v31;
	s26 =	sld [smem:$0x7FA]  }
0x83: {  	v12 =	vor.u32 s9, v31;
	v14 =	vor.u32 s11, v31;
	v16 =	vor.u32 s13, v31;
	s11 =	simm.s32 $0x4300;
	s13 =	simm.s32 $0x9;
	s28 =	sld [smem:$0x7FB]  }
0x84: {  	v17 =	vor.u32 s14, v31;
	s14 =	simm.s32 $0x1;
	v10 =	vor.u32 s30, v31;
	v15 =	vor.u32 s12, v31;
	s12 =	simm.s32 $0xB880;
	s29 =	sld [smem:$0x7FC]  }
0x85: {  	s30 =	sld [smem:$0x7FD];
	v13 =	vor.u32 s10, v31;
	s10 =	simm.s32 $0x400;
	s9 =	smax.u32 s15, $0x1;
	v18 =	vor.u32 s16, v31;
	v19 =	vor.u32 s17, v31  }
0x86: {  	v20 =	vor.u32 s18, v31;
	v21 =	vor.u32 s19, v31;
	v22 =	vor.u32 s20, v31;
	s15 =	simm.s32 $0x2;
	s16 =	simm.s32 $0x80;
	s17 =	simm.s32 $0x12E00  }
0x87: {  	v23 =	vor.u32 s21, v31;
	v24 =	vor.u32 s22, v31;
	v25 =	vor.u32 s23, v31;
	s18 =	simm.s32 $0x3;
	s19 =	simm.s32 $0x100;
	s20 =	simm.s32 $0x200  }
0x88: {  	v26 =	vor.u32 s24, v31;
	v27 =	vor.u32 s25, v31;
	v28 =	vor.u32 s26, v31;
	s21 =	simm.s32 $0x6;
	s22 =	simm.s32 $0x4;
	s23 =	simm.s32 $0x7  }
0x89: {  	v29 =	vor.u32 s28, v31;
	v30 =	vor.u32 s29, v31;
	v31 =	vor.u32 s30, v31;
	s24 =	simm.s32 $0x5;
	s25 =	simm.s32 $0x8;
	s26 =	simm.s32 $0x0  }
.LBB2_1:
0x8a: {  	s6 =	rddreg [dreg:$0x6];
	s28 =	simm.s32 $0x300  }
0x8b: {  	[tilespmem:s28], [sflag:$0x2] =	stream.linear.gather [hbm4b:s6+s31], $0x4000, $0x38;
	[tilespmem:$0x1A380] =	vst v63  }
0x8c: {  	s6 =	rddreg [dreg:$0x10]  }
0x8d: {  	[tilespmem:s11], [sflag:$0x3] =	stream.strided.gather [hbm4b:s6+s16], $0x7580, s10, s16, $0x38;
	[tilespmem:$0x1A380] =	vst v63  }
0x8e: {  	s6 =	rddreg [dreg:$0x8]  }
0x8f: {  	[tilespmem:s12], [sflag:$0x4] =	stream.strided.gather [hbm4b:s6+s16], $0x7580, s10, s16, $0x38;
	[tilespmem:$0x1A380] =	vst v63  }
0x90: {  	s6 =	rddreg [dreg:$0x7]  }
0x91: {  	[tilespmem:s31], [sflag:$0x9] =	stream.linear.gather [hbm4b:s6+s31], $0x100, $0x38;
	[tilespmem:$0x1A380] =	vst v63  }
0x92: {  	_ =	swait.ge [sflag:s13], $0x100  }
0x93: {  	[sflag:s13] =	ssyncset.done $0x0  }
0x94: {  	[sflag:s13] =	ssyncadd.s32 $0xFFFFFF00  }
0x95: {  	s6 =	rddreg [dreg:$0x3]  }
0x96: {  	[tilespmem:s19], [sflag:$0x1] =	stream.indirect.gather [hbm4b:s6+s16], $0x1, s31, s16, $0xb8;
	[tilespmem:$0x1A380] =	vst v63  }
0x97: {  	_ =	swait.ge [sflag:s14], $0x80  }
0x98: {  	[sflag:s14] =	ssyncset.done $0x0  }
0x99: {  	s28 =	simm.s32 $0x180;
	[sflag:s14] =	ssyncadd.s32 $0xFFFFFF80  }
0x9a: {  	[tilespmem:s28], [sflag:$0x1] =	stream.indirect.gather [hbm4b:s6+s16], $0x1, s16, s16, $0xb8;
	[tilespmem:$0x1A380] =	vst v63  }
0x9b: {  	_ =	swait.ge [sflag:s14], $0x80  }
0x9c: {  	[sflag:s14] =	ssyncset.done $0x0  }
0x9d: {  	[sflag:s14] =	ssyncadd.s32 $0xFFFFFF80  }
0x9e: {  	_ =	swait.ge [sflag:s15], $0x4000  }
0x9f: {  	[sflag:s15] =	ssyncset.done $0x0  }
0xa0: {  	[sflag:s15] =	ssyncadd.s32 $0xFFFFC000  }
0xa1: {  	v33 =	vld [tilespmem:$0x300]  }
0xa2: {  	v34 =	vld [tilespmem:$0x310]  }
0xa3: {  	v35 =	vld [tilespmem:$0x320]  }
0xa4: {  	v36 =	vld [tilespmem:$0x330]  }
0xa5: {  	v37 =	vld [tilespmem:$0x340]  }
0xa6: {  	v38 =	vld [tilespmem:$0x350];
	[tilespmem:$0x200] =	vst v33  }
0xa7: {  	v39 =	vld [tilespmem:$0x360];
	[tilespmem:$0x210] =	vst v34  }
0xa8: {  	v40 =	vld [tilespmem:$0x370];
	[tilespmem:$0x220] =	vst v35  }
0xa9: {  	v41 =	vld [tilespmem:$0x700];
	[tilespmem:$0x230] =	vst v36  }
0xaa: {  	v42 =	vld [tilespmem:$0x710];
	[tilespmem:$0x240] =	vst v37  }
0xab: {  	v43 =	vld [tilespmem:$0x720];
	[tilespmem:$0x250] =	vst v38  }
0xac: {  	v44 =	vld [tilespmem:$0x730];
	[tilespmem:$0x260] =	vst v39  }
0xad: {  	v45 =	vld [tilespmem:$0x740];
	[tilespmem:$0x270] =	vst v40  }
0xae: {  	v46 =	vld [tilespmem:$0x750];
	[tilespmem:$0x280] =	vst v41  }
0xaf: {  	v47 =	vld [tilespmem:$0x760];
	[tilespmem:$0x290] =	vst v42  }
0xb0: {  	v48 =	vld [tilespmem:$0x770];
	[tilespmem:$0x2A0] =	vst v43  }
0xb1: {  	[tilespmem:$0x2B0] =	vst v44  }
0xb2: {  	[tilespmem:$0x2C0] =	vst v45  }
0xb3: {  	[tilespmem:$0x2D0] =	vst v46  }
0xb4: {  	s6 =	sand.u32 $0x3800, s19;
	s28 =	sand.u32 $0x380, s16;
	[tilespmem:$0x2E0] =	vst v47  }
0xb5: {  	s6 =	sor.u32 s28, s6;
	[tilespmem:$0x2F0] =	vst v48  }
0xb6: {  	v49 =	vld [tilespmem:s6+$0x300];
	_ =	sdelay $0x4  }
0xb7: {  	v33 =	vmax.f32 v33, v49  }
0xb8: {  	[tilespmem:$0x200] =	vst v33  }
0xb9: {  	v61 =	vld [tilespmem:s6+$0x310];
	_ =	sdelay $0x4  }
0xba: {  	v34 =	vmax.f32 v34, v61  }
0xbb: {  	[tilespmem:$0x210] =	vst v34  }
0xbc: {  	v62 =	vld [tilespmem:s6+$0x320];
	_ =	sdelay $0x4  }
0xbd: {  	v35 =	vmax.f32 v35, v62  }
0xbe: {  	[tilespmem:$0x220] =	vst v35  }
0xbf: {  	v63 =	vld [tilespmem:s6+$0x330];
	_ =	sdelay $0x4  }
0xc0: {  	v36 =	vmax.f32 v36, v63  }
0xc1: {  	[tilespmem:$0x230] =	vst v36  }
0xc2: {  	v52 =	vld [tilespmem:s6+$0x340];
	_ =	sdelay $0x4  }
0xc3: {  	v37 =	vmax.f32 v37, v52  }
0xc4: {  	[tilespmem:$0x240] =	vst v37  }
0xc5: {  	v53 =	vld [tilespmem:s6+$0x350];
	_ =	sdelay $0x4  }
0xc6: {  	v38 =	vmax.f32 v38, v53  }
0xc7: {  	[tilespmem:$0x250] =	vst v38  }
0xc8: {  	v54 =	vld [tilespmem:s6+$0x360];
	_ =	sdelay $0x4  }
0xc9: {  	v39 =	vmax.f32 v39, v54  }
0xca: {  	[tilespmem:$0x260] =	vst v39  }
0xcb: {  	v55 =	vld [tilespmem:s6+$0x370];
	_ =	sdelay $0x4  }
0xcc: {  	v40 =	vmax.f32 v40, v55  }
0xcd: {  	[tilespmem:$0x270] =	vst v40  }
0xce: {  	v56 =	vld [tilespmem:s6+$0x700];
	_ =	sdelay $0x4  }
0xcf: {  	v41 =	vmax.f32 v41, v56  }
0xd0: {  	[tilespmem:$0x280] =	vst v41  }
0xd1: {  	v57 =	vld [tilespmem:s6+$0x710];
	_ =	sdelay $0x4  }
0xd2: {  	v42 =	vmax.f32 v42, v57  }
0xd3: {  	[tilespmem:$0x290] =	vst v42  }
0xd4: {  	v58 =	vld [tilespmem:s6+$0x720];
	_ =	sdelay $0x4  }
0xd5: {  	v43 =	vmax.f32 v43, v58  }
0xd6: {  	[tilespmem:$0x2A0] =	vst v43  }
0xd7: {  	v59 =	vld [tilespmem:s6+$0x730];
	_ =	sdelay $0x4  }
0xd8: {  	v44 =	vmax.f32 v44, v59  }
0xd9: {  	[tilespmem:$0x2B0] =	vst v44  }
0xda: {  	v60 =	vld [tilespmem:s6+$0x740];
	_ =	sdelay $0x4  }
0xdb: {  	v45 =	vmax.f32 v45, v60  }
0xdc: {  	[tilespmem:$0x2C0] =	vst v45  }
0xdd: {  	v61 =	vld [tilespmem:s6+$0x750];
	_ =	sdelay $0x4  }
0xde: {  	v46 =	vmax.f32 v46, v61  }
0xdf: {  	[tilespmem:$0x2D0] =	vst v46  }
0xe0: {  	v62 =	vld [tilespmem:s6+$0x760];
	_ =	sdelay $0x4  }
0xe1: {  	v47 =	vmax.f32 v47, v62  }
0xe2: {  	[tilespmem:$0x2E0] =	vst v47  }
0xe3: {  	v63 =	vld [tilespmem:s6+$0x770];
	_ =	sdelay $0x3  }
0xe4: {  	s28 =	simm.s32 $0x100;
	s6 =	simm.s32 $0x200  }
0xe5: {  	s29 =	simm.s32 $0x300;
	s30 =	sand.u32 $0x3800, s6;
	s6 =	sand.u32 $0x380, s28;
	v48 =	vmax.f32 v48, v63  }
.LBB2_2:
0xe6: {  	p0 =	sne.s32 s29, $0x3F00;
	s30 =	sor.u32 s6, s30;
	[tilespmem:$0x2F0] =	vst v48  }
0xe7: {  	v49 =	vld [tilespmem:s30+$0x300];
	_ =	sdelay $0x4  }
0xe8: {  	v33 =	vmax.f32 v33, v49  }
0xe9: {  	[tilespmem:$0x200] =	vst v33  }
0xea: {  	v49 =	vld [tilespmem:s30+$0x310];
	_ =	sdelay $0x4  }
0xeb: {  	v34 =	vmax.f32 v34, v49  }
0xec: {  	[tilespmem:$0x210] =	vst v34  }
0xed: {  	v49 =	vld [tilespmem:s30+$0x320];
	_ =	sdelay $0x4  }
0xee: {  	v35 =	vmax.f32 v35, v49  }
0xef: {  	[tilespmem:$0x220] =	vst v35  }
0xf0: {  	v49 =	vld [tilespmem:s30+$0x330];
	_ =	sdelay $0x4  }
0xf1: {  	v36 =	vmax.f32 v36, v49  }
0xf2: {  	[tilespmem:$0x230] =	vst v36  }
0xf3: {  	v49 =	vld [tilespmem:s30+$0x340];
	_ =	sdelay $0x4  }
0xf4: {  	v37 =	vmax.f32 v37, v49  }
0xf5: {  	[tilespmem:$0x240] =	vst v37  }
0xf6: {  	v49 =	vld [tilespmem:s30+$0x350];
	_ =	sdelay $0x4  }
0xf7: {  	v38 =	vmax.f32 v38, v49  }
0xf8: {  	[tilespmem:$0x250] =	vst v38  }
0xf9: {  	v49 =	vld [tilespmem:s30+$0x360];
	_ =	sdelay $0x4  }
0xfa: {  	v39 =	vmax.f32 v39, v49  }
0xfb: {  	[tilespmem:$0x260] =	vst v39  }
0xfc: {  	v49 =	vld [tilespmem:s30+$0x370];
	_ =	sdelay $0x4  }
0xfd: {  	v40 =	vmax.f32 v40, v49  }
0xfe: {  	[tilespmem:$0x270] =	vst v40  }
0xff: {  	v49 =	vld [tilespmem:s30+$0x700];
	_ =	sdelay $0x4  }
0x100: {  	v41 =	vmax.f32 v41, v49  }
0x101: {  	[tilespmem:$0x280] =	vst v41  }
0x102: {  	v49 =	vld [tilespmem:s30+$0x710];
	_ =	sdelay $0x4  }
0x103: {  	v42 =	vmax.f32 v42, v49  }
0x104: {  	[tilespmem:$0x290] =	vst v42  }
0x105: {  	v49 =	vld [tilespmem:s30+$0x720];
	_ =	sdelay $0x4  }
0x106: {  	v43 =	vmax.f32 v43, v49  }
0x107: {  	[tilespmem:$0x2A0] =	vst v43  }
0x108: {  	v49 =	vld [tilespmem:s30+$0x730];
	_ =	sdelay $0x4  }
0x109: {  	v44 =	vmax.f32 v44, v49  }
0x10a: {  	[tilespmem:$0x2B0] =	vst v44  }
0x10b: {  	v49 =	vld [tilespmem:s30+$0x740];
	_ =	sdelay $0x4  }
0x10c: {  	v45 =	vmax.f32 v45, v49  }
0x10d: {  	[tilespmem:$0x2C0] =	vst v45  }
0x10e: {  	v49 =	vld [tilespmem:s30+$0x750];
	_ =	sdelay $0x4  }
0x10f: {  	v46 =	vmax.f32 v46, v49  }
0x110: {  	[tilespmem:$0x2D0] =	vst v46  }
0x111: {  	v49 =	vld [tilespmem:s30+$0x760];
	_ =	sdelay $0x4  }
0x112: {  	v47 =	vmax.f32 v47, v49  }
0x113: {  	[tilespmem:$0x2E0] =	vst v47  }
0x114: {  	v49 =	vld [tilespmem:s30+$0x770]  }
.Ltmp0:
0x115: {  	(pc) =	sbr.rel @p0 .LBB2_2-.Ltmp0, $3  }
0x116: {  	_ =	sdelay $0x1  }
0x117: {  	s28 =	sadd.s32 $0x80, s28  }
0x118: {  	s6 =	sand.u32 $0x380, s28;
	s30 =	sand.u32 $0x3800, s29;
	s29 =	sadd.s32 $0x100, s29;
	v48 =	vmax.f32 v48, v49  }
0x119: {  	s6 =	sor.u32 s6, s30;
	[tilespmem:$0x2F0] =	vst v48  }
0x11a: {  	v49 =	vld [tilespmem:s6+$0x300];
	_ =	sdelay $0x4  }
0x11b: {  	v33 =	vmax.f32 v33, v49  }
0x11c: {  	[tilespmem:$0x200] =	vst v33  }
0x11d: {  	v33 =	vld [tilespmem:s6+$0x310];
	_ =	sdelay $0x4  }
0x11e: {  	v33 =	vmax.f32 v34, v33  }
0x11f: {  	[tilespmem:$0x210] =	vst v33  }
0x120: {  	v33 =	vld [tilespmem:s6+$0x320];
	_ =	sdelay $0x4  }
0x121: {  	v33 =	vmax.f32 v35, v33  }
0x122: {  	[tilespmem:$0x220] =	vst v33  }
0x123: {  	v33 =	vld [tilespmem:s6+$0x330];
	_ =	sdelay $0x4  }
0x124: {  	v33 =	vmax.f32 v36, v33  }
0x125: {  	[tilespmem:$0x230] =	vst v33  }
0x126: {  	v33 =	vld [tilespmem:s6+$0x340];
	_ =	sdelay $0x4  }
0x127: {  	v33 =	vmax.f32 v37, v33  }
0x128: {  	[tilespmem:$0x240] =	vst v33  }
0x129: {  	v33 =	vld [tilespmem:s6+$0x350];
	_ =	sdelay $0x4  }
0x12a: {  	v33 =	vmax.f32 v38, v33  }
0x12b: {  	[tilespmem:$0x250] =	vst v33  }
0x12c: {  	v33 =	vld [tilespmem:s6+$0x360];
	_ =	sdelay $0x4  }
0x12d: {  	v33 =	vmax.f32 v39, v33  }
0x12e: {  	[tilespmem:$0x260] =	vst v33  }
0x12f: {  	v33 =	vld [tilespmem:s6+$0x370];
	_ =	sdelay $0x4  }
0x130: {  	v33 =	vmax.f32 v40, v33  }
0x131: {  	[tilespmem:$0x270] =	vst v33  }
0x132: {  	v33 =	vld [tilespmem:s6+$0x700];
	_ =	sdelay $0x4  }
0x133: {  	v33 =	vmax.f32 v41, v33  }
0x134: {  	[tilespmem:$0x280] =	vst v33  }
0x135: {  	v33 =	vld [tilespmem:s6+$0x710];
	_ =	sdelay $0x4  }
0x136: {  	v33 =	vmax.f32 v42, v33  }
0x137: {  	[tilespmem:$0x290] =	vst v33  }
0x138: {  	v33 =	vld [tilespmem:s6+$0x720];
	_ =	sdelay $0x4  }
0x139: {  	v33 =	vmax.f32 v43, v33  }
0x13a: {  	[tilespmem:$0x2A0] =	vst v33  }
0x13b: {  	v33 =	vld [tilespmem:s6+$0x730];
	_ =	sdelay $0x4  }
0x13c: {  	v33 =	vmax.f32 v44, v33  }
0x13d: {  	[tilespmem:$0x2B0] =	vst v33  }
0x13e: {  	v33 =	vld [tilespmem:s6+$0x740];
	_ =	sdelay $0x4  }
0x13f: {  	v33 =	vmax.f32 v45, v33  }
0x140: {  	[tilespmem:$0x2C0] =	vst v33  }
0x141: {  	v33 =	vld [tilespmem:s6+$0x750];
	_ =	sdelay $0x4  }
0x142: {  	v33 =	vmax.f32 v46, v33  }
0x143: {  	[tilespmem:$0x2D0] =	vst v33  }
0x144: {  	v33 =	vld [tilespmem:s6+$0x760];
	_ =	sdelay $0x4  }
0x145: {  	v33 =	vmax.f32 v47, v33  }
0x146: {  	[tilespmem:$0x2E0] =	vst v33  }
0x147: {  	v33 =	vld [tilespmem:s6+$0x770];
	_ =	sdelay $0x4  }
0x148: {  	v33 =	vmax.f32 v48, v33  }
0x149: {  	s28 =	rddreg [dreg:$0xa];
	[tilespmem:$0x2F0] =	vst v33  }
0x14a: {  	[tilespmem:s17], [sflag:$0x5] =	stream.strided.gather [hbm4b:s28+s16], $0x7580, s10, s16, $0x38;
	[tilespmem:$0x1A380] =	vst v63  }
0x14b: {  	_ =	swait.ge [sflag:s18], $0x7580  }
0x14c: {  	[sflag:s18] =	ssyncset.done $0x0  }
0x14d: {  	[sflag:s18] =	ssyncadd.s32 $0xFFFF8A80  }
0x14e: {  	v52 =	vld.idx.msk [tilespmem:v0+s19+$0x0], $0xffff;
	_ =	sdelay $0x6  }
0x14f: {  	v53 =	vld.idx.msk [tilespmem:v0+s20+$0x0], $0xffff  }
0x150: {  	v54 =	vld.idx.msk [tilespmem:v52+s11+$0x0], $0xffff;
	_ =	sdelay $0x4  }
0x151: {  	v35 =	vmax.f32 v54, v53  }
0x152: {  	[tilespmem:v52+s11+$0x0] =	vst.idx.msk $0x1, v35  }
0x153: {  	v35 =	vld.idx.msk [tilespmem:v52+s11+$0x0], $0xffff;
	_ =	sdelay $0x4  }
0x154: {  	v35 =	vmax.f32 v35, v53  }
0x155: {  	[tilespmem:v52+s11+$0x0] =	vst.idx.msk vm0, v35  }
0x156: {  	v35 =	vld.idx.msk [tilespmem:v52+s11+$0x0], $0xffff;
	_ =	sdelay $0x4  }
0x157: {  	v35 =	vmax.f32 v35, v53  }
0x158: {  	[tilespmem:v52+s11+$0x0] =	vst.idx.msk vm1, v35  }
0x159: {  	v35 =	vld.idx.msk [tilespmem:v52+s11+$0x0], $0xffff;
	_ =	sdelay $0x4  }
0x15a: {  	v34 =	vmax.f32 v35, v53  }
0x15b: {  	[tilespmem:v52+s11+$0x0] =	vst.idx.msk vm2, v34  }
0x15c: {  	v33 =	vld [tilespmem:$0x4300];
	_ =	sdelay $0x3  }
0x15d: {  	vm3 =	veq.s32 v32, $0x1  }
0x15e: {  	v33 =	vsel vm3, $0x0, v33  }
0x15f: {  	s29 =	rddreg [dreg:$0x11];
	[tilespmem:$0x4300] =	vst v33  }
0x160: {  	[hbm4b:s29+s16] =	stream.strided.scatter [tilespmem:s11], [sflag:$0x6], $0x7580, s10, s16, $0x38;
	[tilespmem:$0x1A380] =	vst v63  }
0x161: {  	_ =	swait.ge [sflag:s21], $0x7580  }
0x162: {  	[sflag:s21] =	ssyncset.done $0x0  }
0x163: {  	s30 =	rddreg [dreg:$0xc];
	[sflag:s21] =	ssyncadd.s32 $0xFFFF8A80  }
0x164: {  	[tilespmem:s11], [sflag:$0x3] =	stream.strided.gather [hbm4b:s30+s16], $0x7580, s10, s16, $0x38;
	[tilespmem:$0x1A380] =	vst v63  }
0x165: {  	_ =	swait.ge [sflag:s22], $0x7580  }
0x166: {  	[sflag:s22] =	ssyncset.done $0x0  }
0x167: {  	[sflag:s22] =	ssyncadd.s32 $0xFFFF8A80  }
0x168: {  	v55 =	vld.idx.msk [tilespmem:v1+s19+$0x0], $0xffff;
	_ =	sdelay $0x6  }
0x169: {  	v56 =	vld.idx.msk [tilespmem:v1+s20+$0x0], $0xffff  }
0x16a: {  	v57 =	vld.idx.msk [tilespmem:v55+s12+$0x0], $0xffff;
	_ =	sdelay $0x4  }
0x16b: {  	v35 =	vmax.f32 v57, v56  }
0x16c: {  	[tilespmem:v55+s12+$0x0] =	vst.idx.msk $0x1, v35  }
0x16d: {  	v35 =	vld.idx.msk [tilespmem:v55+s12+$0x0], $0xffff;
	_ =	sdelay $0x4  }
0x16e: {  	v35 =	vmax.f32 v35, v56  }
0x16f: {  	[tilespmem:v55+s12+$0x0] =	vst.idx.msk vm0, v35  }
0x170: {  	v35 =	vld.idx.msk [tilespmem:v55+s12+$0x0], $0xffff;
	_ =	sdelay $0x4  }
0x171: {  	v35 =	vmax.f32 v35, v56  }
0x172: {  	[tilespmem:v55+s12+$0x0] =	vst.idx.msk vm1, v35  }
0x173: {  	v35 =	vld.idx.msk [tilespmem:v55+s12+$0x0], $0xffff;
	_ =	sdelay $0x4  }
0x174: {  	v34 =	vmax.f32 v35, v56  }
0x175: {  	[tilespmem:v55+s12+$0x0] =	vst.idx.msk vm2, v34  }
0x176: {  	v33 =	vld [tilespmem:$0xB880];
	_ =	sdelay $0x4  }
0x177: {  	v33 =	vsel vm3, $0x0, v33  }
0x178: {  	s28 =	rddreg [dreg:$0x9];
	[tilespmem:$0xB880] =	vst v33  }
0x179: {  	[hbm4b:s28+s16] =	stream.strided.scatter [tilespmem:s12], [sflag:$0x7], $0x7580, s10, s16, $0x38;
	[tilespmem:$0x1A380] =	vst v63  }
0x17a: {  	_ =	swait.ge [sflag:s23], $0x7580  }
0x17b: {  	[sflag:s23] =	ssyncset.done $0x0  }
0x17c: {  	s29 =	rddreg [dreg:$0xe];
	[sflag:s23] =	ssyncadd.s32 $0xFFFF8A80  }
0x17d: {  	[tilespmem:s12], [sflag:$0x4] =	stream.strided.gather [hbm4b:s29+s16], $0x7580, s10, s16, $0x38;
	[tilespmem:$0x1A380] =	vst v63  }
0x17e: {  	_ =	swait.ge [sflag:s24], $0x7580  }
0x17f: {  	[sflag:s24] =	ssyncset.done $0x0  }
0x180: {  	[sflag:s24] =	ssyncadd.s32 $0xFFFF8A80  }
0x181: {  	v58 =	vld.idx.msk [tilespmem:v2+s19+$0x0], $0xffff;
	_ =	sdelay $0x6  }
0x182: {  	v59 =	vld.idx.msk [tilespmem:v2+s20+$0x0], $0xffff  }
0x183: {  	v60 =	vld.idx.msk [tilespmem:v58+s17+$0x0], $0xffff;
	_ =	sdelay $0x4  }
0x184: {  	v35 =	vmax.f32 v60, v59  }
0x185: {  	[tilespmem:v58+s17+$0x0] =	vst.idx.msk $0x1, v35  }
0x186: {  	v35 =	vld.idx.msk [tilespmem:v58+s17+$0x0], $0xffff;
	_ =	sdelay $0x4  }
0x187: {  	v35 =	vmax.f32 v35, v59  }
0x188: {  	[tilespmem:v58+s17+$0x0] =	vst.idx.msk vm0, v35  }
0x189: {  	v35 =	vld.idx.msk [tilespmem:v58+s17+$0x0], $0xffff;
	_ =	sdelay $0x4  }
0x18a: {  	v35 =	vmax.f32 v35, v59  }
0x18b: {  	[tilespmem:v58+s17+$0x0] =	vst.idx.msk vm1, v35  }
0x18c: {  	v35 =	vld.idx.msk [tilespmem:v58+s17+$0x0], $0xffff;
	_ =	sdelay $0x4  }
0x18d: {  	v34 =	vmax.f32 v35, v59  }
0x18e: {  	[tilespmem:v58+s17+$0x0] =	vst.idx.msk vm2, v34  }
0x18f: {  	v33 =	vld [tilespmem:$0x12E00];
	_ =	sdelay $0x4  }
0x190: {  	v33 =	vsel vm3, $0x0, v33  }
0x191: {  	s30 =	rddreg [dreg:$0xb];
	[tilespmem:$0x12E00] =	vst v33  }
0x192: {  	[hbm4b:s30+s16] =	stream.strided.scatter [tilespmem:s17], [sflag:$0x8], $0x7580, s10, s16, $0x38;
	[tilespmem:$0x1A380] =	vst v63  }
0x193: {  	_ =	swait.ge [sflag:s25], $0x7580  }
0x194: {  	[sflag:s25] =	ssyncset.done $0x0  }
0x195: {  	s28 =	rddreg [dreg:$0x12];
	[sflag:s25] =	ssyncadd.s32 $0xFFFF8A80  }
0x196: {  	[tilespmem:s17], [sflag:$0x5] =	stream.strided.gather [hbm4b:s28+s16], $0x7580, s10, s16, $0x38;
	[tilespmem:$0x1A380] =	vst v63  }
0x197: {  	_ =	swait.ge [sflag:s18], $0x7580  }
0x198: {  	[sflag:s18] =	ssyncset.done $0x0  }
0x199: {  	[sflag:s18] =	ssyncadd.s32 $0xFFFF8A80  }
0x19a: {  	v61 =	vld.idx.msk [tilespmem:v3+s19+$0x0], $0xffff;
	_ =	sdelay $0x6  }
0x19b: {  	v62 =	vld.idx.msk [tilespmem:v3+s20+$0x0], $0xffff  }
0x19c: {  	v63 =	vld.idx.msk [tilespmem:v61+s11+$0x0], $0xffff;
	_ =	sdelay $0x4  }
0x19d: {  	v35 =	vmax.f32 v63, v62  }
0x19e: {  	[tilespmem:v61+s11+$0x0] =	vst.idx.msk $0x1, v35  }
0x19f: {  	v35 =	vld.idx.msk [tilespmem:v61+s11+$0x0], $0xffff;
	_ =	sdelay $0x4  }
0x1a0: {  	v35 =	vmax.f32 v35, v62  }
0x1a1: {  	[tilespmem:v61+s11+$0x0] =	vst.idx.msk vm0, v35  }
0x1a2: {  	v35 =	vld.idx.msk [tilespmem:v61+s11+$0x0], $0xffff;
	_ =	sdelay $0x4  }
0x1a3: {  	v35 =	vmax.f32 v35, v62  }
0x1a4: {  	[tilespmem:v61+s11+$0x0] =	vst.idx.msk vm1, v35  }
0x1a5: {  	v35 =	vld.idx.msk [tilespmem:v61+s11+$0x0], $0xffff;
	_ =	sdelay $0x4  }
0x1a6: {  	v34 =	vmax.f32 v35, v62  }
0x1a7: {  	[tilespmem:v61+s11+$0x0] =	vst.idx.msk vm2, v34  }
0x1a8: {  	v33 =	vld [tilespmem:$0x4300];
	_ =	sdelay $0x4  }
0x1a9: {  	v33 =	vsel vm3, $0x0, v33  }
0x1aa: {  	s29 =	rddreg [dreg:$0xd];
	[tilespmem:$0x4300] =	vst v33  }
0x1ab: {  	[hbm4b:s29+s16] =	stream.strided.scatter [tilespmem:s11], [sflag:$0x6], $0x7580, s10, s16, $0x38;
	[tilespmem:$0x1A380] =	vst v63  }
0x1ac: {  	_ =	swait.ge [sflag:s21], $0x7580  }
0x1ad: {  	[sflag:s21] =	ssyncset.done $0x0  }
0x1ae: {  	s30 =	rddreg [dreg:$0x14];
	[sflag:s21] =	ssyncadd.s32 $0xFFFF8A80  }
0x1af: {  	[tilespmem:s11], [sflag:$0x3] =	stream.strided.gather [hbm4b:s30+s16], $0x7580, s10, s16, $0x38;
	[tilespmem:$0x1A380] =	vst v63  }
0x1b0: {  	_ =	swait.ge [sflag:s22], $0x7580  }
0x1b1: {  	[sflag:s22] =	ssyncset.done $0x0  }
0x1b2: {  	[sflag:s22] =	ssyncadd.s32 $0xFFFF8A80  }
0x1b3: {  	v36 =	vld.idx.msk [tilespmem:v4+s19+$0x0], $0xffff;
	_ =	sdelay $0x6  }
0x1b4: {  	v37 =	vld.idx.msk [tilespmem:v4+s20+$0x0], $0xffff  }
0x1b5: {  	v38 =	vld.idx.msk [tilespmem:v36+s12+$0x0], $0xffff;
	_ =	sdelay $0x4  }
0x1b6: {  	v35 =	vmax.f32 v38, v37  }
0x1b7: {  	[tilespmem:v36+s12+$0x0] =	vst.idx.msk $0x1, v35  }
0x1b8: {  	v35 =	vld.idx.msk [tilespmem:v36+s12+$0x0], $0xffff;
	_ =	sdelay $0x4  }
0x1b9: {  	v35 =	vmax.f32 v35, v37  }
0x1ba: {  	[tilespmem:v36+s12+$0x0] =	vst.idx.msk vm0, v35  }
0x1bb: {  	v35 =	vld.idx.msk [tilespmem:v36+s12+$0x0], $0xffff;
	_ =	sdelay $0x4  }
0x1bc: {  	v35 =	vmax.f32 v35, v37  }
0x1bd: {  	[tilespmem:v36+s12+$0x0] =	vst.idx.msk vm1, v35  }
0x1be: {  	v35 =	vld.idx.msk [tilespmem:v36+s12+$0x0], $0xffff;
	_ =	sdelay $0x4  }
0x1bf: {  	v34 =	vmax.f32 v35, v37  }
0x1c0: {  	[tilespmem:v36+s12+$0x0] =	vst.idx.msk vm2, v34  }
0x1c1: {  	v33 =	vld [tilespmem:$0xB880];
	_ =	sdelay $0x4  }
0x1c2: {  	v33 =	vsel vm3, $0x0, v33  }
0x1c3: {  	s28 =	rddreg [dreg:$0xf];
	[tilespmem:$0xB880] =	vst v33  }
0x1c4: {  	[hbm4b:s28+s16] =	stream.strided.scatter [tilespmem:s12], [sflag:$0x7], $0x7580, s10, s16, $0x38;
	[tilespmem:$0x1A380] =	vst v63  }
0x1c5: {  	_ =	swait.ge [sflag:s23], $0x7580  }
0x1c6: {  	[sflag:s23] =	ssyncset.done $0x0  }
0x1c7: {  	s29 =	rddreg [dreg:$0x16];
	[sflag:s23] =	ssyncadd.s32 $0xFFFF8A80  }
0x1c8: {  	[tilespmem:s12], [sflag:$0x4] =	stream.strided.gather [hbm4b:s29+s16], $0x7580, s10, s16, $0x38;
	[tilespmem:$0x1A380] =	vst v63  }
0x1c9: {  	_ =	swait.ge [sflag:s24], $0x7580  }
0x1ca: {  	[sflag:s24] =	ssyncset.done $0x0  }
0x1cb: {  	[sflag:s24] =	ssyncadd.s32 $0xFFFF8A80  }
0x1cc: {  	v39 =	vld.idx.msk [tilespmem:v5+s19+$0x0], $0xffff;
	_ =	sdelay $0x6  }
0x1cd: {  	v40 =	vld.idx.msk [tilespmem:v5+s20+$0x0], $0xffff  }
0x1ce: {  	v41 =	vld.idx.msk [tilespmem:v39+s17+$0x0], $0xffff;
	_ =	sdelay $0x4  }
0x1cf: {  	v35 =	vmax.f32 v41, v40  }
0x1d0: {  	[tilespmem:v39+s17+$0x0] =	vst.idx.msk $0x1, v35  }
0x1d1: {  	v35 =	vld.idx.msk [tilespmem:v39+s17+$0x0], $0xffff;
	_ =	sdelay $0x4  }
0x1d2: {  	v35 =	vmax.f32 v35, v40  }
0x1d3: {  	[tilespmem:v39+s17+$0x0] =	vst.idx.msk vm0, v35  }
0x1d4: {  	v35 =	vld.idx.msk [tilespmem:v39+s17+$0x0], $0xffff;
	_ =	sdelay $0x4  }
0x1d5: {  	v35 =	vmax.f32 v35, v40  }
0x1d6: {  	[tilespmem:v39+s17+$0x0] =	vst.idx.msk vm1, v35  }
0x1d7: {  	v35 =	vld.idx.msk [tilespmem:v39+s17+$0x0], $0xffff;
	_ =	sdelay $0x4  }
0x1d8: {  	v34 =	vmax.f32 v35, v40  }
0x1d9: {  	[tilespmem:v39+s17+$0x0] =	vst.idx.msk vm2, v34  }
0x1da: {  	v33 =	vld [tilespmem:$0x12E00];
	_ =	sdelay $0x4  }
0x1db: {  	v33 =	vsel vm3, $0x0, v33  }
0x1dc: {  	s30 =	rddreg [dreg:$0x13];
	[tilespmem:$0x12E00] =	vst v33  }
0x1dd: {  	[hbm4b:s30+s16] =	stream.strided.scatter [tilespmem:s17], [sflag:$0x8], $0x7580, s10, s16, $0x38;
	[tilespmem:$0x1A380] =	vst v63  }
0x1de: {  	_ =	swait.ge [sflag:s25], $0x7580  }
0x1df: {  	[sflag:s25] =	ssyncset.done $0x0  }
0x1e0: {  	s28 =	rddreg [dreg:$0x18];
	[sflag:s25] =	ssyncadd.s32 $0xFFFF8A80  }
0x1e1: {  	[tilespmem:s17], [sflag:$0x5] =	stream.strided.gather [hbm4b:s28+s16], $0x7580, s10, s16, $0x38;
	[tilespmem:$0x1A380] =	vst v63  }
0x1e2: {  	_ =	swait.ge [sflag:s18], $0x7580  }
0x1e3: {  	[sflag:s18] =	ssyncset.done $0x0  }
0x1e4: {  	[sflag:s18] =	ssyncadd.s32 $0xFFFF8A80  }
0x1e5: {  	v42 =	vld.idx.msk [tilespmem:v6+s19+$0x0], $0xffff;
	_ =	sdelay $0x6  }
0x1e6: {  	v43 =	vld.idx.msk [tilespmem:v6+s20+$0x0], $0xffff  }
0x1e7: {  	v44 =	vld.idx.msk [tilespmem:v42+s11+$0x0], $0xffff;
	_ =	sdelay $0x4  }
0x1e8: {  	v35 =	vmax.f32 v44, v43  }
0x1e9: {  	[tilespmem:v42+s11+$0x0] =	vst.idx.msk $0x1, v35  }
0x1ea: {  	v35 =	vld.idx.msk [tilespmem:v42+s11+$0x0], $0xffff;
	_ =	sdelay $0x4  }
0x1eb: {  	v35 =	vmax.f32 v35, v43  }
0x1ec: {  	[tilespmem:v42+s11+$0x0] =	vst.idx.msk vm0, v35  }
0x1ed: {  	v35 =	vld.idx.msk [tilespmem:v42+s11+$0x0], $0xffff;
	_ =	sdelay $0x4  }
0x1ee: {  	v35 =	vmax.f32 v35, v43  }
0x1ef: {  	[tilespmem:v42+s11+$0x0] =	vst.idx.msk vm1, v35  }
0x1f0: {  	v35 =	vld.idx.msk [tilespmem:v42+s11+$0x0], $0xffff;
	_ =	sdelay $0x4  }
0x1f1: {  	v34 =	vmax.f32 v35, v43  }
0x1f2: {  	[tilespmem:v42+s11+$0x0] =	vst.idx.msk vm2, v34  }
0x1f3: {  	v33 =	vld [tilespmem:$0x4300];
	_ =	sdelay $0x4  }
0x1f4: {  	v33 =	vsel vm3, $0x0, v33  }
0x1f5: {  	s29 =	rddreg [dreg:$0x15];
	[tilespmem:$0x4300] =	vst v33  }
0x1f6: {  	[hbm4b:s29+s16] =	stream.strided.scatter [tilespmem:s11], [sflag:$0x6], $0x7580, s10, s16, $0x38;
	[tilespmem:$0x1A380] =	vst v63  }
0x1f7: {  	_ =	swait.ge [sflag:s21], $0x7580  }
0x1f8: {  	[sflag:s21] =	ssyncset.done $0x0  }
0x1f9: {  	s30 =	rddreg [dreg:$0x1a];
	[sflag:s21] =	ssyncadd.s32 $0xFFFF8A80  }
0x1fa: {  	[tilespmem:s11], [sflag:$0x3] =	stream.strided.gather [hbm4b:s30+s16], $0x7580, s10, s16, $0x38;
	[tilespmem:$0x1A380] =	vst v63  }
0x1fb: {  	_ =	swait.ge [sflag:s22], $0x7580  }
0x1fc: {  	[sflag:s22] =	ssyncset.done $0x0  }
0x1fd: {  	[sflag:s22] =	ssyncadd.s32 $0xFFFF8A80  }
0x1fe: {  	v45 =	vld.idx.msk [tilespmem:v7+s19+$0x0], $0xffff;
	_ =	sdelay $0x6  }
0x1ff: {  	v46 =	vld.idx.msk [tilespmem:v7+s20+$0x0], $0xffff  }
0x200: {  	v47 =	vld.idx.msk [tilespmem:v45+s12+$0x0], $0xffff;
	_ =	sdelay $0x4  }
0x201: {  	v35 =	vmax.f32 v47, v46  }
0x202: {  	[tilespmem:v45+s12+$0x0] =	vst.idx.msk $0x1, v35  }
0x203: {  	v35 =	vld.idx.msk [tilespmem:v45+s12+$0x0], $0xffff;
	_ =	sdelay $0x4  }
0x204: {  	v35 =	vmax.f32 v35, v46  }
0x205: {  	[tilespmem:v45+s12+$0x0] =	vst.idx.msk vm0, v35  }
0x206: {  	v35 =	vld.idx.msk [tilespmem:v45+s12+$0x0], $0xffff;
	_ =	sdelay $0x4  }
0x207: {  	v35 =	vmax.f32 v35, v46  }
0x208: {  	[tilespmem:v45+s12+$0x0] =	vst.idx.msk vm1, v35  }
0x209: {  	v35 =	vld.idx.msk [tilespmem:v45+s12+$0x0], $0xffff;
	_ =	sdelay $0x4  }
0x20a: {  	v34 =	vmax.f32 v35, v46  }
0x20b: {  	[tilespmem:v45+s12+$0x0] =	vst.idx.msk vm2, v34  }
0x20c: {  	v33 =	vld [tilespmem:$0xB880];
	_ =	sdelay $0x4  }
0x20d: {  	v33 =	vsel vm3, $0x0, v33  }
0x20e: {  	s28 =	rddreg [dreg:$0x17];
	[tilespmem:$0xB880] =	vst v33  }
0x20f: {  	[hbm4b:s28+s16] =	stream.strided.scatter [tilespmem:s12], [sflag:$0x7], $0x7580, s10, s16, $0x38;
	[tilespmem:$0x1A380] =	vst v63  }
0x210: {  	_ =	swait.ge [sflag:s23], $0x7580  }
0x211: {  	[sflag:s23] =	ssyncset.done $0x0  }
0x212: {  	s29 =	rddreg [dreg:$0x1c];
	[sflag:s23] =	ssyncadd.s32 $0xFFFF8A80  }
0x213: {  	[tilespmem:s12], [sflag:$0x4] =	stream.strided.gather [hbm4b:s29+s16], $0x7580, s10, s16, $0x38;
	[tilespmem:$0x1A380] =	vst v63  }
0x214: {  	_ =	swait.ge [sflag:s24], $0x7580  }
0x215: {  	[sflag:s24] =	ssyncset.done $0x0  }
0x216: {  	[sflag:s24] =	ssyncadd.s32 $0xFFFF8A80  }
0x217: {  	v48 =	vld.idx.msk [tilespmem:v8+s19+$0x0], $0xffff;
	_ =	sdelay $0x6  }
0x218: {  	v49 =	vld.idx.msk [tilespmem:v8+s20+$0x0], $0xffff  }
0x219: {  	v50 =	vld.idx.msk [tilespmem:v48+s17+$0x0], $0xffff;
	_ =	sdelay $0x4  }
0x21a: {  	v35 =	vmax.f32 v50, v49  }
0x21b: {  	[tilespmem:v48+s17+$0x0] =	vst.idx.msk $0x1, v35  }
0x21c: {  	v35 =	vld.idx.msk [tilespmem:v48+s17+$0x0], $0xffff;
	_ =	sdelay $0x4  }
0x21d: {  	v35 =	vmax.f32 v35, v49  }
0x21e: {  	[tilespmem:v48+s17+$0x0] =	vst.idx.msk vm0, v35  }
0x21f: {  	v35 =	vld.idx.msk [tilespmem:v48+s17+$0x0], $0xffff;
	_ =	sdelay $0x4  }
0x220: {  	v35 =	vmax.f32 v35, v49  }
0x221: {  	[tilespmem:v48+s17+$0x0] =	vst.idx.msk vm1, v35  }
0x222: {  	v35 =	vld.idx.msk [tilespmem:v48+s17+$0x0], $0xffff;
	_ =	sdelay $0x4  }
0x223: {  	v34 =	vmax.f32 v35, v49  }
0x224: {  	[tilespmem:v48+s17+$0x0] =	vst.idx.msk vm2, v34  }
0x225: {  	v33 =	vld [tilespmem:$0x12E00];
	_ =	sdelay $0x4  }
0x226: {  	v33 =	vsel vm3, $0x0, v33  }
0x227: {  	s30 =	rddreg [dreg:$0x19];
	[tilespmem:$0x12E00] =	vst v33  }
0x228: {  	[hbm4b:s30+s16] =	stream.strided.scatter [tilespmem:s17], [sflag:$0x8], $0x7580, s10, s16, $0x38;
	[tilespmem:$0x1A380] =	vst v63  }
0x229: {  	_ =	swait.ge [sflag:s25], $0x7580  }
0x22a: {  	[sflag:s25] =	ssyncset.done $0x0  }
0x22b: {  	s28 =	rddreg [dreg:$0x1e];
	[sflag:s25] =	ssyncadd.s32 $0xFFFF8A80  }
0x22c: {  	[tilespmem:s17], [sflag:$0x5] =	stream.strided.gather [hbm4b:s28+s16], $0x7580, s10, s16, $0x38;
	[tilespmem:$0x1A380] =	vst v63  }
0x22d: {  	_ =	swait.ge [sflag:s18], $0x7580  }
0x22e: {  	[sflag:s18] =	ssyncset.done $0x0  }
0x22f: {  	[sflag:s18] =	ssyncadd.s32 $0xFFFF8A80  }
0x230: {  	v51 =	vld.idx.msk [tilespmem:v9+s19+$0x0], $0xffff;
	_ =	sdelay $0x6  }
0x231: {  	v52 =	vld.idx.msk [tilespmem:v9+s20+$0x0], $0xffff  }
0x232: {  	v53 =	vld.idx.msk [tilespmem:v51+s11+$0x0], $0xffff;
	_ =	sdelay $0x4  }
0x233: {  	v35 =	vmax.f32 v53, v52  }
0x234: {  	[tilespmem:v51+s11+$0x0] =	vst.idx.msk $0x1, v35  }
0x235: {  	v35 =	vld.idx.msk [tilespmem:v51+s11+$0x0], $0xffff;
	_ =	sdelay $0x4  }
0x236: {  	v35 =	vmax.f32 v35, v52  }
0x237: {  	[tilespmem:v51+s11+$0x0] =	vst.idx.msk vm0, v35  }
0x238: {  	v35 =	vld.idx.msk [tilespmem:v51+s11+$0x0], $0xffff;
	_ =	sdelay $0x4  }
0x239: {  	v35 =	vmax.f32 v35, v52  }
0x23a: {  	[tilespmem:v51+s11+$0x0] =	vst.idx.msk vm1, v35  }
0x23b: {  	v35 =	vld.idx.msk [tilespmem:v51+s11+$0x0], $0xffff;
	_ =	sdelay $0x4  }
0x23c: {  	v34 =	vmax.f32 v35, v52  }
0x23d: {  	[tilespmem:v51+s11+$0x0] =	vst.idx.msk vm2, v34  }
0x23e: {  	v33 =	vld [tilespmem:$0x4300];
	_ =	sdelay $0x4  }
0x23f: {  	v33 =	vsel vm3, $0x0, v33  }
0x240: {  	s29 =	rddreg [dreg:$0x1b];
	[tilespmem:$0x4300] =	vst v33  }
0x241: {  	[hbm4b:s29+s16] =	stream.strided.scatter [tilespmem:s11], [sflag:$0x6], $0x7580, s10, s16, $0x38;
	[tilespmem:$0x1A380] =	vst v63  }
0x242: {  	_ =	swait.ge [sflag:s21], $0x7580  }
0x243: {  	s30 =	sld [smem:$0x7C4]  }
0x244: {  	[sflag:s21] =	ssyncset.done $0x0  }
0x245: {  	[sflag:s21] =	ssyncadd.s32 $0xFFFF8A80  }
0x246: {  	[tilespmem:s11], [sflag:$0x3] =	stream.strided.gather [hbm4b:s30+s16], $0x7580, s10, s16, $0x38;
	[tilespmem:$0x1A380] =	vst v63  }
0x247: {  	_ =	swait.ge [sflag:s22], $0x7580  }
0x248: {  	[sflag:s22] =	ssyncset.done $0x0  }
0x249: {  	[sflag:s22] =	ssyncadd.s32 $0xFFFF8A80  }
0x24a: {  	v54 =	vld.idx.msk [tilespmem:v10+s19+$0x0], $0xffff;
	_ =	sdelay $0x6  }
0x24b: {  	v55 =	vld.idx.msk [tilespmem:v10+s20+$0x0], $0xffff  }
0x24c: {  	v56 =	vld.idx.msk [tilespmem:v54+s12+$0x0], $0xffff;
	_ =	sdelay $0x4  }
0x24d: {  	v35 =	vmax.f32 v56, v55  }
0x24e: {  	[tilespmem:v54+s12+$0x0] =	vst.idx.msk $0x1, v35  }
0x24f: {  	v35 =	vld.idx.msk [tilespmem:v54+s12+$0x0], $0xffff;
	_ =	sdelay $0x4  }
0x250: {  	v35 =	vmax.f32 v35, v55  }
0x251: {  	[tilespmem:v54+s12+$0x0] =	vst.idx.msk vm0, v35  }
0x252: {  	v35 =	vld.idx.msk [tilespmem:v54+s12+$0x0], $0xffff;
	_ =	sdelay $0x4  }
0x253: {  	v35 =	vmax.f32 v35, v55  }
0x254: {  	[tilespmem:v54+s12+$0x0] =	vst.idx.msk vm1, v35  }
0x255: {  	v35 =	vld.idx.msk [tilespmem:v54+s12+$0x0], $0xffff;
	_ =	sdelay $0x4  }
0x256: {  	v34 =	vmax.f32 v35, v55  }
0x257: {  	[tilespmem:v54+s12+$0x0] =	vst.idx.msk vm2, v34  }
0x258: {  	v33 =	vld [tilespmem:$0xB880];
	_ =	sdelay $0x4  }
0x259: {  	v33 =	vsel vm3, $0x0, v33  }
0x25a: {  	s28 =	rddreg [dreg:$0x1d];
	[tilespmem:$0xB880] =	vst v33  }
0x25b: {  	[hbm4b:s28+s16] =	stream.strided.scatter [tilespmem:s12], [sflag:$0x7], $0x7580, s10, s16, $0x38;
	[tilespmem:$0x1A380] =	vst v63  }
0x25c: {  	_ =	swait.ge [sflag:s23], $0x7580  }
0x25d: {  	s29 =	sld [smem:$0x7C6]  }
0x25e: {  	[sflag:s23] =	ssyncset.done $0x0  }
0x25f: {  	[sflag:s23] =	ssyncadd.s32 $0xFFFF8A80  }
0x260: {  	[tilespmem:s12], [sflag:$0x4] =	stream.strided.gather [hbm4b:s29+s16], $0x7580, s10, s16, $0x38;
	[tilespmem:$0x1A380] =	vst v63  }
0x261: {  	_ =	swait.ge [sflag:s24], $0x7580  }
0x262: {  	[sflag:s24] =	ssyncset.done $0x0  }
0x263: {  	[sflag:s24] =	ssyncadd.s32 $0xFFFF8A80  }
0x264: {  	v57 =	vld.idx.msk [tilespmem:v11+s19+$0x0], $0xffff;
	_ =	sdelay $0x6  }
0x265: {  	v58 =	vld.idx.msk [tilespmem:v11+s20+$0x0], $0xffff  }
0x266: {  	v59 =	vld.idx.msk [tilespmem:v57+s17+$0x0], $0xffff;
	_ =	sdelay $0x4  }
0x267: {  	v35 =	vmax.f32 v59, v58  }
0x268: {  	[tilespmem:v57+s17+$0x0] =	vst.idx.msk $0x1, v35  }
0x269: {  	v35 =	vld.idx.msk [tilespmem:v57+s17+$0x0], $0xffff;
	_ =	sdelay $0x4  }
0x26a: {  	v35 =	vmax.f32 v35, v58  }
0x26b: {  	[tilespmem:v57+s17+$0x0] =	vst.idx.msk vm0, v35  }
0x26c: {  	v35 =	vld.idx.msk [tilespmem:v57+s17+$0x0], $0xffff;
	_ =	sdelay $0x4  }
0x26d: {  	v35 =	vmax.f32 v35, v58  }
0x26e: {  	[tilespmem:v57+s17+$0x0] =	vst.idx.msk vm1, v35  }
0x26f: {  	v35 =	vld.idx.msk [tilespmem:v57+s17+$0x0], $0xffff;
	_ =	sdelay $0x4  }
0x270: {  	v34 =	vmax.f32 v35, v58  }
0x271: {  	[tilespmem:v57+s17+$0x0] =	vst.idx.msk vm2, v34  }
0x272: {  	v33 =	vld [tilespmem:$0x12E00];
	_ =	sdelay $0x4  }
0x273: {  	v33 =	vsel vm3, $0x0, v33  }
0x274: {  	s30 =	rddreg [dreg:$0x1f];
	[tilespmem:$0x12E00] =	vst v33  }
0x275: {  	[hbm4b:s30+s16] =	stream.strided.scatter [tilespmem:s17], [sflag:$0x8], $0x7580, s10, s16, $0x38;
	[tilespmem:$0x1A380] =	vst v63  }
0x276: {  	_ =	swait.ge [sflag:s25], $0x7580  }
0x277: {  	s28 =	sld [smem:$0x7C8]  }
0x278: {  	[sflag:s25] =	ssyncset.done $0x0  }
0x279: {  	[sflag:s25] =	ssyncadd.s32 $0xFFFF8A80  }
0x27a: {  	[tilespmem:s17], [sflag:$0x5] =	stream.strided.gather [hbm4b:s28+s16], $0x7580, s10, s16, $0x38;
	[tilespmem:$0x1A380] =	vst v63  }
0x27b: {  	_ =	swait.ge [sflag:s18], $0x7580  }
0x27c: {  	[sflag:s18] =	ssyncset.done $0x0  }
0x27d: {  	[sflag:s18] =	ssyncadd.s32 $0xFFFF8A80  }
0x27e: {  	v60 =	vld.idx.msk [tilespmem:v12+s19+$0x0], $0xffff;
	_ =	sdelay $0x6  }
0x27f: {  	v61 =	vld.idx.msk [tilespmem:v12+s20+$0x0], $0xffff  }
0x280: {  	v62 =	vld.idx.msk [tilespmem:v60+s11+$0x0], $0xffff;
	_ =	sdelay $0x4  }
0x281: {  	v35 =	vmax.f32 v62, v61  }
0x282: {  	[tilespmem:v60+s11+$0x0] =	vst.idx.msk $0x1, v35  }
0x283: {  	v35 =	vld.idx.msk [tilespmem:v60+s11+$0x0], $0xffff;
	_ =	sdelay $0x4  }
0x284: {  	v35 =	vmax.f32 v35, v61  }
0x285: {  	[tilespmem:v60+s11+$0x0] =	vst.idx.msk vm0, v35  }
0x286: {  	v35 =	vld.idx.msk [tilespmem:v60+s11+$0x0], $0xffff;
	_ =	sdelay $0x4  }
0x287: {  	v35 =	vmax.f32 v35, v61  }
0x288: {  	[tilespmem:v60+s11+$0x0] =	vst.idx.msk vm1, v35  }
0x289: {  	v35 =	vld.idx.msk [tilespmem:v60+s11+$0x0], $0xffff;
	_ =	sdelay $0x4  }
0x28a: {  	v34 =	vmax.f32 v35, v61  }
0x28b: {  	[tilespmem:v60+s11+$0x0] =	vst.idx.msk vm2, v34  }
0x28c: {  	v33 =	vld [tilespmem:$0x4300];
	_ =	sdelay $0x3  }
0x28d: {  	s29 =	sld [smem:$0x7C5]  }
0x28e: {  	v33 =	vsel vm3, $0x0, v33  }
0x28f: {  	[tilespmem:$0x4300] =	vst v33  }
0x290: {  	[hbm4b:s29+s16] =	stream.strided.scatter [tilespmem:s11], [sflag:$0x6], $0x7580, s10, s16, $0x38;
	[tilespmem:$0x1A380] =	vst v63  }
0x291: {  	_ =	swait.ge [sflag:s21], $0x7580  }
0x292: {  	s30 =	sld [smem:$0x7CA]  }
0x293: {  	[sflag:s21] =	ssyncset.done $0x0  }
0x294: {  	[sflag:s21] =	ssyncadd.s32 $0xFFFF8A80  }
0x295: {  	[tilespmem:s11], [sflag:$0x3] =	stream.strided.gather [hbm4b:s30+s16], $0x7580, s10, s16, $0x38;
	[tilespmem:$0x1A380] =	vst v63  }
0x296: {  	_ =	swait.ge [sflag:s22], $0x7580  }
0x297: {  	[sflag:s22] =	ssyncset.done $0x0  }
0x298: {  	[sflag:s22] =	ssyncadd.s32 $0xFFFF8A80  }
0x299: {  	v63 =	vld.idx.msk [tilespmem:v13+s19+$0x0], $0xffff;
	_ =	sdelay $0x6  }
0x29a: {  	v36 =	vld.idx.msk [tilespmem:v13+s20+$0x0], $0xffff  }
0x29b: {  	v37 =	vld.idx.msk [tilespmem:v63+s12+$0x0], $0xffff;
	_ =	sdelay $0x4  }
0x29c: {  	v35 =	vmax.f32 v37, v36  }
0x29d: {  	[tilespmem:v63+s12+$0x0] =	vst.idx.msk $0x1, v35  }
0x29e: {  	v35 =	vld.idx.msk [tilespmem:v63+s12+$0x0], $0xffff;
	_ =	sdelay $0x4  }
0x29f: {  	v35 =	vmax.f32 v35, v36  }
0x2a0: {  	[tilespmem:v63+s12+$0x0] =	vst.idx.msk vm0, v35  }
0x2a1: {  	v35 =	vld.idx.msk [tilespmem:v63+s12+$0x0], $0xffff;
	_ =	sdelay $0x4  }
0x2a2: {  	v35 =	vmax.f32 v35, v36  }
0x2a3: {  	[tilespmem:v63+s12+$0x0] =	vst.idx.msk vm1, v35  }
0x2a4: {  	v35 =	vld.idx.msk [tilespmem:v63+s12+$0x0], $0xffff;
	_ =	sdelay $0x4  }
0x2a5: {  	v34 =	vmax.f32 v35, v36  }
0x2a6: {  	[tilespmem:v63+s12+$0x0] =	vst.idx.msk vm2, v34  }
0x2a7: {  	v33 =	vld [tilespmem:$0xB880];
	_ =	sdelay $0x3  }
0x2a8: {  	s28 =	sld [smem:$0x7C7]  }
0x2a9: {  	v33 =	vsel vm3, $0x0, v33  }
0x2aa: {  	[tilespmem:$0xB880] =	vst v33  }
0x2ab: {  	[hbm4b:s28+s16] =	stream.strided.scatter [tilespmem:s12], [sflag:$0x7], $0x7580, s10, s16, $0x38;
	[tilespmem:$0x1A380] =	vst v63  }
0x2ac: {  	_ =	swait.ge [sflag:s23], $0x7580  }
0x2ad: {  	s29 =	sld [smem:$0x7CC]  }
0x2ae: {  	[sflag:s23] =	ssyncset.done $0x0  }
0x2af: {  	[sflag:s23] =	ssyncadd.s32 $0xFFFF8A80  }
0x2b0: {  	[tilespmem:s12], [sflag:$0x4] =	stream.strided.gather [hbm4b:s29+s16], $0x7580, s10, s16, $0x38;
	[tilespmem:$0x1A380] =	vst v63  }
0x2b1: {  	_ =	swait.ge [sflag:s24], $0x7580  }
0x2b2: {  	[sflag:s24] =	ssyncset.done $0x0  }
0x2b3: {  	[sflag:s24] =	ssyncadd.s32 $0xFFFF8A80  }
0x2b4: {  	v38 =	vld.idx.msk [tilespmem:v14+s19+$0x0], $0xffff;
	_ =	sdelay $0x6  }
0x2b5: {  	v39 =	vld.idx.msk [tilespmem:v14+s20+$0x0], $0xffff  }
0x2b6: {  	v40 =	vld.idx.msk [tilespmem:v38+s17+$0x0], $0xffff;
	_ =	sdelay $0x4  }
0x2b7: {  	v35 =	vmax.f32 v40, v39  }
0x2b8: {  	[tilespmem:v38+s17+$0x0] =	vst.idx.msk $0x1, v35  }
0x2b9: {  	v35 =	vld.idx.msk [tilespmem:v38+s17+$0x0], $0xffff;
	_ =	sdelay $0x4  }
0x2ba: {  	v35 =	vmax.f32 v35, v39  }
0x2bb: {  	[tilespmem:v38+s17+$0x0] =	vst.idx.msk vm0, v35  }
0x2bc: {  	v35 =	vld.idx.msk [tilespmem:v38+s17+$0x0], $0xffff;
	_ =	sdelay $0x4  }
0x2bd: {  	v35 =	vmax.f32 v35, v39  }
0x2be: {  	[tilespmem:v38+s17+$0x0] =	vst.idx.msk vm1, v35  }
0x2bf: {  	v35 =	vld.idx.msk [tilespmem:v38+s17+$0x0], $0xffff;
	_ =	sdelay $0x4  }
0x2c0: {  	v34 =	vmax.f32 v35, v39  }
0x2c1: {  	[tilespmem:v38+s17+$0x0] =	vst.idx.msk vm2, v34  }
0x2c2: {  	v33 =	vld [tilespmem:$0x12E00];
	_ =	sdelay $0x3  }
0x2c3: {  	s30 =	sld [smem:$0x7C9]  }
0x2c4: {  	v33 =	vsel vm3, $0x0, v33  }
0x2c5: {  	[tilespmem:$0x12E00] =	vst v33  }
0x2c6: {  	[hbm4b:s30+s16] =	stream.strided.scatter [tilespmem:s17], [sflag:$0x8], $0x7580, s10, s16, $0x38;
	[tilespmem:$0x1A380] =	vst v63  }
0x2c7: {  	_ =	swait.ge [sflag:s25], $0x7580  }
0x2c8: {  	s28 =	sld [smem:$0x7CE]  }
0x2c9: {  	[sflag:s25] =	ssyncset.done $0x0  }
0x2ca: {  	[sflag:s25] =	ssyncadd.s32 $0xFFFF8A80  }
0x2cb: {  	[tilespmem:s17], [sflag:$0x5] =	stream.strided.gather [hbm4b:s28+s16], $0x7580, s10, s16, $0x38;
	[tilespmem:$0x1A380] =	vst v63  }
0x2cc: {  	_ =	swait.ge [sflag:s18], $0x7580  }
0x2cd: {  	[sflag:s18] =	ssyncset.done $0x0  }
0x2ce: {  	[sflag:s18] =	ssyncadd.s32 $0xFFFF8A80  }
0x2cf: {  	v41 =	vld.idx.msk [tilespmem:v15+s19+$0x0], $0xffff;
	_ =	sdelay $0x6  }
0x2d0: {  	v42 =	vld.idx.msk [tilespmem:v15+s20+$0x0], $0xffff  }
0x2d1: {  	v43 =	vld.idx.msk [tilespmem:v41+s11+$0x0], $0xffff;
	_ =	sdelay $0x4  }
0x2d2: {  	v35 =	vmax.f32 v43, v42  }
0x2d3: {  	[tilespmem:v41+s11+$0x0] =	vst.idx.msk $0x1, v35  }
0x2d4: {  	v35 =	vld.idx.msk [tilespmem:v41+s11+$0x0], $0xffff;
	_ =	sdelay $0x4  }
0x2d5: {  	v35 =	vmax.f32 v35, v42  }
0x2d6: {  	[tilespmem:v41+s11+$0x0] =	vst.idx.msk vm0, v35  }
0x2d7: {  	v35 =	vld.idx.msk [tilespmem:v41+s11+$0x0], $0xffff;
	_ =	sdelay $0x4  }
0x2d8: {  	v35 =	vmax.f32 v35, v42  }
0x2d9: {  	[tilespmem:v41+s11+$0x0] =	vst.idx.msk vm1, v35  }
0x2da: {  	v35 =	vld.idx.msk [tilespmem:v41+s11+$0x0], $0xffff;
	_ =	sdelay $0x4  }
0x2db: {  	v34 =	vmax.f32 v35, v42  }
0x2dc: {  	[tilespmem:v41+s11+$0x0] =	vst.idx.msk vm2, v34  }
0x2dd: {  	v33 =	vld [tilespmem:$0x4300];
	_ =	sdelay $0x3  }
0x2de: {  	s29 =	sld [smem:$0x7CB]  }
0x2df: {  	v33 =	vsel vm3, $0x0, v33  }
0x2e0: {  	[tilespmem:$0x4300] =	vst v33  }
0x2e1: {  	[hbm4b:s29+s16] =	stream.strided.scatter [tilespmem:s11], [sflag:$0x6], $0x7580, s10, s16, $0x38;
	[tilespmem:$0x1A380] =	vst v63  }
0x2e2: {  	_ =	swait.ge [sflag:s21], $0x7580  }
0x2e3: {  	s30 =	sld [smem:$0x7D0]  }
0x2e4: {  	[sflag:s21] =	ssyncset.done $0x0  }
0x2e5: {  	[sflag:s21] =	ssyncadd.s32 $0xFFFF8A80  }
0x2e6: {  	[tilespmem:s11], [sflag:$0x3] =	stream.strided.gather [hbm4b:s30+s16], $0x7580, s10, s16, $0x38;
	[tilespmem:$0x1A380] =	vst v63  }
0x2e7: {  	_ =	swait.ge [sflag:s22], $0x7580  }
0x2e8: {  	[sflag:s22] =	ssyncset.done $0x0  }
0x2e9: {  	[sflag:s22] =	ssyncadd.s32 $0xFFFF8A80  }
0x2ea: {  	v44 =	vld.idx.msk [tilespmem:v16+s19+$0x0], $0xffff;
	_ =	sdelay $0x6  }
0x2eb: {  	v45 =	vld.idx.msk [tilespmem:v16+s20+$0x0], $0xffff  }
0x2ec: {  	v46 =	vld.idx.msk [tilespmem:v44+s12+$0x0], $0xffff;
	_ =	sdelay $0x4  }
0x2ed: {  	v35 =	vmax.f32 v46, v45  }
0x2ee: {  	[tilespmem:v44+s12+$0x0] =	vst.idx.msk $0x1, v35  }
0x2ef: {  	v35 =	vld.idx.msk [tilespmem:v44+s12+$0x0], $0xffff;
	_ =	sdelay $0x4  }
0x2f0: {  	v35 =	vmax.f32 v35, v45  }
0x2f1: {  	[tilespmem:v44+s12+$0x0] =	vst.idx.msk vm0, v35  }
0x2f2: {  	v35 =	vld.idx.msk [tilespmem:v44+s12+$0x0], $0xffff;
	_ =	sdelay $0x4  }
0x2f3: {  	v35 =	vmax.f32 v35, v45  }
0x2f4: {  	[tilespmem:v44+s12+$0x0] =	vst.idx.msk vm1, v35  }
0x2f5: {  	v35 =	vld.idx.msk [tilespmem:v44+s12+$0x0], $0xffff;
	_ =	sdelay $0x4  }
0x2f6: {  	v34 =	vmax.f32 v35, v45  }
0x2f7: {  	[tilespmem:v44+s12+$0x0] =	vst.idx.msk vm2, v34  }
0x2f8: {  	v33 =	vld [tilespmem:$0xB880];
	_ =	sdelay $0x3  }
0x2f9: {  	s28 =	sld [smem:$0x7CD]  }
0x2fa: {  	v33 =	vsel vm3, $0x0, v33  }
0x2fb: {  	[tilespmem:$0xB880] =	vst v33  }
0x2fc: {  	[hbm4b:s28+s16] =	stream.strided.scatter [tilespmem:s12], [sflag:$0x7], $0x7580, s10, s16, $0x38;
	[tilespmem:$0x1A380] =	vst v63  }
0x2fd: {  	_ =	swait.ge [sflag:s23], $0x7580  }
0x2fe: {  	s29 =	sld [smem:$0x7D2]  }
0x2ff: {  	[sflag:s23] =	ssyncset.done $0x0  }
0x300: {  	[sflag:s23] =	ssyncadd.s32 $0xFFFF8A80  }
0x301: {  	[tilespmem:s12], [sflag:$0x4] =	stream.strided.gather [hbm4b:s29+s16], $0x7580, s10, s16, $0x38;
	[tilespmem:$0x1A380] =	vst v63  }
0x302: {  	_ =	swait.ge [sflag:s24], $0x7580  }
0x303: {  	[sflag:s24] =	ssyncset.done $0x0  }
0x304: {  	[sflag:s24] =	ssyncadd.s32 $0xFFFF8A80  }
0x305: {  	v47 =	vld.idx.msk [tilespmem:v17+s19+$0x0], $0xffff;
	_ =	sdelay $0x6  }
0x306: {  	v48 =	vld.idx.msk [tilespmem:v17+s20+$0x0], $0xffff  }
0x307: {  	v49 =	vld.idx.msk [tilespmem:v47+s17+$0x0], $0xffff;
	_ =	sdelay $0x4  }
0x308: {  	v35 =	vmax.f32 v49, v48  }
0x309: {  	[tilespmem:v47+s17+$0x0] =	vst.idx.msk $0x1, v35  }
0x30a: {  	v35 =	vld.idx.msk [tilespmem:v47+s17+$0x0], $0xffff;
	_ =	sdelay $0x4  }
0x30b: {  	v35 =	vmax.f32 v35, v48  }
0x30c: {  	[tilespmem:v47+s17+$0x0] =	vst.idx.msk vm0, v35  }
0x30d: {  	v35 =	vld.idx.msk [tilespmem:v47+s17+$0x0], $0xffff;
	_ =	sdelay $0x4  }
0x30e: {  	v35 =	vmax.f32 v35, v48  }
0x30f: {  	[tilespmem:v47+s17+$0x0] =	vst.idx.msk vm1, v35  }
0x310: {  	v35 =	vld.idx.msk [tilespmem:v47+s17+$0x0], $0xffff;
	_ =	sdelay $0x4  }
0x311: {  	v34 =	vmax.f32 v35, v48  }
0x312: {  	[tilespmem:v47+s17+$0x0] =	vst.idx.msk vm2, v34  }
0x313: {  	v33 =	vld [tilespmem:$0x12E00];
	_ =	sdelay $0x3  }
0x314: {  	s30 =	sld [smem:$0x7CF]  }
0x315: {  	v33 =	vsel vm3, $0x0, v33  }
0x316: {  	[tilespmem:$0x12E00] =	vst v33  }
0x317: {  	[hbm4b:s30+s16] =	stream.strided.scatter [tilespmem:s17], [sflag:$0x8], $0x7580, s10, s16, $0x38;
	[tilespmem:$0x1A380] =	vst v63  }
0x318: {  	_ =	swait.ge [sflag:s25], $0x7580  }
0x319: {  	s28 =	sld [smem:$0x7D4]  }
0x31a: {  	[sflag:s25] =	ssyncset.done $0x0  }
0x31b: {  	[sflag:s25] =	ssyncadd.s32 $0xFFFF8A80  }
0x31c: {  	[tilespmem:s17], [sflag:$0x5] =	stream.strided.gather [hbm4b:s28+s16], $0x7580, s10, s16, $0x38;
	[tilespmem:$0x1A380] =	vst v63  }
0x31d: {  	_ =	swait.ge [sflag:s18], $0x7580  }
0x31e: {  	[sflag:s18] =	ssyncset.done $0x0  }
0x31f: {  	[sflag:s18] =	ssyncadd.s32 $0xFFFF8A80  }
0x320: {  	v50 =	vld.idx.msk [tilespmem:v18+s19+$0x0], $0xffff;
	_ =	sdelay $0x6  }
0x321: {  	v51 =	vld.idx.msk [tilespmem:v18+s20+$0x0], $0xffff  }
0x322: {  	v52 =	vld.idx.msk [tilespmem:v50+s11+$0x0], $0xffff;
	_ =	sdelay $0x4  }
0x323: {  	v35 =	vmax.f32 v52, v51  }
0x324: {  	[tilespmem:v50+s11+$0x0] =	vst.idx.msk $0x1, v35  }
0x325: {  	v35 =	vld.idx.msk [tilespmem:v50+s11+$0x0], $0xffff;
	_ =	sdelay $0x4  }
0x326: {  	v35 =	vmax.f32 v35, v51  }
0x327: {  	[tilespmem:v50+s11+$0x0] =	vst.idx.msk vm0, v35  }
0x328: {  	v35 =	vld.idx.msk [tilespmem:v50+s11+$0x0], $0xffff;
	_ =	sdelay $0x4  }
0x329: {  	v35 =	vmax.f32 v35, v51  }
0x32a: {  	[tilespmem:v50+s11+$0x0] =	vst.idx.msk vm1, v35  }
0x32b: {  	v35 =	vld.idx.msk [tilespmem:v50+s11+$0x0], $0xffff;
	_ =	sdelay $0x4  }
0x32c: {  	v34 =	vmax.f32 v35, v51  }
0x32d: {  	[tilespmem:v50+s11+$0x0] =	vst.idx.msk vm2, v34  }
0x32e: {  	v33 =	vld [tilespmem:$0x4300];
	_ =	sdelay $0x3  }
0x32f: {  	s29 =	sld [smem:$0x7D1]  }
0x330: {  	v33 =	vsel vm3, $0x0, v33  }
0x331: {  	[tilespmem:$0x4300] =	vst v33  }
0x332: {  	[hbm4b:s29+s16] =	stream.strided.scatter [tilespmem:s11], [sflag:$0x6], $0x7580, s10, s16, $0x38;
	[tilespmem:$0x1A380] =	vst v63  }
0x333: {  	_ =	swait.ge [sflag:s21], $0x7580  }
0x334: {  	s30 =	sld [smem:$0x7D6]  }
0x335: {  	[sflag:s21] =	ssyncset.done $0x0  }
0x336: {  	[sflag:s21] =	ssyncadd.s32 $0xFFFF8A80  }
0x337: {  	[tilespmem:s11], [sflag:$0x3] =	stream.strided.gather [hbm4b:s30+s16], $0x7580, s10, s16, $0x38;
	[tilespmem:$0x1A380] =	vst v63  }
0x338: {  	_ =	swait.ge [sflag:s22], $0x7580  }
0x339: {  	[sflag:s22] =	ssyncset.done $0x0  }
0x33a: {  	[sflag:s22] =	ssyncadd.s32 $0xFFFF8A80  }
0x33b: {  	v53 =	vld.idx.msk [tilespmem:v19+s19+$0x0], $0xffff;
	_ =	sdelay $0x6  }
0x33c: {  	v54 =	vld.idx.msk [tilespmem:v19+s20+$0x0], $0xffff  }
0x33d: {  	v55 =	vld.idx.msk [tilespmem:v53+s12+$0x0], $0xffff;
	_ =	sdelay $0x4  }
0x33e: {  	v35 =	vmax.f32 v55, v54  }
0x33f: {  	[tilespmem:v53+s12+$0x0] =	vst.idx.msk $0x1, v35  }
0x340: {  	v35 =	vld.idx.msk [tilespmem:v53+s12+$0x0], $0xffff;
	_ =	sdelay $0x4  }
0x341: {  	v35 =	vmax.f32 v35, v54  }
0x342: {  	[tilespmem:v53+s12+$0x0] =	vst.idx.msk vm0, v35  }
0x343: {  	v35 =	vld.idx.msk [tilespmem:v53+s12+$0x0], $0xffff;
	_ =	sdelay $0x4  }
0x344: {  	v35 =	vmax.f32 v35, v54  }
0x345: {  	[tilespmem:v53+s12+$0x0] =	vst.idx.msk vm1, v35  }
0x346: {  	v35 =	vld.idx.msk [tilespmem:v53+s12+$0x0], $0xffff;
	_ =	sdelay $0x4  }
0x347: {  	v34 =	vmax.f32 v35, v54  }
0x348: {  	[tilespmem:v53+s12+$0x0] =	vst.idx.msk vm2, v34  }
0x349: {  	v33 =	vld [tilespmem:$0xB880];
	_ =	sdelay $0x3  }
0x34a: {  	s28 =	sld [smem:$0x7D3]  }
0x34b: {  	v33 =	vsel vm3, $0x0, v33  }
0x34c: {  	[tilespmem:$0xB880] =	vst v33  }
0x34d: {  	[hbm4b:s28+s16] =	stream.strided.scatter [tilespmem:s12], [sflag:$0x7], $0x7580, s10, s16, $0x38;
	[tilespmem:$0x1A380] =	vst v63  }
0x34e: {  	_ =	swait.ge [sflag:s23], $0x7580  }
0x34f: {  	s29 =	sld [smem:$0x7D8]  }
0x350: {  	[sflag:s23] =	ssyncset.done $0x0  }
0x351: {  	[sflag:s23] =	ssyncadd.s32 $0xFFFF8A80  }
0x352: {  	[tilespmem:s12], [sflag:$0x4] =	stream.strided.gather [hbm4b:s29+s16], $0x7580, s10, s16, $0x38;
	[tilespmem:$0x1A380] =	vst v63  }
0x353: {  	_ =	swait.ge [sflag:s24], $0x7580  }
0x354: {  	[sflag:s24] =	ssyncset.done $0x0  }
0x355: {  	[sflag:s24] =	ssyncadd.s32 $0xFFFF8A80  }
0x356: {  	v56 =	vld.idx.msk [tilespmem:v20+s19+$0x0], $0xffff;
	_ =	sdelay $0x6  }
0x357: {  	v57 =	vld.idx.msk [tilespmem:v20+s20+$0x0], $0xffff  }
0x358: {  	v58 =	vld.idx.msk [tilespmem:v56+s17+$0x0], $0xffff;
	_ =	sdelay $0x4  }
0x359: {  	v35 =	vmax.f32 v58, v57  }
0x35a: {  	[tilespmem:v56+s17+$0x0] =	vst.idx.msk $0x1, v35  }
0x35b: {  	v35 =	vld.idx.msk [tilespmem:v56+s17+$0x0], $0xffff;
	_ =	sdelay $0x4  }
0x35c: {  	v35 =	vmax.f32 v35, v57  }
0x35d: {  	[tilespmem:v56+s17+$0x0] =	vst.idx.msk vm0, v35  }
0x35e: {  	v35 =	vld.idx.msk [tilespmem:v56+s17+$0x0], $0xffff;
	_ =	sdelay $0x4  }
0x35f: {  	v35 =	vmax.f32 v35, v57  }
0x360: {  	[tilespmem:v56+s17+$0x0] =	vst.idx.msk vm1, v35  }
0x361: {  	v35 =	vld.idx.msk [tilespmem:v56+s17+$0x0], $0xffff;
	_ =	sdelay $0x4  }
0x362: {  	v34 =	vmax.f32 v35, v57  }
0x363: {  	[tilespmem:v56+s17+$0x0] =	vst.idx.msk vm2, v34  }
0x364: {  	v33 =	vld [tilespmem:$0x12E00];
	_ =	sdelay $0x3  }
0x365: {  	s30 =	sld [smem:$0x7D5]  }
0x366: {  	v33 =	vsel vm3, $0x0, v33  }
0x367: {  	[tilespmem:$0x12E00] =	vst v33  }
0x368: {  	[hbm4b:s30+s16] =	stream.strided.scatter [tilespmem:s17], [sflag:$0x8], $0x7580, s10, s16, $0x38;
	[tilespmem:$0x1A380] =	vst v63  }
0x369: {  	_ =	swait.ge [sflag:s25], $0x7580  }
0x36a: {  	s28 =	sld [smem:$0x7DA]  }
0x36b: {  	[sflag:s25] =	ssyncset.done $0x0  }
0x36c: {  	[sflag:s25] =	ssyncadd.s32 $0xFFFF8A80  }
0x36d: {  	[tilespmem:s17], [sflag:$0x5] =	stream.strided.gather [hbm4b:s28+s16], $0x7580, s10, s16, $0x38;
	[tilespmem:$0x1A380] =	vst v63  }
0x36e: {  	_ =	swait.ge [sflag:s18], $0x7580  }
0x36f: {  	[sflag:s18] =	ssyncset.done $0x0  }
0x370: {  	[sflag:s18] =	ssyncadd.s32 $0xFFFF8A80  }
0x371: {  	v59 =	vld.idx.msk [tilespmem:v21+s19+$0x0], $0xffff;
	_ =	sdelay $0x6  }
0x372: {  	v60 =	vld.idx.msk [tilespmem:v21+s20+$0x0], $0xffff  }
0x373: {  	v61 =	vld.idx.msk [tilespmem:v59+s11+$0x0], $0xffff;
	_ =	sdelay $0x4  }
0x374: {  	v35 =	vmax.f32 v61, v60  }
0x375: {  	[tilespmem:v59+s11+$0x0] =	vst.idx.msk $0x1, v35  }
0x376: {  	v35 =	vld.idx.msk [tilespmem:v59+s11+$0x0], $0xffff;
	_ =	sdelay $0x4  }
0x377: {  	v35 =	vmax.f32 v35, v60  }
0x378: {  	[tilespmem:v59+s11+$0x0] =	vst.idx.msk vm0, v35  }
0x379: {  	v35 =	vld.idx.msk [tilespmem:v59+s11+$0x0], $0xffff;
	_ =	sdelay $0x4  }
0x37a: {  	v35 =	vmax.f32 v35, v60  }
0x37b: {  	[tilespmem:v59+s11+$0x0] =	vst.idx.msk vm1, v35  }
0x37c: {  	v35 =	vld.idx.msk [tilespmem:v59+s11+$0x0], $0xffff;
	_ =	sdelay $0x4  }
0x37d: {  	v34 =	vmax.f32 v35, v60  }
0x37e: {  	[tilespmem:v59+s11+$0x0] =	vst.idx.msk vm2, v34  }
0x37f: {  	v33 =	vld [tilespmem:$0x4300];
	_ =	sdelay $0x3  }
0x380: {  	s29 =	sld [smem:$0x7D7]  }
0x381: {  	v33 =	vsel vm3, $0x0, v33  }
0x382: {  	[tilespmem:$0x4300] =	vst v33  }
0x383: {  	[hbm4b:s29+s16] =	stream.strided.scatter [tilespmem:s11], [sflag:$0x6], $0x7580, s10, s16, $0x38;
	[tilespmem:$0x1A380] =	vst v63  }
0x384: {  	_ =	swait.ge [sflag:s21], $0x7580  }
0x385: {  	s30 =	sld [smem:$0x7DC]  }
0x386: {  	[sflag:s21] =	ssyncset.done $0x0  }
0x387: {  	[sflag:s21] =	ssyncadd.s32 $0xFFFF8A80  }
0x388: {  	[tilespmem:s11], [sflag:$0x3] =	stream.strided.gather [hbm4b:s30+s16], $0x7580, s10, s16, $0x38;
	[tilespmem:$0x1A380] =	vst v63  }
0x389: {  	_ =	swait.ge [sflag:s22], $0x7580  }
0x38a: {  	[sflag:s22] =	ssyncset.done $0x0  }
0x38b: {  	[sflag:s22] =	ssyncadd.s32 $0xFFFF8A80  }
0x38c: {  	v62 =	vld.idx.msk [tilespmem:v22+s19+$0x0], $0xffff;
	_ =	sdelay $0x6  }
0x38d: {  	v63 =	vld.idx.msk [tilespmem:v22+s20+$0x0], $0xffff  }
0x38e: {  	v36 =	vld.idx.msk [tilespmem:v62+s12+$0x0], $0xffff;
	_ =	sdelay $0x4  }
0x38f: {  	v35 =	vmax.f32 v36, v63  }
0x390: {  	[tilespmem:v62+s12+$0x0] =	vst.idx.msk $0x1, v35  }
0x391: {  	v35 =	vld.idx.msk [tilespmem:v62+s12+$0x0], $0xffff;
	_ =	sdelay $0x4  }
0x392: {  	v35 =	vmax.f32 v35, v63  }
0x393: {  	[tilespmem:v62+s12+$0x0] =	vst.idx.msk vm0, v35  }
0x394: {  	v35 =	vld.idx.msk [tilespmem:v62+s12+$0x0], $0xffff;
	_ =	sdelay $0x4  }
0x395: {  	v35 =	vmax.f32 v35, v63  }
0x396: {  	[tilespmem:v62+s12+$0x0] =	vst.idx.msk vm1, v35  }
0x397: {  	v35 =	vld.idx.msk [tilespmem:v62+s12+$0x0], $0xffff;
	_ =	sdelay $0x4  }
0x398: {  	v34 =	vmax.f32 v35, v63  }
0x399: {  	[tilespmem:v62+s12+$0x0] =	vst.idx.msk vm2, v34  }
0x39a: {  	v33 =	vld [tilespmem:$0xB880];
	_ =	sdelay $0x3  }
0x39b: {  	s28 =	sld [smem:$0x7D9]  }
0x39c: {  	v33 =	vsel vm3, $0x0, v33  }
0x39d: {  	[tilespmem:$0xB880] =	vst v33  }
0x39e: {  	[hbm4b:s28+s16] =	stream.strided.scatter [tilespmem:s12], [sflag:$0x7], $0x7580, s10, s16, $0x38;
	[tilespmem:$0x1A380] =	vst v63  }
0x39f: {  	_ =	swait.ge [sflag:s23], $0x7580  }
0x3a0: {  	s29 =	sld [smem:$0x7DE]  }
0x3a1: {  	[sflag:s23] =	ssyncset.done $0x0  }
0x3a2: {  	[sflag:s23] =	ssyncadd.s32 $0xFFFF8A80  }
0x3a3: {  	[tilespmem:s12], [sflag:$0x4] =	stream.strided.gather [hbm4b:s29+s16], $0x7580, s10, s16, $0x38;
	[tilespmem:$0x1A380] =	vst v63  }
0x3a4: {  	_ =	swait.ge [sflag:s24], $0x7580  }
0x3a5: {  	[sflag:s24] =	ssyncset.done $0x0  }
0x3a6: {  	[sflag:s24] =	ssyncadd.s32 $0xFFFF8A80  }
0x3a7: {  	v37 =	vld.idx.msk [tilespmem:v23+s19+$0x0], $0xffff;
	_ =	sdelay $0x6  }
0x3a8: {  	v38 =	vld.idx.msk [tilespmem:v23+s20+$0x0], $0xffff  }
0x3a9: {  	v39 =	vld.idx.msk [tilespmem:v37+s17+$0x0], $0xffff;
	_ =	sdelay $0x4  }
0x3aa: {  	v35 =	vmax.f32 v39, v38  }
0x3ab: {  	[tilespmem:v37+s17+$0x0] =	vst.idx.msk $0x1, v35  }
0x3ac: {  	v35 =	vld.idx.msk [tilespmem:v37+s17+$0x0], $0xffff;
	_ =	sdelay $0x4  }
0x3ad: {  	v35 =	vmax.f32 v35, v38  }
0x3ae: {  	[tilespmem:v37+s17+$0x0] =	vst.idx.msk vm0, v35  }
0x3af: {  	v35 =	vld.idx.msk [tilespmem:v37+s17+$0x0], $0xffff;
	_ =	sdelay $0x4  }
0x3b0: {  	v35 =	vmax.f32 v35, v38  }
0x3b1: {  	[tilespmem:v37+s17+$0x0] =	vst.idx.msk vm1, v35  }
0x3b2: {  	v35 =	vld.idx.msk [tilespmem:v37+s17+$0x0], $0xffff;
	_ =	sdelay $0x4  }
0x3b3: {  	v34 =	vmax.f32 v35, v38  }
0x3b4: {  	[tilespmem:v37+s17+$0x0] =	vst.idx.msk vm2, v34  }
0x3b5: {  	v33 =	vld [tilespmem:$0x12E00];
	_ =	sdelay $0x3  }
0x3b6: {  	s30 =	sld [smem:$0x7DB]  }
0x3b7: {  	v33 =	vsel vm3, $0x0, v33  }
0x3b8: {  	[tilespmem:$0x12E00] =	vst v33  }
0x3b9: {  	[hbm4b:s30+s16] =	stream.strided.scatter [tilespmem:s17], [sflag:$0x8], $0x7580, s10, s16, $0x38;
	[tilespmem:$0x1A380] =	vst v63  }
0x3ba: {  	_ =	swait.ge [sflag:s25], $0x7580  }
0x3bb: {  	s28 =	sld [smem:$0x7E0]  }
0x3bc: {  	[sflag:s25] =	ssyncset.done $0x0  }
0x3bd: {  	[sflag:s25] =	ssyncadd.s32 $0xFFFF8A80  }
0x3be: {  	[tilespmem:s17], [sflag:$0x5] =	stream.strided.gather [hbm4b:s28+s16], $0x7580, s10, s16, $0x38;
	[tilespmem:$0x1A380] =	vst v63  }
0x3bf: {  	_ =	swait.ge [sflag:s18], $0x7580  }
0x3c0: {  	[sflag:s18] =	ssyncset.done $0x0  }
0x3c1: {  	[sflag:s18] =	ssyncadd.s32 $0xFFFF8A80  }
0x3c2: {  	v40 =	vld.idx.msk [tilespmem:v24+s19+$0x0], $0xffff;
	_ =	sdelay $0x6  }
0x3c3: {  	v41 =	vld.idx.msk [tilespmem:v24+s20+$0x0], $0xffff  }
0x3c4: {  	v42 =	vld.idx.msk [tilespmem:v40+s11+$0x0], $0xffff;
	_ =	sdelay $0x4  }
0x3c5: {  	v35 =	vmax.f32 v42, v41  }
0x3c6: {  	[tilespmem:v40+s11+$0x0] =	vst.idx.msk $0x1, v35  }
0x3c7: {  	v35 =	vld.idx.msk [tilespmem:v40+s11+$0x0], $0xffff;
	_ =	sdelay $0x4  }
0x3c8: {  	v35 =	vmax.f32 v35, v41  }
0x3c9: {  	[tilespmem:v40+s11+$0x0] =	vst.idx.msk vm0, v35  }
0x3ca: {  	v35 =	vld.idx.msk [tilespmem:v40+s11+$0x0], $0xffff;
	_ =	sdelay $0x4  }
0x3cb: {  	v35 =	vmax.f32 v35, v41  }
0x3cc: {  	[tilespmem:v40+s11+$0x0] =	vst.idx.msk vm1, v35  }
0x3cd: {  	v35 =	vld.idx.msk [tilespmem:v40+s11+$0x0], $0xffff;
	_ =	sdelay $0x4  }
0x3ce: {  	v34 =	vmax.f32 v35, v41  }
0x3cf: {  	[tilespmem:v40+s11+$0x0] =	vst.idx.msk vm2, v34  }
0x3d0: {  	v33 =	vld [tilespmem:$0x4300];
	_ =	sdelay $0x3  }
0x3d1: {  	s29 =	sld [smem:$0x7DD]  }
0x3d2: {  	v33 =	vsel vm3, $0x0, v33  }
0x3d3: {  	[tilespmem:$0x4300] =	vst v33  }
0x3d4: {  	[hbm4b:s29+s16] =	stream.strided.scatter [tilespmem:s11], [sflag:$0x6], $0x7580, s10, s16, $0x38;
	[tilespmem:$0x1A380] =	vst v63  }
0x3d5: {  	_ =	swait.ge [sflag:s21], $0x7580  }
0x3d6: {  	s30 =	sld [smem:$0x7E2]  }
0x3d7: {  	[sflag:s21] =	ssyncset.done $0x0  }
0x3d8: {  	[sflag:s21] =	ssyncadd.s32 $0xFFFF8A80  }
0x3d9: {  	[tilespmem:s11], [sflag:$0x3] =	stream.strided.gather [hbm4b:s30+s16], $0x7580, s10, s16, $0x38;
	[tilespmem:$0x1A380] =	vst v63  }
0x3da: {  	_ =	swait.ge [sflag:s22], $0x7580  }
0x3db: {  	[sflag:s22] =	ssyncset.done $0x0  }
0x3dc: {  	[sflag:s22] =	ssyncadd.s32 $0xFFFF8A80  }
0x3dd: {  	v43 =	vld.idx.msk [tilespmem:v25+s19+$0x0], $0xffff;
	_ =	sdelay $0x6  }
0x3de: {  	v44 =	vld.idx.msk [tilespmem:v25+s20+$0x0], $0xffff  }
0x3df: {  	v45 =	vld.idx.msk [tilespmem:v43+s12+$0x0], $0xffff;
	_ =	sdelay $0x4  }
0x3e0: {  	v35 =	vmax.f32 v45, v44  }
0x3e1: {  	[tilespmem:v43+s12+$0x0] =	vst.idx.msk $0x1, v35  }
0x3e2: {  	v35 =	vld.idx.msk [tilespmem:v43+s12+$0x0], $0xffff;
	_ =	sdelay $0x4  }
0x3e3: {  	v35 =	vmax.f32 v35, v44  }
0x3e4: {  	[tilespmem:v43+s12+$0x0] =	vst.idx.msk vm0, v35  }
0x3e5: {  	v35 =	vld.idx.msk [tilespmem:v43+s12+$0x0], $0xffff;
	_ =	sdelay $0x4  }
0x3e6: {  	v35 =	vmax.f32 v35, v44  }
0x3e7: {  	[tilespmem:v43+s12+$0x0] =	vst.idx.msk vm1, v35  }
0x3e8: {  	v35 =	vld.idx.msk [tilespmem:v43+s12+$0x0], $0xffff;
	_ =	sdelay $0x4  }
0x3e9: {  	v34 =	vmax.f32 v35, v44  }
0x3ea: {  	[tilespmem:v43+s12+$0x0] =	vst.idx.msk vm2, v34  }
0x3eb: {  	v33 =	vld [tilespmem:$0xB880];
	_ =	sdelay $0x3  }
0x3ec: {  	s28 =	sld [smem:$0x7DF]  }
0x3ed: {  	v33 =	vsel vm3, $0x0, v33  }
0x3ee: {  	[tilespmem:$0xB880] =	vst v33  }
0x3ef: {  	[hbm4b:s28+s16] =	stream.strided.scatter [tilespmem:s12], [sflag:$0x7], $0x7580, s10, s16, $0x38;
	[tilespmem:$0x1A380] =	vst v63  }
0x3f0: {  	_ =	swait.ge [sflag:s23], $0x7580  }
0x3f1: {  	[sflag:s23] =	ssyncset.done $0x0  }
0x3f2: {  	[sflag:s23] =	ssyncadd.s32 $0xFFFF8A80  }
0x3f3: {  	[tilespmem:s12], [sflag:$0x4] =	stream.strided.gather [hbm4b:s1+s16], $0x7580, s10, s16, $0x38;
	[tilespmem:$0x1A380] =	vst v63  }
0x3f4: {  	_ =	swait.ge [sflag:s24], $0x7580  }
0x3f5: {  	[sflag:s24] =	ssyncset.done $0x0  }
0x3f6: {  	[sflag:s24] =	ssyncadd.s32 $0xFFFF8A80  }
0x3f7: {  	v46 =	vld.idx.msk [tilespmem:v26+s19+$0x0], $0xffff;
	_ =	sdelay $0x6  }
0x3f8: {  	v47 =	vld.idx.msk [tilespmem:v26+s20+$0x0], $0xffff  }
0x3f9: {  	v48 =	vld.idx.msk [tilespmem:v46+s17+$0x0], $0xffff;
	_ =	sdelay $0x4  }
0x3fa: {  	v35 =	vmax.f32 v48, v47  }
0x3fb: {  	[tilespmem:v46+s17+$0x0] =	vst.idx.msk $0x1, v35  }
0x3fc: {  	v35 =	vld.idx.msk [tilespmem:v46+s17+$0x0], $0xffff;
	_ =	sdelay $0x4  }
0x3fd: {  	v35 =	vmax.f32 v35, v47  }
0x3fe: {  	[tilespmem:v46+s17+$0x0] =	vst.idx.msk vm0, v35  }
0x3ff: {  	v35 =	vld.idx.msk [tilespmem:v46+s17+$0x0], $0xffff;
	_ =	sdelay $0x4  }
0x400: {  	v35 =	vmax.f32 v35, v47  }
0x401: {  	[tilespmem:v46+s17+$0x0] =	vst.idx.msk vm1, v35  }
0x402: {  	v35 =	vld.idx.msk [tilespmem:v46+s17+$0x0], $0xffff;
	_ =	sdelay $0x4  }
0x403: {  	v34 =	vmax.f32 v35, v47  }
0x404: {  	[tilespmem:v46+s17+$0x0] =	vst.idx.msk vm2, v34  }
0x405: {  	v33 =	vld [tilespmem:$0x12E00];
	_ =	sdelay $0x3  }
0x406: {  	s29 =	sld [smem:$0x7E1]  }
0x407: {  	v33 =	vsel vm3, $0x0, v33  }
0x408: {  	[tilespmem:$0x12E00] =	vst v33  }
0x409: {  	[hbm4b:s29+s16] =	stream.strided.scatter [tilespmem:s17], [sflag:$0x8], $0x7580, s10, s16, $0x38;
	[tilespmem:$0x1A380] =	vst v63  }
0x40a: {  	_ =	swait.ge [sflag:s25], $0x7580  }
0x40b: {  	[sflag:s25] =	ssyncset.done $0x0  }
0x40c: {  	[sflag:s25] =	ssyncadd.s32 $0xFFFF8A80  }
0x40d: {  	[tilespmem:s17], [sflag:$0x5] =	stream.strided.gather [hbm4b:s2+s16], $0x7580, s10, s16, $0x38;
	[tilespmem:$0x1A380] =	vst v63  }
0x40e: {  	_ =	swait.ge [sflag:s18], $0x7580  }
0x40f: {  	[sflag:s18] =	ssyncset.done $0x0  }
0x410: {  	[sflag:s18] =	ssyncadd.s32 $0xFFFF8A80  }
0x411: {  	v49 =	vld.idx.msk [tilespmem:v27+s19+$0x0], $0xffff;
	_ =	sdelay $0x6  }
0x412: {  	v50 =	vld.idx.msk [tilespmem:v27+s20+$0x0], $0xffff  }
0x413: {  	v51 =	vld.idx.msk [tilespmem:v49+s11+$0x0], $0xffff;
	_ =	sdelay $0x4  }
0x414: {  	v35 =	vmax.f32 v51, v50  }
0x415: {  	[tilespmem:v49+s11+$0x0] =	vst.idx.msk $0x1, v35  }
0x416: {  	v35 =	vld.idx.msk [tilespmem:v49+s11+$0x0], $0xffff;
	_ =	sdelay $0x4  }
0x417: {  	v35 =	vmax.f32 v35, v50  }
0x418: {  	[tilespmem:v49+s11+$0x0] =	vst.idx.msk vm0, v35  }
0x419: {  	v35 =	vld.idx.msk [tilespmem:v49+s11+$0x0], $0xffff;
	_ =	sdelay $0x4  }
0x41a: {  	v35 =	vmax.f32 v35, v50  }
0x41b: {  	[tilespmem:v49+s11+$0x0] =	vst.idx.msk vm1, v35  }
0x41c: {  	v35 =	vld.idx.msk [tilespmem:v49+s11+$0x0], $0xffff;
	_ =	sdelay $0x4  }
0x41d: {  	v34 =	vmax.f32 v35, v50  }
0x41e: {  	[tilespmem:v49+s11+$0x0] =	vst.idx.msk vm2, v34  }
0x41f: {  	v33 =	vld [tilespmem:$0x4300];
	_ =	sdelay $0x3  }
0x420: {  	s30 =	sld [smem:$0x7E3]  }
0x421: {  	v33 =	vsel vm3, $0x0, v33  }
0x422: {  	[tilespmem:$0x4300] =	vst v33  }
0x423: {  	[hbm4b:s30+s16] =	stream.strided.scatter [tilespmem:s11], [sflag:$0x6], $0x7580, s10, s16, $0x38;
	[tilespmem:$0x1A380] =	vst v63  }
0x424: {  	_ =	swait.ge [sflag:s21], $0x7580  }
0x425: {  	[sflag:s21] =	ssyncset.done $0x0  }
0x426: {  	[sflag:s21] =	ssyncadd.s32 $0xFFFF8A80  }
0x427: {  	[tilespmem:s11], [sflag:$0x3] =	stream.strided.gather [hbm4b:s3+s16], $0x7580, s10, s16, $0x38;
	[tilespmem:$0x1A380] =	vst v63  }
0x428: {  	_ =	swait.ge [sflag:s22], $0x7580  }
0x429: {  	[sflag:s22] =	ssyncset.done $0x0  }
0x42a: {  	[sflag:s22] =	ssyncadd.s32 $0xFFFF8A80  }
0x42b: {  	v52 =	vld.idx.msk [tilespmem:v28+s19+$0x0], $0xffff;
	_ =	sdelay $0x6  }
0x42c: {  	v53 =	vld.idx.msk [tilespmem:v28+s20+$0x0], $0xffff  }
0x42d: {  	v54 =	vld.idx.msk [tilespmem:v52+s12+$0x0], $0xffff;
	_ =	sdelay $0x4  }
0x42e: {  	v35 =	vmax.f32 v54, v53  }
0x42f: {  	[tilespmem:v52+s12+$0x0] =	vst.idx.msk $0x1, v35  }
0x430: {  	v35 =	vld.idx.msk [tilespmem:v52+s12+$0x0], $0xffff;
	_ =	sdelay $0x4  }
0x431: {  	v35 =	vmax.f32 v35, v53  }
0x432: {  	[tilespmem:v52+s12+$0x0] =	vst.idx.msk vm0, v35  }
0x433: {  	v35 =	vld.idx.msk [tilespmem:v52+s12+$0x0], $0xffff;
	_ =	sdelay $0x4  }
0x434: {  	v35 =	vmax.f32 v35, v53  }
0x435: {  	[tilespmem:v52+s12+$0x0] =	vst.idx.msk vm1, v35  }
0x436: {  	v35 =	vld.idx.msk [tilespmem:v52+s12+$0x0], $0xffff;
	_ =	sdelay $0x4  }
0x437: {  	v34 =	vmax.f32 v35, v53  }
0x438: {  	[tilespmem:v52+s12+$0x0] =	vst.idx.msk vm2, v34  }
0x439: {  	v33 =	vld [tilespmem:$0xB880];
	_ =	sdelay $0x4  }
0x43a: {  	v33 =	vsel vm3, $0x0, v33  }
0x43b: {  	[tilespmem:$0xB880] =	vst v33  }
0x43c: {  	[hbm4b:s0+s16] =	stream.strided.scatter [tilespmem:s12], [sflag:$0x7], $0x7580, s10, s16, $0x38;
	[tilespmem:$0x1A380] =	vst v63  }
0x43d: {  	_ =	swait.ge [sflag:s23], $0x7580  }
0x43e: {  	[sflag:s23] =	ssyncset.done $0x0  }
0x43f: {  	[sflag:s23] =	ssyncadd.s32 $0xFFFF8A80  }
0x440: {  	[tilespmem:s12], [sflag:$0x4] =	stream.strided.gather [hbm4b:s4+s16], $0x7580, s10, s16, $0x38;
	[tilespmem:$0x1A380] =	vst v63  }
0x441: {  	_ =	swait.ge [sflag:s24], $0x7580  }
0x442: {  	[sflag:s24] =	ssyncset.done $0x0  }
0x443: {  	[sflag:s24] =	ssyncadd.s32 $0xFFFF8A80  }
0x444: {  	v55 =	vld.idx.msk [tilespmem:v29+s19+$0x0], $0xffff;
	_ =	sdelay $0x6  }
0x445: {  	v56 =	vld.idx.msk [tilespmem:v29+s20+$0x0], $0xffff  }
0x446: {  	v57 =	vld.idx.msk [tilespmem:v55+s17+$0x0], $0xffff;
	_ =	sdelay $0x4  }
0x447: {  	v35 =	vmax.f32 v57, v56  }
0x448: {  	[tilespmem:v55+s17+$0x0] =	vst.idx.msk $0x1, v35  }
0x449: {  	v35 =	vld.idx.msk [tilespmem:v55+s17+$0x0], $0xffff;
	_ =	sdelay $0x4  }
0x44a: {  	v35 =	vmax.f32 v35, v56  }
0x44b: {  	[tilespmem:v55+s17+$0x0] =	vst.idx.msk vm0, v35  }
0x44c: {  	v35 =	vld.idx.msk [tilespmem:v55+s17+$0x0], $0xffff;
	_ =	sdelay $0x4  }
0x44d: {  	v35 =	vmax.f32 v35, v56  }
0x44e: {  	[tilespmem:v55+s17+$0x0] =	vst.idx.msk vm1, v35  }
0x44f: {  	v35 =	vld.idx.msk [tilespmem:v55+s17+$0x0], $0xffff;
	_ =	sdelay $0x4  }
0x450: {  	v34 =	vmax.f32 v35, v56  }
0x451: {  	[tilespmem:v55+s17+$0x0] =	vst.idx.msk vm2, v34  }
0x452: {  	v33 =	vld [tilespmem:$0x12E00];
	_ =	sdelay $0x4  }
0x453: {  	v33 =	vsel vm3, $0x0, v33  }
0x454: {  	[tilespmem:$0x12E00] =	vst v33  }
0x455: {  	[hbm4b:s5+s16] =	stream.strided.scatter [tilespmem:s17], [sflag:$0x8], $0x7580, s10, s16, $0x38;
	[tilespmem:$0x1A380] =	vst v63  }
0x456: {  	_ =	swait.ge [sflag:s18], $0x7580  }
0x457: {  	[sflag:s18] =	ssyncset.done $0x0  }
0x458: {  	[sflag:s18] =	ssyncadd.s32 $0xFFFF8A80  }
0x459: {  	v58 =	vld.idx.msk [tilespmem:v30+s19+$0x0], $0xffff;
	_ =	sdelay $0x6  }
0x45a: {  	v59 =	vld.idx.msk [tilespmem:v30+s20+$0x0], $0xffff  }
0x45b: {  	v60 =	vld.idx.msk [tilespmem:v58+s11+$0x0], $0xffff;
	_ =	sdelay $0x4  }
0x45c: {  	v35 =	vmax.f32 v60, v59  }
0x45d: {  	[tilespmem:v58+s11+$0x0] =	vst.idx.msk $0x1, v35  }
0x45e: {  	v35 =	vld.idx.msk [tilespmem:v58+s11+$0x0], $0xffff;
	_ =	sdelay $0x4  }
0x45f: {  	v35 =	vmax.f32 v35, v59  }
0x460: {  	[tilespmem:v58+s11+$0x0] =	vst.idx.msk vm0, v35  }
0x461: {  	v35 =	vld.idx.msk [tilespmem:v58+s11+$0x0], $0xffff;
	_ =	sdelay $0x4  }
0x462: {  	v35 =	vmax.f32 v35, v59  }
0x463: {  	[tilespmem:v58+s11+$0x0] =	vst.idx.msk vm1, v35  }
0x464: {  	v35 =	vld.idx.msk [tilespmem:v58+s11+$0x0], $0xffff;
	_ =	sdelay $0x4  }
0x465: {  	v34 =	vmax.f32 v35, v59  }
0x466: {  	[tilespmem:v58+s11+$0x0] =	vst.idx.msk vm2, v34  }
0x467: {  	v33 =	vld [tilespmem:$0x4300];
	_ =	sdelay $0x4  }
0x468: {  	v33 =	vsel vm3, $0x0, v33  }
0x469: {  	[tilespmem:$0x4300] =	vst v33  }
0x46a: {  	[hbm4b:s7+s16] =	stream.strided.scatter [tilespmem:s11], [sflag:$0x6], $0x7580, s10, s16, $0x38;
	[tilespmem:$0x1A380] =	vst v63  }
0x46b: {  	_ =	swait.ge [sflag:s22], $0x7580  }
0x46c: {  	[sflag:s22] =	ssyncset.done $0x0  }
0x46d: {  	[sflag:s22] =	ssyncadd.s32 $0xFFFF8A80  }
0x46e: {  	v61 =	vld.idx.msk [tilespmem:v31+s19+$0x0], $0xffff;
	_ =	sdelay $0x6  }
0x46f: {  	v62 =	vld.idx.msk [tilespmem:v31+s20+$0x0], $0xffff  }
0x470: {  	v63 =	vld.idx.msk [tilespmem:v61+s12+$0x0], $0xffff;
	_ =	sdelay $0x4  }
0x471: {  	v35 =	vmax.f32 v63, v62  }
0x472: {  	[tilespmem:v61+s12+$0x0] =	vst.idx.msk $0x1, v35  }
0x473: {  	v35 =	vld.idx.msk [tilespmem:v61+s12+$0x0], $0xffff;
	_ =	sdelay $0x4  }
0x474: {  	v35 =	vmax.f32 v35, v62  }
0x475: {  	[tilespmem:v61+s12+$0x0] =	vst.idx.msk vm0, v35  }
0x476: {  	v35 =	vld.idx.msk [tilespmem:v61+s12+$0x0], $0xffff;
	_ =	sdelay $0x4  }
0x477: {  	v35 =	vmax.f32 v35, v62  }
0x478: {  	[tilespmem:v61+s12+$0x0] =	vst.idx.msk vm1, v35  }
0x479: {  	v35 =	vld.idx.msk [tilespmem:v61+s12+$0x0], $0xffff;
	_ =	sdelay $0x4  }
0x47a: {  	v34 =	vmax.f32 v35, v62  }
0x47b: {  	[tilespmem:v61+s12+$0x0] =	vst.idx.msk vm2, v34  }
0x47c: {  	v33 =	vld [tilespmem:$0xB880];
	_ =	sdelay $0x4  }
0x47d: {  	v33 =	vsel vm3, $0x0, v33  }
0x47e: {  	[tilespmem:$0xB880] =	vst v33  }
0x47f: {  	[hbm4b:s8+s16] =	stream.strided.scatter [tilespmem:s12], [sflag:$0x7], $0x7580, s10, s16, $0x38;
	[tilespmem:$0x1A380] =	vst v63  }
0x480: {  	_ =	swait.ge [sflag:s25], $0x7580  }
0x481: {  	[sflag:s25] =	ssyncset.done $0x0  }
0x482: {  	s26 =	sadd.s32 $0x1, s26;
	[sflag:s25] =	ssyncadd.s32 $0xFFFF8A80  }
0x483: {  	p0 =	sne.s32 s26, s9;
	_ =	swait.ge [sflag:s21], $0x7580  }
.Ltmp1:
0x484: {  	[sflag:s21] =	ssyncset.done $0x0;
	(pc) =	sbr.rel @p0 .LBB2_1-.Ltmp1, $4  }
0x485: {  	[sflag:s21] =	ssyncadd.s32 $0xFFFF8A80  }
0x486: {  	_ =	swait.ge [sflag:s23], $0x7580  }
0x487: {  	[sflag:s23] =	ssyncset.done $0x0  }
0x488: {  	[sflag:s23] =	ssyncadd.s32 $0xFFFF8A80  }
0x489: {  	_ =	sfence.sel $0x180000  }
0x48a: {  	[bflag:$0x0] =	sbarrier.arrive $0xFFFF  }
0x48b: {  	_ =	strace $0x90000047  }
0x48c: {  	s0 =	stileid.u32;
	[bflag:$0x2] =	sbarrier.arrive $0xFFFF  }
0x48d: {  	p0 =	sne.s32 s0, $0x0;
	s0 =	rddreg [dreg:$0x5]  }
0x48e: {  	s0 =	sadd.s32 @!p0 $0x100000, s0  }
0x48f: {  	[sflag:s0] =	ssyncadd.tile.s32 @!p0 $0x1;
	_ =	shalt  }
.Lfunc_end2:
_tile_overlayer_lowered:
.L_overlay_start_2:
0x490: {  	(tag) =	ssettag $0x2  }
0x491: {  	s0 =	rddreg [dreg:$0x0];
	s2 =	stileid.u32  }
0x492: {  	s1 =	rddreg [dreg:$0x1];
	p0 =	sne.s32 s2, $0x0  }
0x493: {  	s3 =	rddreg [dreg:$0x2];
	[bflag:$0x3] =	sbarrier.arrive $0xFFFF;
	s2 =	simm.s32 @!p0 $0x1C09  }
0x494: {  	[timem:s3], [sflag:s2] =	dma.local @!p0 [hbm:s0], s1  }
0x495: {  	s0 =	simm.s32 @!p0 $0x9  }
0x496: {  	_ =	swait.ge @!p0 [sflag:s0], s1  }
0x497: {  	s1 =	ssub.s32 @!p0 $0x0, s1;
	[sflag:s0] =	ssyncset.done @!p0 $0x0  }
0x498: {  	[sflag:s0] =	ssyncadd.s32 @!p0 s1  }
0x499: {  	[bflag:$0x3] =	sbarrier.arrive $0xFFFF  }
0x49a: {  	_ =	shalt  }

</sc_bundles>
